<compile_context>
chip_gen: v7x
topology: tpu7x:2x2x1
jax: 0.10.2.dev20260603
libtpu: 0.0.44.dev20260713+nightly
codegen_flags: <defaults>
</compile_context>

<pallas_src>
import functools

import jax
import jax.numpy as jnp
from jax import lax
from jax.experimental import pallas as pl
from jax.experimental.pallas import tpu as pltpu
from jax.experimental.pallas import tpu_sc as plsc

NC, NS, L = 2, 16, 16
NW = NC * NS
HH = 128
K = 128
EP = 327680
KD = 100
NP = 10240
HALF = NP // 2
AR = 5248


def _make_deg(e):
    et = e // NS
    ch = et // KD
    nrt = NP // NS
    mesh = plsc.VectorSubcoreMesh(core_axis_name="c", subcore_axis_name="s")

    @functools.partial(
        pl.kernel,
        out_type=jax.ShapeDtypeStruct((NP,), jnp.float32),
        mesh=mesh,
        scratch_types=[
            pltpu.VMEM((ch, KD), jnp.int32),
            pltpu.VMEM((128,), jnp.float32),
            pltpu.VMEM((nrt,), jnp.float32),
            pltpu.VMEM_SHARED((NP,), jnp.float32),
        ],
    )
    def deg_kernel(dst_hbm, out_hbm, dst_v, ones_v, zero_v, acc_sh):
        cid = lax.axis_index("c")
        sid = lax.axis_index("s")
        pltpu.sync_copy(dst_hbm.at[sid], dst_v)
        zeros16 = jnp.zeros((L,), jnp.float32)
        ones16 = jnp.ones((L,), jnp.float32)

        def obody(i, carry):
            ones_v[pl.ds(pl.multiple_of(i * L, L), L)] = ones16
            return carry

        lax.fori_loop(0, 128 // L, obody, 0)

        def zbody(i, carry):
            zero_v[pl.ds(pl.multiple_of(i * L, L), L)] = zeros16
            return carry

        lax.fori_loop(0, nrt // L, zbody, 0)
        pltpu.sync_copy(zero_v, acc_sh.at[pl.ds(sid * nrt, nrt)])
        plsc.subcore_barrier()

        def body(j, carry):
            pltpu.sync_copy(ones_v.at[pl.ds(0, KD)], acc_sh.at[dst_v.at[j]],
                            add=True)
            return carry

        lax.fori_loop(0, ch, body, 0)
        plsc.subcore_barrier()

        @pl.when(cid == 0)
        def _():
            pltpu.sync_copy(acc_sh.at[pl.ds(sid * nrt, nrt)], zero_v)
            pltpu.sync_copy(zero_v, out_hbm.at[pl.ds(sid * nrt, nrt)])

    return deg_kernel


def _make_conv(e):
    et = e // NS
    ch = et // K
    art = AR // NS
    wrt = HALF // NS
    mesh = plsc.VectorSubcoreMesh(core_axis_name="c", subcore_axis_name="s")

    @functools.partial(
        pl.kernel,
        out_type=(
            jax.ShapeDtypeStruct((NP, HH), jnp.float32),
            jax.ShapeDtypeStruct((NP, HH), jnp.float32),
        ),
        mesh=mesh,
        scratch_types=[
            pltpu.VMEM((ch, K), jnp.int32),
            pltpu.VMEM((ch, K), jnp.int32),
            pltpu.VMEM((K, HH), jnp.float32),
            pltpu.VMEM((K, HH), jnp.float32),
            pltpu.VMEM_SHARED((AR, HH), jnp.float32),
            pltpu.SemaphoreType.DMA,
            pltpu.SemaphoreType.DMA,
            pltpu.SemaphoreType.DMA,
            pltpu.SemaphoreType.DMA,
        ],
    )
    def conv_kernel(lo_hbm, hi_hbm, src_hbm, adj0_hbm, adj1_hbm,
                    out_lo, out_hi,
                    src_v, adj_v, rows0_v, rows1_v, acc_sh,
                    sem0, sem1, sem2, sem3):
        cid = lax.axis_index("c")
        sid = lax.axis_index("s")
        pltpu.sync_copy(src_hbm.at[sid], src_v)

        zeros16 = jnp.zeros((L,), jnp.float32)

        def run(table_hbm, out_hbm):
            for p, adj_hbm in ((0, adj0_hbm), (1, adj1_hbm)):
                base = p * HALF
                pltpu.sync_copy(adj_hbm.at[sid], adj_v)

                def zbody(i, carry):
                    for j in range(HH // L):
                        rows0_v[i, pl.ds(j * L, L)] = zeros16
                    return carry

                lax.fori_loop(0, 64, zbody, 0)

                def zc_body(t, carry):
                    off = pl.multiple_of(t * 64, 8)
                    pltpu.sync_copy(rows0_v.at[pl.ds(0, 64)],
                                    acc_sh.at[pl.ds(sid * art + off, 64)])
                    return carry

                lax.fori_loop(0, art // 64, zc_body, 0)
                pltpu.sync_copy(rows0_v.at[pl.ds(0, art - 320)],
                                acc_sh.at[pl.ds(sid * art + 320,
                                                art - 320)])
                plsc.subcore_barrier()

                pltpu.async_copy(table_hbm.at[src_v.at[0]], rows0_v, sem0)

                def body(jj, carry):
                    j0 = jj * 2
                    pltpu.async_copy(table_hbm.at[src_v.at[j0 + 1]],
                                     rows1_v, sem1)
                    pltpu.make_async_copy(table_hbm.at[src_v.at[j0]],
                                          rows0_v, sem0).wait()
                    pltpu.sync_copy(rows0_v, acc_sh.at[adj_v.at[j0]],
                                    add=True)

                    @pl.when(j0 + 2 < ch)
                    def _():
                        pltpu.async_copy(table_hbm.at[src_v.at[j0 + 2]],
                                         rows0_v, sem0)

                    pltpu.make_async_copy(table_hbm.at[src_v.at[j0 + 1]],
                                          rows1_v, sem1).wait()
                    pltpu.sync_copy(rows1_v, acc_sh.at[adj_v.at[j0 + 1]],
                                    add=True)
                    return carry

                lax.fori_loop(0, ch // 2, body, 0)
                plsc.subcore_barrier()

                pltpu.sync_copy(acc_sh.at[pl.ds(sid * wrt, wrt)],
                                out_hbm.at[pl.ds(base + sid * wrt, wrt)])
                plsc.subcore_barrier()

        @pl.when(cid == 0)
        def _():
            run(lo_hbm, out_lo)

        @pl.when(cid == 1)
        def _():
            run(hi_hbm, out_hi)

    return conv_kernel


def _tc1_body(nblocks, x_ref, degc_ref, dstb_ref, w1, b1, w2, b2, w3, b3,
              wc1, h_out, lo_out, hi_out, adj0_out, adj1_out,
              hsum_out, hmax_out, msum, mmax):
    i = pl.program_id(0)
    nrm = lax.rsqrt(degc_ref[...] + 1.0)
    dv = dstb_ref[...]
    trash = HALF + lax.broadcasted_iota(jnp.int32, dv.shape, 1)
    oob0 = (dv < 0) | (dv >= HALF)
    adj0_out[...] = jnp.where(oob0, trash, dv)
    d1 = dv - HALF
    oob1 = (d1 < 0) | (d1 >= HALF)
    adj1_out[...] = jnp.where(oob1, trash, d1)
    h = jnp.tanh(jnp.dot(x_ref[...], w1[...],
                         preferred_element_type=jnp.float32) + b1[...])
    h = jnp.tanh(jnp.dot(h, w2[...],
                         preferred_element_type=jnp.float32) + b2[...])
    h = jnp.tanh(jnp.dot(h, w3[...],
                         preferred_element_type=jnp.float32) + b3[...])
    hw = jnp.dot(h, wc1[...], preferred_element_type=jnp.float32)
    hwn = hw * nrm
    h_out[...] = h
    lo_out[...] = hwn[:, :HH]
    hi_out[...] = hwn[:, HH:]
    psum = jnp.sum(h, axis=0, keepdims=True)
    pmax = jnp.max(h, axis=0, keepdims=True)

    @pl.when(i == 0)
    def _():
        msum[...] = psum
        mmax[...] = pmax

    @pl.when(i > 0)
    def _():
        msum[...] = msum[...] + psum
        mmax[...] = jnp.maximum(mmax[...], pmax)

    @pl.when(i == nblocks - 1)
    def _():
        hsum_out[...] = msum[...]
        hmax_out[...] = mmax[...]


def _tc2_body(nblocks, s_lo, s_hi, g_lo, g_hi, h_ref, degc_ref, wa, wb,
              bias, lo_out, hi_out, csum_out, cmax_out, msum, mmax):
    i = pl.program_id(0)
    nrm = lax.rsqrt(degc_ref[...] + 1.0)
    s = jnp.concatenate([s_lo[...], s_hi[...]], axis=1)
    g = jnp.concatenate([g_lo[...], g_hi[...]], axis=1)
    c = jnp.tanh(nrm * (s + g) + bias[...])
    hw = (jnp.dot(c, wa[...], preferred_element_type=jnp.float32)
          + jnp.dot(h_ref[...], wb[...],
                    preferred_element_type=jnp.float32))
    hwn = hw * nrm
    lo_out[...] = hwn[:, :HH]
    hi_out[...] = hwn[:, HH:]
    psum = jnp.sum(c, axis=0, keepdims=True)
    pmax = jnp.max(c, axis=0, keepdims=True)

    @pl.when(i == 0)
    def _():
        msum[...] = psum
        mmax[...] = pmax

    @pl.when(i > 0)
    def _():
        msum[...] = msum[...] + psum
        mmax[...] = jnp.maximum(mmax[...], pmax)

    @pl.when(i == nblocks - 1)
    def _():
        csum_out[...] = msum[...]
        cmax_out[...] = mmax[...]


def _tc3_body(n_nodes, c1sum, c1max, c2sum, c2max, hsum_ref, hmax_ref,
              wp1, bp1, wp2, bp2, z_out):
    inv_n = 1.0 / n_nodes
    ro = jnp.concatenate(
        [c2sum[...] * inv_n, c1sum[...] * inv_n, hsum_ref[...] * inv_n,
         c2max[...], c1max[...], hmax_ref[...]], axis=1)
    z1 = jnp.tanh(jnp.dot(ro, wp1[...],
                          preferred_element_type=jnp.float32) + bp1[...])
    z_out[...] = jnp.dot(z1, wp2[...],
                         preferred_element_type=jnp.float32) + bp2[...]


def kernel(x, edge_index, W_pre1, b_pre1, W_pre2, b_pre2, W_pre3, b_pre3,
           W_c1, b_c1, W_c2, b_c2, W_p1, b_p1, W_p2, b_p2):
    n, d = x.shape
    e = edge_index.shape[1]
    hid = W_pre1.shape[1]
    out_dim = W_p2.shape[1]
    R = 1000
    nb = n // R

    src = edge_index[0]
    dst = edge_index[1]
    pad = EP - e
    src_p = jnp.concatenate([src, jnp.zeros((pad,), jnp.int32)])
    dst_p = jnp.concatenate([dst, jnp.full((pad,), -1, jnp.int32)])
    src_t = src_p.reshape(NS, (EP // NS) // K, K)
    dst_b = dst_p.reshape(EP // 128, 128)
    dst_d = dst.reshape(NS, (e // NS) // KD, KD)
    eb = (EP // 128) // nb

    degc = _make_deg(e)(dst_d).reshape(NP, 1)[:n]

    b1 = b_pre1.reshape(1, hid)
    b2 = b_pre2.reshape(1, hid)
    b3 = b_pre3.reshape(1, hid)
    bc1 = b_c1.reshape(1, hid)
    bc2 = b_c2.reshape(1, hid)
    bp1 = b_p1.reshape(1, hid)
    bp2 = b_p2.reshape(1, out_dim)
    wc2a = W_c2[:hid]
    wc2b = W_c2[hid:]

    full = lambda a: pl.BlockSpec(a.shape, lambda i: (0,) * a.ndim)
    rows = lambda c: pl.BlockSpec((R, c), lambda i: (i, 0))
    degs = pl.BlockSpec((R, 1), lambda i: (i, 0))
    stat = pl.BlockSpec((1, hid), lambda i: (0, 0))

    edg = pl.BlockSpec((eb, 128), lambda i: (i, 0))
    res = pl.pallas_call(
        functools.partial(_tc1_body, nb),
        grid=(nb,),
        in_specs=[rows(d), degs, edg, full(W_pre1), full(b1), full(W_pre2),
                  full(b2), full(W_pre3), full(b3), full(W_c1)],
        out_specs=[rows(hid), rows(HH), rows(HH), edg, edg, stat, stat],
        out_shape=[jax.ShapeDtypeStruct((n, hid), jnp.float32),
                   jax.ShapeDtypeStruct((n, HH), jnp.float32),
                   jax.ShapeDtypeStruct((n, HH), jnp.float32),
                   jax.ShapeDtypeStruct((EP // 128, 128), jnp.int32),
                   jax.ShapeDtypeStruct((EP // 128, 128), jnp.int32),
                   jax.ShapeDtypeStruct((1, hid), jnp.float32),
                   jax.ShapeDtypeStruct((1, hid), jnp.float32)],
        scratch_shapes=[pltpu.VMEM((1, hid), jnp.float32),
                        pltpu.VMEM((1, hid), jnp.float32)],
    )(x, degc, dst_b, W_pre1, b1, W_pre2, b2, W_pre3, b3, W_c1)
    h, g1_lo, g1_hi, adj0, adj1, hsum, hmax = res
    adj0 = adj0.reshape(NS, (EP // NS) // K, K)
    adj1 = adj1.reshape(NS, (EP // NS) // K, K)

    conv = _make_conv(EP)

    tc2 = pl.pallas_call(
        functools.partial(_tc2_body, nb),
        grid=(nb,),
        in_specs=[rows(HH), rows(HH), rows(HH), rows(HH), rows(hid), degs,
                  full(wc2a), full(wc2b), stat],
        out_specs=[rows(HH), rows(HH), stat, stat],
        out_shape=[jax.ShapeDtypeStruct((n, HH), jnp.float32),
                   jax.ShapeDtypeStruct((n, HH), jnp.float32),
                   jax.ShapeDtypeStruct((1, hid), jnp.float32),
                   jax.ShapeDtypeStruct((1, hid), jnp.float32)],
        scratch_shapes=[pltpu.VMEM((1, hid), jnp.float32),
                        pltpu.VMEM((1, hid), jnp.float32)],
    )

    s1_lo, s1_hi = conv(g1_lo, g1_hi, src_t, adj0, adj1)
    g2_lo, g2_hi, c1sum, c1max = tc2(s1_lo, s1_hi, g1_lo, g1_hi, h, degc,
                                     wc2a, wc2b, bc1)
    s2_lo, s2_hi = conv(g2_lo, g2_hi, src_t, adj0, adj1)
    _, _, c2sum, c2max = tc2(s2_lo, s2_hi, g2_lo, g2_hi, h, degc,
                             wc2a, wc2b, bc2)

    z = pl.pallas_call(
        functools.partial(_tc3_body, float(n)),
        grid=(1,),
        in_specs=[stat, stat, stat, stat, stat, stat, full(W_p1), full(bp1),
                  full(W_p2), full(bp2)],
        out_specs=[pl.BlockSpec((1, out_dim), lambda i: (0, 0))],
        out_shape=[jax.ShapeDtypeStruct((1, out_dim), jnp.float32)],
    )(c1sum, c1max, c2sum, c2max, hsum, hmax, W_p1, bp1, W_p2, bp2)[0]

    return z[0].reshape(out_dim)

# --- scband reference (transcript-rebuilt; emitter-appended) ---
"""Pipeline reference for scband-basic-model-47107201303294 (READ-ONLY COPY).

The authoritative reference and input builder live on the scoring server;
editing this copy changes nothing except your own understanding.
"""

import jax, jax.numpy as jnp
import numpy as np

HID = 256

def _gcn(h, src, dst, norm, W, b):
    hw = h @ W
    msg = hw[src] * (norm[src] * norm[dst])[:, None]
    agg = jnp.zeros_like(hw).at[dst].add(msg)
    agg = agg + hw * (norm ** 2)[:, None]
    return jnp.tanh(agg + b)

def _glorot(k, shape):
    fan_in = shape[0]
    return jax.random.normal(k, shape, jnp.float32) * (1.0 / np.sqrt(fan_in))

def setup_inputs(seed: int = 0) -> dict:
    key = jax.random.key(seed)
    ks = jax.random.split(key, 16)
    N, d, H, E, OUT = 10000, 128, HID, 320000, 128
    x = jax.random.normal(ks[0], (N, d), jnp.float32)
    edge_index = jax.random.randint(ks[1], (2, E), 0, N, dtype=jnp.int32)
    inp = {
        'x': x,
        'edge_index': edge_index,
        'W_pre1': _glorot(ks[2], (d, H)), 'b_pre1': jnp.zeros((H,), jnp.float32),
        'W_pre2': _glorot(ks[3], (H, H)), 'b_pre2': jnp.zeros((H,), jnp.float32),
        'W_pre3': _glorot(ks[4], (H, H)), 'b_pre3': jnp.zeros((H,), jnp.float32),
        'W_c1': _glorot(ks[5], (H, H)), 'b_c1': jnp.zeros((H,), jnp.float32),
        'W_c2': _glorot(ks[6], (2 * H, H)), 'b_c2': jnp.zeros((H,), jnp.float32),
        'W_p1': _glorot(ks[7], (6 * H, H)), 'b_p1': jnp.zeros((H,), jnp.float32),
        'W_p2': _glorot(ks[8], (H, OUT)), 'b_p2': jnp.zeros((OUT,), jnp.float32),
    }
    return inp

def reference(x, edge_index, W_pre1, b_pre1, W_pre2, b_pre2, W_pre3, b_pre3, W_c1, b_c1, W_c2, b_c2, W_p1, b_p1, W_p2, b_p2):
    N = x.shape[0]
    src, dst = edge_index[0], edge_index[1]
    deg = jnp.zeros((N,), jnp.float32).at[dst].add(1.0) + 1.0  # +1 for self loop
    norm = deg ** -0.5
    # pre_nodes MLP (3 layers, tanh, final tanh)
    h = jnp.tanh(x @ W_pre1 + b_pre1)
    h = jnp.tanh(h @ W_pre2 + b_pre2)
    h = jnp.tanh(h @ W_pre3 + b_pre3)
    # conv1 + skip concat
    c1 = _gcn(h, src, dst, norm, W_c1, b_c1)
    h = jnp.concatenate([c1, h], axis=-1)
    # pool = identity; conv2 + skip concat
    c2 = _gcn(h, src, dst, norm, W_c2, b_c2)
    h = jnp.concatenate([c2, h], axis=-1)
    # readout: global mean + global max over nodes
    readout = jnp.concatenate([jnp.mean(h, axis=0), jnp.max(h, axis=0)], axis=-1)
    # post MLP (2 layers, tanh hidden, no final activation)
    z = jnp.tanh(readout @ W_p1 + b_p1)
    z = z @ W_p2 + b_p2
    return z

if __name__ == "__main__":
    import jax
    _d = setup_inputs()
    print(jax.jit(kernel)(*tuple(_d.values())))

</pallas_src>

<mosaic_0001>
#map = affine_map<(d0, d1) -> (0, 0, 0)>
#map1 = affine_map<(d0, d1) -> (0)>
module attributes {stable_mosaic.version = 14 : i64} {
  func.func @deg_kernel(%arg0: i32, %arg1: i32, %arg2: memref<16x200x100xi32, #tpu.memory_space<hbm>>, %arg3: memref<10240xf32, #tpu.memory_space<hbm>>, %arg4: memref<200x100xi32, #tpu.memory_space<vmem>>, %arg5: memref<128xf32, #tpu.memory_space<vmem>>, %arg6: memref<640xf32, #tpu.memory_space<vmem>>, %arg7: memref<10240xf32, #tpu.memory_space<vmem_shared>>) attributes {dimension_semantics = [#tpu.dimension_semantics<core_parallel>, #tpu.dimension_semantics<subcore_parallel>], iteration_bounds = array<i64: 2, 16>, scalar_prefetch = 0 : i64, scratch_operands = 4 : i64, tpu.core_type = #tpu.core_type<sc_vector_subcore>, window_params = [{transform_indices = #map}, {transform_indices = #map1}]} {
    "tpu.region"() ({
      %run_scoped3A = tpu.sem_alloc : memref<!tpu.dma_semaphore, #tpu.memory_space<semaphore_mem>>
      %dma_start3A = arith.constant 0 : i32
      %dma_start3A_24 = arith.constant 0 : i32
      %dma_start3A_25 = tpu.memref_slice %arg2[%arg1, %dma_start3A, %dma_start3A_24] : memref<16x200x100xi32, #tpu.memory_space<hbm>> -> memref<1x200x100xi32, #tpu.memory_space<hbm>>
      %dma_start3A_26 = tpu.memref_squeeze %dma_start3A_25 : memref<1x200x100xi32, #tpu.memory_space<hbm>> -> memref<200x100xi32, #tpu.memory_space<hbm>>
      %dma_start3A_27 = arith.constant 0 : i32
      %dma_start3A_28 = arith.constant 0 : i32
      %dma_start3A_29 = tpu.memref_slice %arg2[%arg1, %dma_start3A_27, %dma_start3A_28] : memref<16x200x100xi32, #tpu.memory_space<hbm>> -> memref<1x200x100xi32, #tpu.memory_space<hbm>>
      %dma_start3A_30 = tpu.memref_squeeze %dma_start3A_29 : memref<1x200x100xi32, #tpu.memory_space<hbm>> -> memref<200x100xi32, #tpu.memory_space<hbm>>
      tpu.enqueue_dma source(%dma_start3A_30 : memref<200x100xi32, #tpu.memory_space<hbm>>) target(%arg4 : memref<200x100xi32, #tpu.memory_space<vmem>>) target_semaphore(%run_scoped3A : memref<!tpu.dma_semaphore, #tpu.memory_space<semaphore_mem>>)
      %dma_wait3A = arith.constant 0 : i32
      %dma_wait3A_31 = arith.constant 0 : i32
      %dma_wait3A_32 = tpu.memref_slice %arg2[%arg1, %dma_wait3A, %dma_wait3A_31] : memref<16x200x100xi32, #tpu.memory_space<hbm>> -> memref<1x200x100xi32, #tpu.memory_space<hbm>>
      %dma_wait3A_33 = tpu.memref_squeeze %dma_wait3A_32 : memref<1x200x100xi32, #tpu.memory_space<hbm>> -> memref<200x100xi32, #tpu.memory_space<hbm>>
      %dma_wait3A_34 = arith.constant 0 : i32
      %dma_wait3A_35 = arith.constant 0 : i32
      %dma_wait3A_36 = tpu.memref_slice %arg2[%arg1, %dma_wait3A_34, %dma_wait3A_35] : memref<16x200x100xi32, #tpu.memory_space<hbm>> -> memref<1x200x100xi32, #tpu.memory_space<hbm>>
      %dma_wait3A_37 = tpu.memref_squeeze %dma_wait3A_36 : memref<1x200x100xi32, #tpu.memory_space<hbm>> -> memref<200x100xi32, #tpu.memory_space<hbm>>
      tpu.wait_dma2 semaphore(%run_scoped3A : memref<!tpu.dma_semaphore, #tpu.memory_space<semaphore_mem>>) src(%dma_wait3A_37 : memref<200x100xi32, #tpu.memory_space<hbm>>) dst(%arg4 : memref<200x100xi32, #tpu.memory_space<vmem>>)
      tpu.yield
    }) : () -> ()
    %broadcast_in_dim3A = arith.constant 0.000000e+00 : f32
    %broadcast_in_dim3A_0 = vector.broadcast %broadcast_in_dim3A : f32 to vector<16xf32>
    %broadcast_in_dim3A_1 = arith.constant 1.000000e+00 : f32
    %broadcast_in_dim3A_2 = vector.broadcast %broadcast_in_dim3A_1 : f32 to vector<16xf32>
    %scan3A = arith.constant 0 : i32
    %scan3A_3 = arith.constant 0 : i32
    %scan3A_4 = arith.constant 8 : i32
    %scan3A_5 = arith.addi %scan3A_3, %scan3A_4 : i32
    %scan3A_6 = arith.constant 1 : i32
    scf.for %scan3A_24 = %scan3A_3 to %scan3A_5 step %scan3A_6  : i32 {
      %mul3A_25 = arith.constant 16 : i32
      %mul3A_26 = arith.muli %scan3A_24, %mul3A_25 : i32
      %multiple_of3A = tpu.assume_multiple %mul3A_26, 16 : i32
      %swap3A = arith.index_cast %multiple_of3A : i32 to index
      %swap3A_27 = tpu.vector_load %arg5[%swap3A] {strides = array<i32>} : memref<128xf32, #tpu.memory_space<vmem>>, vector<16xf32>,
      %swap3A_28 = vector.shape_cast %swap3A_27 : vector<16xf32> to vector<16xf32>
      %swap3A_29 = vector.shape_cast %broadcast_in_dim3A_2 : vector<16xf32> to vector<16xf32>
      tpu.vector_store %arg5[%swap3A], %swap3A_29 {strides = array<i32>} : memref<128xf32, #tpu.memory_space<vmem>>, vector<16xf32>,
    }
    %scan3A_7 = arith.constant 8 : i32
    %scan3A_8 = arith.constant 0 : i32
    %scan3A_9 = arith.constant 0 : i32
    %scan3A_10 = arith.constant 40 : i32
    %scan3A_11 = arith.addi %scan3A_9, %scan3A_10 : i32
    %scan3A_12 = arith.constant 1 : i32
    scf.for %scan3A_24 = %scan3A_9 to %scan3A_11 step %scan3A_12  : i32 {
      %mul3A_25 = arith.constant 16 : i32
      %mul3A_26 = arith.muli %scan3A_24, %mul3A_25 : i32
      %multiple_of3A = tpu.assume_multiple %mul3A_26, 16 : i32
      %swap3A = arith.index_cast %multiple_of3A : i32 to index
      %swap3A_27 = tpu.vector_load %arg6[%swap3A] {strides = array<i32>} : memref<640xf32, #tpu.memory_space<vmem>>, vector<16xf32>,
      %swap3A_28 = vector.shape_cast %swap3A_27 : vector<16xf32> to vector<16xf32>
      %swap3A_29 = vector.shape_cast %broadcast_in_dim3A_0 : vector<16xf32> to vector<16xf32>
      tpu.vector_store %arg6[%swap3A], %swap3A_29 {strides = array<i32>} : memref<640xf32, #tpu.memory_space<vmem>>, vector<16xf32>,
    }
    %scan3A_13 = arith.constant 40 : i32
    %mul3A = arith.constant 640 : i32
    %mul3A_14 = arith.muli %arg1, %mul3A : i32
    "tpu.region"() ({
      %run_scoped3A = tpu.sem_alloc : memref<!tpu.dma_semaphore, #tpu.memory_space<semaphore_mem>>
      %dma_start3A = tpu.memref_slice %arg7[%mul3A_14] : memref<10240xf32, #tpu.memory_space<vmem_shared>> -> memref<640xf32, #tpu.memory_space<vmem_shared>>
      %dma_start3A_24 = tpu.memref_slice %arg7[%mul3A_14] : memref<10240xf32, #tpu.memory_space<vmem_shared>> -> memref<640xf32, #tpu.memory_space<vmem_shared>>
      tpu.enqueue_dma source(%arg6 : memref<640xf32, #tpu.memory_space<vmem>>) target(%dma_start3A_24 : memref<640xf32, #tpu.memory_space<vmem_shared>>) target_semaphore(%run_scoped3A : memref<!tpu.dma_semaphore, #tpu.memory_space<semaphore_mem>>)
      %dma_wait3A = tpu.memref_slice %arg7[%mul3A_14] : memref<10240xf32, #tpu.memory_space<vmem_shared>> -> memref<640xf32, #tpu.memory_space<vmem_shared>>
      %dma_wait3A_25 = tpu.memref_slice %arg7[%mul3A_14] : memref<10240xf32, #tpu.memory_space<vmem_shared>> -> memref<640xf32, #tpu.memory_space<vmem_shared>>
      tpu.wait_dma2 semaphore(%run_scoped3A : memref<!tpu.dma_semaphore, #tpu.memory_space<semaphore_mem>>) src(%arg6 : memref<640xf32, #tpu.memory_space<vmem>>) dst(%dma_wait3A_25 : memref<640xf32, #tpu.memory_space<vmem_shared>>)
      tpu.yield
    }) : () -> ()
    %barrier3A = arith.constant 0 : index
    tpu.barrier barrier_id(%barrier3A)
    %scan3A_15 = arith.constant 0 : i32
    %scan3A_16 = arith.constant 0 : i32
    %scan3A_17 = arith.constant 200 : i32
    %scan3A_18 = arith.addi %scan3A_16, %scan3A_17 : i32
    %scan3A_19 = arith.constant 1 : i32
    scf.for %scan3A_24 = %scan3A_16 to %scan3A_18 step %scan3A_19  : i32 {
      "tpu.region"() ({
        %run_scoped3A = tpu.sem_alloc : memref<!tpu.dma_semaphore, #tpu.memory_space<semaphore_mem>>
        %dma_start3A = arith.constant 0 : i32
        %dma_start3A_25 = tpu.memref_slice %arg5[%dma_start3A] : memref<128xf32, #tpu.memory_space<vmem>> -> memref<100xf32, #tpu.memory_space<vmem>>
        %dma_start3A_26 = arith.constant 0 : i32
        %dma_start3A_27 = tpu.memref_slice %arg4[%scan3A_24, %dma_start3A_26] : memref<200x100xi32, #tpu.memory_space<vmem>> -> memref<1x100xi32, #tpu.memory_space<vmem>>
        %dma_start3A_28 = tpu.memref_squeeze %dma_start3A_27 : memref<1x100xi32, #tpu.memory_space<vmem>> -> memref<100xi32, #tpu.memory_space<vmem>>
        %dma_start3A_29 = arith.constant 0 : i32
        %dma_start3A_30 = tpu.memref_slice %arg7[%dma_start3A_29] : memref<10240xf32, #tpu.memory_space<vmem_shared>> -> memref<10240xf32, #tpu.memory_space<vmem_shared>>
        tpu.enqueue_indirect_dma source(%dma_start3A_25 : memref<100xf32, #tpu.memory_space<vmem>>) target(%dma_start3A_30 : memref<10240xf32, #tpu.memory_space<vmem_shared>>) offsets(%dma_start3A_28 : memref<100xi32, #tpu.memory_space<vmem>>) semaphore(%run_scoped3A : memref<!tpu.dma_semaphore, #tpu.memory_space<semaphore_mem>>) {add = true}
        %dma_wait3A = arith.constant 0 : i32
        %dma_wait3A_31 = tpu.memref_slice %arg5[%dma_wait3A] : memref<128xf32, #tpu.memory_space<vmem>> -> memref<100xf32, #tpu.memory_space<vmem>>
        %dma_wait3A_32 = arith.constant 0 : i32
        %dma_wait3A_33 = tpu.memref_slice %arg4[%scan3A_24, %dma_wait3A_32] : memref<200x100xi32, #tpu.memory_space<vmem>> -> memref<1x100xi32, #tpu.memory_space<vmem>>
        %dma_wait3A_34 = tpu.memref_squeeze %dma_wait3A_33 : memref<1x100xi32, #tpu.memory_space<vmem>> -> memref<100xi32, #tpu.memory_space<vmem>>
        %dma_wait3A_35 = arith.constant 0 : i32
        %dma_wait3A_36 = tpu.memref_slice %arg7[%dma_wait3A_35] : memref<10240xf32, #tpu.memory_space<vmem_shared>> -> memref<10240xf32, #tpu.memory_space<vmem_shared>>
        tpu.wait_indirect_dma semaphore(%run_scoped3A : memref<!tpu.dma_semaphore, #tpu.memory_space<semaphore_mem>>) src(%dma_wait3A_31 : memref<100xf32, #tpu.memory_space<vmem>>) dst(%dma_wait3A_36 : memref<10240xf32, #tpu.memory_space<vmem_shared>>)
        tpu.yield
      }) : () -> ()
    }
    %scan3A_20 = arith.constant 200 : i32
    %barrier3A_21 = arith.constant 0 : index
    tpu.barrier barrier_id(%barrier3A_21)
    %eq3A = arith.constant 0 : i32
    %eq3A_22 = arith.cmpi eq, %arg0, %eq3A : i32
    %convert_element_type3A = arith.extui %eq3A_22 : i1 to i32
    %cond3A = arith.constant 0 : i32
    %cond3A_23 = arith.cmpi ne, %convert_element_type3A, %cond3A : i32
    scf.if %cond3A_23 {
      %mul3A_24 = arith.constant 640 : i32
      %mul3A_25 = arith.muli %arg1, %mul3A_24 : i32
      "tpu.region"() ({
        %run_scoped3A = tpu.sem_alloc : memref<!tpu.dma_semaphore, #tpu.memory_space<semaphore_mem>>
        %dma_start3A = tpu.memref_slice %arg7[%mul3A_25] : memref<10240xf32, #tpu.memory_space<vmem_shared>> -> memref<640xf32, #tpu.memory_space<vmem_shared>>
        %dma_start3A_28 = tpu.memref_slice %arg7[%mul3A_25] : memref<10240xf32, #tpu.memory_space<vmem_shared>> -> memref<640xf32, #tpu.memory_space<vmem_shared>>
        tpu.enqueue_dma source(%dma_start3A_28 : memref<640xf32, #tpu.memory_space<vmem_shared>>) target(%arg6 : memref<640xf32, #tpu.memory_space<vmem>>) target_semaphore(%run_scoped3A : memref<!tpu.dma_semaphore, #tpu.memory_space<semaphore_mem>>)
        %dma_wait3A = tpu.memref_slice %arg7[%mul3A_25] : memref<10240xf32, #tpu.memory_space<vmem_shared>> -> memref<640xf32, #tpu.memory_space<vmem_shared>>
        %dma_wait3A_29 = tpu.memref_slice %arg7[%mul3A_25] : memref<10240xf32, #tpu.memory_space<vmem_shared>> -> memref<640xf32, #tpu.memory_space<vmem_shared>>
        tpu.wait_dma2 semaphore(%run_scoped3A : memref<!tpu.dma_semaphore, #tpu.memory_space<semaphore_mem>>) src(%dma_wait3A_29 : memref<640xf32, #tpu.memory_space<vmem_shared>>) dst(%arg6 : memref<640xf32, #tpu.memory_space<vmem>>)
        tpu.yield
      }) : () -> ()
      %mul3A_26 = arith.constant 640 : i32
      %mul3A_27 = arith.muli %arg1, %mul3A_26 : i32
      "tpu.region"() ({
        %run_scoped3A = tpu.sem_alloc : memref<!tpu.dma_semaphore, #tpu.memory_space<semaphore_mem>>
        %dma_start3A = tpu.memref_slice %arg3[%mul3A_27] : memref<10240xf32, #tpu.memory_space<hbm>> -> memref<640xf32, #tpu.memory_space<hbm>>
        %dma_start3A_28 = tpu.memref_slice %arg3[%mul3A_27] : memref<10240xf32, #tpu.memory_space<hbm>> -> memref<640xf32, #tpu.memory_space<hbm>>
        tpu.enqueue_dma source(%arg6 : memref<640xf32, #tpu.memory_space<vmem>>) target(%dma_start3A_28 : memref<640xf32, #tpu.memory_space<hbm>>) target_semaphore(%run_scoped3A : memref<!tpu.dma_semaphore, #tpu.memory_space<semaphore_mem>>)
        %dma_wait3A = tpu.memref_slice %arg3[%mul3A_27] : memref<10240xf32, #tpu.memory_space<hbm>> -> memref<640xf32, #tpu.memory_space<hbm>>
        %dma_wait3A_29 = tpu.memref_slice %arg3[%mul3A_27] : memref<10240xf32, #tpu.memory_space<hbm>> -> memref<640xf32, #tpu.memory_space<hbm>>
        tpu.wait_dma2 semaphore(%run_scoped3A : memref<!tpu.dma_semaphore, #tpu.memory_space<semaphore_mem>>) src(%arg6 : memref<640xf32, #tpu.memory_space<vmem>>) dst(%dma_wait3A_29 : memref<640xf32, #tpu.memory_space<hbm>>)
        tpu.yield
      }) : () -> ()
    } else {
    }
    return
  }
}

#map = affine_map<(d0, d1) -> (0, 0)>
#map1 = affine_map<(d0, d1) -> (0, 0, 0)>
module attributes {stable_mosaic.version = 14 : i64} {
  func.func @conv_kernel(%arg0: i32, %arg1: i32, %arg2: memref<10000x128xf32, #tpu.memory_space<hbm>>, %arg3: memref<10000x128xf32, #tpu.memory_space<hbm>>, %arg4: memref<16x160x128xi32, #tpu.memory_space<hbm>>, %arg5: memref<16x160x128xi32, #tpu.memory_space<hbm>>, %arg6: memref<16x160x128xi32, #tpu.memory_space<hbm>>, %arg7: memref<10240x128xf32, #tpu.memory_space<hbm>>, %arg8: memref<10240x128xf32, #tpu.memory_space<hbm>>, %arg9: memref<160x128xi32, #tpu.memory_space<vmem>>, %arg10: memref<160x128xi32, #tpu.memory_space<vmem>>, %arg11: memref<128x128xf32, #tpu.memory_space<vmem>>, %arg12: memref<128x128xf32, #tpu.memory_space<vmem>>, %arg13: memref<5248x128xf32, #tpu.memory_space<vmem_shared>>, %arg14: memref<!tpu.dma_semaphore, #tpu.memory_space<semaphore_mem>>, %arg15: memref<!tpu.dma_semaphore, #tpu.memory_space<semaphore_mem>>, %arg16: memref<!tpu.dma_semaphore, #tpu.memory_space<semaphore_mem>>, %arg17: memref<!tpu.dma_semaphore, #tpu.memory_space<semaphore_mem>>) attributes {dimension_semantics = [#tpu.dimension_semantics<core_parallel>, #tpu.dimension_semantics<subcore_parallel>], iteration_bounds = array<i64: 2, 16>, scalar_prefetch = 0 : i64, scratch_operands = 9 : i64, tpu.core_type = #tpu.core_type<sc_vector_subcore>, window_params = [{transform_indices = #map}, {transform_indices = #map}, {transform_indices = #map1}, {transform_indices = #map1}, {transform_indices = #map1}, {transform_indices = #map}, {transform_indices = #map}]} {
    "tpu.region"() ({
      %run_scoped3A = tpu.sem_alloc : memref<!tpu.dma_semaphore, #tpu.memory_space<semaphore_mem>>
      %dma_start3A = arith.constant 0 : i32
      %dma_start3A_8 = arith.constant 0 : i32
      %dma_start3A_9 = tpu.memref_slice %arg4[%arg1, %dma_start3A, %dma_start3A_8] : memref<16x160x128xi32, #tpu.memory_space<hbm>> -> memref<1x160x128xi32, #tpu.memory_space<hbm>>
      %dma_start3A_10 = tpu.memref_squeeze %dma_start3A_9 : memref<1x160x128xi32, #tpu.memory_space<hbm>> -> memref<160x128xi32, #tpu.memory_space<hbm>>
      %dma_start3A_11 = arith.constant 0 : i32
      %dma_start3A_12 = arith.constant 0 : i32
      %dma_start3A_13 = tpu.memref_slice %arg4[%arg1, %dma_start3A_11, %dma_start3A_12] : memref<16x160x128xi32, #tpu.memory_space<hbm>> -> memref<1x160x128xi32, #tpu.memory_space<hbm>>
      %dma_start3A_14 = tpu.memref_squeeze %dma_start3A_13 : memref<1x160x128xi32, #tpu.memory_space<hbm>> -> memref<160x128xi32, #tpu.memory_space<hbm>>
      tpu.enqueue_dma source(%dma_start3A_14 : memref<160x128xi32, #tpu.memory_space<hbm>>) target(%arg9 : memref<160x128xi32, #tpu.memory_space<vmem>>) target_semaphore(%run_scoped3A : memref<!tpu.dma_semaphore, #tpu.memory_space<semaphore_mem>>)
      %dma_wait3A = arith.constant 0 : i32
      %dma_wait3A_15 = arith.constant 0 : i32
      %dma_wait3A_16 = tpu.memref_slice %arg4[%arg1, %dma_wait3A, %dma_wait3A_15] : memref<16x160x128xi32, #tpu.memory_space<hbm>> -> memref<1x160x128xi32, #tpu.memory_space<hbm>>
      %dma_wait3A_17 = tpu.memref_squeeze %dma_wait3A_16 : memref<1x160x128xi32, #tpu.memory_space<hbm>> -> memref<160x128xi32, #tpu.memory_space<hbm>>
      %dma_wait3A_18 = arith.constant 0 : i32
      %dma_wait3A_19 = arith.constant 0 : i32
      %dma_wait3A_20 = tpu.memref_slice %arg4[%arg1, %dma_wait3A_18, %dma_wait3A_19] : memref<16x160x128xi32, #tpu.memory_space<hbm>> -> memref<1x160x128xi32, #tpu.memory_space<hbm>>
      %dma_wait3A_21 = tpu.memref_squeeze %dma_wait3A_20 : memref<1x160x128xi32, #tpu.memory_space<hbm>> -> memref<160x128xi32, #tpu.memory_space<hbm>>
      tpu.wait_dma2 semaphore(%run_scoped3A : memref<!tpu.dma_semaphore, #tpu.memory_space<semaphore_mem>>) src(%dma_wait3A_21 : memref<160x128xi32, #tpu.memory_space<hbm>>) dst(%arg9 : memref<160x128xi32, #tpu.memory_space<vmem>>)
      tpu.yield
    }) : () -> ()
    %broadcast_in_dim3A = arith.constant 0.000000e+00 : f32
    %broadcast_in_dim3A_0 = vector.broadcast %broadcast_in_dim3A : f32 to vector<16xf32>
    %eq3A = arith.constant 0 : i32
    %eq3A_1 = arith.cmpi eq, %arg0, %eq3A : i32
    %convert_element_type3A = arith.extui %eq3A_1 : i1 to i32
    %cond3A = arith.constant 0 : i32
    %cond3A_2 = arith.cmpi ne, %convert_element_type3A, %cond3A : i32
    scf.if %cond3A_2 {
      "tpu.region"() ({
        %run_scoped3A = tpu.sem_alloc : memref<!tpu.dma_semaphore, #tpu.memory_space<semaphore_mem>>
        %dma_start3A_79 = arith.constant 0 : i32
        %dma_start3A_80 = arith.constant 0 : i32
        %dma_start3A_81 = tpu.memref_slice %arg5[%arg1, %dma_start3A_79, %dma_start3A_80] : memref<16x160x128xi32, #tpu.memory_space<hbm>> -> memref<1x160x128xi32, #tpu.memory_space<hbm>>
        %dma_start3A_82 = tpu.memref_squeeze %dma_start3A_81 : memref<1x160x128xi32, #tpu.memory_space<hbm>> -> memref<160x128xi32, #tpu.memory_space<hbm>>
        %dma_start3A_83 = arith.constant 0 : i32
        %dma_start3A_84 = arith.constant 0 : i32
        %dma_start3A_85 = tpu.memref_slice %arg5[%arg1, %dma_start3A_83, %dma_start3A_84] : memref<16x160x128xi32, #tpu.memory_space<hbm>> -> memref<1x160x128xi32, #tpu.memory_space<hbm>>
        %dma_start3A_86 = tpu.memref_squeeze %dma_start3A_85 : memref<1x160x128xi32, #tpu.memory_space<hbm>> -> memref<160x128xi32, #tpu.memory_space<hbm>>
        tpu.enqueue_dma source(%dma_start3A_86 : memref<160x128xi32, #tpu.memory_space<hbm>>) target(%arg10 : memref<160x128xi32, #tpu.memory_space<vmem>>) target_semaphore(%run_scoped3A : memref<!tpu.dma_semaphore, #tpu.memory_space<semaphore_mem>>)
        %dma_wait3A = arith.constant 0 : i32
        %dma_wait3A_87 = arith.constant 0 : i32
        %dma_wait3A_88 = tpu.memref_slice %arg5[%arg1, %dma_wait3A, %dma_wait3A_87] : memref<16x160x128xi32, #tpu.memory_space<hbm>> -> memref<1x160x128xi32, #tpu.memory_space<hbm>>
        %dma_wait3A_89 = tpu.memref_squeeze %dma_wait3A_88 : memref<1x160x128xi32, #tpu.memory_space<hbm>> -> memref<160x128xi32, #tpu.memory_space<hbm>>
        %dma_wait3A_90 = arith.constant 0 : i32
        %dma_wait3A_91 = arith.constant 0 : i32
        %dma_wait3A_92 = tpu.memref_slice %arg5[%arg1, %dma_wait3A_90, %dma_wait3A_91] : memref<16x160x128xi32, #tpu.memory_space<hbm>> -> memref<1x160x128xi32, #tpu.memory_space<hbm>>
        %dma_wait3A_93 = tpu.memref_squeeze %dma_wait3A_92 : memref<1x160x128xi32, #tpu.memory_space<hbm>> -> memref<160x128xi32, #tpu.memory_space<hbm>>
        tpu.wait_dma2 semaphore(%run_scoped3A : memref<!tpu.dma_semaphore, #tpu.memory_space<semaphore_mem>>) src(%dma_wait3A_93 : memref<160x128xi32, #tpu.memory_space<hbm>>) dst(%arg10 : memref<160x128xi32, #tpu.memory_space<vmem>>)
        tpu.yield
      }) : () -> ()
      %scan3A = arith.constant 0 : i32
      %scan3A_8 = arith.constant 0 : i32
      %scan3A_9 = arith.constant 64 : i32
      %scan3A_10 = arith.addi %scan3A_8, %scan3A_9 : i32
      %scan3A_11 = arith.constant 1 : i32
      scf.for %scan3A_79 = %scan3A_8 to %scan3A_10 step %scan3A_11  : i32 {
        %swap3A = arith.index_cast %scan3A_79 : i32 to index
        %swap3A_80 = arith.constant 0 : index
        %swap3A_81 = tpu.vector_load %arg11[%swap3A, %swap3A_80] {strides = array<i32>} : memref<128x128xf32, #tpu.memory_space<vmem>>, vector<1x16xf32>,
        %swap3A_82 = vector.shape_cast %swap3A_81 : vector<1x16xf32> to vector<16xf32>
        %swap3A_83 = vector.shape_cast %broadcast_in_dim3A_0 : vector<16xf32> to vector<1x16xf32>
        tpu.vector_store %arg11[%swap3A, %swap3A_80], %swap3A_83 {strides = array<i32>} : memref<128x128xf32, #tpu.memory_space<vmem>>, vector<1x16xf32>,
        %swap3A_84 = arith.index_cast %scan3A_79 : i32 to index
        %swap3A_85 = arith.constant 16 : index
        %swap3A_86 = tpu.vector_load %arg11[%swap3A_84, %swap3A_85] {strides = array<i32>} : memref<128x128xf32, #tpu.memory_space<vmem>>, vector<1x16xf32>,
        %swap3A_87 = vector.shape_cast %swap3A_86 : vector<1x16xf32> to vector<16xf32>
        %swap3A_88 = vector.shape_cast %broadcast_in_dim3A_0 : vector<16xf32> to vector<1x16xf32>
        tpu.vector_store %arg11[%swap3A_84, %swap3A_85], %swap3A_88 {strides = array<i32>} : memref<128x128xf32, #tpu.memory_space<vmem>>, vector<1x16xf32>,
        %swap3A_89 = arith.index_cast %scan3A_79 : i32 to index
        %swap3A_90 = arith.constant 32 : index
        %swap3A_91 = tpu.vector_load %arg11[%swap3A_89, %swap3A_90] {strides = array<i32>} : memref<128x128xf32, #tpu.memory_space<vmem>>, vector<1x16xf32>,
        %swap3A_92 = vector.shape_cast %swap3A_91 : vector<1x16xf32> to vector<16xf32>
        %swap3A_93 = vector.shape_cast %broadcast_in_dim3A_0 : vector<16xf32> to vector<1x16xf32>
        tpu.vector_store %arg11[%swap3A_89, %swap3A_90], %swap3A_93 {strides = array<i32>} : memref<128x128xf32, #tpu.memory_space<vmem>>, vector<1x16xf32>,
        %swap3A_94 = arith.index_cast %scan3A_79 : i32 to index
        %swap3A_95 = arith.constant 48 : index
        %swap3A_96 = tpu.vector_load %arg11[%swap3A_94, %swap3A_95] {strides = array<i32>} : memref<128x128xf32, #tpu.memory_space<vmem>>, vector<1x16xf32>,
        %swap3A_97 = vector.shape_cast %swap3A_96 : vector<1x16xf32> to vector<16xf32>
        %swap3A_98 = vector.shape_cast %broadcast_in_dim3A_0 : vector<16xf32> to vector<1x16xf32>
        tpu.vector_store %arg11[%swap3A_94, %swap3A_95], %swap3A_98 {strides = array<i32>} : memref<128x128xf32, #tpu.memory_space<vmem>>, vector<1x16xf32>,
        %swap3A_99 = arith.index_cast %scan3A_79 : i32 to index
        %swap3A_100 = arith.constant 64 : index
        %swap3A_101 = tpu.vector_load %arg11[%swap3A_99, %swap3A_100] {strides = array<i32>} : memref<128x128xf32, #tpu.memory_space<vmem>>, vector<1x16xf32>,
        %swap3A_102 = vector.shape_cast %swap3A_101 : vector<1x16xf32> to vector<16xf32>
        %swap3A_103 = vector.shape_cast %broadcast_in_dim3A_0 : vector<16xf32> to vector<1x16xf32>
        tpu.vector_store %arg11[%swap3A_99, %swap3A_100], %swap3A_103 {strides = array<i32>} : memref<128x128xf32, #tpu.memory_space<vmem>>, vector<1x16xf32>,
        %swap3A_104 = arith.index_cast %scan3A_79 : i32 to index
        %swap3A_105 = arith.constant 80 : index
        %swap3A_106 = tpu.vector_load %arg11[%swap3A_104, %swap3A_105] {strides = array<i32>} : memref<128x128xf32, #tpu.memory_space<vmem>>, vector<1x16xf32>,
        %swap3A_107 = vector.shape_cast %swap3A_106 : vector<1x16xf32> to vector<16xf32>
        %swap3A_108 = vector.shape_cast %broadcast_in_dim3A_0 : vector<16xf32> to vector<1x16xf32>
        tpu.vector_store %arg11[%swap3A_104, %swap3A_105], %swap3A_108 {strides = array<i32>} : memref<128x128xf32, #tpu.memory_space<vmem>>, vector<1x16xf32>,
        %swap3A_109 = arith.index_cast %scan3A_79 : i32 to index
        %swap3A_110 = arith.constant 96 : index
        %swap3A_111 = tpu.vector_load %arg11[%swap3A_109, %swap3A_110] {strides = array<i32>} : memref<128x128xf32, #tpu.memory_space<vmem>>, vector<1x16xf32>,
        %swap3A_112 = vector.shape_cast %swap3A_111 : vector<1x16xf32> to vector<16xf32>
        %swap3A_113 = vector.shape_cast %broadcast_in_dim3A_0 : vector<16xf32> to vector<1x16xf32>
        tpu.vector_store %arg11[%swap3A_109, %swap3A_110], %swap3A_113 {strides = array<i32>} : memref<128x128xf32, #tpu.memory_space<vmem>>, vector<1x16xf32>,
        %swap3A_114 = arith.index_cast %scan3A_79 : i32 to index
        %swap3A_115 = arith.constant 112 : index
        %swap3A_116 = tpu.vector_load %arg11[%swap3A_114, %swap3A_115] {strides = array<i32>} : memref<128x128xf32, #tpu.memory_space<vmem>>, vector<1x16xf32>,
        %swap3A_117 = vector.shape_cast %swap3A_116 : vector<1x16xf32> to vector<16xf32>
        %swap3A_118 = vector.shape_cast %broadcast_in_dim3A_0 : vector<16xf32> to vector<1x16xf32>
        tpu.vector_store %arg11[%swap3A_114, %swap3A_115], %swap3A_118 {strides = array<i32>} : memref<128x128xf32, #tpu.memory_space<vmem>>, vector<1x16xf32>,
      }
      %scan3A_12 = arith.constant 64 : i32
      %scan3A_13 = arith.constant 0 : i32
      %scan3A_14 = arith.constant 0 : i32
      %scan3A_15 = arith.constant 5 : i32
      %scan3A_16 = arith.addi %scan3A_14, %scan3A_15 : i32
      %scan3A_17 = arith.constant 1 : i32
      scf.for %scan3A_79 = %scan3A_14 to %scan3A_16 step %scan3A_17  : i32 {
        %mul3A_80 = arith.constant 64 : i32
        %mul3A_81 = arith.muli %scan3A_79, %mul3A_80 : i32
        %multiple_of3A = tpu.assume_multiple %mul3A_81, 8 : i32
        %mul3A_82 = arith.constant 328 : i32
        %mul3A_83 = arith.muli %arg1, %mul3A_82 : i32
        %add3A_84 = arith.addi %mul3A_83, %multiple_of3A : i32
        "tpu.region"() ({
          %run_scoped3A = tpu.sem_alloc : memref<!tpu.dma_semaphore, #tpu.memory_space<semaphore_mem>>
          %dma_start3A_85 = arith.constant 0 : i32
          %dma_start3A_86 = arith.constant 0 : i32
          %dma_start3A_87 = tpu.memref_slice %arg11[%dma_start3A_85, %dma_start3A_86] : memref<128x128xf32, #tpu.memory_space<vmem>> -> memref<64x128xf32, #tpu.memory_space<vmem>>
          %dma_start3A_88 = arith.constant 0 : i32
          %dma_start3A_89 = tpu.memref_slice %arg13[%add3A_84, %dma_start3A_88] : memref<5248x128xf32, #tpu.memory_space<vmem_shared>> -> memref<64x128xf32, #tpu.memory_space<vmem_shared>>
          %dma_start3A_90 = arith.constant 0 : i32
          %dma_start3A_91 = tpu.memref_slice %arg13[%add3A_84, %dma_start3A_90] : memref<5248x128xf32, #tpu.memory_space<vmem_shared>> -> memref<64x128xf32, #tpu.memory_space<vmem_shared>>
          %dma_start3A_92 = arith.constant 0 : i32
          %dma_start3A_93 = arith.constant 0 : i32
          %dma_start3A_94 = tpu.memref_slice %arg11[%dma_start3A_92, %dma_start3A_93] : memref<128x128xf32, #tpu.memory_space<vmem>> -> memref<64x128xf32, #tpu.memory_space<vmem>>
          tpu.enqueue_dma source(%dma_start3A_94 : memref<64x128xf32, #tpu.memory_space<vmem>>) target(%dma_start3A_91 : memref<64x128xf32, #tpu.memory_space<vmem_shared>>) target_semaphore(%run_scoped3A : memref<!tpu.dma_semaphore, #tpu.memory_space<semaphore_mem>>)
          %dma_wait3A = arith.constant 0 : i32
          %dma_wait3A_95 = arith.constant 0 : i32
          %dma_wait3A_96 = tpu.memref_slice %arg11[%dma_wait3A, %dma_wait3A_95] : memref<128x128xf32, #tpu.memory_space<vmem>> -> memref<64x128xf32, #tpu.memory_space<vmem>>
          %dma_wait3A_97 = arith.constant 0 : i32
          %dma_wait3A_98 = tpu.memref_slice %arg13[%add3A_84, %dma_wait3A_97] : memref<5248x128xf32, #tpu.memory_space<vmem_shared>> -> memref<64x128xf32, #tpu.memory_space<vmem_shared>>
          %dma_wait3A_99 = arith.constant 0 : i32
          %dma_wait3A_100 = tpu.memref_slice %arg13[%add3A_84, %dma_wait3A_99] : memref<5248x128xf32, #tpu.memory_space<vmem_shared>> -> memref<64x128xf32, #tpu.memory_space<vmem_shared>>
          %dma_wait3A_101 = arith.constant 0 : i32
          %dma_wait3A_102 = arith.constant 0 : i32
          %dma_wait3A_103 = tpu.memref_slice %arg11[%dma_wait3A_101, %dma_wait3A_102] : memref<128x128xf32, #tpu.memory_space<vmem>> -> memref<64x128xf32, #tpu.memory_space<vmem>>
          tpu.wait_dma2 semaphore(%run_scoped3A : memref<!tpu.dma_semaphore, #tpu.memory_space<semaphore_mem>>) src(%dma_wait3A_103 : memref<64x128xf32, #tpu.memory_space<vmem>>) dst(%dma_wait3A_100 : memref<64x128xf32, #tpu.memory_space<vmem_shared>>)
          tpu.yield
        }) : () -> ()
      }
      %scan3A_18 = arith.constant 5 : i32
      %mul3A = arith.constant 328 : i32
      %mul3A_19 = arith.muli %arg1, %mul3A : i32
      %add3A = arith.constant 320 : i32
      %add3A_20 = arith.addi %mul3A_19, %add3A : i32
      "tpu.region"() ({
        %run_scoped3A = tpu.sem_alloc : memref<!tpu.dma_semaphore, #tpu.memory_space<semaphore_mem>>
        %dma_start3A_79 = arith.constant 0 : i32
        %dma_start3A_80 = arith.constant 0 : i32
        %dma_start3A_81 = tpu.memref_slice %arg11[%dma_start3A_79, %dma_start3A_80] : memref<128x128xf32, #tpu.memory_space<vmem>> -> memref<8x128xf32, #tpu.memory_space<vmem>>
        %dma_start3A_82 = arith.constant 0 : i32
        %dma_start3A_83 = tpu.memref_slice %arg13[%add3A_20, %dma_start3A_82] : memref<5248x128xf32, #tpu.memory_space<vmem_shared>> -> memref<8x128xf32, #tpu.memory_space<vmem_shared>>
        %dma_start3A_84 = arith.constant 0 : i32
        %dma_start3A_85 = tpu.memref_slice %arg13[%add3A_20, %dma_start3A_84] : memref<5248x128xf32, #tpu.memory_space<vmem_shared>> -> memref<8x128xf32, #tpu.memory_space<vmem_shared>>
        %dma_start3A_86 = arith.constant 0 : i32
        %dma_start3A_87 = arith.constant 0 : i32
        %dma_start3A_88 = tpu.memref_slice %arg11[%dma_start3A_86, %dma_start3A_87] : memref<128x128xf32, #tpu.memory_space<vmem>> -> memref<8x128xf32, #tpu.memory_space<vmem>>
        tpu.enqueue_dma source(%dma_start3A_88 : memref<8x128xf32, #tpu.memory_space<vmem>>) target(%dma_start3A_85 : memref<8x128xf32, #tpu.memory_space<vmem_shared>>) target_semaphore(%run_scoped3A : memref<!tpu.dma_semaphore, #tpu.memory_space<semaphore_mem>>)
        %dma_wait3A = arith.constant 0 : i32
        %dma_wait3A_89 = arith.constant 0 : i32
        %dma_wait3A_90 = tpu.memref_slice %arg11[%dma_wait3A, %dma_wait3A_89] : memref<128x128xf32, #tpu.memory_space<vmem>> -> memref<8x128xf32, #tpu.memory_space<vmem>>
        %dma_wait3A_91 = arith.constant 0 : i32
        %dma_wait3A_92 = tpu.memref_slice %arg13[%add3A_20, %dma_wait3A_91] : memref<5248x128xf32, #tpu.memory_space<vmem_shared>> -> memref<8x128xf32, #tpu.memory_space<vmem_shared>>
        %dma_wait3A_93 = arith.constant 0 : i32
        %dma_wait3A_94 = tpu.memref_slice %arg13[%add3A_20, %dma_wait3A_93] : memref<5248x128xf32, #tpu.memory_space<vmem_shared>> -> memref<8x128xf32, #tpu.memory_space<vmem_shared>>
        %dma_wait3A_95 = arith.constant 0 : i32
        %dma_wait3A_96 = arith.constant 0 : i32
        %dma_wait3A_97 = tpu.memref_slice %arg11[%dma_wait3A_95, %dma_wait3A_96] : memref<128x128xf32, #tpu.memory_space<vmem>> -> memref<8x128xf32, #tpu.memory_space<vmem>>
        tpu.wait_dma2 semaphore(%run_scoped3A : memref<!tpu.dma_semaphore, #tpu.memory_space<semaphore_mem>>) src(%dma_wait3A_97 : memref<8x128xf32, #tpu.memory_space<vmem>>) dst(%dma_wait3A_94 : memref<8x128xf32, #tpu.memory_space<vmem_shared>>)
        tpu.yield
      }) : () -> ()
      %barrier3A = arith.constant 0 : index
      tpu.barrier barrier_id(%barrier3A)
      %dma_start3A = arith.constant 0 : i32
      %dma_start3A_21 = arith.constant 0 : i32
      %dma_start3A_22 = tpu.memref_slice %arg9[%dma_start3A, %dma_start3A_21] : memref<160x128xi32, #tpu.memory_space<vmem>> -> memref<1x128xi32, #tpu.memory_space<vmem>>
      %dma_start3A_23 = tpu.memref_squeeze %dma_start3A_22 : memref<1x128xi32, #tpu.memory_space<vmem>> -> memref<128xi32, #tpu.memory_space<vmem>>
      %dma_start3A_24 = arith.constant 0 : i32
      %dma_start3A_25 = arith.constant 0 : i32
      %dma_start3A_26 = tpu.memref_slice %arg2[%dma_start3A_24, %dma_start3A_25] : memref<10000x128xf32, #tpu.memory_space<hbm>> -> memref<10000x128xf32, #tpu.memory_space<hbm>>
      tpu.enqueue_indirect_dma source(%dma_start3A_26 : memref<10000x128xf32, #tpu.memory_space<hbm>>) target(%arg11 : memref<128x128xf32, #tpu.memory_space<vmem>>) offsets(%dma_start3A_23 : memref<128xi32, #tpu.memory_space<vmem>>) semaphore(%arg14 : memref<!tpu.dma_semaphore, #tpu.memory_space<semaphore_mem>>)
      %scan3A_27 = arith.constant 0 : i32
      %scan3A_28 = arith.constant 0 : i32
      %scan3A_29 = arith.constant 80 : i32
      %scan3A_30 = arith.addi %scan3A_28, %scan3A_29 : i32
      %scan3A_31 = arith.constant 1 : i32
      scf.for %scan3A_79 = %scan3A_28 to %scan3A_30 step %scan3A_31  : i32 {
        %mul3A_80 = arith.constant 2 : i32
        %mul3A_81 = arith.muli %scan3A_79, %mul3A_80 : i32
        %add3A_82 = arith.constant 1 : i32
        %add3A_83 = arith.addi %mul3A_81, %add3A_82 : i32
        %dma_start3A_84 = arith.constant 0 : i32
        %dma_start3A_85 = tpu.memref_slice %arg9[%add3A_83, %dma_start3A_84] : memref<160x128xi32, #tpu.memory_space<vmem>> -> memref<1x128xi32, #tpu.memory_space<vmem>>
        %dma_start3A_86 = tpu.memref_squeeze %dma_start3A_85 : memref<1x128xi32, #tpu.memory_space<vmem>> -> memref<128xi32, #tpu.memory_space<vmem>>
        %dma_start3A_87 = arith.constant 0 : i32
        %dma_start3A_88 = arith.constant 0 : i32
        %dma_start3A_89 = tpu.memref_slice %arg2[%dma_start3A_87, %dma_start3A_88] : memref<10000x128xf32, #tpu.memory_space<hbm>> -> memref<10000x128xf32, #tpu.memory_space<hbm>>
        tpu.enqueue_indirect_dma source(%dma_start3A_89 : memref<10000x128xf32, #tpu.memory_space<hbm>>) target(%arg12 : memref<128x128xf32, #tpu.memory_space<vmem>>) offsets(%dma_start3A_86 : memref<128xi32, #tpu.memory_space<vmem>>) semaphore(%arg15 : memref<!tpu.dma_semaphore, #tpu.memory_space<semaphore_mem>>)
        %dma_wait3A = arith.constant 0 : i32
        %dma_wait3A_90 = tpu.memref_slice %arg9[%mul3A_81, %dma_wait3A] : memref<160x128xi32, #tpu.memory_space<vmem>> -> memref<1x128xi32, #tpu.memory_space<vmem>>
        %dma_wait3A_91 = tpu.memref_squeeze %dma_wait3A_90 : memref<1x128xi32, #tpu.memory_space<vmem>> -> memref<128xi32, #tpu.memory_space<vmem>>
        %dma_wait3A_92 = arith.constant 0 : i32
        %dma_wait3A_93 = arith.constant 0 : i32
        %dma_wait3A_94 = tpu.memref_slice %arg2[%dma_wait3A_92, %dma_wait3A_93] : memref<10000x128xf32, #tpu.memory_space<hbm>> -> memref<10000x128xf32, #tpu.memory_space<hbm>>
        tpu.wait_indirect_dma semaphore(%arg14 : memref<!tpu.dma_semaphore, #tpu.memory_space<semaphore_mem>>) src(%dma_wait3A_94 : memref<10000x128xf32, #tpu.memory_space<hbm>>) dst(%arg11 : memref<128x128xf32, #tpu.memory_space<vmem>>)
        "tpu.region"() ({
          %run_scoped3A = tpu.sem_alloc : memref<!tpu.dma_semaphore, #tpu.memory_space<semaphore_mem>>
          %dma_start3A_111 = arith.constant 0 : i32
          %dma_start3A_112 = tpu.memref_slice %arg10[%mul3A_81, %dma_start3A_111] : memref<160x128xi32, #tpu.memory_space<vmem>> -> memref<1x128xi32, #tpu.memory_space<vmem>>
          %dma_start3A_113 = tpu.memref_squeeze %dma_start3A_112 : memref<1x128xi32, #tpu.memory_space<vmem>> -> memref<128xi32, #tpu.memory_space<vmem>>
          %dma_start3A_114 = arith.constant 0 : i32
          %dma_start3A_115 = arith.constant 0 : i32
          %dma_start3A_116 = tpu.memref_slice %arg13[%dma_start3A_114, %dma_start3A_115] : memref<5248x128xf32, #tpu.memory_space<vmem_shared>> -> memref<5248x128xf32, #tpu.memory_space<vmem_shared>>
          tpu.enqueue_indirect_dma source(%arg11 : memref<128x128xf32, #tpu.memory_space<vmem>>) target(%dma_start3A_116 : memref<5248x128xf32, #tpu.memory_space<vmem_shared>>) offsets(%dma_start3A_113 : memref<128xi32, #tpu.memory_space<vmem>>) semaphore(%run_scoped3A : memref<!tpu.dma_semaphore, #tpu.memory_space<semaphore_mem>>) {add = true}
          %dma_wait3A_117 = arith.constant 0 : i32
          %dma_wait3A_118 = tpu.memref_slice %arg10[%mul3A_81, %dma_wait3A_117] : memref<160x128xi32, #tpu.memory_space<vmem>> -> memref<1x128xi32, #tpu.memory_space<vmem>>
          %dma_wait3A_119 = tpu.memref_squeeze %dma_wait3A_118 : memref<1x128xi32, #tpu.memory_space<vmem>> -> memref<128xi32, #tpu.memory_space<vmem>>
          %dma_wait3A_120 = arith.constant 0 : i32
          %dma_wait3A_121 = arith.constant 0 : i32
          %dma_wait3A_122 = tpu.memref_slice %arg13[%dma_wait3A_120, %dma_wait3A_121] : memref<5248x128xf32, #tpu.memory_space<vmem_shared>> -> memref<5248x128xf32, #tpu.memory_space<vmem_shared>>
          tpu.wait_indirect_dma semaphore(%run_scoped3A : memref<!tpu.dma_semaphore, #tpu.memory_space<semaphore_mem>>) src(%arg11 : memref<128x128xf32, #tpu.memory_space<vmem>>) dst(%dma_wait3A_122 : memref<5248x128xf32, #tpu.memory_space<vmem_shared>>)
          tpu.yield
        }) : () -> ()
        %add3A_95 = arith.constant 2 : i32
        %add3A_96 = arith.addi %mul3A_81, %add3A_95 : i32
        %lt3A = arith.constant 160 : i32
        %lt3A_97 = arith.cmpi slt, %add3A_96, %lt3A : i32
        %convert_element_type3A_98 = arith.extui %lt3A_97 : i1 to i32
        %cond3A_99 = arith.constant 0 : i32
        %cond3A_100 = arith.cmpi ne, %convert_element_type3A_98, %cond3A_99 : i32
        scf.if %cond3A_100 {
          %add3A_111 = arith.constant 2 : i32
          %add3A_112 = arith.addi %mul3A_81, %add3A_111 : i32
          %dma_start3A_113 = arith.constant 0 : i32
          %dma_start3A_114 = tpu.memref_slice %arg9[%add3A_112, %dma_start3A_113] : memref<160x128xi32, #tpu.memory_space<vmem>> -> memref<1x128xi32, #tpu.memory_space<vmem>>
          %dma_start3A_115 = tpu.memref_squeeze %dma_start3A_114 : memref<1x128xi32, #tpu.memory_space<vmem>> -> memref<128xi32, #tpu.memory_space<vmem>>
          %dma_start3A_116 = arith.constant 0 : i32
          %dma_start3A_117 = arith.constant 0 : i32
          %dma_start3A_118 = tpu.memref_slice %arg2[%dma_start3A_116, %dma_start3A_117] : memref<10000x128xf32, #tpu.memory_space<hbm>> -> memref<10000x128xf32, #tpu.memory_space<hbm>>
          tpu.enqueue_indirect_dma source(%dma_start3A_118 : memref<10000x128xf32, #tpu.memory_space<hbm>>) target(%arg11 : memref<128x128xf32, #tpu.memory_space<vmem>>) offsets(%dma_start3A_115 : memref<128xi32, #tpu.memory_space<vmem>>) semaphore(%arg14 : memref<!tpu.dma_semaphore, #tpu.memory_space<semaphore_mem>>)
        } else {
        }
        %add3A_101 = arith.constant 1 : i32
        %add3A_102 = arith.addi %mul3A_81, %add3A_101 : i32
        %dma_wait3A_103 = arith.constant 0 : i32
        %dma_wait3A_104 = tpu.memref_slice %arg9[%add3A_102, %dma_wait3A_103] : memref<160x128xi32, #tpu.memory_space<vmem>> -> memref<1x128xi32, #tpu.memory_space<vmem>>
        %dma_wait3A_105 = tpu.memref_squeeze %dma_wait3A_104 : memref<1x128xi32, #tpu.memory_space<vmem>> -> memref<128xi32, #tpu.memory_space<vmem>>
        %dma_wait3A_106 = arith.constant 0 : i32
        %dma_wait3A_107 = arith.constant 0 : i32
        %dma_wait3A_108 = tpu.memref_slice %arg2[%dma_wait3A_106, %dma_wait3A_107] : memref<10000x128xf32, #tpu.memory_space<hbm>> -> memref<10000x128xf32, #tpu.memory_space<hbm>>
        tpu.wait_indirect_dma semaphore(%arg15 : memref<!tpu.dma_semaphore, #tpu.memory_space<semaphore_mem>>) src(%dma_wait3A_108 : memref<10000x128xf32, #tpu.memory_space<hbm>>) dst(%arg12 : memref<128x128xf32, #tpu.memory_space<vmem>>)
        %add3A_109 = arith.constant 1 : i32
        %add3A_110 = arith.addi %mul3A_81, %add3A_109 : i32
        "tpu.region"() ({
          %run_scoped3A = tpu.sem_alloc : memref<!tpu.dma_semaphore, #tpu.memory_space<semaphore_mem>>
          %dma_start3A_111 = arith.constant 0 : i32
          %dma_start3A_112 = tpu.memref_slice %arg10[%add3A_110, %dma_start3A_111] : memref<160x128xi32, #tpu.memory_space<vmem>> -> memref<1x128xi32, #tpu.memory_space<vmem>>
          %dma_start3A_113 = tpu.memref_squeeze %dma_start3A_112 : memref<1x128xi32, #tpu.memory_space<vmem>> -> memref<128xi32, #tpu.memory_space<vmem>>
          %dma_start3A_114 = arith.constant 0 : i32
          %dma_start3A_115 = arith.constant 0 : i32
          %dma_start3A_116 = tpu.memref_slice %arg13[%dma_start3A_114, %dma_start3A_115] : memref<5248x128xf32, #tpu.memory_space<vmem_shared>> -> memref<5248x128xf32, #tpu.memory_space<vmem_shared>>
          tpu.enqueue_indirect_dma source(%arg12 : memref<128x128xf32, #tpu.memory_space<vmem>>) target(%dma_start3A_116 : memref<5248x128xf32, #tpu.memory_space<vmem_shared>>) offsets(%dma_start3A_113 : memref<128xi32, #tpu.memory_space<vmem>>) semaphore(%run_scoped3A : memref<!tpu.dma_semaphore, #tpu.memory_space<semaphore_mem>>) {add = true}
          %dma_wait3A_117 = arith.constant 0 : i32
          %dma_wait3A_118 = tpu.memref_slice %arg10[%add3A_110, %dma_wait3A_117] : memref<160x128xi32, #tpu.memory_space<vmem>> -> memref<1x128xi32, #tpu.memory_space<vmem>>
          %dma_wait3A_119 = tpu.memref_squeeze %dma_wait3A_118 : memref<1x128xi32, #tpu.memory_space<vmem>> -> memref<128xi32, #tpu.memory_space<vmem>>
          %dma_wait3A_120 = arith.constant 0 : i32
          %dma_wait3A_121 = arith.constant 0 : i32
          %dma_wait3A_122 = tpu.memref_slice %arg13[%dma_wait3A_120, %dma_wait3A_121] : memref<5248x128xf32, #tpu.memory_space<vmem_shared>> -> memref<5248x128xf32, #tpu.memory_space<vmem_shared>>
          tpu.wait_indirect_dma semaphore(%run_scoped3A : memref<!tpu.dma_semaphore, #tpu.memory_space<semaphore_mem>>) src(%arg12 : memref<128x128xf32, #tpu.memory_space<vmem>>) dst(%dma_wait3A_122 : memref<5248x128xf32, #tpu.memory_space<vmem_shared>>)
          tpu.yield
        }) : () -> ()
      }
      %scan3A_32 = arith.constant 80 : i32
      %barrier3A_33 = arith.constant 0 : index
      tpu.barrier barrier_id(%barrier3A_33)
      %mul3A_34 = arith.constant 320 : i32
      %mul3A_35 = arith.muli %arg1, %mul3A_34 : i32
      %mul3A_36 = arith.constant 320 : i32
      %mul3A_37 = arith.muli %arg1, %mul3A_36 : i32
      %add3A_38 = arith.constant 0 : i32
      %add3A_39 = arith.addi %add3A_38, %mul3A_37 : i32
      "tpu.region"() ({
        %run_scoped3A = tpu.sem_alloc : memref<!tpu.dma_semaphore, #tpu.memory_space<semaphore_mem>>
        %dma_start3A_79 = arith.constant 0 : i32
        %dma_start3A_80 = tpu.memref_slice %arg7[%add3A_39, %dma_start3A_79] : memref<10240x128xf32, #tpu.memory_space<hbm>> -> memref<320x128xf32, #tpu.memory_space<hbm>>
        %dma_start3A_81 = arith.constant 0 : i32
        %dma_start3A_82 = tpu.memref_slice %arg13[%mul3A_35, %dma_start3A_81] : memref<5248x128xf32, #tpu.memory_space<vmem_shared>> -> memref<320x128xf32, #tpu.memory_space<vmem_shared>>
        tpu.enqueue_dma source(%dma_start3A_82 : memref<320x128xf32, #tpu.memory_space<vmem_shared>>) target(%dma_start3A_80 : memref<320x128xf32, #tpu.memory_space<hbm>>) target_semaphore(%run_scoped3A : memref<!tpu.dma_semaphore, #tpu.memory_space<semaphore_mem>>)
        %dma_wait3A = arith.constant 0 : i32
        %dma_wait3A_83 = tpu.memref_slice %arg7[%add3A_39, %dma_wait3A] : memref<10240x128xf32, #tpu.memory_space<hbm>> -> memref<320x128xf32, #tpu.memory_space<hbm>>
        %dma_wait3A_84 = arith.constant 0 : i32
        %dma_wait3A_85 = tpu.memref_slice %arg13[%mul3A_35, %dma_wait3A_84] : memref<5248x128xf32, #tpu.memory_space<vmem_shared>> -> memref<320x128xf32, #tpu.memory_space<vmem_shared>>
        tpu.wait_dma2 semaphore(%run_scoped3A : memref<!tpu.dma_semaphore, #tpu.memory_space<semaphore_mem>>) src(%dma_wait3A_85 : memref<320x128xf32, #tpu.memory_space<vmem_shared>>) dst(%dma_wait3A_83 : memref<320x128xf32, #tpu.memory_space<hbm>>)
        tpu.yield
      }) : () -> ()
      %barrier3A_40 = arith.constant 0 : index
      tpu.barrier barrier_id(%barrier3A_40)
      "tpu.region"() ({
        %run_scoped3A = tpu.sem_alloc : memref<!tpu.dma_semaphore, #tpu.memory_space<semaphore_mem>>
        %dma_start3A_79 = arith.constant 0 : i32
        %dma_start3A_80 = arith.constant 0 : i32
        %dma_start3A_81 = tpu.memref_slice %arg6[%arg1, %dma_start3A_79, %dma_start3A_80] : memref<16x160x128xi32, #tpu.memory_space<hbm>> -> memref<1x160x128xi32, #tpu.memory_space<hbm>>
        %dma_start3A_82 = tpu.memref_squeeze %dma_start3A_81 : memref<1x160x128xi32, #tpu.memory_space<hbm>> -> memref<160x128xi32, #tpu.memory_space<hbm>>
        %dma_start3A_83 = arith.constant 0 : i32
        %dma_start3A_84 = arith.constant 0 : i32
        %dma_start3A_85 = tpu.memref_slice %arg6[%arg1, %dma_start3A_83, %dma_start3A_84] : memref<16x160x128xi32, #tpu.memory_space<hbm>> -> memref<1x160x128xi32, #tpu.memory_space<hbm>>
        %dma_start3A_86 = tpu.memref_squeeze %dma_start3A_85 : memref<1x160x128xi32, #tpu.memory_space<hbm>> -> memref<160x128xi32, #tpu.memory_space<hbm>>
        tpu.enqueue_dma source(%dma_start3A_86 : memref<160x128xi32, #tpu.memory_space<hbm>>) target(%arg10 : memref<160x128xi32, #tpu.memory_space<vmem>>) target_semaphore(%run_scoped3A : memref<!tpu.dma_semaphore, #tpu.memory_space<semaphore_mem>>)
        %dma_wait3A = arith.constant 0 : i32
        %dma_wait3A_87 = arith.constant 0 : i32
        %dma_wait3A_88 = tpu.memref_slice %arg6[%arg1, %dma_wait3A, %dma_wait3A_87] : memref<16x160x128xi32, #tpu.memory_space<hbm>> -> memref<1x160x128xi32, #tpu.memory_space<hbm>>
        %dma_wait3A_89 = tpu.memref_squeeze %dma_wait3A_88 : memref<1x160x128xi32, #tpu.memory_space<hbm>> -> memref<160x128xi32, #tpu.memory_space<hbm>>
        %dma_wait3A_90 = arith.constant 0 : i32
        %dma_wait3A_91 = arith.constant 0 : i32
        %dma_wait3A_92 = tpu.memref_slice %arg6[%arg1, %dma_wait3A_90, %dma_wait3A_91] : memref<16x160x128xi32, #tpu.memory_space<hbm>> -> memref<1x160x128xi32, #tpu.memory_space<hbm>>
        %dma_wait3A_93 = tpu.memref_squeeze %dma_wait3A_92 : memref<1x160x128xi32, #tpu.memory_space<hbm>> -> memref<160x128xi32, #tpu.memory_space<hbm>>
        tpu.wait_dma2 semaphore(%run_scoped3A : memref<!tpu.dma_semaphore, #tpu.memory_space<semaphore_mem>>) src(%dma_wait3A_93 : memref<160x128xi32, #tpu.memory_space<hbm>>) dst(%arg10 : memref<160x128xi32, #tpu.memory_space<vmem>>)
        tpu.yield
      }) : () -> ()
      %scan3A_41 = arith.constant 0 : i32
      %scan3A_42 = arith.constant 0 : i32
      %scan3A_43 = arith.constant 64 : i32
      %scan3A_44 = arith.addi %scan3A_42, %scan3A_43 : i32
      %scan3A_45 = arith.constant 1 : i32
      scf.for %scan3A_79 = %scan3A_42 to %scan3A_44 step %scan3A_45  : i32 {
        %swap3A = arith.index_cast %scan3A_79 : i32 to index
        %swap3A_80 = arith.constant 0 : index
        %swap3A_81 = tpu.vector_load %arg11[%swap3A, %swap3A_80] {strides = array<i32>} : memref<128x128xf32, #tpu.memory_space<vmem>>, vector<1x16xf32>,
        %swap3A_82 = vector.shape_cast %swap3A_81 : vector<1x16xf32> to vector<16xf32>
        %swap3A_83 = vector.shape_cast %broadcast_in_dim3A_0 : vector<16xf32> to vector<1x16xf32>
        tpu.vector_store %arg11[%swap3A, %swap3A_80], %swap3A_83 {strides = array<i32>} : memref<128x128xf32, #tpu.memory_space<vmem>>, vector<1x16xf32>,
        %swap3A_84 = arith.index_cast %scan3A_79 : i32 to index
        %swap3A_85 = arith.constant 16 : index
        %swap3A_86 = tpu.vector_load %arg11[%swap3A_84, %swap3A_85] {strides = array<i32>} : memref<128x128xf32, #tpu.memory_space<vmem>>, vector<1x16xf32>,
        %swap3A_87 = vector.shape_cast %swap3A_86 : vector<1x16xf32> to vector<16xf32>
        %swap3A_88 = vector.shape_cast %broadcast_in_dim3A_0 : vector<16xf32> to vector<1x16xf32>
        tpu.vector_store %arg11[%swap3A_84, %swap3A_85], %swap3A_88 {strides = array<i32>} : memref<128x128xf32, #tpu.memory_space<vmem>>, vector<1x16xf32>,
        %swap3A_89 = arith.index_cast %scan3A_79 : i32 to index
        %swap3A_90 = arith.constant 32 : index
        %swap3A_91 = tpu.vector_load %arg11[%swap3A_89, %swap3A_90] {strides = array<i32>} : memref<128x128xf32, #tpu.memory_space<vmem>>, vector<1x16xf32>,
        %swap3A_92 = vector.shape_cast %swap3A_91 : vector<1x16xf32> to vector<16xf32>
        %swap3A_93 = vector.shape_cast %broadcast_in_dim3A_0 : vector<16xf32> to vector<1x16xf32>
        tpu.vector_store %arg11[%swap3A_89, %swap3A_90], %swap3A_93 {strides = array<i32>} : memref<128x128xf32, #tpu.memory_space<vmem>>, vector<1x16xf32>,
        %swap3A_94 = arith.index_cast %scan3A_79 : i32 to index
        %swap3A_95 = arith.constant 48 : index
        %swap3A_96 = tpu.vector_load %arg11[%swap3A_94, %swap3A_95] {strides = array<i32>} : memref<128x128xf32, #tpu.memory_space<vmem>>, vector<1x16xf32>,
        %swap3A_97 = vector.shape_cast %swap3A_96 : vector<1x16xf32> to vector<16xf32>
        %swap3A_98 = vector.shape_cast %broadcast_in_dim3A_0 : vector<16xf32> to vector<1x16xf32>
        tpu.vector_store %arg11[%swap3A_94, %swap3A_95], %swap3A_98 {strides = array<i32>} : memref<128x128xf32, #tpu.memory_space<vmem>>, vector<1x16xf32>,
        %swap3A_99 = arith.index_cast %scan3A_79 : i32 to index
        %swap3A_100 = arith.constant 64 : index
        %swap3A_101 = tpu.vector_load %arg11[%swap3A_99, %swap3A_100] {strides = array<i32>} : memref<128x128xf32, #tpu.memory_space<vmem>>, vector<1x16xf32>,
        %swap3A_102 = vector.shape_cast %swap3A_101 : vector<1x16xf32> to vector<16xf32>
        %swap3A_103 = vector.shape_cast %broadcast_in_dim3A_0 : vector<16xf32> to vector<1x16xf32>
        tpu.vector_store %arg11[%swap3A_99, %swap3A_100], %swap3A_103 {strides = array<i32>} : memref<128x128xf32, #tpu.memory_space<vmem>>, vector<1x16xf32>,
        %swap3A_104 = arith.index_cast %scan3A_79 : i32 to index
        %swap3A_105 = arith.constant 80 : index
        %swap3A_106 = tpu.vector_load %arg11[%swap3A_104, %swap3A_105] {strides = array<i32>} : memref<128x128xf32, #tpu.memory_space<vmem>>, vector<1x16xf32>,
        %swap3A_107 = vector.shape_cast %swap3A_106 : vector<1x16xf32> to vector<16xf32>
        %swap3A_108 = vector.shape_cast %broadcast_in_dim3A_0 : vector<16xf32> to vector<1x16xf32>
        tpu.vector_store %arg11[%swap3A_104, %swap3A_105], %swap3A_108 {strides = array<i32>} : memref<128x128xf32, #tpu.memory_space<vmem>>, vector<1x16xf32>,
        %swap3A_109 = arith.index_cast %scan3A_79 : i32 to index
        %swap3A_110 = arith.constant 96 : index
        %swap3A_111 = tpu.vector_load %arg11[%swap3A_109, %swap3A_110] {strides = array<i32>} : memref<128x128xf32, #tpu.memory_space<vmem>>, vector<1x16xf32>,
        %swap3A_112 = vector.shape_cast %swap3A_111 : vector<1x16xf32> to vector<16xf32>
        %swap3A_113 = vector.shape_cast %broadcast_in_dim3A_0 : vector<16xf32> to vector<1x16xf32>
        tpu.vector_store %arg11[%swap3A_109, %swap3A_110], %swap3A_113 {strides = array<i32>} : memref<128x128xf32, #tpu.memory_space<vmem>>, vector<1x16xf32>,
        %swap3A_114 = arith.index_cast %scan3A_79 : i32 to index
        %swap3A_115 = arith.constant 112 : index
        %swap3A_116 = tpu.vector_load %arg11[%swap3A_114, %swap3A_115] {strides = array<i32>} : memref<128x128xf32, #tpu.memory_space<vmem>>, vector<1x16xf32>,
        %swap3A_117 = vector.shape_cast %swap3A_116 : vector<1x16xf32> to vector<16xf32>
        %swap3A_118 = vector.shape_cast %broadcast_in_dim3A_0 : vector<16xf32> to vector<1x16xf32>
        tpu.vector_store %arg11[%swap3A_114, %swap3A_115], %swap3A_118 {strides = array<i32>} : memref<128x128xf32, #tpu.memory_space<vmem>>, vector<1x16xf32>,
      }
      %scan3A_46 = arith.constant 64 : i32
      %scan3A_47 = arith.constant 0 : i32
      %scan3A_48 = arith.constant 0 : i32
      %scan3A_49 = arith.constant 5 : i32
      %scan3A_50 = arith.addi %scan3A_48, %scan3A_49 : i32
      %scan3A_51 = arith.constant 1 : i32
      scf.for %scan3A_79 = %scan3A_48 to %scan3A_50 step %scan3A_51  : i32 {
        %mul3A_80 = arith.constant 64 : i32
        %mul3A_81 = arith.muli %scan3A_79, %mul3A_80 : i32
        %multiple_of3A = tpu.assume_multiple %mul3A_81, 8 : i32
        %mul3A_82 = arith.constant 328 : i32
        %mul3A_83 = arith.muli %arg1, %mul3A_82 : i32
        %add3A_84 = arith.addi %mul3A_83, %multiple_of3A : i32
        "tpu.region"() ({
          %run_scoped3A = tpu.sem_alloc : memref<!tpu.dma_semaphore, #tpu.memory_space<semaphore_mem>>
          %dma_start3A_85 = arith.constant 0 : i32
          %dma_start3A_86 = arith.constant 0 : i32
          %dma_start3A_87 = tpu.memref_slice %arg11[%dma_start3A_85, %dma_start3A_86] : memref<128x128xf32, #tpu.memory_space<vmem>> -> memref<64x128xf32, #tpu.memory_space<vmem>>
          %dma_start3A_88 = arith.constant 0 : i32
          %dma_start3A_89 = tpu.memref_slice %arg13[%add3A_84, %dma_start3A_88] : memref<5248x128xf32, #tpu.memory_space<vmem_shared>> -> memref<64x128xf32, #tpu.memory_space<vmem_shared>>
          %dma_start3A_90 = arith.constant 0 : i32
          %dma_start3A_91 = tpu.memref_slice %arg13[%add3A_84, %dma_start3A_90] : memref<5248x128xf32, #tpu.memory_space<vmem_shared>> -> memref<64x128xf32, #tpu.memory_space<vmem_shared>>
          %dma_start3A_92 = arith.constant 0 : i32
          %dma_start3A_93 = arith.constant 0 : i32
          %dma_start3A_94 = tpu.memref_slice %arg11[%dma_start3A_92, %dma_start3A_93] : memref<128x128xf32, #tpu.memory_space<vmem>> -> memref<64x128xf32, #tpu.memory_space<vmem>>
          tpu.enqueue_dma source(%dma_start3A_94 : memref<64x128xf32, #tpu.memory_space<vmem>>) target(%dma_start3A_91 : memref<64x128xf32, #tpu.memory_space<vmem_shared>>) target_semaphore(%run_scoped3A : memref<!tpu.dma_semaphore, #tpu.memory_space<semaphore_mem>>)
          %dma_wait3A = arith.constant 0 : i32
          %dma_wait3A_95 = arith.constant 0 : i32
          %dma_wait3A_96 = tpu.memref_slice %arg11[%dma_wait3A, %dma_wait3A_95] : memref<128x128xf32, #tpu.memory_space<vmem>> -> memref<64x128xf32, #tpu.memory_space<vmem>>
          %dma_wait3A_97 = arith.constant 0 : i32
          %dma_wait3A_98 = tpu.memref_slice %arg13[%add3A_84, %dma_wait3A_97] : memref<5248x128xf32, #tpu.memory_space<vmem_shared>> -> memref<64x128xf32, #tpu.memory_space<vmem_shared>>
          %dma_wait3A_99 = arith.constant 0 : i32
          %dma_wait3A_100 = tpu.memref_slice %arg13[%add3A_84, %dma_wait3A_99] : memref<5248x128xf32, #tpu.memory_space<vmem_shared>> -> memref<64x128xf32, #tpu.memory_space<vmem_shared>>
          %dma_wait3A_101 = arith.constant 0 : i32
          %dma_wait3A_102 = arith.constant 0 : i32
          %dma_wait3A_103 = tpu.memref_slice %arg11[%dma_wait3A_101, %dma_wait3A_102] : memref<128x128xf32, #tpu.memory_space<vmem>> -> memref<64x128xf32, #tpu.memory_space<vmem>>
          tpu.wait_dma2 semaphore(%run_scoped3A : memref<!tpu.dma_semaphore, #tpu.memory_space<semaphore_mem>>) src(%dma_wait3A_103 : memref<64x128xf32, #tpu.memory_space<vmem>>) dst(%dma_wait3A_100 : memref<64x128xf32, #tpu.memory_space<vmem_shared>>)
          tpu.yield
        }) : () -> ()
      }
      %scan3A_52 = arith.constant 5 : i32
      %mul3A_53 = arith.constant 328 : i32
      %mul3A_54 = arith.muli %arg1, %mul3A_53 : i32
      %add3A_55 = arith.constant 320 : i32
      %add3A_56 = arith.addi %mul3A_54, %add3A_55 : i32
      "tpu.region"() ({
        %run_scoped3A = tpu.sem_alloc : memref<!tpu.dma_semaphore, #tpu.memory_space<semaphore_mem>>
        %dma_start3A_79 = arith.constant 0 : i32
        %dma_start3A_80 = arith.constant 0 : i32
        %dma_start3A_81 = tpu.memref_slice %arg11[%dma_start3A_79, %dma_start3A_80] : memref<128x128xf32, #tpu.memory_space<vmem>> -> memref<8x128xf32, #tpu.memory_space<vmem>>
        %dma_start3A_82 = arith.constant 0 : i32
        %dma_start3A_83 = tpu.memref_slice %arg13[%add3A_56, %dma_start3A_82] : memref<5248x128xf32, #tpu.memory_space<vmem_shared>> -> memref<8x128xf32, #tpu.memory_space<vmem_shared>>
        %dma_start3A_84 = arith.constant 0 : i32
        %dma_start3A_85 = tpu.memref_slice %arg13[%add3A_56, %dma_start3A_84] : memref<5248x128xf32, #tpu.memory_space<vmem_shared>> -> memref<8x128xf32, #tpu.memory_space<vmem_shared>>
        %dma_start3A_86 = arith.constant 0 : i32
        %dma_start3A_87 = arith.constant 0 : i32
        %dma_start3A_88 = tpu.memref_slice %arg11[%dma_start3A_86, %dma_start3A_87] : memref<128x128xf32, #tpu.memory_space<vmem>> -> memref<8x128xf32, #tpu.memory_space<vmem>>
        tpu.enqueue_dma source(%dma_start3A_88 : memref<8x128xf32, #tpu.memory_space<vmem>>) target(%dma_start3A_85 : memref<8x128xf32, #tpu.memory_space<vmem_shared>>) target_semaphore(%run_scoped3A : memref<!tpu.dma_semaphore, #tpu.memory_space<semaphore_mem>>)
        %dma_wait3A = arith.constant 0 : i32
        %dma_wait3A_89 = arith.constant 0 : i32
        %dma_wait3A_90 = tpu.memref_slice %arg11[%dma_wait3A, %dma_wait3A_89] : memref<128x128xf32, #tpu.memory_space<vmem>> -> memref<8x128xf32, #tpu.memory_space<vmem>>
        %dma_wait3A_91 = arith.constant 0 : i32
        %dma_wait3A_92 = tpu.memref_slice %arg13[%add3A_56, %dma_wait3A_91] : memref<5248x128xf32, #tpu.memory_space<vmem_shared>> -> memref<8x128xf32, #tpu.memory_space<vmem_shared>>
        %dma_wait3A_93 = arith.constant 0 : i32
        %dma_wait3A_94 = tpu.memref_slice %arg13[%add3A_56, %dma_wait3A_93] : memref<5248x128xf32, #tpu.memory_space<vmem_shared>> -> memref<8x128xf32, #tpu.memory_space<vmem_shared>>
        %dma_wait3A_95 = arith.constant 0 : i32
        %dma_wait3A_96 = arith.constant 0 : i32
        %dma_wait3A_97 = tpu.memref_slice %arg11[%dma_wait3A_95, %dma_wait3A_96] : memref<128x128xf32, #tpu.memory_space<vmem>> -> memref<8x128xf32, #tpu.memory_space<vmem>>
        tpu.wait_dma2 semaphore(%run_scoped3A : memref<!tpu.dma_semaphore, #tpu.memory_space<semaphore_mem>>) src(%dma_wait3A_97 : memref<8x128xf32, #tpu.memory_space<vmem>>) dst(%dma_wait3A_94 : memref<8x128xf32, #tpu.memory_space<vmem_shared>>)
        tpu.yield
      }) : () -> ()
      %barrier3A_57 = arith.constant 0 : index
      tpu.barrier barrier_id(%barrier3A_57)
      %dma_start3A_58 = arith.constant 0 : i32
      %dma_start3A_59 = arith.constant 0 : i32
      %dma_start3A_60 = tpu.memref_slice %arg9[%dma_start3A_58, %dma_start3A_59] : memref<160x128xi32, #tpu.memory_space<vmem>> -> memref<1x128xi32, #tpu.memory_space<vmem>>
      %dma_start3A_61 = tpu.memref_squeeze %dma_start3A_60 : memref<1x128xi32, #tpu.memory_space<vmem>> -> memref<128xi32, #tpu.memory_space<vmem>>
      %dma_start3A_62 = arith.constant 0 : i32
      %dma_start3A_63 = arith.constant 0 : i32
      %dma_start3A_64 = tpu.memref_slice %arg2[%dma_start3A_62, %dma_start3A_63] : memref<10000x128xf32, #tpu.memory_space<hbm>> -> memref<10000x128xf32, #tpu.memory_space<hbm>>
      tpu.enqueue_indirect_dma source(%dma_start3A_64 : memref<10000x128xf32, #tpu.memory_space<hbm>>) target(%arg11 : memref<128x128xf32, #tpu.memory_space<vmem>>) offsets(%dma_start3A_61 : memref<128xi32, #tpu.memory_space<vmem>>) semaphore(%arg14 : memref<!tpu.dma_semaphore, #tpu.memory_space<semaphore_mem>>)
      %scan3A_65 = arith.constant 0 : i32
      %scan3A_66 = arith.constant 0 : i32
      %scan3A_67 = arith.constant 80 : i32
      %scan3A_68 = arith.addi %scan3A_66, %scan3A_67 : i32
      %scan3A_69 = arith.constant 1 : i32
      scf.for %scan3A_79 = %scan3A_66 to %scan3A_68 step %scan3A_69  : i32 {
        %mul3A_80 = arith.constant 2 : i32
        %mul3A_81 = arith.muli %scan3A_79, %mul3A_80 : i32
        %add3A_82 = arith.constant 1 : i32
        %add3A_83 = arith.addi %mul3A_81, %add3A_82 : i32
        %dma_start3A_84 = arith.constant 0 : i32
        %dma_start3A_85 = tpu.memref_slice %arg9[%add3A_83, %dma_start3A_84] : memref<160x128xi32, #tpu.memory_space<vmem>> -> memref<1x128xi32, #tpu.memory_space<vmem>>
        %dma_start3A_86 = tpu.memref_squeeze %dma_start3A_85 : memref<1x128xi32, #tpu.memory_space<vmem>> -> memref<128xi32, #tpu.memory_space<vmem>>
        %dma_start3A_87 = arith.constant 0 : i32
        %dma_start3A_88 = arith.constant 0 : i32
        %dma_start3A_89 = tpu.memref_slice %arg2[%dma_start3A_87, %dma_start3A_88] : memref<10000x128xf32, #tpu.memory_space<hbm>> -> memref<10000x128xf32, #tpu.memory_space<hbm>>
        tpu.enqueue_indirect_dma source(%dma_start3A_89 : memref<10000x128xf32, #tpu.memory_space<hbm>>) target(%arg12 : memref<128x128xf32, #tpu.memory_space<vmem>>) offsets(%dma_start3A_86 : memref<128xi32, #tpu.memory_space<vmem>>) semaphore(%arg15 : memref<!tpu.dma_semaphore, #tpu.memory_space<semaphore_mem>>)
        %dma_wait3A = arith.constant 0 : i32
        %dma_wait3A_90 = tpu.memref_slice %arg9[%mul3A_81, %dma_wait3A] : memref<160x128xi32, #tpu.memory_space<vmem>> -> memref<1x128xi32, #tpu.memory_space<vmem>>
        %dma_wait3A_91 = tpu.memref_squeeze %dma_wait3A_90 : memref<1x128xi32, #tpu.memory_space<vmem>> -> memref<128xi32, #tpu.memory_space<vmem>>
        %dma_wait3A_92 = arith.constant 0 : i32
        %dma_wait3A_93 = arith.constant 0 : i32
        %dma_wait3A_94 = tpu.memref_slice %arg2[%dma_wait3A_92, %dma_wait3A_93] : memref<10000x128xf32, #tpu.memory_space<hbm>> -> memref<10000x128xf32, #tpu.memory_space<hbm>>
        tpu.wait_indirect_dma semaphore(%arg14 : memref<!tpu.dma_semaphore, #tpu.memory_space<semaphore_mem>>) src(%dma_wait3A_94 : memref<10000x128xf32, #tpu.memory_space<hbm>>) dst(%arg11 : memref<128x128xf32, #tpu.memory_space<vmem>>)
        "tpu.region"() ({
          %run_scoped3A = tpu.sem_alloc : memref<!tpu.dma_semaphore, #tpu.memory_space<semaphore_mem>>
          %dma_start3A_111 = arith.constant 0 : i32
          %dma_start3A_112 = tpu.memref_slice %arg10[%mul3A_81, %dma_start3A_111] : memref<160x128xi32, #tpu.memory_space<vmem>> -> memref<1x128xi32, #tpu.memory_space<vmem>>
          %dma_start3A_113 = tpu.memref_squeeze %dma_start3A_112 : memref<1x128xi32, #tpu.memory_space<vmem>> -> memref<128xi32, #tpu.memory_space<vmem>>
          %dma_start3A_114 = arith.constant 0 : i32
          %dma_start3A_115 = arith.constant 0 : i32
          %dma_start3A_116 = tpu.memref_slice %arg13[%dma_start3A_114, %dma_start3A_115] : memref<5248x128xf32, #tpu.memory_space<vmem_shared>> -> memref<5248x128xf32, #tpu.memory_space<vmem_shared>>
          tpu.enqueue_indirect_dma source(%arg11 : memref<128x128xf32, #tpu.memory_space<vmem>>) target(%dma_start3A_116 : memref<5248x128xf32, #tpu.memory_space<vmem_shared>>) offsets(%dma_start3A_113 : memref<128xi32, #tpu.memory_space<vmem>>) semaphore(%run_scoped3A : memref<!tpu.dma_semaphore, #tpu.memory_space<semaphore_mem>>) {add = true}
          %dma_wait3A_117 = arith.constant 0 : i32
          %dma_wait3A_118 = tpu.memref_slice %arg10[%mul3A_81, %dma_wait3A_117] : memref<160x128xi32, #tpu.memory_space<vmem>> -> memref<1x128xi32, #tpu.memory_space<vmem>>
          %dma_wait3A_119 = tpu.memref_squeeze %dma_wait3A_118 : memref<1x128xi32, #tpu.memory_space<vmem>> -> memref<128xi32, #tpu.memory_space<vmem>>
          %dma_wait3A_120 = arith.constant 0 : i32
          %dma_wait3A_121 = arith.constant 0 : i32
          %dma_wait3A_122 = tpu.memref_slice %arg13[%dma_wait3A_120, %dma_wait3A_121] : memref<5248x128xf32, #tpu.memory_space<vmem_shared>> -> memref<5248x128xf32, #tpu.memory_space<vmem_shared>>
          tpu.wait_indirect_dma semaphore(%run_scoped3A : memref<!tpu.dma_semaphore, #tpu.memory_space<semaphore_mem>>) src(%arg11 : memref<128x128xf32, #tpu.memory_space<vmem>>) dst(%dma_wait3A_122 : memref<5248x128xf32, #tpu.memory_space<vmem_shared>>)
          tpu.yield
        }) : () -> ()
        %add3A_95 = arith.constant 2 : i32
        %add3A_96 = arith.addi %mul3A_81, %add3A_95 : i32
        %lt3A = arith.constant 160 : i32
        %lt3A_97 = arith.cmpi slt, %add3A_96, %lt3A : i32
        %convert_element_type3A_98 = arith.extui %lt3A_97 : i1 to i32
        %cond3A_99 = arith.constant 0 : i32
        %cond3A_100 = arith.cmpi ne, %convert_element_type3A_98, %cond3A_99 : i32
        scf.if %cond3A_100 {
          %add3A_111 = arith.constant 2 : i32
          %add3A_112 = arith.addi %mul3A_81, %add3A_111 : i32
          %dma_start3A_113 = arith.constant 0 : i32
          %dma_start3A_114 = tpu.memref_slice %arg9[%add3A_112, %dma_start3A_113] : memref<160x128xi32, #tpu.memory_space<vmem>> -> memref<1x128xi32, #tpu.memory_space<vmem>>
          %dma_start3A_115 = tpu.memref_squeeze %dma_start3A_114 : memref<1x128xi32, #tpu.memory_space<vmem>> -> memref<128xi32, #tpu.memory_space<vmem>>
          %dma_start3A_116 = arith.constant 0 : i32
          %dma_start3A_117 = arith.constant 0 : i32
          %dma_start3A_118 = tpu.memref_slice %arg2[%dma_start3A_116, %dma_start3A_117] : memref<10000x128xf32, #tpu.memory_space<hbm>> -> memref<10000x128xf32, #tpu.memory_space<hbm>>
          tpu.enqueue_indirect_dma source(%dma_start3A_118 : memref<10000x128xf32, #tpu.memory_space<hbm>>) target(%arg11 : memref<128x128xf32, #tpu.memory_space<vmem>>) offsets(%dma_start3A_115 : memref<128xi32, #tpu.memory_space<vmem>>) semaphore(%arg14 : memref<!tpu.dma_semaphore, #tpu.memory_space<semaphore_mem>>)
        } else {
        }
        %add3A_101 = arith.constant 1 : i32
        %add3A_102 = arith.addi %mul3A_81, %add3A_101 : i32
        %dma_wait3A_103 = arith.constant 0 : i32
        %dma_wait3A_104 = tpu.memref_slice %arg9[%add3A_102, %dma_wait3A_103] : memref<160x128xi32, #tpu.memory_space<vmem>> -> memref<1x128xi32, #tpu.memory_space<vmem>>
        %dma_wait3A_105 = tpu.memref_squeeze %dma_wait3A_104 : memref<1x128xi32, #tpu.memory_space<vmem>> -> memref<128xi32, #tpu.memory_space<vmem>>
        %dma_wait3A_106 = arith.constant 0 : i32
        %dma_wait3A_107 = arith.constant 0 : i32
        %dma_wait3A_108 = tpu.memref_slice %arg2[%dma_wait3A_106, %dma_wait3A_107] : memref<10000x128xf32, #tpu.memory_space<hbm>> -> memref<10000x128xf32, #tpu.memory_space<hbm>>
        tpu.wait_indirect_dma semaphore(%arg15 : memref<!tpu.dma_semaphore, #tpu.memory_space<semaphore_mem>>) src(%dma_wait3A_108 : memref<10000x128xf32, #tpu.memory_space<hbm>>) dst(%arg12 : memref<128x128xf32, #tpu.memory_space<vmem>>)
        %add3A_109 = arith.constant 1 : i32
        %add3A_110 = arith.addi %mul3A_81, %add3A_109 : i32
        "tpu.region"() ({
          %run_scoped3A = tpu.sem_alloc : memref<!tpu.dma_semaphore, #tpu.memory_space<semaphore_mem>>
          %dma_start3A_111 = arith.constant 0 : i32
          %dma_start3A_112 = tpu.memref_slice %arg10[%add3A_110, %dma_start3A_111] : memref<160x128xi32, #tpu.memory_space<vmem>> -> memref<1x128xi32, #tpu.memory_space<vmem>>
          %dma_start3A_113 = tpu.memref_squeeze %dma_start3A_112 : memref<1x128xi32, #tpu.memory_space<vmem>> -> memref<128xi32, #tpu.memory_space<vmem>>
          %dma_start3A_114 = arith.constant 0 : i32
          %dma_start3A_115 = arith.constant 0 : i32
          %dma_start3A_116 = tpu.memref_slice %arg13[%dma_start3A_114, %dma_start3A_115] : memref<5248x128xf32, #tpu.memory_space<vmem_shared>> -> memref<5248x128xf32, #tpu.memory_space<vmem_shared>>
          tpu.enqueue_indirect_dma source(%arg12 : memref<128x128xf32, #tpu.memory_space<vmem>>) target(%dma_start3A_116 : memref<5248x128xf32, #tpu.memory_space<vmem_shared>>) offsets(%dma_start3A_113 : memref<128xi32, #tpu.memory_space<vmem>>) semaphore(%run_scoped3A : memref<!tpu.dma_semaphore, #tpu.memory_space<semaphore_mem>>) {add = true}
          %dma_wait3A_117 = arith.constant 0 : i32
          %dma_wait3A_118 = tpu.memref_slice %arg10[%add3A_110, %dma_wait3A_117] : memref<160x128xi32, #tpu.memory_space<vmem>> -> memref<1x128xi32, #tpu.memory_space<vmem>>
          %dma_wait3A_119 = tpu.memref_squeeze %dma_wait3A_118 : memref<1x128xi32, #tpu.memory_space<vmem>> -> memref<128xi32, #tpu.memory_space<vmem>>
          %dma_wait3A_120 = arith.constant 0 : i32
          %dma_wait3A_121 = arith.constant 0 : i32
          %dma_wait3A_122 = tpu.memref_slice %arg13[%dma_wait3A_120, %dma_wait3A_121] : memref<5248x128xf32, #tpu.memory_space<vmem_shared>> -> memref<5248x128xf32, #tpu.memory_space<vmem_shared>>
          tpu.wait_indirect_dma semaphore(%run_scoped3A : memref<!tpu.dma_semaphore, #tpu.memory_space<semaphore_mem>>) src(%arg12 : memref<128x128xf32, #tpu.memory_space<vmem>>) dst(%dma_wait3A_122 : memref<5248x128xf32, #tpu.memory_space<vmem_shared>>)
          tpu.yield
        }) : () -> ()
      }
      %scan3A_70 = arith.constant 80 : i32
      %barrier3A_71 = arith.constant 0 : index
      tpu.barrier barrier_id(%barrier3A_71)
      %mul3A_72 = arith.constant 320 : i32
      %mul3A_73 = arith.muli %arg1, %mul3A_72 : i32
      %mul3A_74 = arith.constant 320 : i32
      %mul3A_75 = arith.muli %arg1, %mul3A_74 : i32
      %add3A_76 = arith.constant 5120 : i32
      %add3A_77 = arith.addi %add3A_76, %mul3A_75 : i32
      "tpu.region"() ({
        %run_scoped3A = tpu.sem_alloc : memref<!tpu.dma_semaphore, #tpu.memory_space<semaphore_mem>>
        %dma_start3A_79 = arith.constant 0 : i32
        %dma_start3A_80 = tpu.memref_slice %arg7[%add3A_77, %dma_start3A_79] : memref<10240x128xf32, #tpu.memory_space<hbm>> -> memref<320x128xf32, #tpu.memory_space<hbm>>
        %dma_start3A_81 = arith.constant 0 : i32
        %dma_start3A_82 = tpu.memref_slice %arg13[%mul3A_73, %dma_start3A_81] : memref<5248x128xf32, #tpu.memory_space<vmem_shared>> -> memref<320x128xf32, #tpu.memory_space<vmem_shared>>
        tpu.enqueue_dma source(%dma_start3A_82 : memref<320x128xf32, #tpu.memory_space<vmem_shared>>) target(%dma_start3A_80 : memref<320x128xf32, #tpu.memory_space<hbm>>) target_semaphore(%run_scoped3A : memref<!tpu.dma_semaphore, #tpu.memory_space<semaphore_mem>>)
        %dma_wait3A = arith.constant 0 : i32
        %dma_wait3A_83 = tpu.memref_slice %arg7[%add3A_77, %dma_wait3A] : memref<10240x128xf32, #tpu.memory_space<hbm>> -> memref<320x128xf32, #tpu.memory_space<hbm>>
        %dma_wait3A_84 = arith.constant 0 : i32
        %dma_wait3A_85 = tpu.memref_slice %arg13[%mul3A_73, %dma_wait3A_84] : memref<5248x128xf32, #tpu.memory_space<vmem_shared>> -> memref<320x128xf32, #tpu.memory_space<vmem_shared>>
        tpu.wait_dma2 semaphore(%run_scoped3A : memref<!tpu.dma_semaphore, #tpu.memory_space<semaphore_mem>>) src(%dma_wait3A_85 : memref<320x128xf32, #tpu.memory_space<vmem_shared>>) dst(%dma_wait3A_83 : memref<320x128xf32, #tpu.memory_space<hbm>>)
        tpu.yield
      }) : () -> ()
      %barrier3A_78 = arith.constant 0 : index
      tpu.barrier barrier_id(%barrier3A_78)
    } else {
    }
    %eq3A_3 = arith.constant 1 : i32
    %eq3A_4 = arith.cmpi eq, %arg0, %eq3A_3 : i32
    %convert_element_type3A_5 = arith.extui %eq3A_4 : i1 to i32
    %cond3A_6 = arith.constant 0 : i32
    %cond3A_7 = arith.cmpi ne, %convert_element_type3A_5, %cond3A_6 : i32
    scf.if %cond3A_7 {
      "tpu.region"() ({
        %run_scoped3A = tpu.sem_alloc : memref<!tpu.dma_semaphore, #tpu.memory_space<semaphore_mem>>
        %dma_start3A_79 = arith.constant 0 : i32
        %dma_start3A_80 = arith.constant 0 : i32
        %dma_start3A_81 = tpu.memref_slice %arg5[%arg1, %dma_start3A_79, %dma_start3A_80] : memref<16x160x128xi32, #tpu.memory_space<hbm>> -> memref<1x160x128xi32, #tpu.memory_space<hbm>>
        %dma_start3A_82 = tpu.memref_squeeze %dma_start3A_81 : memref<1x160x128xi32, #tpu.memory_space<hbm>> -> memref<160x128xi32, #tpu.memory_space<hbm>>
        %dma_start3A_83 = arith.constant 0 : i32
        %dma_start3A_84 = arith.constant 0 : i32
        %dma_start3A_85 = tpu.memref_slice %arg5[%arg1, %dma_start3A_83, %dma_start3A_84] : memref<16x160x128xi32, #tpu.memory_space<hbm>> -> memref<1x160x128xi32, #tpu.memory_space<hbm>>
        %dma_start3A_86 = tpu.memref_squeeze %dma_start3A_85 : memref<1x160x128xi32, #tpu.memory_space<hbm>> -> memref<160x128xi32, #tpu.memory_space<hbm>>
        tpu.enqueue_dma source(%dma_start3A_86 : memref<160x128xi32, #tpu.memory_space<hbm>>) target(%arg10 : memref<160x128xi32, #tpu.memory_space<vmem>>) target_semaphore(%run_scoped3A : memref<!tpu.dma_semaphore, #tpu.memory_space<semaphore_mem>>)
        %dma_wait3A = arith.constant 0 : i32
        %dma_wait3A_87 = arith.constant 0 : i32
        %dma_wait3A_88 = tpu.memref_slice %arg5[%arg1, %dma_wait3A, %dma_wait3A_87] : memref<16x160x128xi32, #tpu.memory_space<hbm>> -> memref<1x160x128xi32, #tpu.memory_space<hbm>>
        %dma_wait3A_89 = tpu.memref_squeeze %dma_wait3A_88 : memref<1x160x128xi32, #tpu.memory_space<hbm>> -> memref<160x128xi32, #tpu.memory_space<hbm>>
        %dma_wait3A_90 = arith.constant 0 : i32
        %dma_wait3A_91 = arith.constant 0 : i32
        %dma_wait3A_92 = tpu.memref_slice %arg5[%arg1, %dma_wait3A_90, %dma_wait3A_91] : memref<16x160x128xi32, #tpu.memory_space<hbm>> -> memref<1x160x128xi32, #tpu.memory_space<hbm>>
        %dma_wait3A_93 = tpu.memref_squeeze %dma_wait3A_92 : memref<1x160x128xi32, #tpu.memory_space<hbm>> -> memref<160x128xi32, #tpu.memory_space<hbm>>
        tpu.wait_dma2 semaphore(%run_scoped3A : memref<!tpu.dma_semaphore, #tpu.memory_space<semaphore_mem>>) src(%dma_wait3A_93 : memref<160x128xi32, #tpu.memory_space<hbm>>) dst(%arg10 : memref<160x128xi32, #tpu.memory_space<vmem>>)
        tpu.yield
      }) : () -> ()
      %scan3A = arith.constant 0 : i32
      %scan3A_8 = arith.constant 0 : i32
      %scan3A_9 = arith.constant 64 : i32
      %scan3A_10 = arith.addi %scan3A_8, %scan3A_9 : i32
      %scan3A_11 = arith.constant 1 : i32
      scf.for %scan3A_79 = %scan3A_8 to %scan3A_10 step %scan3A_11  : i32 {
        %swap3A = arith.index_cast %scan3A_79 : i32 to index
        %swap3A_80 = arith.constant 0 : index
        %swap3A_81 = tpu.vector_load %arg11[%swap3A, %swap3A_80] {strides = array<i32>} : memref<128x128xf32, #tpu.memory_space<vmem>>, vector<1x16xf32>,
        %swap3A_82 = vector.shape_cast %swap3A_81 : vector<1x16xf32> to vector<16xf32>
        %swap3A_83 = vector.shape_cast %broadcast_in_dim3A_0 : vector<16xf32> to vector<1x16xf32>
        tpu.vector_store %arg11[%swap3A, %swap3A_80], %swap3A_83 {strides = array<i32>} : memref<128x128xf32, #tpu.memory_space<vmem>>, vector<1x16xf32>,
        %swap3A_84 = arith.index_cast %scan3A_79 : i32 to index
        %swap3A_85 = arith.constant 16 : index
        %swap3A_86 = tpu.vector_load %arg11[%swap3A_84, %swap3A_85] {strides = array<i32>} : memref<128x128xf32, #tpu.memory_space<vmem>>, vector<1x16xf32>,
        %swap3A_87 = vector.shape_cast %swap3A_86 : vector<1x16xf32> to vector<16xf32>
        %swap3A_88 = vector.shape_cast %broadcast_in_dim3A_0 : vector<16xf32> to vector<1x16xf32>
        tpu.vector_store %arg11[%swap3A_84, %swap3A_85], %swap3A_88 {strides = array<i32>} : memref<128x128xf32, #tpu.memory_space<vmem>>, vector<1x16xf32>,
        %swap3A_89 = arith.index_cast %scan3A_79 : i32 to index
        %swap3A_90 = arith.constant 32 : index
        %swap3A_91 = tpu.vector_load %arg11[%swap3A_89, %swap3A_90] {strides = array<i32>} : memref<128x128xf32, #tpu.memory_space<vmem>>, vector<1x16xf32>,
        %swap3A_92 = vector.shape_cast %swap3A_91 : vector<1x16xf32> to vector<16xf32>
        %swap3A_93 = vector.shape_cast %broadcast_in_dim3A_0 : vector<16xf32> to vector<1x16xf32>
        tpu.vector_store %arg11[%swap3A_89, %swap3A_90], %swap3A_93 {strides = array<i32>} : memref<128x128xf32, #tpu.memory_space<vmem>>, vector<1x16xf32>,
        %swap3A_94 = arith.index_cast %scan3A_79 : i32 to index
        %swap3A_95 = arith.constant 48 : index
        %swap3A_96 = tpu.vector_load %arg11[%swap3A_94, %swap3A_95] {strides = array<i32>} : memref<128x128xf32, #tpu.memory_space<vmem>>, vector<1x16xf32>,
        %swap3A_97 = vector.shape_cast %swap3A_96 : vector<1x16xf32> to vector<16xf32>
        %swap3A_98 = vector.shape_cast %broadcast_in_dim3A_0 : vector<16xf32> to vector<1x16xf32>
        tpu.vector_store %arg11[%swap3A_94, %swap3A_95], %swap3A_98 {strides = array<i32>} : memref<128x128xf32, #tpu.memory_space<vmem>>, vector<1x16xf32>,
        %swap3A_99 = arith.index_cast %scan3A_79 : i32 to index
        %swap3A_100 = arith.constant 64 : index
        %swap3A_101 = tpu.vector_load %arg11[%swap3A_99, %swap3A_100] {strides = array<i32>} : memref<128x128xf32, #tpu.memory_space<vmem>>, vector<1x16xf32>,
        %swap3A_102 = vector.shape_cast %swap3A_101 : vector<1x16xf32> to vector<16xf32>
        %swap3A_103 = vector.shape_cast %broadcast_in_dim3A_0 : vector<16xf32> to vector<1x16xf32>
        tpu.vector_store %arg11[%swap3A_99, %swap3A_100], %swap3A_103 {strides = array<i32>} : memref<128x128xf32, #tpu.memory_space<vmem>>, vector<1x16xf32>,
        %swap3A_104 = arith.index_cast %scan3A_79 : i32 to index
        %swap3A_105 = arith.constant 80 : index
        %swap3A_106 = tpu.vector_load %arg11[%swap3A_104, %swap3A_105] {strides = array<i32>} : memref<128x128xf32, #tpu.memory_space<vmem>>, vector<1x16xf32>,
        %swap3A_107 = vector.shape_cast %swap3A_106 : vector<1x16xf32> to vector<16xf32>
        %swap3A_108 = vector.shape_cast %broadcast_in_dim3A_0 : vector<16xf32> to vector<1x16xf32>
        tpu.vector_store %arg11[%swap3A_104, %swap3A_105], %swap3A_108 {strides = array<i32>} : memref<128x128xf32, #tpu.memory_space<vmem>>, vector<1x16xf32>,
        %swap3A_109 = arith.index_cast %scan3A_79 : i32 to index
        %swap3A_110 = arith.constant 96 : index
        %swap3A_111 = tpu.vector_load %arg11[%swap3A_109, %swap3A_110] {strides = array<i32>} : memref<128x128xf32, #tpu.memory_space<vmem>>, vector<1x16xf32>,
        %swap3A_112 = vector.shape_cast %swap3A_111 : vector<1x16xf32> to vector<16xf32>
        %swap3A_113 = vector.shape_cast %broadcast_in_dim3A_0 : vector<16xf32> to vector<1x16xf32>
        tpu.vector_store %arg11[%swap3A_109, %swap3A_110], %swap3A_113 {strides = array<i32>} : memref<128x128xf32, #tpu.memory_space<vmem>>, vector<1x16xf32>,
        %swap3A_114 = arith.index_cast %scan3A_79 : i32 to index
        %swap3A_115 = arith.constant 112 : index
        %swap3A_116 = tpu.vector_load %arg11[%swap3A_114, %swap3A_115] {strides = array<i32>} : memref<128x128xf32, #tpu.memory_space<vmem>>, vector<1x16xf32>,
        %swap3A_117 = vector.shape_cast %swap3A_116 : vector<1x16xf32> to vector<16xf32>
        %swap3A_118 = vector.shape_cast %broadcast_in_dim3A_0 : vector<16xf32> to vector<1x16xf32>
        tpu.vector_store %arg11[%swap3A_114, %swap3A_115], %swap3A_118 {strides = array<i32>} : memref<128x128xf32, #tpu.memory_space<vmem>>, vector<1x16xf32>,
      }
      %scan3A_12 = arith.constant 64 : i32
      %scan3A_13 = arith.constant 0 : i32
      %scan3A_14 = arith.constant 0 : i32
      %scan3A_15 = arith.constant 5 : i32
      %scan3A_16 = arith.addi %scan3A_14, %scan3A_15 : i32
      %scan3A_17 = arith.constant 1 : i32
      scf.for %scan3A_79 = %scan3A_14 to %scan3A_16 step %scan3A_17  : i32 {
        %mul3A_80 = arith.constant 64 : i32
        %mul3A_81 = arith.muli %scan3A_79, %mul3A_80 : i32
        %multiple_of3A = tpu.assume_multiple %mul3A_81, 8 : i32
        %mul3A_82 = arith.constant 328 : i32
        %mul3A_83 = arith.muli %arg1, %mul3A_82 : i32
        %add3A_84 = arith.addi %mul3A_83, %multiple_of3A : i32
        "tpu.region"() ({
          %run_scoped3A = tpu.sem_alloc : memref<!tpu.dma_semaphore, #tpu.memory_space<semaphore_mem>>
          %dma_start3A_85 = arith.constant 0 : i32
          %dma_start3A_86 = arith.constant 0 : i32
          %dma_start3A_87 = tpu.memref_slice %arg11[%dma_start3A_85, %dma_start3A_86] : memref<128x128xf32, #tpu.memory_space<vmem>> -> memref<64x128xf32, #tpu.memory_space<vmem>>
          %dma_start3A_88 = arith.constant 0 : i32
          %dma_start3A_89 = tpu.memref_slice %arg13[%add3A_84, %dma_start3A_88] : memref<5248x128xf32, #tpu.memory_space<vmem_shared>> -> memref<64x128xf32, #tpu.memory_space<vmem_shared>>
          %dma_start3A_90 = arith.constant 0 : i32
          %dma_start3A_91 = tpu.memref_slice %arg13[%add3A_84, %dma_start3A_90] : memref<5248x128xf32, #tpu.memory_space<vmem_shared>> -> memref<64x128xf32, #tpu.memory_space<vmem_shared>>
          %dma_start3A_92 = arith.constant 0 : i32
          %dma_start3A_93 = arith.constant 0 : i32
          %dma_start3A_94 = tpu.memref_slice %arg11[%dma_start3A_92, %dma_start3A_93] : memref<128x128xf32, #tpu.memory_space<vmem>> -> memref<64x128xf32, #tpu.memory_space<vmem>>
          tpu.enqueue_dma source(%dma_start3A_94 : memref<64x128xf32, #tpu.memory_space<vmem>>) target(%dma_start3A_91 : memref<64x128xf32, #tpu.memory_space<vmem_shared>>) target_semaphore(%run_scoped3A : memref<!tpu.dma_semaphore, #tpu.memory_space<semaphore_mem>>)
          %dma_wait3A = arith.constant 0 : i32
          %dma_wait3A_95 = arith.constant 0 : i32
          %dma_wait3A_96 = tpu.memref_slice %arg11[%dma_wait3A, %dma_wait3A_95] : memref<128x128xf32, #tpu.memory_space<vmem>> -> memref<64x128xf32, #tpu.memory_space<vmem>>
          %dma_wait3A_97 = arith.constant 0 : i32
          %dma_wait3A_98 = tpu.memref_slice %arg13[%add3A_84, %dma_wait3A_97] : memref<5248x128xf32, #tpu.memory_space<vmem_shared>> -> memref<64x128xf32, #tpu.memory_space<vmem_shared>>
          %dma_wait3A_99 = arith.constant 0 : i32
          %dma_wait3A_100 = tpu.memref_slice %arg13[%add3A_84, %dma_wait3A_99] : memref<5248x128xf32, #tpu.memory_space<vmem_shared>> -> memref<64x128xf32, #tpu.memory_space<vmem_shared>>
          %dma_wait3A_101 = arith.constant 0 : i32
          %dma_wait3A_102 = arith.constant 0 : i32
          %dma_wait3A_103 = tpu.memref_slice %arg11[%dma_wait3A_101, %dma_wait3A_102] : memref<128x128xf32, #tpu.memory_space<vmem>> -> memref<64x128xf32, #tpu.memory_space<vmem>>
          tpu.wait_dma2 semaphore(%run_scoped3A : memref<!tpu.dma_semaphore, #tpu.memory_space<semaphore_mem>>) src(%dma_wait3A_103 : memref<64x128xf32, #tpu.memory_space<vmem>>) dst(%dma_wait3A_100 : memref<64x128xf32, #tpu.memory_space<vmem_shared>>)
          tpu.yield
        }) : () -> ()
      }
      %scan3A_18 = arith.constant 5 : i32
      %mul3A = arith.constant 328 : i32
      %mul3A_19 = arith.muli %arg1, %mul3A : i32
      %add3A = arith.constant 320 : i32
      %add3A_20 = arith.addi %mul3A_19, %add3A : i32
      "tpu.region"() ({
        %run_scoped3A = tpu.sem_alloc : memref<!tpu.dma_semaphore, #tpu.memory_space<semaphore_mem>>
        %dma_start3A_79 = arith.constant 0 : i32
        %dma_start3A_80 = arith.constant 0 : i32
        %dma_start3A_81 = tpu.memref_slice %arg11[%dma_start3A_79, %dma_start3A_80] : memref<128x128xf32, #tpu.memory_space<vmem>> -> memref<8x128xf32, #tpu.memory_space<vmem>>
        %dma_start3A_82 = arith.constant 0 : i32
        %dma_start3A_83 = tpu.memref_slice %arg13[%add3A_20, %dma_start3A_82] : memref<5248x128xf32, #tpu.memory_space<vmem_shared>> -> memref<8x128xf32, #tpu.memory_space<vmem_shared>>
        %dma_start3A_84 = arith.constant 0 : i32
        %dma_start3A_85 = tpu.memref_slice %arg13[%add3A_20, %dma_start3A_84] : memref<5248x128xf32, #tpu.memory_space<vmem_shared>> -> memref<8x128xf32, #tpu.memory_space<vmem_shared>>
        %dma_start3A_86 = arith.constant 0 : i32
        %dma_start3A_87 = arith.constant 0 : i32
        %dma_start3A_88 = tpu.memref_slice %arg11[%dma_start3A_86, %dma_start3A_87] : memref<128x128xf32, #tpu.memory_space<vmem>> -> memref<8x128xf32, #tpu.memory_space<vmem>>
        tpu.enqueue_dma source(%dma_start3A_88 : memref<8x128xf32, #tpu.memory_space<vmem>>) target(%dma_start3A_85 : memref<8x128xf32, #tpu.memory_space<vmem_shared>>) target_semaphore(%run_scoped3A : memref<!tpu.dma_semaphore, #tpu.memory_space<semaphore_mem>>)
        %dma_wait3A = arith.constant 0 : i32
        %dma_wait3A_89 = arith.constant 0 : i32
        %dma_wait3A_90 = tpu.memref_slice %arg11[%dma_wait3A, %dma_wait3A_89] : memref<128x128xf32, #tpu.memory_space<vmem>> -> memref<8x128xf32, #tpu.memory_space<vmem>>
        %dma_wait3A_91 = arith.constant 0 : i32
        %dma_wait3A_92 = tpu.memref_slice %arg13[%add3A_20, %dma_wait3A_91] : memref<5248x128xf32, #tpu.memory_space<vmem_shared>> -> memref<8x128xf32, #tpu.memory_space<vmem_shared>>
        %dma_wait3A_93 = arith.constant 0 : i32
        %dma_wait3A_94 = tpu.memref_slice %arg13[%add3A_20, %dma_wait3A_93] : memref<5248x128xf32, #tpu.memory_space<vmem_shared>> -> memref<8x128xf32, #tpu.memory_space<vmem_shared>>
        %dma_wait3A_95 = arith.constant 0 : i32
        %dma_wait3A_96 = arith.constant 0 : i32
        %dma_wait3A_97 = tpu.memref_slice %arg11[%dma_wait3A_95, %dma_wait3A_96] : memref<128x128xf32, #tpu.memory_space<vmem>> -> memref<8x128xf32, #tpu.memory_space<vmem>>
        tpu.wait_dma2 semaphore(%run_scoped3A : memref<!tpu.dma_semaphore, #tpu.memory_space<semaphore_mem>>) src(%dma_wait3A_97 : memref<8x128xf32, #tpu.memory_space<vmem>>) dst(%dma_wait3A_94 : memref<8x128xf32, #tpu.memory_space<vmem_shared>>)
        tpu.yield
      }) : () -> ()
      %barrier3A = arith.constant 0 : index
      tpu.barrier barrier_id(%barrier3A)
      %dma_start3A = arith.constant 0 : i32
      %dma_start3A_21 = arith.constant 0 : i32
      %dma_start3A_22 = tpu.memref_slice %arg9[%dma_start3A, %dma_start3A_21] : memref<160x128xi32, #tpu.memory_space<vmem>> -> memref<1x128xi32, #tpu.memory_space<vmem>>
      %dma_start3A_23 = tpu.memref_squeeze %dma_start3A_22 : memref<1x128xi32, #tpu.memory_space<vmem>> -> memref<128xi32, #tpu.memory_space<vmem>>
      %dma_start3A_24 = arith.constant 0 : i32
      %dma_start3A_25 = arith.constant 0 : i32
      %dma_start3A_26 = tpu.memref_slice %arg3[%dma_start3A_24, %dma_start3A_25] : memref<10000x128xf32, #tpu.memory_space<hbm>> -> memref<10000x128xf32, #tpu.memory_space<hbm>>
      tpu.enqueue_indirect_dma source(%dma_start3A_26 : memref<10000x128xf32, #tpu.memory_space<hbm>>) target(%arg11 : memref<128x128xf32, #tpu.memory_space<vmem>>) offsets(%dma_start3A_23 : memref<128xi32, #tpu.memory_space<vmem>>) semaphore(%arg14 : memref<!tpu.dma_semaphore, #tpu.memory_space<semaphore_mem>>)
      %scan3A_27 = arith.constant 0 : i32
      %scan3A_28 = arith.constant 0 : i32
      %scan3A_29 = arith.constant 80 : i32
      %scan3A_30 = arith.addi %scan3A_28, %scan3A_29 : i32
      %scan3A_31 = arith.constant 1 : i32
      scf.for %scan3A_79 = %scan3A_28 to %scan3A_30 step %scan3A_31  : i32 {
        %mul3A_80 = arith.constant 2 : i32
        %mul3A_81 = arith.muli %scan3A_79, %mul3A_80 : i32
        %add3A_82 = arith.constant 1 : i32
        %add3A_83 = arith.addi %mul3A_81, %add3A_82 : i32
        %dma_start3A_84 = arith.constant 0 : i32
        %dma_start3A_85 = tpu.memref_slice %arg9[%add3A_83, %dma_start3A_84] : memref<160x128xi32, #tpu.memory_space<vmem>> -> memref<1x128xi32, #tpu.memory_space<vmem>>
        %dma_start3A_86 = tpu.memref_squeeze %dma_start3A_85 : memref<1x128xi32, #tpu.memory_space<vmem>> -> memref<128xi32, #tpu.memory_space<vmem>>
        %dma_start3A_87 = arith.constant 0 : i32
        %dma_start3A_88 = arith.constant 0 : i32
        %dma_start3A_89 = tpu.memref_slice %arg3[%dma_start3A_87, %dma_start3A_88] : memref<10000x128xf32, #tpu.memory_space<hbm>> -> memref<10000x128xf32, #tpu.memory_space<hbm>>
        tpu.enqueue_indirect_dma source(%dma_start3A_89 : memref<10000x128xf32, #tpu.memory_space<hbm>>) target(%arg12 : memref<128x128xf32, #tpu.memory_space<vmem>>) offsets(%dma_start3A_86 : memref<128xi32, #tpu.memory_space<vmem>>) semaphore(%arg15 : memref<!tpu.dma_semaphore, #tpu.memory_space<semaphore_mem>>)
        %dma_wait3A = arith.constant 0 : i32
        %dma_wait3A_90 = tpu.memref_slice %arg9[%mul3A_81, %dma_wait3A] : memref<160x128xi32, #tpu.memory_space<vmem>> -> memref<1x128xi32, #tpu.memory_space<vmem>>
        %dma_wait3A_91 = tpu.memref_squeeze %dma_wait3A_90 : memref<1x128xi32, #tpu.memory_space<vmem>> -> memref<128xi32, #tpu.memory_space<vmem>>
        %dma_wait3A_92 = arith.constant 0 : i32
        %dma_wait3A_93 = arith.constant 0 : i32
        %dma_wait3A_94 = tpu.memref_slice %arg3[%dma_wait3A_92, %dma_wait3A_93] : memref<10000x128xf32, #tpu.memory_space<hbm>> -> memref<10000x128xf32, #tpu.memory_space<hbm>>
        tpu.wait_indirect_dma semaphore(%arg14 : memref<!tpu.dma_semaphore, #tpu.memory_space<semaphore_mem>>) src(%dma_wait3A_94 : memref<10000x128xf32, #tpu.memory_space<hbm>>) dst(%arg11 : memref<128x128xf32, #tpu.memory_space<vmem>>)
        "tpu.region"() ({
          %run_scoped3A = tpu.sem_alloc : memref<!tpu.dma_semaphore, #tpu.memory_space<semaphore_mem>>
          %dma_start3A_111 = arith.constant 0 : i32
          %dma_start3A_112 = tpu.memref_slice %arg10[%mul3A_81, %dma_start3A_111] : memref<160x128xi32, #tpu.memory_space<vmem>> -> memref<1x128xi32, #tpu.memory_space<vmem>>
          %dma_start3A_113 = tpu.memref_squeeze %dma_start3A_112 : memref<1x128xi32, #tpu.memory_space<vmem>> -> memref<128xi32, #tpu.memory_space<vmem>>
          %dma_start3A_114 = arith.constant 0 : i32
          %dma_start3A_115 = arith.constant 0 : i32
          %dma_start3A_116 = tpu.memref_slice %arg13[%dma_start3A_114, %dma_start3A_115] : memref<5248x128xf32, #tpu.memory_space<vmem_shared>> -> memref<5248x128xf32, #tpu.memory_space<vmem_shared>>
          tpu.enqueue_indirect_dma source(%arg11 : memref<128x128xf32, #tpu.memory_space<vmem>>) target(%dma_start3A_116 : memref<5248x128xf32, #tpu.memory_space<vmem_shared>>) offsets(%dma_start3A_113 : memref<128xi32, #tpu.memory_space<vmem>>) semaphore(%run_scoped3A : memref<!tpu.dma_semaphore, #tpu.memory_space<semaphore_mem>>) {add = true}
          %dma_wait3A_117 = arith.constant 0 : i32
          %dma_wait3A_118 = tpu.memref_slice %arg10[%mul3A_81, %dma_wait3A_117] : memref<160x128xi32, #tpu.memory_space<vmem>> -> memref<1x128xi32, #tpu.memory_space<vmem>>
          %dma_wait3A_119 = tpu.memref_squeeze %dma_wait3A_118 : memref<1x128xi32, #tpu.memory_space<vmem>> -> memref<128xi32, #tpu.memory_space<vmem>>
          %dma_wait3A_120 = arith.constant 0 : i32
          %dma_wait3A_121 = arith.constant 0 : i32
          %dma_wait3A_122 = tpu.memref_slice %arg13[%dma_wait3A_120, %dma_wait3A_121] : memref<5248x128xf32, #tpu.memory_space<vmem_shared>> -> memref<5248x128xf32, #tpu.memory_space<vmem_shared>>
          tpu.wait_indirect_dma semaphore(%run_scoped3A : memref<!tpu.dma_semaphore, #tpu.memory_space<semaphore_mem>>) src(%arg11 : memref<128x128xf32, #tpu.memory_space<vmem>>) dst(%dma_wait3A_122 : memref<5248x128xf32, #tpu.memory_space<vmem_shared>>)
          tpu.yield
        }) : () -> ()
        %add3A_95 = arith.constant 2 : i32
        %add3A_96 = arith.addi %mul3A_81, %add3A_95 : i32
        %lt3A = arith.constant 160 : i32
        %lt3A_97 = arith.cmpi slt, %add3A_96, %lt3A : i32
        %convert_element_type3A_98 = arith.extui %lt3A_97 : i1 to i32
        %cond3A_99 = arith.constant 0 : i32
        %cond3A_100 = arith.cmpi ne, %convert_element_type3A_98, %cond3A_99 : i32
        scf.if %cond3A_100 {
          %add3A_111 = arith.constant 2 : i32
          %add3A_112 = arith.addi %mul3A_81, %add3A_111 : i32
          %dma_start3A_113 = arith.constant 0 : i32
          %dma_start3A_114 = tpu.memref_slice %arg9[%add3A_112, %dma_start3A_113] : memref<160x128xi32, #tpu.memory_space<vmem>> -> memref<1x128xi32, #tpu.memory_space<vmem>>
          %dma_start3A_115 = tpu.memref_squeeze %dma_start3A_114 : memref<1x128xi32, #tpu.memory_space<vmem>> -> memref<128xi32, #tpu.memory_space<vmem>>
          %dma_start3A_116 = arith.constant 0 : i32
          %dma_start3A_117 = arith.constant 0 : i32
          %dma_start3A_118 = tpu.memref_slice %arg3[%dma_start3A_116, %dma_start3A_117] : memref<10000x128xf32, #tpu.memory_space<hbm>> -> memref<10000x128xf32, #tpu.memory_space<hbm>>
          tpu.enqueue_indirect_dma source(%dma_start3A_118 : memref<10000x128xf32, #tpu.memory_space<hbm>>) target(%arg11 : memref<128x128xf32, #tpu.memory_space<vmem>>) offsets(%dma_start3A_115 : memref<128xi32, #tpu.memory_space<vmem>>) semaphore(%arg14 : memref<!tpu.dma_semaphore, #tpu.memory_space<semaphore_mem>>)
        } else {
        }
        %add3A_101 = arith.constant 1 : i32
        %add3A_102 = arith.addi %mul3A_81, %add3A_101 : i32
        %dma_wait3A_103 = arith.constant 0 : i32
        %dma_wait3A_104 = tpu.memref_slice %arg9[%add3A_102, %dma_wait3A_103] : memref<160x128xi32, #tpu.memory_space<vmem>> -> memref<1x128xi32, #tpu.memory_space<vmem>>
        %dma_wait3A_105 = tpu.memref_squeeze %dma_wait3A_104 : memref<1x128xi32, #tpu.memory_space<vmem>> -> memref<128xi32, #tpu.memory_space<vmem>>
        %dma_wait3A_106 = arith.constant 0 : i32
        %dma_wait3A_107 = arith.constant 0 : i32
        %dma_wait3A_108 = tpu.memref_slice %arg3[%dma_wait3A_106, %dma_wait3A_107] : memref<10000x128xf32, #tpu.memory_space<hbm>> -> memref<10000x128xf32, #tpu.memory_space<hbm>>
        tpu.wait_indirect_dma semaphore(%arg15 : memref<!tpu.dma_semaphore, #tpu.memory_space<semaphore_mem>>) src(%dma_wait3A_108 : memref<10000x128xf32, #tpu.memory_space<hbm>>) dst(%arg12 : memref<128x128xf32, #tpu.memory_space<vmem>>)
        %add3A_109 = arith.constant 1 : i32
        %add3A_110 = arith.addi %mul3A_81, %add3A_109 : i32
        "tpu.region"() ({
          %run_scoped3A = tpu.sem_alloc : memref<!tpu.dma_semaphore, #tpu.memory_space<semaphore_mem>>
          %dma_start3A_111 = arith.constant 0 : i32
          %dma_start3A_112 = tpu.memref_slice %arg10[%add3A_110, %dma_start3A_111] : memref<160x128xi32, #tpu.memory_space<vmem>> -> memref<1x128xi32, #tpu.memory_space<vmem>>
          %dma_start3A_113 = tpu.memref_squeeze %dma_start3A_112 : memref<1x128xi32, #tpu.memory_space<vmem>> -> memref<128xi32, #tpu.memory_space<vmem>>
          %dma_start3A_114 = arith.constant 0 : i32
          %dma_start3A_115 = arith.constant 0 : i32
          %dma_start3A_116 = tpu.memref_slice %arg13[%dma_start3A_114, %dma_start3A_115] : memref<5248x128xf32, #tpu.memory_space<vmem_shared>> -> memref<5248x128xf32, #tpu.memory_space<vmem_shared>>
          tpu.enqueue_indirect_dma source(%arg12 : memref<128x128xf32, #tpu.memory_space<vmem>>) target(%dma_start3A_116 : memref<5248x128xf32, #tpu.memory_space<vmem_shared>>) offsets(%dma_start3A_113 : memref<128xi32, #tpu.memory_space<vmem>>) semaphore(%run_scoped3A : memref<!tpu.dma_semaphore, #tpu.memory_space<semaphore_mem>>) {add = true}
          %dma_wait3A_117 = arith.constant 0 : i32
          %dma_wait3A_118 = tpu.memref_slice %arg10[%add3A_110, %dma_wait3A_117] : memref<160x128xi32, #tpu.memory_space<vmem>> -> memref<1x128xi32, #tpu.memory_space<vmem>>
          %dma_wait3A_119 = tpu.memref_squeeze %dma_wait3A_118 : memref<1x128xi32, #tpu.memory_space<vmem>> -> memref<128xi32, #tpu.memory_space<vmem>>
          %dma_wait3A_120 = arith.constant 0 : i32
          %dma_wait3A_121 = arith.constant 0 : i32
          %dma_wait3A_122 = tpu.memref_slice %arg13[%dma_wait3A_120, %dma_wait3A_121] : memref<5248x128xf32, #tpu.memory_space<vmem_shared>> -> memref<5248x128xf32, #tpu.memory_space<vmem_shared>>
          tpu.wait_indirect_dma semaphore(%run_scoped3A : memref<!tpu.dma_semaphore, #tpu.memory_space<semaphore_mem>>) src(%arg12 : memref<128x128xf32, #tpu.memory_space<vmem>>) dst(%dma_wait3A_122 : memref<5248x128xf32, #tpu.memory_space<vmem_shared>>)
          tpu.yield
        }) : () -> ()
      }
      %scan3A_32 = arith.constant 80 : i32
      %barrier3A_33 = arith.constant 0 : index
      tpu.barrier barrier_id(%barrier3A_33)
      %mul3A_34 = arith.constant 320 : i32
      %mul3A_35 = arith.muli %arg1, %mul3A_34 : i32
      %mul3A_36 = arith.constant 320 : i32
      %mul3A_37 = arith.muli %arg1, %mul3A_36 : i32
      %add3A_38 = arith.constant 0 : i32
      %add3A_39 = arith.addi %add3A_38, %mul3A_37 : i32
      "tpu.region"() ({
        %run_scoped3A = tpu.sem_alloc : memref<!tpu.dma_semaphore, #tpu.memory_space<semaphore_mem>>
        %dma_start3A_79 = arith.constant 0 : i32
        %dma_start3A_80 = tpu.memref_slice %arg8[%add3A_39, %dma_start3A_79] : memref<10240x128xf32, #tpu.memory_space<hbm>> -> memref<320x128xf32, #tpu.memory_space<hbm>>
        %dma_start3A_81 = arith.constant 0 : i32
        %dma_start3A_82 = tpu.memref_slice %arg13[%mul3A_35, %dma_start3A_81] : memref<5248x128xf32, #tpu.memory_space<vmem_shared>> -> memref<320x128xf32, #tpu.memory_space<vmem_shared>>
        tpu.enqueue_dma source(%dma_start3A_82 : memref<320x128xf32, #tpu.memory_space<vmem_shared>>) target(%dma_start3A_80 : memref<320x128xf32, #tpu.memory_space<hbm>>) target_semaphore(%run_scoped3A : memref<!tpu.dma_semaphore, #tpu.memory_space<semaphore_mem>>)
        %dma_wait3A = arith.constant 0 : i32
        %dma_wait3A_83 = tpu.memref_slice %arg8[%add3A_39, %dma_wait3A] : memref<10240x128xf32, #tpu.memory_space<hbm>> -> memref<320x128xf32, #tpu.memory_space<hbm>>
        %dma_wait3A_84 = arith.constant 0 : i32
        %dma_wait3A_85 = tpu.memref_slice %arg13[%mul3A_35, %dma_wait3A_84] : memref<5248x128xf32, #tpu.memory_space<vmem_shared>> -> memref<320x128xf32, #tpu.memory_space<vmem_shared>>
        tpu.wait_dma2 semaphore(%run_scoped3A : memref<!tpu.dma_semaphore, #tpu.memory_space<semaphore_mem>>) src(%dma_wait3A_85 : memref<320x128xf32, #tpu.memory_space<vmem_shared>>) dst(%dma_wait3A_83 : memref<320x128xf32, #tpu.memory_space<hbm>>)
        tpu.yield
      }) : () -> ()
      %barrier3A_40 = arith.constant 0 : index
      tpu.barrier barrier_id(%barrier3A_40)
      "tpu.region"() ({
        %run_scoped3A = tpu.sem_alloc : memref<!tpu.dma_semaphore, #tpu.memory_space<semaphore_mem>>
        %dma_start3A_79 = arith.constant 0 : i32
        %dma_start3A_80 = arith.constant 0 : i32
        %dma_start3A_81 = tpu.memref_slice %arg6[%arg1, %dma_start3A_79, %dma_start3A_80] : memref<16x160x128xi32, #tpu.memory_space<hbm>> -> memref<1x160x128xi32, #tpu.memory_space<hbm>>
        %dma_start3A_82 = tpu.memref_squeeze %dma_start3A_81 : memref<1x160x128xi32, #tpu.memory_space<hbm>> -> memref<160x128xi32, #tpu.memory_space<hbm>>
        %dma_start3A_83 = arith.constant 0 : i32
        %dma_start3A_84 = arith.constant 0 : i32
        %dma_start3A_85 = tpu.memref_slice %arg6[%arg1, %dma_start3A_83, %dma_start3A_84] : memref<16x160x128xi32, #tpu.memory_space<hbm>> -> memref<1x160x128xi32, #tpu.memory_space<hbm>>
        %dma_start3A_86 = tpu.memref_squeeze %dma_start3A_85 : memref<1x160x128xi32, #tpu.memory_space<hbm>> -> memref<160x128xi32, #tpu.memory_space<hbm>>
        tpu.enqueue_dma source(%dma_start3A_86 : memref<160x128xi32, #tpu.memory_space<hbm>>) target(%arg10 : memref<160x128xi32, #tpu.memory_space<vmem>>) target_semaphore(%run_scoped3A : memref<!tpu.dma_semaphore, #tpu.memory_space<semaphore_mem>>)
        %dma_wait3A = arith.constant 0 : i32
        %dma_wait3A_87 = arith.constant 0 : i32
        %dma_wait3A_88 = tpu.memref_slice %arg6[%arg1, %dma_wait3A, %dma_wait3A_87] : memref<16x160x128xi32, #tpu.memory_space<hbm>> -> memref<1x160x128xi32, #tpu.memory_space<hbm>>
        %dma_wait3A_89 = tpu.memref_squeeze %dma_wait3A_88 : memref<1x160x128xi32, #tpu.memory_space<hbm>> -> memref<160x128xi32, #tpu.memory_space<hbm>>
        %dma_wait3A_90 = arith.constant 0 : i32
        %dma_wait3A_91 = arith.constant 0 : i32
        %dma_wait3A_92 = tpu.memref_slice %arg6[%arg1, %dma_wait3A_90, %dma_wait3A_91] : memref<16x160x128xi32, #tpu.memory_space<hbm>> -> memref<1x160x128xi32, #tpu.memory_space<hbm>>
        %dma_wait3A_93 = tpu.memref_squeeze %dma_wait3A_92 : memref<1x160x128xi32, #tpu.memory_space<hbm>> -> memref<160x128xi32, #tpu.memory_space<hbm>>
        tpu.wait_dma2 semaphore(%run_scoped3A : memref<!tpu.dma_semaphore, #tpu.memory_space<semaphore_mem>>) src(%dma_wait3A_93 : memref<160x128xi32, #tpu.memory_space<hbm>>) dst(%arg10 : memref<160x128xi32, #tpu.memory_space<vmem>>)
        tpu.yield
      }) : () -> ()
      %scan3A_41 = arith.constant 0 : i32
      %scan3A_42 = arith.constant 0 : i32
      %scan3A_43 = arith.constant 64 : i32
      %scan3A_44 = arith.addi %scan3A_42, %scan3A_43 : i32
      %scan3A_45 = arith.constant 1 : i32
      scf.for %scan3A_79 = %scan3A_42 to %scan3A_44 step %scan3A_45  : i32 {
        %swap3A = arith.index_cast %scan3A_79 : i32 to index
        %swap3A_80 = arith.constant 0 : index
        %swap3A_81 = tpu.vector_load %arg11[%swap3A, %swap3A_80] {strides = array<i32>} : memref<128x128xf32, #tpu.memory_space<vmem>>, vector<1x16xf32>,
        %swap3A_82 = vector.shape_cast %swap3A_81 : vector<1x16xf32> to vector<16xf32>
        %swap3A_83 = vector.shape_cast %broadcast_in_dim3A_0 : vector<16xf32> to vector<1x16xf32>
        tpu.vector_store %arg11[%swap3A, %swap3A_80], %swap3A_83 {strides = array<i32>} : memref<128x128xf32, #tpu.memory_space<vmem>>, vector<1x16xf32>,
        %swap3A_84 = arith.index_cast %scan3A_79 : i32 to index
        %swap3A_85 = arith.constant 16 : index
        %swap3A_86 = tpu.vector_load %arg11[%swap3A_84, %swap3A_85] {strides = array<i32>} : memref<128x128xf32, #tpu.memory_space<vmem>>, vector<1x16xf32>,
        %swap3A_87 = vector.shape_cast %swap3A_86 : vector<1x16xf32> to vector<16xf32>
        %swap3A_88 = vector.shape_cast %broadcast_in_dim3A_0 : vector<16xf32> to vector<1x16xf32>
        tpu.vector_store %arg11[%swap3A_84, %swap3A_85], %swap3A_88 {strides = array<i32>} : memref<128x128xf32, #tpu.memory_space<vmem>>, vector<1x16xf32>,
        %swap3A_89 = arith.index_cast %scan3A_79 : i32 to index
        %swap3A_90 = arith.constant 32 : index
        %swap3A_91 = tpu.vector_load %arg11[%swap3A_89, %swap3A_90] {strides = array<i32>} : memref<128x128xf32, #tpu.memory_space<vmem>>, vector<1x16xf32>,
        %swap3A_92 = vector.shape_cast %swap3A_91 : vector<1x16xf32> to vector<16xf32>
        %swap3A_93 = vector.shape_cast %broadcast_in_dim3A_0 : vector<16xf32> to vector<1x16xf32>
        tpu.vector_store %arg11[%swap3A_89, %swap3A_90], %swap3A_93 {strides = array<i32>} : memref<128x128xf32, #tpu.memory_space<vmem>>, vector<1x16xf32>,
        %swap3A_94 = arith.index_cast %scan3A_79 : i32 to index
        %swap3A_95 = arith.constant 48 : index
        %swap3A_96 = tpu.vector_load %arg11[%swap3A_94, %swap3A_95] {strides = array<i32>} : memref<128x128xf32, #tpu.memory_space<vmem>>, vector<1x16xf32>,
        %swap3A_97 = vector.shape_cast %swap3A_96 : vector<1x16xf32> to vector<16xf32>
        %swap3A_98 = vector.shape_cast %broadcast_in_dim3A_0 : vector<16xf32> to vector<1x16xf32>
        tpu.vector_store %arg11[%swap3A_94, %swap3A_95], %swap3A_98 {strides = array<i32>} : memref<128x128xf32, #tpu.memory_space<vmem>>, vector<1x16xf32>,
        %swap3A_99 = arith.index_cast %scan3A_79 : i32 to index
        %swap3A_100 = arith.constant 64 : index
        %swap3A_101 = tpu.vector_load %arg11[%swap3A_99, %swap3A_100] {strides = array<i32>} : memref<128x128xf32, #tpu.memory_space<vmem>>, vector<1x16xf32>,
        %swap3A_102 = vector.shape_cast %swap3A_101 : vector<1x16xf32> to vector<16xf32>
        %swap3A_103 = vector.shape_cast %broadcast_in_dim3A_0 : vector<16xf32> to vector<1x16xf32>
        tpu.vector_store %arg11[%swap3A_99, %swap3A_100], %swap3A_103 {strides = array<i32>} : memref<128x128xf32, #tpu.memory_space<vmem>>, vector<1x16xf32>,
        %swap3A_104 = arith.index_cast %scan3A_79 : i32 to index
        %swap3A_105 = arith.constant 80 : index
        %swap3A_106 = tpu.vector_load %arg11[%swap3A_104, %swap3A_105] {strides = array<i32>} : memref<128x128xf32, #tpu.memory_space<vmem>>, vector<1x16xf32>,
        %swap3A_107 = vector.shape_cast %swap3A_106 : vector<1x16xf32> to vector<16xf32>
        %swap3A_108 = vector.shape_cast %broadcast_in_dim3A_0 : vector<16xf32> to vector<1x16xf32>
        tpu.vector_store %arg11[%swap3A_104, %swap3A_105], %swap3A_108 {strides = array<i32>} : memref<128x128xf32, #tpu.memory_space<vmem>>, vector<1x16xf32>,
        %swap3A_109 = arith.index_cast %scan3A_79 : i32 to index
        %swap3A_110 = arith.constant 96 : index
        %swap3A_111 = tpu.vector_load %arg11[%swap3A_109, %swap3A_110] {strides = array<i32>} : memref<128x128xf32, #tpu.memory_space<vmem>>, vector<1x16xf32>,
        %swap3A_112 = vector.shape_cast %swap3A_111 : vector<1x16xf32> to vector<16xf32>
        %swap3A_113 = vector.shape_cast %broadcast_in_dim3A_0 : vector<16xf32> to vector<1x16xf32>
        tpu.vector_store %arg11[%swap3A_109, %swap3A_110], %swap3A_113 {strides = array<i32>} : memref<128x128xf32, #tpu.memory_space<vmem>>, vector<1x16xf32>,
        %swap3A_114 = arith.index_cast %scan3A_79 : i32 to index
        %swap3A_115 = arith.constant 112 : index
        %swap3A_116 = tpu.vector_load %arg11[%swap3A_114, %swap3A_115] {strides = array<i32>} : memref<128x128xf32, #tpu.memory_space<vmem>>, vector<1x16xf32>,
        %swap3A_117 = vector.shape_cast %swap3A_116 : vector<1x16xf32> to vector<16xf32>
        %swap3A_118 = vector.shape_cast %broadcast_in_dim3A_0 : vector<16xf32> to vector<1x16xf32>
        tpu.vector_store %arg11[%swap3A_114, %swap3A_115], %swap3A_118 {strides = array<i32>} : memref<128x128xf32, #tpu.memory_space<vmem>>, vector<1x16xf32>,
      }
      %scan3A_46 = arith.constant 64 : i32
      %scan3A_47 = arith.constant 0 : i32
      %scan3A_48 = arith.constant 0 : i32
      %scan3A_49 = arith.constant 5 : i32
      %scan3A_50 = arith.addi %scan3A_48, %scan3A_49 : i32
      %scan3A_51 = arith.constant 1 : i32
      scf.for %scan3A_79 = %scan3A_48 to %scan3A_50 step %scan3A_51  : i32 {
        %mul3A_80 = arith.constant 64 : i32
        %mul3A_81 = arith.muli %scan3A_79, %mul3A_80 : i32
        %multiple_of3A = tpu.assume_multiple %mul3A_81, 8 : i32
        %mul3A_82 = arith.constant 328 : i32
        %mul3A_83 = arith.muli %arg1, %mul3A_82 : i32
        %add3A_84 = arith.addi %mul3A_83, %multiple_of3A : i32
        "tpu.region"() ({
          %run_scoped3A = tpu.sem_alloc : memref<!tpu.dma_semaphore, #tpu.memory_space<semaphore_mem>>
          %dma_start3A_85 = arith.constant 0 : i32
          %dma_start3A_86 = arith.constant 0 : i32
          %dma_start3A_87 = tpu.memref_slice %arg11[%dma_start3A_85, %dma_start3A_86] : memref<128x128xf32, #tpu.memory_space<vmem>> -> memref<64x128xf32, #tpu.memory_space<vmem>>
          %dma_start3A_88 = arith.constant 0 : i32
          %dma_start3A_89 = tpu.memref_slice %arg13[%add3A_84, %dma_start3A_88] : memref<5248x128xf32, #tpu.memory_space<vmem_shared>> -> memref<64x128xf32, #tpu.memory_space<vmem_shared>>
          %dma_start3A_90 = arith.constant 0 : i32
          %dma_start3A_91 = tpu.memref_slice %arg13[%add3A_84, %dma_start3A_90] : memref<5248x128xf32, #tpu.memory_space<vmem_shared>> -> memref<64x128xf32, #tpu.memory_space<vmem_shared>>
          %dma_start3A_92 = arith.constant 0 : i32
          %dma_start3A_93 = arith.constant 0 : i32
          %dma_start3A_94 = tpu.memref_slice %arg11[%dma_start3A_92, %dma_start3A_93] : memref<128x128xf32, #tpu.memory_space<vmem>> -> memref<64x128xf32, #tpu.memory_space<vmem>>
          tpu.enqueue_dma source(%dma_start3A_94 : memref<64x128xf32, #tpu.memory_space<vmem>>) target(%dma_start3A_91 : memref<64x128xf32, #tpu.memory_space<vmem_shared>>) target_semaphore(%run_scoped3A : memref<!tpu.dma_semaphore, #tpu.memory_space<semaphore_mem>>)
          %dma_wait3A = arith.constant 0 : i32
          %dma_wait3A_95 = arith.constant 0 : i32
          %dma_wait3A_96 = tpu.memref_slice %arg11[%dma_wait3A, %dma_wait3A_95] : memref<128x128xf32, #tpu.memory_space<vmem>> -> memref<64x128xf32, #tpu.memory_space<vmem>>
          %dma_wait3A_97 = arith.constant 0 : i32
          %dma_wait3A_98 = tpu.memref_slice %arg13[%add3A_84, %dma_wait3A_97] : memref<5248x128xf32, #tpu.memory_space<vmem_shared>> -> memref<64x128xf32, #tpu.memory_space<vmem_shared>>
          %dma_wait3A_99 = arith.constant 0 : i32
          %dma_wait3A_100 = tpu.memref_slice %arg13[%add3A_84, %dma_wait3A_99] : memref<5248x128xf32, #tpu.memory_space<vmem_shared>> -> memref<64x128xf32, #tpu.memory_space<vmem_shared>>
          %dma_wait3A_101 = arith.constant 0 : i32
          %dma_wait3A_102 = arith.constant 0 : i32
          %dma_wait3A_103 = tpu.memref_slice %arg11[%dma_wait3A_101, %dma_wait3A_102] : memref<128x128xf32, #tpu.memory_space<vmem>> -> memref<64x128xf32, #tpu.memory_space<vmem>>
          tpu.wait_dma2 semaphore(%run_scoped3A : memref<!tpu.dma_semaphore, #tpu.memory_space<semaphore_mem>>) src(%dma_wait3A_103 : memref<64x128xf32, #tpu.memory_space<vmem>>) dst(%dma_wait3A_100 : memref<64x128xf32, #tpu.memory_space<vmem_shared>>)
          tpu.yield
        }) : () -> ()
      }
      %scan3A_52 = arith.constant 5 : i32
      %mul3A_53 = arith.constant 328 : i32
      %mul3A_54 = arith.muli %arg1, %mul3A_53 : i32
      %add3A_55 = arith.constant 320 : i32
      %add3A_56 = arith.addi %mul3A_54, %add3A_55 : i32
      "tpu.region"() ({
        %run_scoped3A = tpu.sem_alloc : memref<!tpu.dma_semaphore, #tpu.memory_space<semaphore_mem>>
        %dma_start3A_79 = arith.constant 0 : i32
        %dma_start3A_80 = arith.constant 0 : i32
        %dma_start3A_81 = tpu.memref_slice %arg11[%dma_start3A_79, %dma_start3A_80] : memref<128x128xf32, #tpu.memory_space<vmem>> -> memref<8x128xf32, #tpu.memory_space<vmem>>
        %dma_start3A_82 = arith.constant 0 : i32
        %dma_start3A_83 = tpu.memref_slice %arg13[%add3A_56, %dma_start3A_82] : memref<5248x128xf32, #tpu.memory_space<vmem_shared>> -> memref<8x128xf32, #tpu.memory_space<vmem_shared>>
        %dma_start3A_84 = arith.constant 0 : i32
        %dma_start3A_85 = tpu.memref_slice %arg13[%add3A_56, %dma_start3A_84] : memref<5248x128xf32, #tpu.memory_space<vmem_shared>> -> memref<8x128xf32, #tpu.memory_space<vmem_shared>>
        %dma_start3A_86 = arith.constant 0 : i32
        %dma_start3A_87 = arith.constant 0 : i32
        %dma_start3A_88 = tpu.memref_slice %arg11[%dma_start3A_86, %dma_start3A_87] : memref<128x128xf32, #tpu.memory_space<vmem>> -> memref<8x128xf32, #tpu.memory_space<vmem>>
        tpu.enqueue_dma source(%dma_start3A_88 : memref<8x128xf32, #tpu.memory_space<vmem>>) target(%dma_start3A_85 : memref<8x128xf32, #tpu.memory_space<vmem_shared>>) target_semaphore(%run_scoped3A : memref<!tpu.dma_semaphore, #tpu.memory_space<semaphore_mem>>)
        %dma_wait3A = arith.constant 0 : i32
        %dma_wait3A_89 = arith.constant 0 : i32
        %dma_wait3A_90 = tpu.memref_slice %arg11[%dma_wait3A, %dma_wait3A_89] : memref<128x128xf32, #tpu.memory_space<vmem>> -> memref<8x128xf32, #tpu.memory_space<vmem>>
        %dma_wait3A_91 = arith.constant 0 : i32
        %dma_wait3A_92 = tpu.memref_slice %arg13[%add3A_56, %dma_wait3A_91] : memref<5248x128xf32, #tpu.memory_space<vmem_shared>> -> memref<8x128xf32, #tpu.memory_space<vmem_shared>>
        %dma_wait3A_93 = arith.constant 0 : i32
        %dma_wait3A_94 = tpu.memref_slice %arg13[%add3A_56, %dma_wait3A_93] : memref<5248x128xf32, #tpu.memory_space<vmem_shared>> -> memref<8x128xf32, #tpu.memory_space<vmem_shared>>
        %dma_wait3A_95 = arith.constant 0 : i32
        %dma_wait3A_96 = arith.constant 0 : i32
        %dma_wait3A_97 = tpu.memref_slice %arg11[%dma_wait3A_95, %dma_wait3A_96] : memref<128x128xf32, #tpu.memory_space<vmem>> -> memref<8x128xf32, #tpu.memory_space<vmem>>
        tpu.wait_dma2 semaphore(%run_scoped3A : memref<!tpu.dma_semaphore, #tpu.memory_space<semaphore_mem>>) src(%dma_wait3A_97 : memref<8x128xf32, #tpu.memory_space<vmem>>) dst(%dma_wait3A_94 : memref<8x128xf32, #tpu.memory_space<vmem_shared>>)
        tpu.yield
      }) : () -> ()
      %barrier3A_57 = arith.constant 0 : index
      tpu.barrier barrier_id(%barrier3A_57)
      %dma_start3A_58 = arith.constant 0 : i32
      %dma_start3A_59 = arith.constant 0 : i32
      %dma_start3A_60 = tpu.memref_slice %arg9[%dma_start3A_58, %dma_start3A_59] : memref<160x128xi32, #tpu.memory_space<vmem>> -> memref<1x128xi32, #tpu.memory_space<vmem>>
      %dma_start3A_61 = tpu.memref_squeeze %dma_start3A_60 : memref<1x128xi32, #tpu.memory_space<vmem>> -> memref<128xi32, #tpu.memory_space<vmem>>
      %dma_start3A_62 = arith.constant 0 : i32
      %dma_start3A_63 = arith.constant 0 : i32
      %dma_start3A_64 = tpu.memref_slice %arg3[%dma_start3A_62, %dma_start3A_63] : memref<10000x128xf32, #tpu.memory_space<hbm>> -> memref<10000x128xf32, #tpu.memory_space<hbm>>
      tpu.enqueue_indirect_dma source(%dma_start3A_64 : memref<10000x128xf32, #tpu.memory_space<hbm>>) target(%arg11 : memref<128x128xf32, #tpu.memory_space<vmem>>) offsets(%dma_start3A_61 : memref<128xi32, #tpu.memory_space<vmem>>) semaphore(%arg14 : memref<!tpu.dma_semaphore, #tpu.memory_space<semaphore_mem>>)
      %scan3A_65 = arith.constant 0 : i32
      %scan3A_66 = arith.constant 0 : i32
      %scan3A_67 = arith.constant 80 : i32
      %scan3A_68 = arith.addi %scan3A_66, %scan3A_67 : i32
      %scan3A_69 = arith.constant 1 : i32
      scf.for %scan3A_79 = %scan3A_66 to %scan3A_68 step %scan3A_69  : i32 {
        %mul3A_80 = arith.constant 2 : i32
        %mul3A_81 = arith.muli %scan3A_79, %mul3A_80 : i32
        %add3A_82 = arith.constant 1 : i32
        %add3A_83 = arith.addi %mul3A_81, %add3A_82 : i32
        %dma_start3A_84 = arith.constant 0 : i32
        %dma_start3A_85 = tpu.memref_slice %arg9[%add3A_83, %dma_start3A_84] : memref<160x128xi32, #tpu.memory_space<vmem>> -> memref<1x128xi32, #tpu.memory_space<vmem>>
        %dma_start3A_86 = tpu.memref_squeeze %dma_start3A_85 : memref<1x128xi32, #tpu.memory_space<vmem>> -> memref<128xi32, #tpu.memory_space<vmem>>
        %dma_start3A_87 = arith.constant 0 : i32
        %dma_start3A_88 = arith.constant 0 : i32
        %dma_start3A_89 = tpu.memref_slice %arg3[%dma_start3A_87, %dma_start3A_88] : memref<10000x128xf32, #tpu.memory_space<hbm>> -> memref<10000x128xf32, #tpu.memory_space<hbm>>
        tpu.enqueue_indirect_dma source(%dma_start3A_89 : memref<10000x128xf32, #tpu.memory_space<hbm>>) target(%arg12 : memref<128x128xf32, #tpu.memory_space<vmem>>) offsets(%dma_start3A_86 : memref<128xi32, #tpu.memory_space<vmem>>) semaphore(%arg15 : memref<!tpu.dma_semaphore, #tpu.memory_space<semaphore_mem>>)
        %dma_wait3A = arith.constant 0 : i32
        %dma_wait3A_90 = tpu.memref_slice %arg9[%mul3A_81, %dma_wait3A] : memref<160x128xi32, #tpu.memory_space<vmem>> -> memref<1x128xi32, #tpu.memory_space<vmem>>
        %dma_wait3A_91 = tpu.memref_squeeze %dma_wait3A_90 : memref<1x128xi32, #tpu.memory_space<vmem>> -> memref<128xi32, #tpu.memory_space<vmem>>
        %dma_wait3A_92 = arith.constant 0 : i32
        %dma_wait3A_93 = arith.constant 0 : i32
        %dma_wait3A_94 = tpu.memref_slice %arg3[%dma_wait3A_92, %dma_wait3A_93] : memref<10000x128xf32, #tpu.memory_space<hbm>> -> memref<10000x128xf32, #tpu.memory_space<hbm>>
        tpu.wait_indirect_dma semaphore(%arg14 : memref<!tpu.dma_semaphore, #tpu.memory_space<semaphore_mem>>) src(%dma_wait3A_94 : memref<10000x128xf32, #tpu.memory_space<hbm>>) dst(%arg11 : memref<128x128xf32, #tpu.memory_space<vmem>>)
        "tpu.region"() ({
          %run_scoped3A = tpu.sem_alloc : memref<!tpu.dma_semaphore, #tpu.memory_space<semaphore_mem>>
          %dma_start3A_111 = arith.constant 0 : i32
          %dma_start3A_112 = tpu.memref_slice %arg10[%mul3A_81, %dma_start3A_111] : memref<160x128xi32, #tpu.memory_space<vmem>> -> memref<1x128xi32, #tpu.memory_space<vmem>>
          %dma_start3A_113 = tpu.memref_squeeze %dma_start3A_112 : memref<1x128xi32, #tpu.memory_space<vmem>> -> memref<128xi32, #tpu.memory_space<vmem>>
          %dma_start3A_114 = arith.constant 0 : i32
          %dma_start3A_115 = arith.constant 0 : i32
          %dma_start3A_116 = tpu.memref_slice %arg13[%dma_start3A_114, %dma_start3A_115] : memref<5248x128xf32, #tpu.memory_space<vmem_shared>> -> memref<5248x128xf32, #tpu.memory_space<vmem_shared>>
          tpu.enqueue_indirect_dma source(%arg11 : memref<128x128xf32, #tpu.memory_space<vmem>>) target(%dma_start3A_116 : memref<5248x128xf32, #tpu.memory_space<vmem_shared>>) offsets(%dma_start3A_113 : memref<128xi32, #tpu.memory_space<vmem>>) semaphore(%run_scoped3A : memref<!tpu.dma_semaphore, #tpu.memory_space<semaphore_mem>>) {add = true}
          %dma_wait3A_117 = arith.constant 0 : i32
          %dma_wait3A_118 = tpu.memref_slice %arg10[%mul3A_81, %dma_wait3A_117] : memref<160x128xi32, #tpu.memory_space<vmem>> -> memref<1x128xi32, #tpu.memory_space<vmem>>
          %dma_wait3A_119 = tpu.memref_squeeze %dma_wait3A_118 : memref<1x128xi32, #tpu.memory_space<vmem>> -> memref<128xi32, #tpu.memory_space<vmem>>
          %dma_wait3A_120 = arith.constant 0 : i32
          %dma_wait3A_121 = arith.constant 0 : i32
          %dma_wait3A_122 = tpu.memref_slice %arg13[%dma_wait3A_120, %dma_wait3A_121] : memref<5248x128xf32, #tpu.memory_space<vmem_shared>> -> memref<5248x128xf32, #tpu.memory_space<vmem_shared>>
          tpu.wait_indirect_dma semaphore(%run_scoped3A : memref<!tpu.dma_semaphore, #tpu.memory_space<semaphore_mem>>) src(%arg11 : memref<128x128xf32, #tpu.memory_space<vmem>>) dst(%dma_wait3A_122 : memref<5248x128xf32, #tpu.memory_space<vmem_shared>>)
          tpu.yield
        }) : () -> ()
        %add3A_95 = arith.constant 2 : i32
        %add3A_96 = arith.addi %mul3A_81, %add3A_95 : i32
        %lt3A = arith.constant 160 : i32
        %lt3A_97 = arith.cmpi slt, %add3A_96, %lt3A : i32
        %convert_element_type3A_98 = arith.extui %lt3A_97 : i1 to i32
        %cond3A_99 = arith.constant 0 : i32
        %cond3A_100 = arith.cmpi ne, %convert_element_type3A_98, %cond3A_99 : i32
        scf.if %cond3A_100 {
          %add3A_111 = arith.constant 2 : i32
          %add3A_112 = arith.addi %mul3A_81, %add3A_111 : i32
          %dma_start3A_113 = arith.constant 0 : i32
          %dma_start3A_114 = tpu.memref_slice %arg9[%add3A_112, %dma_start3A_113] : memref<160x128xi32, #tpu.memory_space<vmem>> -> memref<1x128xi32, #tpu.memory_space<vmem>>
          %dma_start3A_115 = tpu.memref_squeeze %dma_start3A_114 : memref<1x128xi32, #tpu.memory_space<vmem>> -> memref<128xi32, #tpu.memory_space<vmem>>
          %dma_start3A_116 = arith.constant 0 : i32
          %dma_start3A_117 = arith.constant 0 : i32
          %dma_start3A_118 = tpu.memref_slice %arg3[%dma_start3A_116, %dma_start3A_117] : memref<10000x128xf32, #tpu.memory_space<hbm>> -> memref<10000x128xf32, #tpu.memory_space<hbm>>
          tpu.enqueue_indirect_dma source(%dma_start3A_118 : memref<10000x128xf32, #tpu.memory_space<hbm>>) target(%arg11 : memref<128x128xf32, #tpu.memory_space<vmem>>) offsets(%dma_start3A_115 : memref<128xi32, #tpu.memory_space<vmem>>) semaphore(%arg14 : memref<!tpu.dma_semaphore, #tpu.memory_space<semaphore_mem>>)
        } else {
        }
        %add3A_101 = arith.constant 1 : i32
        %add3A_102 = arith.addi %mul3A_81, %add3A_101 : i32
        %dma_wait3A_103 = arith.constant 0 : i32
        %dma_wait3A_104 = tpu.memref_slice %arg9[%add3A_102, %dma_wait3A_103] : memref<160x128xi32, #tpu.memory_space<vmem>> -> memref<1x128xi32, #tpu.memory_space<vmem>>
        %dma_wait3A_105 = tpu.memref_squeeze %dma_wait3A_104 : memref<1x128xi32, #tpu.memory_space<vmem>> -> memref<128xi32, #tpu.memory_space<vmem>>
        %dma_wait3A_106 = arith.constant 0 : i32
        %dma_wait3A_107 = arith.constant 0 : i32
        %dma_wait3A_108 = tpu.memref_slice %arg3[%dma_wait3A_106, %dma_wait3A_107] : memref<10000x128xf32, #tpu.memory_space<hbm>> -> memref<10000x128xf32, #tpu.memory_space<hbm>>
        tpu.wait_indirect_dma semaphore(%arg15 : memref<!tpu.dma_semaphore, #tpu.memory_space<semaphore_mem>>) src(%dma_wait3A_108 : memref<10000x128xf32, #tpu.memory_space<hbm>>) dst(%arg12 : memref<128x128xf32, #tpu.memory_space<vmem>>)
        %add3A_109 = arith.constant 1 : i32
        %add3A_110 = arith.addi %mul3A_81, %add3A_109 : i32
        "tpu.region"() ({
          %run_scoped3A = tpu.sem_alloc : memref<!tpu.dma_semaphore, #tpu.memory_space<semaphore_mem>>
          %dma_start3A_111 = arith.constant 0 : i32
          %dma_start3A_112 = tpu.memref_slice %arg10[%add3A_110, %dma_start3A_111] : memref<160x128xi32, #tpu.memory_space<vmem>> -> memref<1x128xi32, #tpu.memory_space<vmem>>
          %dma_start3A_113 = tpu.memref_squeeze %dma_start3A_112 : memref<1x128xi32, #tpu.memory_space<vmem>> -> memref<128xi32, #tpu.memory_space<vmem>>
          %dma_start3A_114 = arith.constant 0 : i32
          %dma_start3A_115 = arith.constant 0 : i32
          %dma_start3A_116 = tpu.memref_slice %arg13[%dma_start3A_114, %dma_start3A_115] : memref<5248x128xf32, #tpu.memory_space<vmem_shared>> -> memref<5248x128xf32, #tpu.memory_space<vmem_shared>>
          tpu.enqueue_indirect_dma source(%arg12 : memref<128x128xf32, #tpu.memory_space<vmem>>) target(%dma_start3A_116 : memref<5248x128xf32, #tpu.memory_space<vmem_shared>>) offsets(%dma_start3A_113 : memref<128xi32, #tpu.memory_space<vmem>>) semaphore(%run_scoped3A : memref<!tpu.dma_semaphore, #tpu.memory_space<semaphore_mem>>) {add = true}
          %dma_wait3A_117 = arith.constant 0 : i32
          %dma_wait3A_118 = tpu.memref_slice %arg10[%add3A_110, %dma_wait3A_117] : memref<160x128xi32, #tpu.memory_space<vmem>> -> memref<1x128xi32, #tpu.memory_space<vmem>>
          %dma_wait3A_119 = tpu.memref_squeeze %dma_wait3A_118 : memref<1x128xi32, #tpu.memory_space<vmem>> -> memref<128xi32, #tpu.memory_space<vmem>>
          %dma_wait3A_120 = arith.constant 0 : i32
          %dma_wait3A_121 = arith.constant 0 : i32
          %dma_wait3A_122 = tpu.memref_slice %arg13[%dma_wait3A_120, %dma_wait3A_121] : memref<5248x128xf32, #tpu.memory_space<vmem_shared>> -> memref<5248x128xf32, #tpu.memory_space<vmem_shared>>
          tpu.wait_indirect_dma semaphore(%run_scoped3A : memref<!tpu.dma_semaphore, #tpu.memory_space<semaphore_mem>>) src(%arg12 : memref<128x128xf32, #tpu.memory_space<vmem>>) dst(%dma_wait3A_122 : memref<5248x128xf32, #tpu.memory_space<vmem_shared>>)
          tpu.yield
        }) : () -> ()
      }
      %scan3A_70 = arith.constant 80 : i32
      %barrier3A_71 = arith.constant 0 : index
      tpu.barrier barrier_id(%barrier3A_71)
      %mul3A_72 = arith.constant 320 : i32
      %mul3A_73 = arith.muli %arg1, %mul3A_72 : i32
      %mul3A_74 = arith.constant 320 : i32
      %mul3A_75 = arith.muli %arg1, %mul3A_74 : i32
      %add3A_76 = arith.constant 5120 : i32
      %add3A_77 = arith.addi %add3A_76, %mul3A_75 : i32
      "tpu.region"() ({
        %run_scoped3A = tpu.sem_alloc : memref<!tpu.dma_semaphore, #tpu.memory_space<semaphore_mem>>
        %dma_start3A_79 = arith.constant 0 : i32
        %dma_start3A_80 = tpu.memref_slice %arg8[%add3A_77, %dma_start3A_79] : memref<10240x128xf32, #tpu.memory_space<hbm>> -> memref<320x128xf32, #tpu.memory_space<hbm>>
        %dma_start3A_81 = arith.constant 0 : i32
        %dma_start3A_82 = tpu.memref_slice %arg13[%mul3A_73, %dma_start3A_81] : memref<5248x128xf32, #tpu.memory_space<vmem_shared>> -> memref<320x128xf32, #tpu.memory_space<vmem_shared>>
        tpu.enqueue_dma source(%dma_start3A_82 : memref<320x128xf32, #tpu.memory_space<vmem_shared>>) target(%dma_start3A_80 : memref<320x128xf32, #tpu.memory_space<hbm>>) target_semaphore(%run_scoped3A : memref<!tpu.dma_semaphore, #tpu.memory_space<semaphore_mem>>)
        %dma_wait3A = arith.constant 0 : i32
        %dma_wait3A_83 = tpu.memref_slice %arg8[%add3A_77, %dma_wait3A] : memref<10240x128xf32, #tpu.memory_space<hbm>> -> memref<320x128xf32, #tpu.memory_space<hbm>>
        %dma_wait3A_84 = arith.constant 0 : i32
        %dma_wait3A_85 = tpu.memref_slice %arg13[%mul3A_73, %dma_wait3A_84] : memref<5248x128xf32, #tpu.memory_space<vmem_shared>> -> memref<320x128xf32, #tpu.memory_space<vmem_shared>>
        tpu.wait_dma2 semaphore(%run_scoped3A : memref<!tpu.dma_semaphore, #tpu.memory_space<semaphore_mem>>) src(%dma_wait3A_85 : memref<320x128xf32, #tpu.memory_space<vmem_shared>>) dst(%dma_wait3A_83 : memref<320x128xf32, #tpu.memory_space<hbm>>)
        tpu.yield
      }) : () -> ()
      %barrier3A_78 = arith.constant 0 : index
      tpu.barrier barrier_id(%barrier3A_78)
    } else {
    }
    return
  }
}

#map = affine_map<(d0, d1) -> (0, 0)>
#map1 = affine_map<(d0, d1) -> (0, 0, 0)>
module attributes {stable_mosaic.version = 14 : i64} {
  func.func @conv_kernel(%arg0: i32, %arg1: i32, %arg2: memref<10000x128xf32, #tpu.memory_space<hbm>>, %arg3: memref<10000x128xf32, #tpu.memory_space<hbm>>, %arg4: memref<16x160x128xi32, #tpu.memory_space<hbm>>, %arg5: memref<16x160x128xi32, #tpu.memory_space<hbm>>, %arg6: memref<16x160x128xi32, #tpu.memory_space<hbm>>, %arg7: memref<10240x128xf32, #tpu.memory_space<hbm>>, %arg8: memref<10240x128xf32, #tpu.memory_space<hbm>>, %arg9: memref<160x128xi32, #tpu.memory_space<vmem>>, %arg10: memref<160x128xi32, #tpu.memory_space<vmem>>, %arg11: memref<128x128xf32, #tpu.memory_space<vmem>>, %arg12: memref<128x128xf32, #tpu.memory_space<vmem>>, %arg13: memref<5248x128xf32, #tpu.memory_space<vmem_shared>>, %arg14: memref<!tpu.dma_semaphore, #tpu.memory_space<semaphore_mem>>, %arg15: memref<!tpu.dma_semaphore, #tpu.memory_space<semaphore_mem>>, %arg16: memref<!tpu.dma_semaphore, #tpu.memory_space<semaphore_mem>>, %arg17: memref<!tpu.dma_semaphore, #tpu.memory_space<semaphore_mem>>) attributes {dimension_semantics = [#tpu.dimension_semantics<core_parallel>, #tpu.dimension_semantics<subcore_parallel>], iteration_bounds = array<i64: 2, 16>, scalar_prefetch = 0 : i64, scratch_operands = 9 : i64, tpu.core_type = #tpu.core_type<sc_vector_subcore>, window_params = [{transform_indices = #map}, {transform_indices = #map}, {transform_indices = #map1}, {transform_indices = #map1}, {transform_indices = #map1}, {transform_indices = #map}, {transform_indices = #map}]} {
    "tpu.region"() ({
      %run_scoped3A = tpu.sem_alloc : memref<!tpu.dma_semaphore, #tpu.memory_space<semaphore_mem>>
      %dma_start3A = arith.constant 0 : i32
      %dma_start3A_8 = arith.constant 0 : i32
      %dma_start3A_9 = tpu.memref_slice %arg4[%arg1, %dma_start3A, %dma_start3A_8] : memref<16x160x128xi32, #tpu.memory_space<hbm>> -> memref<1x160x128xi32, #tpu.memory_space<hbm>>
      %dma_start3A_10 = tpu.memref_squeeze %dma_start3A_9 : memref<1x160x128xi32, #tpu.memory_space<hbm>> -> memref<160x128xi32, #tpu.memory_space<hbm>>
      %dma_start3A_11 = arith.constant 0 : i32
      %dma_start3A_12 = arith.constant 0 : i32
      %dma_start3A_13 = tpu.memref_slice %arg4[%arg1, %dma_start3A_11, %dma_start3A_12] : memref<16x160x128xi32, #tpu.memory_space<hbm>> -> memref<1x160x128xi32, #tpu.memory_space<hbm>>
      %dma_start3A_14 = tpu.memref_squeeze %dma_start3A_13 : memref<1x160x128xi32, #tpu.memory_space<hbm>> -> memref<160x128xi32, #tpu.memory_space<hbm>>
      tpu.enqueue_dma source(%dma_start3A_14 : memref<160x128xi32, #tpu.memory_space<hbm>>) target(%arg9 : memref<160x128xi32, #tpu.memory_space<vmem>>) target_semaphore(%run_scoped3A : memref<!tpu.dma_semaphore, #tpu.memory_space<semaphore_mem>>)
      %dma_wait3A = arith.constant 0 : i32
      %dma_wait3A_15 = arith.constant 0 : i32
      %dma_wait3A_16 = tpu.memref_slice %arg4[%arg1, %dma_wait3A, %dma_wait3A_15] : memref<16x160x128xi32, #tpu.memory_space<hbm>> -> memref<1x160x128xi32, #tpu.memory_space<hbm>>
      %dma_wait3A_17 = tpu.memref_squeeze %dma_wait3A_16 : memref<1x160x128xi32, #tpu.memory_space<hbm>> -> memref<160x128xi32, #tpu.memory_space<hbm>>
      %dma_wait3A_18 = arith.constant 0 : i32
      %dma_wait3A_19 = arith.constant 0 : i32
      %dma_wait3A_20 = tpu.memref_slice %arg4[%arg1, %dma_wait3A_18, %dma_wait3A_19] : memref<16x160x128xi32, #tpu.memory_space<hbm>> -> memref<1x160x128xi32, #tpu.memory_space<hbm>>
      %dma_wait3A_21 = tpu.memref_squeeze %dma_wait3A_20 : memref<1x160x128xi32, #tpu.memory_space<hbm>> -> memref<160x128xi32, #tpu.memory_space<hbm>>
      tpu.wait_dma2 semaphore(%run_scoped3A : memref<!tpu.dma_semaphore, #tpu.memory_space<semaphore_mem>>) src(%dma_wait3A_21 : memref<160x128xi32, #tpu.memory_space<hbm>>) dst(%arg9 : memref<160x128xi32, #tpu.memory_space<vmem>>)
      tpu.yield
    }) : () -> ()
    %broadcast_in_dim3A = arith.constant 0.000000e+00 : f32
    %broadcast_in_dim3A_0 = vector.broadcast %broadcast_in_dim3A : f32 to vector<16xf32>
    %eq3A = arith.constant 0 : i32
    %eq3A_1 = arith.cmpi eq, %arg0, %eq3A : i32
    %convert_element_type3A = arith.extui %eq3A_1 : i1 to i32
    %cond3A = arith.constant 0 : i32
    %cond3A_2 = arith.cmpi ne, %convert_element_type3A, %cond3A : i32
    scf.if %cond3A_2 {
      "tpu.region"() ({
        %run_scoped3A = tpu.sem_alloc : memref<!tpu.dma_semaphore, #tpu.memory_space<semaphore_mem>>
        %dma_start3A_79 = arith.constant 0 : i32
        %dma_start3A_80 = arith.constant 0 : i32
        %dma_start3A_81 = tpu.memref_slice %arg5[%arg1, %dma_start3A_79, %dma_start3A_80] : memref<16x160x128xi32, #tpu.memory_space<hbm>> -> memref<1x160x128xi32, #tpu.memory_space<hbm>>
        %dma_start3A_82 = tpu.memref_squeeze %dma_start3A_81 : memref<1x160x128xi32, #tpu.memory_space<hbm>> -> memref<160x128xi32, #tpu.memory_space<hbm>>
        %dma_start3A_83 = arith.constant 0 : i32
        %dma_start3A_84 = arith.constant 0 : i32
        %dma_start3A_85 = tpu.memref_slice %arg5[%arg1, %dma_start3A_83, %dma_start3A_84] : memref<16x160x128xi32, #tpu.memory_space<hbm>> -> memref<1x160x128xi32, #tpu.memory_space<hbm>>
        %dma_start3A_86 = tpu.memref_squeeze %dma_start3A_85 : memref<1x160x128xi32, #tpu.memory_space<hbm>> -> memref<160x128xi32, #tpu.memory_space<hbm>>
        tpu.enqueue_dma source(%dma_start3A_86 : memref<160x128xi32, #tpu.memory_space<hbm>>) target(%arg10 : memref<160x128xi32, #tpu.memory_space<vmem>>) target_semaphore(%run_scoped3A : memref<!tpu.dma_semaphore, #tpu.memory_space<semaphore_mem>>)
        %dma_wait3A = arith.constant 0 : i32
        %dma_wait3A_87 = arith.constant 0 : i32
        %dma_wait3A_88 = tpu.memref_slice %arg5[%arg1, %dma_wait3A, %dma_wait3A_87] : memref<16x160x128xi32, #tpu.memory_space<hbm>> -> memref<1x160x128xi32, #tpu.memory_space<hbm>>
        %dma_wait3A_89 = tpu.memref_squeeze %dma_wait3A_88 : memref<1x160x128xi32, #tpu.memory_space<hbm>> -> memref<160x128xi32, #tpu.memory_space<hbm>>
        %dma_wait3A_90 = arith.constant 0 : i32
        %dma_wait3A_91 = arith.constant 0 : i32
        %dma_wait3A_92 = tpu.memref_slice %arg5[%arg1, %dma_wait3A_90, %dma_wait3A_91] : memref<16x160x128xi32, #tpu.memory_space<hbm>> -> memref<1x160x128xi32, #tpu.memory_space<hbm>>
        %dma_wait3A_93 = tpu.memref_squeeze %dma_wait3A_92 : memref<1x160x128xi32, #tpu.memory_space<hbm>> -> memref<160x128xi32, #tpu.memory_space<hbm>>
        tpu.wait_dma2 semaphore(%run_scoped3A : memref<!tpu.dma_semaphore, #tpu.memory_space<semaphore_mem>>) src(%dma_wait3A_93 : memref<160x128xi32, #tpu.memory_space<hbm>>) dst(%arg10 : memref<160x128xi32, #tpu.memory_space<vmem>>)
        tpu.yield
      }) : () -> ()
      %scan3A = arith.constant 0 : i32
      %scan3A_8 = arith.constant 0 : i32
      %scan3A_9 = arith.constant 64 : i32
      %scan3A_10 = arith.addi %scan3A_8, %scan3A_9 : i32
      %scan3A_11 = arith.constant 1 : i32
      scf.for %scan3A_79 = %scan3A_8 to %scan3A_10 step %scan3A_11  : i32 {
        %swap3A = arith.index_cast %scan3A_79 : i32 to index
        %swap3A_80 = arith.constant 0 : index
        %swap3A_81 = tpu.vector_load %arg11[%swap3A, %swap3A_80] {strides = array<i32>} : memref<128x128xf32, #tpu.memory_space<vmem>>, vector<1x16xf32>,
        %swap3A_82 = vector.shape_cast %swap3A_81 : vector<1x16xf32> to vector<16xf32>
        %swap3A_83 = vector.shape_cast %broadcast_in_dim3A_0 : vector<16xf32> to vector<1x16xf32>
        tpu.vector_store %arg11[%swap3A, %swap3A_80], %swap3A_83 {strides = array<i32>} : memref<128x128xf32, #tpu.memory_space<vmem>>, vector<1x16xf32>,
        %swap3A_84 = arith.index_cast %scan3A_79 : i32 to index
        %swap3A_85 = arith.constant 16 : index
        %swap3A_86 = tpu.vector_load %arg11[%swap3A_84, %swap3A_85] {strides = array<i32>} : memref<128x128xf32, #tpu.memory_space<vmem>>, vector<1x16xf32>,
        %swap3A_87 = vector.shape_cast %swap3A_86 : vector<1x16xf32> to vector<16xf32>
        %swap3A_88 = vector.shape_cast %broadcast_in_dim3A_0 : vector<16xf32> to vector<1x16xf32>
        tpu.vector_store %arg11[%swap3A_84, %swap3A_85], %swap3A_88 {strides = array<i32>} : memref<128x128xf32, #tpu.memory_space<vmem>>, vector<1x16xf32>,
        %swap3A_89 = arith.index_cast %scan3A_79 : i32 to index
        %swap3A_90 = arith.constant 32 : index
        %swap3A_91 = tpu.vector_load %arg11[%swap3A_89, %swap3A_90] {strides = array<i32>} : memref<128x128xf32, #tpu.memory_space<vmem>>, vector<1x16xf32>,
        %swap3A_92 = vector.shape_cast %swap3A_91 : vector<1x16xf32> to vector<16xf32>
        %swap3A_93 = vector.shape_cast %broadcast_in_dim3A_0 : vector<16xf32> to vector<1x16xf32>
        tpu.vector_store %arg11[%swap3A_89, %swap3A_90], %swap3A_93 {strides = array<i32>} : memref<128x128xf32, #tpu.memory_space<vmem>>, vector<1x16xf32>,
        %swap3A_94 = arith.index_cast %scan3A_79 : i32 to index
        %swap3A_95 = arith.constant 48 : index
        %swap3A_96 = tpu.vector_load %arg11[%swap3A_94, %swap3A_95] {strides = array<i32>} : memref<128x128xf32, #tpu.memory_space<vmem>>, vector<1x16xf32>,
        %swap3A_97 = vector.shape_cast %swap3A_96 : vector<1x16xf32> to vector<16xf32>
        %swap3A_98 = vector.shape_cast %broadcast_in_dim3A_0 : vector<16xf32> to vector<1x16xf32>
        tpu.vector_store %arg11[%swap3A_94, %swap3A_95], %swap3A_98 {strides = array<i32>} : memref<128x128xf32, #tpu.memory_space<vmem>>, vector<1x16xf32>,
        %swap3A_99 = arith.index_cast %scan3A_79 : i32 to index
        %swap3A_100 = arith.constant 64 : index
        %swap3A_101 = tpu.vector_load %arg11[%swap3A_99, %swap3A_100] {strides = array<i32>} : memref<128x128xf32, #tpu.memory_space<vmem>>, vector<1x16xf32>,
        %swap3A_102 = vector.shape_cast %swap3A_101 : vector<1x16xf32> to vector<16xf32>
        %swap3A_103 = vector.shape_cast %broadcast_in_dim3A_0 : vector<16xf32> to vector<1x16xf32>
        tpu.vector_store %arg11[%swap3A_99, %swap3A_100], %swap3A_103 {strides = array<i32>} : memref<128x128xf32, #tpu.memory_space<vmem>>, vector<1x16xf32>,
        %swap3A_104 = arith.index_cast %scan3A_79 : i32 to index
        %swap3A_105 = arith.constant 80 : index
        %swap3A_106 = tpu.vector_load %arg11[%swap3A_104, %swap3A_105] {strides = array<i32>} : memref<128x128xf32, #tpu.memory_space<vmem>>, vector<1x16xf32>,
        %swap3A_107 = vector.shape_cast %swap3A_106 : vector<1x16xf32> to vector<16xf32>
        %swap3A_108 = vector.shape_cast %broadcast_in_dim3A_0 : vector<16xf32> to vector<1x16xf32>
        tpu.vector_store %arg11[%swap3A_104, %swap3A_105], %swap3A_108 {strides = array<i32>} : memref<128x128xf32, #tpu.memory_space<vmem>>, vector<1x16xf32>,
        %swap3A_109 = arith.index_cast %scan3A_79 : i32 to index
        %swap3A_110 = arith.constant 96 : index
        %swap3A_111 = tpu.vector_load %arg11[%swap3A_109, %swap3A_110] {strides = array<i32>} : memref<128x128xf32, #tpu.memory_space<vmem>>, vector<1x16xf32>,
        %swap3A_112 = vector.shape_cast %swap3A_111 : vector<1x16xf32> to vector<16xf32>
        %swap3A_113 = vector.shape_cast %broadcast_in_dim3A_0 : vector<16xf32> to vector<1x16xf32>
        tpu.vector_store %arg11[%swap3A_109, %swap3A_110], %swap3A_113 {strides = array<i32>} : memref<128x128xf32, #tpu.memory_space<vmem>>, vector<1x16xf32>,
        %swap3A_114 = arith.index_cast %scan3A_79 : i32 to index
        %swap3A_115 = arith.constant 112 : index
        %swap3A_116 = tpu.vector_load %arg11[%swap3A_114, %swap3A_115] {strides = array<i32>} : memref<128x128xf32, #tpu.memory_space<vmem>>, vector<1x16xf32>,
        %swap3A_117 = vector.shape_cast %swap3A_116 : vector<1x16xf32> to vector<16xf32>
        %swap3A_118 = vector.shape_cast %broadcast_in_dim3A_0 : vector<16xf32> to vector<1x16xf32>
        tpu.vector_store %arg11[%swap3A_114, %swap3A_115], %swap3A_118 {strides = array<i32>} : memref<128x128xf32, #tpu.memory_space<vmem>>, vector<1x16xf32>,
      }
      %scan3A_12 = arith.constant 64 : i32
      %scan3A_13 = arith.constant 0 : i32
      %scan3A_14 = arith.constant 0 : i32
      %scan3A_15 = arith.constant 5 : i32
      %scan3A_16 = arith.addi %scan3A_14, %scan3A_15 : i32
      %scan3A_17 = arith.constant 1 : i32
      scf.for %scan3A_79 = %scan3A_14 to %scan3A_16 step %scan3A_17  : i32 {
        %mul3A_80 = arith.constant 64 : i32
        %mul3A_81 = arith.muli %scan3A_79, %mul3A_80 : i32
        %multiple_of3A = tpu.assume_multiple %mul3A_81, 8 : i32
        %mul3A_82 = arith.constant 328 : i32
        %mul3A_83 = arith.muli %arg1, %mul3A_82 : i32
        %add3A_84 = arith.addi %mul3A_83, %multiple_of3A : i32
        "tpu.region"() ({
          %run_scoped3A = tpu.sem_alloc : memref<!tpu.dma_semaphore, #tpu.memory_space<semaphore_mem>>
          %dma_start3A_85 = arith.constant 0 : i32
          %dma_start3A_86 = arith.constant 0 : i32
          %dma_start3A_87 = tpu.memref_slice %arg11[%dma_start3A_85, %dma_start3A_86] : memref<128x128xf32, #tpu.memory_space<vmem>> -> memref<64x128xf32, #tpu.memory_space<vmem>>
          %dma_start3A_88 = arith.constant 0 : i32
          %dma_start3A_89 = tpu.memref_slice %arg13[%add3A_84, %dma_start3A_88] : memref<5248x128xf32, #tpu.memory_space<vmem_shared>> -> memref<64x128xf32, #tpu.memory_space<vmem_shared>>
          %dma_start3A_90 = arith.constant 0 : i32
          %dma_start3A_91 = tpu.memref_slice %arg13[%add3A_84, %dma_start3A_90] : memref<5248x128xf32, #tpu.memory_space<vmem_shared>> -> memref<64x128xf32, #tpu.memory_space<vmem_shared>>
          %dma_start3A_92 = arith.constant 0 : i32
          %dma_start3A_93 = arith.constant 0 : i32
          %dma_start3A_94 = tpu.memref_slice %arg11[%dma_start3A_92, %dma_start3A_93] : memref<128x128xf32, #tpu.memory_space<vmem>> -> memref<64x128xf32, #tpu.memory_space<vmem>>
          tpu.enqueue_dma source(%dma_start3A_94 : memref<64x128xf32, #tpu.memory_space<vmem>>) target(%dma_start3A_91 : memref<64x128xf32, #tpu.memory_space<vmem_shared>>) target_semaphore(%run_scoped3A : memref<!tpu.dma_semaphore, #tpu.memory_space<semaphore_mem>>)
          %dma_wait3A = arith.constant 0 : i32
          %dma_wait3A_95 = arith.constant 0 : i32
          %dma_wait3A_96 = tpu.memref_slice %arg11[%dma_wait3A, %dma_wait3A_95] : memref<128x128xf32, #tpu.memory_space<vmem>> -> memref<64x128xf32, #tpu.memory_space<vmem>>
          %dma_wait3A_97 = arith.constant 0 : i32
          %dma_wait3A_98 = tpu.memref_slice %arg13[%add3A_84, %dma_wait3A_97] : memref<5248x128xf32, #tpu.memory_space<vmem_shared>> -> memref<64x128xf32, #tpu.memory_space<vmem_shared>>
          %dma_wait3A_99 = arith.constant 0 : i32
          %dma_wait3A_100 = tpu.memref_slice %arg13[%add3A_84, %dma_wait3A_99] : memref<5248x128xf32, #tpu.memory_space<vmem_shared>> -> memref<64x128xf32, #tpu.memory_space<vmem_shared>>
          %dma_wait3A_101 = arith.constant 0 : i32
          %dma_wait3A_102 = arith.constant 0 : i32
          %dma_wait3A_103 = tpu.memref_slice %arg11[%dma_wait3A_101, %dma_wait3A_102] : memref<128x128xf32, #tpu.memory_space<vmem>> -> memref<64x128xf32, #tpu.memory_space<vmem>>
          tpu.wait_dma2 semaphore(%run_scoped3A : memref<!tpu.dma_semaphore, #tpu.memory_space<semaphore_mem>>) src(%dma_wait3A_103 : memref<64x128xf32, #tpu.memory_space<vmem>>) dst(%dma_wait3A_100 : memref<64x128xf32, #tpu.memory_space<vmem_shared>>)
          tpu.yield
        }) : () -> ()
      }
      %scan3A_18 = arith.constant 5 : i32
      %mul3A = arith.constant 328 : i32
      %mul3A_19 = arith.muli %arg1, %mul3A : i32
      %add3A = arith.constant 320 : i32
      %add3A_20 = arith.addi %mul3A_19, %add3A : i32
      "tpu.region"() ({
        %run_scoped3A = tpu.sem_alloc : memref<!tpu.dma_semaphore, #tpu.memory_space<semaphore_mem>>
        %dma_start3A_79 = arith.constant 0 : i32
        %dma_start3A_80 = arith.constant 0 : i32
        %dma_start3A_81 = tpu.memref_slice %arg11[%dma_start3A_79, %dma_start3A_80] : memref<128x128xf32, #tpu.memory_space<vmem>> -> memref<8x128xf32, #tpu.memory_space<vmem>>
        %dma_start3A_82 = arith.constant 0 : i32
        %dma_start3A_83 = tpu.memref_slice %arg13[%add3A_20, %dma_start3A_82] : memref<5248x128xf32, #tpu.memory_space<vmem_shared>> -> memref<8x128xf32, #tpu.memory_space<vmem_shared>>
        %dma_start3A_84 = arith.constant 0 : i32
        %dma_start3A_85 = tpu.memref_slice %arg13[%add3A_20, %dma_start3A_84] : memref<5248x128xf32, #tpu.memory_space<vmem_shared>> -> memref<8x128xf32, #tpu.memory_space<vmem_shared>>
        %dma_start3A_86 = arith.constant 0 : i32
        %dma_start3A_87 = arith.constant 0 : i32
        %dma_start3A_88 = tpu.memref_slice %arg11[%dma_start3A_86, %dma_start3A_87] : memref<128x128xf32, #tpu.memory_space<vmem>> -> memref<8x128xf32, #tpu.memory_space<vmem>>
        tpu.enqueue_dma source(%dma_start3A_88 : memref<8x128xf32, #tpu.memory_space<vmem>>) target(%dma_start3A_85 : memref<8x128xf32, #tpu.memory_space<vmem_shared>>) target_semaphore(%run_scoped3A : memref<!tpu.dma_semaphore, #tpu.memory_space<semaphore_mem>>)
        %dma_wait3A = arith.constant 0 : i32
        %dma_wait3A_89 = arith.constant 0 : i32
        %dma_wait3A_90 = tpu.memref_slice %arg11[%dma_wait3A, %dma_wait3A_89] : memref<128x128xf32, #tpu.memory_space<vmem>> -> memref<8x128xf32, #tpu.memory_space<vmem>>
        %dma_wait3A_91 = arith.constant 0 : i32
        %dma_wait3A_92 = tpu.memref_slice %arg13[%add3A_20, %dma_wait3A_91] : memref<5248x128xf32, #tpu.memory_space<vmem_shared>> -> memref<8x128xf32, #tpu.memory_space<vmem_shared>>
        %dma_wait3A_93 = arith.constant 0 : i32
        %dma_wait3A_94 = tpu.memref_slice %arg13[%add3A_20, %dma_wait3A_93] : memref<5248x128xf32, #tpu.memory_space<vmem_shared>> -> memref<8x128xf32, #tpu.memory_space<vmem_shared>>
        %dma_wait3A_95 = arith.constant 0 : i32
        %dma_wait3A_96 = arith.constant 0 : i32
        %dma_wait3A_97 = tpu.memref_slice %arg11[%dma_wait3A_95, %dma_wait3A_96] : memref<128x128xf32, #tpu.memory_space<vmem>> -> memref<8x128xf32, #tpu.memory_space<vmem>>
        tpu.wait_dma2 semaphore(%run_scoped3A : memref<!tpu.dma_semaphore, #tpu.memory_space<semaphore_mem>>) src(%dma_wait3A_97 : memref<8x128xf32, #tpu.memory_space<vmem>>) dst(%dma_wait3A_94 : memref<8x128xf32, #tpu.memory_space<vmem_shared>>)
        tpu.yield
      }) : () -> ()
      %barrier3A = arith.constant 0 : index
      tpu.barrier barrier_id(%barrier3A)
      %dma_start3A = arith.constant 0 : i32
      %dma_start3A_21 = arith.constant 0 : i32
      %dma_start3A_22 = tpu.memref_slice %arg9[%dma_start3A, %dma_start3A_21] : memref<160x128xi32, #tpu.memory_space<vmem>> -> memref<1x128xi32, #tpu.memory_space<vmem>>
      %dma_start3A_23 = tpu.memref_squeeze %dma_start3A_22 : memref<1x128xi32, #tpu.memory_space<vmem>> -> memref<128xi32, #tpu.memory_space<vmem>>
      %dma_start3A_24 = arith.constant 0 : i32
      %dma_start3A_25 = arith.constant 0 : i32
      %dma_start3A_26 = tpu.memref_slice %arg2[%dma_start3A_24, %dma_start3A_25] : memref<10000x128xf32, #tpu.memory_space<hbm>> -> memref<10000x128xf32, #tpu.memory_space<hbm>>
      tpu.enqueue_indirect_dma source(%dma_start3A_26 : memref<10000x128xf32, #tpu.memory_space<hbm>>) target(%arg11 : memref<128x128xf32, #tpu.memory_space<vmem>>) offsets(%dma_start3A_23 : memref<128xi32, #tpu.memory_space<vmem>>) semaphore(%arg14 : memref<!tpu.dma_semaphore, #tpu.memory_space<semaphore_mem>>)
      %scan3A_27 = arith.constant 0 : i32
      %scan3A_28 = arith.constant 0 : i32
      %scan3A_29 = arith.constant 80 : i32
      %scan3A_30 = arith.addi %scan3A_28, %scan3A_29 : i32
      %scan3A_31 = arith.constant 1 : i32
      scf.for %scan3A_79 = %scan3A_28 to %scan3A_30 step %scan3A_31  : i32 {
        %mul3A_80 = arith.constant 2 : i32
        %mul3A_81 = arith.muli %scan3A_79, %mul3A_80 : i32
        %add3A_82 = arith.constant 1 : i32
        %add3A_83 = arith.addi %mul3A_81, %add3A_82 : i32
        %dma_start3A_84 = arith.constant 0 : i32
        %dma_start3A_85 = tpu.memref_slice %arg9[%add3A_83, %dma_start3A_84] : memref<160x128xi32, #tpu.memory_space<vmem>> -> memref<1x128xi32, #tpu.memory_space<vmem>>
        %dma_start3A_86 = tpu.memref_squeeze %dma_start3A_85 : memref<1x128xi32, #tpu.memory_space<vmem>> -> memref<128xi32, #tpu.memory_space<vmem>>
        %dma_start3A_87 = arith.constant 0 : i32
        %dma_start3A_88 = arith.constant 0 : i32
        %dma_start3A_89 = tpu.memref_slice %arg2[%dma_start3A_87, %dma_start3A_88] : memref<10000x128xf32, #tpu.memory_space<hbm>> -> memref<10000x128xf32, #tpu.memory_space<hbm>>
        tpu.enqueue_indirect_dma source(%dma_start3A_89 : memref<10000x128xf32, #tpu.memory_space<hbm>>) target(%arg12 : memref<128x128xf32, #tpu.memory_space<vmem>>) offsets(%dma_start3A_86 : memref<128xi32, #tpu.memory_space<vmem>>) semaphore(%arg15 : memref<!tpu.dma_semaphore, #tpu.memory_space<semaphore_mem>>)
        %dma_wait3A = arith.constant 0 : i32
        %dma_wait3A_90 = tpu.memref_slice %arg9[%mul3A_81, %dma_wait3A] : memref<160x128xi32, #tpu.memory_space<vmem>> -> memref<1x128xi32, #tpu.memory_space<vmem>>
        %dma_wait3A_91 = tpu.memref_squeeze %dma_wait3A_90 : memref<1x128xi32, #tpu.memory_space<vmem>> -> memref<128xi32, #tpu.memory_space<vmem>>
        %dma_wait3A_92 = arith.constant 0 : i32
        %dma_wait3A_93 = arith.constant 0 : i32
        %dma_wait3A_94 = tpu.memref_slice %arg2[%dma_wait3A_92, %dma_wait3A_93] : memref<10000x128xf32, #tpu.memory_space<hbm>> -> memref<10000x128xf32, #tpu.memory_space<hbm>>
        tpu.wait_indirect_dma semaphore(%arg14 : memref<!tpu.dma_semaphore, #tpu.memory_space<semaphore_mem>>) src(%dma_wait3A_94 : memref<10000x128xf32, #tpu.memory_space<hbm>>) dst(%arg11 : memref<128x128xf32, #tpu.memory_space<vmem>>)
        "tpu.region"() ({
          %run_scoped3A = tpu.sem_alloc : memref<!tpu.dma_semaphore, #tpu.memory_space<semaphore_mem>>
          %dma_start3A_111 = arith.constant 0 : i32
          %dma_start3A_112 = tpu.memref_slice %arg10[%mul3A_81, %dma_start3A_111] : memref<160x128xi32, #tpu.memory_space<vmem>> -> memref<1x128xi32, #tpu.memory_space<vmem>>
          %dma_start3A_113 = tpu.memref_squeeze %dma_start3A_112 : memref<1x128xi32, #tpu.memory_space<vmem>> -> memref<128xi32, #tpu.memory_space<vmem>>
          %dma_start3A_114 = arith.constant 0 : i32
          %dma_start3A_115 = arith.constant 0 : i32
          %dma_start3A_116 = tpu.memref_slice %arg13[%dma_start3A_114, %dma_start3A_115] : memref<5248x128xf32, #tpu.memory_space<vmem_shared>> -> memref<5248x128xf32, #tpu.memory_space<vmem_shared>>
          tpu.enqueue_indirect_dma source(%arg11 : memref<128x128xf32, #tpu.memory_space<vmem>>) target(%dma_start3A_116 : memref<5248x128xf32, #tpu.memory_space<vmem_shared>>) offsets(%dma_start3A_113 : memref<128xi32, #tpu.memory_space<vmem>>) semaphore(%run_scoped3A : memref<!tpu.dma_semaphore, #tpu.memory_space<semaphore_mem>>) {add = true}
          %dma_wait3A_117 = arith.constant 0 : i32
          %dma_wait3A_118 = tpu.memref_slice %arg10[%mul3A_81, %dma_wait3A_117] : memref<160x128xi32, #tpu.memory_space<vmem>> -> memref<1x128xi32, #tpu.memory_space<vmem>>
          %dma_wait3A_119 = tpu.memref_squeeze %dma_wait3A_118 : memref<1x128xi32, #tpu.memory_space<vmem>> -> memref<128xi32, #tpu.memory_space<vmem>>
          %dma_wait3A_120 = arith.constant 0 : i32
          %dma_wait3A_121 = arith.constant 0 : i32
          %dma_wait3A_122 = tpu.memref_slice %arg13[%dma_wait3A_120, %dma_wait3A_121] : memref<5248x128xf32, #tpu.memory_space<vmem_shared>> -> memref<5248x128xf32, #tpu.memory_space<vmem_shared>>
          tpu.wait_indirect_dma semaphore(%run_scoped3A : memref<!tpu.dma_semaphore, #tpu.memory_space<semaphore_mem>>) src(%arg11 : memref<128x128xf32, #tpu.memory_space<vmem>>) dst(%dma_wait3A_122 : memref<5248x128xf32, #tpu.memory_space<vmem_shared>>)
          tpu.yield
        }) : () -> ()
        %add3A_95 = arith.constant 2 : i32
        %add3A_96 = arith.addi %mul3A_81, %add3A_95 : i32
        %lt3A = arith.constant 160 : i32
        %lt3A_97 = arith.cmpi slt, %add3A_96, %lt3A : i32
        %convert_element_type3A_98 = arith.extui %lt3A_97 : i1 to i32
        %cond3A_99 = arith.constant 0 : i32
        %cond3A_100 = arith.cmpi ne, %convert_element_type3A_98, %cond3A_99 : i32
        scf.if %cond3A_100 {
          %add3A_111 = arith.constant 2 : i32
          %add3A_112 = arith.addi %mul3A_81, %add3A_111 : i32
          %dma_start3A_113 = arith.constant 0 : i32
          %dma_start3A_114 = tpu.memref_slice %arg9[%add3A_112, %dma_start3A_113] : memref<160x128xi32, #tpu.memory_space<vmem>> -> memref<1x128xi32, #tpu.memory_space<vmem>>
          %dma_start3A_115 = tpu.memref_squeeze %dma_start3A_114 : memref<1x128xi32, #tpu.memory_space<vmem>> -> memref<128xi32, #tpu.memory_space<vmem>>
          %dma_start3A_116 = arith.constant 0 : i32
          %dma_start3A_117 = arith.constant 0 : i32
          %dma_start3A_118 = tpu.memref_slice %arg2[%dma_start3A_116, %dma_start3A_117] : memref<10000x128xf32, #tpu.memory_space<hbm>> -> memref<10000x128xf32, #tpu.memory_space<hbm>>
          tpu.enqueue_indirect_dma source(%dma_start3A_118 : memref<10000x128xf32, #tpu.memory_space<hbm>>) target(%arg11 : memref<128x128xf32, #tpu.memory_space<vmem>>) offsets(%dma_start3A_115 : memref<128xi32, #tpu.memory_space<vmem>>) semaphore(%arg14 : memref<!tpu.dma_semaphore, #tpu.memory_space<semaphore_mem>>)
        } else {
        }
        %add3A_101 = arith.constant 1 : i32
        %add3A_102 = arith.addi %mul3A_81, %add3A_101 : i32
        %dma_wait3A_103 = arith.constant 0 : i32
        %dma_wait3A_104 = tpu.memref_slice %arg9[%add3A_102, %dma_wait3A_103] : memref<160x128xi32, #tpu.memory_space<vmem>> -> memref<1x128xi32, #tpu.memory_space<vmem>>
        %dma_wait3A_105 = tpu.memref_squeeze %dma_wait3A_104 : memref<1x128xi32, #tpu.memory_space<vmem>> -> memref<128xi32, #tpu.memory_space<vmem>>
        %dma_wait3A_106 = arith.constant 0 : i32
        %dma_wait3A_107 = arith.constant 0 : i32
        %dma_wait3A_108 = tpu.memref_slice %arg2[%dma_wait3A_106, %dma_wait3A_107] : memref<10000x128xf32, #tpu.memory_space<hbm>> -> memref<10000x128xf32, #tpu.memory_space<hbm>>
        tpu.wait_indirect_dma semaphore(%arg15 : memref<!tpu.dma_semaphore, #tpu.memory_space<semaphore_mem>>) src(%dma_wait3A_108 : memref<10000x128xf32, #tpu.memory_space<hbm>>) dst(%arg12 : memref<128x128xf32, #tpu.memory_space<vmem>>)
        %add3A_109 = arith.constant 1 : i32
        %add3A_110 = arith.addi %mul3A_81, %add3A_109 : i32
        "tpu.region"() ({
          %run_scoped3A = tpu.sem_alloc : memref<!tpu.dma_semaphore, #tpu.memory_space<semaphore_mem>>
          %dma_start3A_111 = arith.constant 0 : i32
          %dma_start3A_112 = tpu.memref_slice %arg10[%add3A_110, %dma_start3A_111] : memref<160x128xi32, #tpu.memory_space<vmem>> -> memref<1x128xi32, #tpu.memory_space<vmem>>
          %dma_start3A_113 = tpu.memref_squeeze %dma_start3A_112 : memref<1x128xi32, #tpu.memory_space<vmem>> -> memref<128xi32, #tpu.memory_space<vmem>>
          %dma_start3A_114 = arith.constant 0 : i32
          %dma_start3A_115 = arith.constant 0 : i32
          %dma_start3A_116 = tpu.memref_slice %arg13[%dma_start3A_114, %dma_start3A_115] : memref<5248x128xf32, #tpu.memory_space<vmem_shared>> -> memref<5248x128xf32, #tpu.memory_space<vmem_shared>>
          tpu.enqueue_indirect_dma source(%arg12 : memref<128x128xf32, #tpu.memory_space<vmem>>) target(%dma_start3A_116 : memref<5248x128xf32, #tpu.memory_space<vmem_shared>>) offsets(%dma_start3A_113 : memref<128xi32, #tpu.memory_space<vmem>>) semaphore(%run_scoped3A : memref<!tpu.dma_semaphore, #tpu.memory_space<semaphore_mem>>) {add = true}
          %dma_wait3A_117 = arith.constant 0 : i32
          %dma_wait3A_118 = tpu.memref_slice %arg10[%add3A_110, %dma_wait3A_117] : memref<160x128xi32, #tpu.memory_space<vmem>> -> memref<1x128xi32, #tpu.memory_space<vmem>>
          %dma_wait3A_119 = tpu.memref_squeeze %dma_wait3A_118 : memref<1x128xi32, #tpu.memory_space<vmem>> -> memref<128xi32, #tpu.memory_space<vmem>>
          %dma_wait3A_120 = arith.constant 0 : i32
          %dma_wait3A_121 = arith.constant 0 : i32
          %dma_wait3A_122 = tpu.memref_slice %arg13[%dma_wait3A_120, %dma_wait3A_121] : memref<5248x128xf32, #tpu.memory_space<vmem_shared>> -> memref<5248x128xf32, #tpu.memory_space<vmem_shared>>
          tpu.wait_indirect_dma semaphore(%run_scoped3A : memref<!tpu.dma_semaphore, #tpu.memory_space<semaphore_mem>>) src(%arg12 : memref<128x128xf32, #tpu.memory_space<vmem>>) dst(%dma_wait3A_122 : memref<5248x128xf32, #tpu.memory_space<vmem_shared>>)
          tpu.yield
        }) : () -> ()
      }
      %scan3A_32 = arith.constant 80 : i32
      %barrier3A_33 = arith.constant 0 : index
      tpu.barrier barrier_id(%barrier3A_33)
      %mul3A_34 = arith.constant 320 : i32
      %mul3A_35 = arith.muli %arg1, %mul3A_34 : i32
      %mul3A_36 = arith.constant 320 : i32
      %mul3A_37 = arith.muli %arg1, %mul3A_36 : i32
      %add3A_38 = arith.constant 0 : i32
      %add3A_39 = arith.addi %add3A_38, %mul3A_37 : i32
      "tpu.region"() ({
        %run_scoped3A = tpu.sem_alloc : memref<!tpu.dma_semaphore, #tpu.memory_space<semaphore_mem>>
        %dma_start3A_79 = arith.constant 0 : i32
        %dma_start3A_80 = tpu.memref_slice %arg7[%add3A_39, %dma_start3A_79] : memref<10240x128xf32, #tpu.memory_space<hbm>> -> memref<320x128xf32, #tpu.memory_space<hbm>>
        %dma_start3A_81 = arith.constant 0 : i32
        %dma_start3A_82 = tpu.memref_slice %arg13[%mul3A_35, %dma_start3A_81] : memref<5248x128xf32, #tpu.memory_space<vmem_shared>> -> memref<320x128xf32, #tpu.memory_space<vmem_shared>>
        tpu.enqueue_dma source(%dma_start3A_82 : memref<320x128xf32, #tpu.memory_space<vmem_shared>>) target(%dma_start3A_80 : memref<320x128xf32, #tpu.memory_space<hbm>>) target_semaphore(%run_scoped3A : memref<!tpu.dma_semaphore, #tpu.memory_space<semaphore_mem>>)
        %dma_wait3A = arith.constant 0 : i32
        %dma_wait3A_83 = tpu.memref_slice %arg7[%add3A_39, %dma_wait3A] : memref<10240x128xf32, #tpu.memory_space<hbm>> -> memref<320x128xf32, #tpu.memory_space<hbm>>
        %dma_wait3A_84 = arith.constant 0 : i32
        %dma_wait3A_85 = tpu.memref_slice %arg13[%mul3A_35, %dma_wait3A_84] : memref<5248x128xf32, #tpu.memory_space<vmem_shared>> -> memref<320x128xf32, #tpu.memory_space<vmem_shared>>
        tpu.wait_dma2 semaphore(%run_scoped3A : memref<!tpu.dma_semaphore, #tpu.memory_space<semaphore_mem>>) src(%dma_wait3A_85 : memref<320x128xf32, #tpu.memory_space<vmem_shared>>) dst(%dma_wait3A_83 : memref<320x128xf32, #tpu.memory_space<hbm>>)
        tpu.yield
      }) : () -> ()
      %barrier3A_40 = arith.constant 0 : index
      tpu.barrier barrier_id(%barrier3A_40)
      "tpu.region"() ({
        %run_scoped3A = tpu.sem_alloc : memref<!tpu.dma_semaphore, #tpu.memory_space<semaphore_mem>>
        %dma_start3A_79 = arith.constant 0 : i32
        %dma_start3A_80 = arith.constant 0 : i32
        %dma_start3A_81 = tpu.memref_slice %arg6[%arg1, %dma_start3A_79, %dma_start3A_80] : memref<16x160x128xi32, #tpu.memory_space<hbm>> -> memref<1x160x128xi32, #tpu.memory_space<hbm>>
        %dma_start3A_82 = tpu.memref_squeeze %dma_start3A_81 : memref<1x160x128xi32, #tpu.memory_space<hbm>> -> memref<160x128xi32, #tpu.memory_space<hbm>>
        %dma_start3A_83 = arith.constant 0 : i32
        %dma_start3A_84 = arith.constant 0 : i32
        %dma_start3A_85 = tpu.memref_slice %arg6[%arg1, %dma_start3A_83, %dma_start3A_84] : memref<16x160x128xi32, #tpu.memory_space<hbm>> -> memref<1x160x128xi32, #tpu.memory_space<hbm>>
        %dma_start3A_86 = tpu.memref_squeeze %dma_start3A_85 : memref<1x160x128xi32, #tpu.memory_space<hbm>> -> memref<160x128xi32, #tpu.memory_space<hbm>>
        tpu.enqueue_dma source(%dma_start3A_86 : memref<160x128xi32, #tpu.memory_space<hbm>>) target(%arg10 : memref<160x128xi32, #tpu.memory_space<vmem>>) target_semaphore(%run_scoped3A : memref<!tpu.dma_semaphore, #tpu.memory_space<semaphore_mem>>)
        %dma_wait3A = arith.constant 0 : i32
        %dma_wait3A_87 = arith.constant 0 : i32
        %dma_wait3A_88 = tpu.memref_slice %arg6[%arg1, %dma_wait3A, %dma_wait3A_87] : memref<16x160x128xi32, #tpu.memory_space<hbm>> -> memref<1x160x128xi32, #tpu.memory_space<hbm>>
        %dma_wait3A_89 = tpu.memref_squeeze %dma_wait3A_88 : memref<1x160x128xi32, #tpu.memory_space<hbm>> -> memref<160x128xi32, #tpu.memory_space<hbm>>
        %dma_wait3A_90 = arith.constant 0 : i32
        %dma_wait3A_91 = arith.constant 0 : i32
        %dma_wait3A_92 = tpu.memref_slice %arg6[%arg1, %dma_wait3A_90, %dma_wait3A_91] : memref<16x160x128xi32, #tpu.memory_space<hbm>> -> memref<1x160x128xi32, #tpu.memory_space<hbm>>
        %dma_wait3A_93 = tpu.memref_squeeze %dma_wait3A_92 : memref<1x160x128xi32, #tpu.memory_space<hbm>> -> memref<160x128xi32, #tpu.memory_space<hbm>>
        tpu.wait_dma2 semaphore(%run_scoped3A : memref<!tpu.dma_semaphore, #tpu.memory_space<semaphore_mem>>) src(%dma_wait3A_93 : memref<160x128xi32, #tpu.memory_space<hbm>>) dst(%arg10 : memref<160x128xi32, #tpu.memory_space<vmem>>)
        tpu.yield
      }) : () -> ()
      %scan3A_41 = arith.constant 0 : i32
      %scan3A_42 = arith.constant 0 : i32
      %scan3A_43 = arith.constant 64 : i32
      %scan3A_44 = arith.addi %scan3A_42, %scan3A_43 : i32
      %scan3A_45 = arith.constant 1 : i32
      scf.for %scan3A_79 = %scan3A_42 to %scan3A_44 step %scan3A_45  : i32 {
        %swap3A = arith.index_cast %scan3A_79 : i32 to index
        %swap3A_80 = arith.constant 0 : index
        %swap3A_81 = tpu.vector_load %arg11[%swap3A, %swap3A_80] {strides = array<i32>} : memref<128x128xf32, #tpu.memory_space<vmem>>, vector<1x16xf32>,
        %swap3A_82 = vector.shape_cast %swap3A_81 : vector<1x16xf32> to vector<16xf32>
        %swap3A_83 = vector.shape_cast %broadcast_in_dim3A_0 : vector<16xf32> to vector<1x16xf32>
        tpu.vector_store %arg11[%swap3A, %swap3A_80], %swap3A_83 {strides = array<i32>} : memref<128x128xf32, #tpu.memory_space<vmem>>, vector<1x16xf32>,
        %swap3A_84 = arith.index_cast %scan3A_79 : i32 to index
        %swap3A_85 = arith.constant 16 : index
        %swap3A_86 = tpu.vector_load %arg11[%swap3A_84, %swap3A_85] {strides = array<i32>} : memref<128x128xf32, #tpu.memory_space<vmem>>, vector<1x16xf32>,
        %swap3A_87 = vector.shape_cast %swap3A_86 : vector<1x16xf32> to vector<16xf32>
        %swap3A_88 = vector.shape_cast %broadcast_in_dim3A_0 : vector<16xf32> to vector<1x16xf32>
        tpu.vector_store %arg11[%swap3A_84, %swap3A_85], %swap3A_88 {strides = array<i32>} : memref<128x128xf32, #tpu.memory_space<vmem>>, vector<1x16xf32>,
        %swap3A_89 = arith.index_cast %scan3A_79 : i32 to index
        %swap3A_90 = arith.constant 32 : index
        %swap3A_91 = tpu.vector_load %arg11[%swap3A_89, %swap3A_90] {strides = array<i32>} : memref<128x128xf32, #tpu.memory_space<vmem>>, vector<1x16xf32>,
        %swap3A_92 = vector.shape_cast %swap3A_91 : vector<1x16xf32> to vector<16xf32>
        %swap3A_93 = vector.shape_cast %broadcast_in_dim3A_0 : vector<16xf32> to vector<1x16xf32>
        tpu.vector_store %arg11[%swap3A_89, %swap3A_90], %swap3A_93 {strides = array<i32>} : memref<128x128xf32, #tpu.memory_space<vmem>>, vector<1x16xf32>,
        %swap3A_94 = arith.index_cast %scan3A_79 : i32 to index
        %swap3A_95 = arith.constant 48 : index
        %swap3A_96 = tpu.vector_load %arg11[%swap3A_94, %swap3A_95] {strides = array<i32>} : memref<128x128xf32, #tpu.memory_space<vmem>>, vector<1x16xf32>,
        %swap3A_97 = vector.shape_cast %swap3A_96 : vector<1x16xf32> to vector<16xf32>
        %swap3A_98 = vector.shape_cast %broadcast_in_dim3A_0 : vector<16xf32> to vector<1x16xf32>
        tpu.vector_store %arg11[%swap3A_94, %swap3A_95], %swap3A_98 {strides = array<i32>} : memref<128x128xf32, #tpu.memory_space<vmem>>, vector<1x16xf32>,
        %swap3A_99 = arith.index_cast %scan3A_79 : i32 to index
        %swap3A_100 = arith.constant 64 : index
        %swap3A_101 = tpu.vector_load %arg11[%swap3A_99, %swap3A_100] {strides = array<i32>} : memref<128x128xf32, #tpu.memory_space<vmem>>, vector<1x16xf32>,
        %swap3A_102 = vector.shape_cast %swap3A_101 : vector<1x16xf32> to vector<16xf32>
        %swap3A_103 = vector.shape_cast %broadcast_in_dim3A_0 : vector<16xf32> to vector<1x16xf32>
        tpu.vector_store %arg11[%swap3A_99, %swap3A_100], %swap3A_103 {strides = array<i32>} : memref<128x128xf32, #tpu.memory_space<vmem>>, vector<1x16xf32>,
        %swap3A_104 = arith.index_cast %scan3A_79 : i32 to index
        %swap3A_105 = arith.constant 80 : index
        %swap3A_106 = tpu.vector_load %arg11[%swap3A_104, %swap3A_105] {strides = array<i32>} : memref<128x128xf32, #tpu.memory_space<vmem>>, vector<1x16xf32>,
        %swap3A_107 = vector.shape_cast %swap3A_106 : vector<1x16xf32> to vector<16xf32>
        %swap3A_108 = vector.shape_cast %broadcast_in_dim3A_0 : vector<16xf32> to vector<1x16xf32>
        tpu.vector_store %arg11[%swap3A_104, %swap3A_105], %swap3A_108 {strides = array<i32>} : memref<128x128xf32, #tpu.memory_space<vmem>>, vector<1x16xf32>,
        %swap3A_109 = arith.index_cast %scan3A_79 : i32 to index
        %swap3A_110 = arith.constant 96 : index
        %swap3A_111 = tpu.vector_load %arg11[%swap3A_109, %swap3A_110] {strides = array<i32>} : memref<128x128xf32, #tpu.memory_space<vmem>>, vector<1x16xf32>,
        %swap3A_112 = vector.shape_cast %swap3A_111 : vector<1x16xf32> to vector<16xf32>
        %swap3A_113 = vector.shape_cast %broadcast_in_dim3A_0 : vector<16xf32> to vector<1x16xf32>
        tpu.vector_store %arg11[%swap3A_109, %swap3A_110], %swap3A_113 {strides = array<i32>} : memref<128x128xf32, #tpu.memory_space<vmem>>, vector<1x16xf32>,
        %swap3A_114 = arith.index_cast %scan3A_79 : i32 to index
        %swap3A_115 = arith.constant 112 : index
        %swap3A_116 = tpu.vector_load %arg11[%swap3A_114, %swap3A_115] {strides = array<i32>} : memref<128x128xf32, #tpu.memory_space<vmem>>, vector<1x16xf32>,
        %swap3A_117 = vector.shape_cast %swap3A_116 : vector<1x16xf32> to vector<16xf32>
        %swap3A_118 = vector.shape_cast %broadcast_in_dim3A_0 : vector<16xf32> to vector<1x16xf32>
        tpu.vector_store %arg11[%swap3A_114, %swap3A_115], %swap3A_118 {strides = array<i32>} : memref<128x128xf32, #tpu.memory_space<vmem>>, vector<1x16xf32>,
      }
      %scan3A_46 = arith.constant 64 : i32
      %scan3A_47 = arith.constant 0 : i32
      %scan3A_48 = arith.constant 0 : i32
      %scan3A_49 = arith.constant 5 : i32
      %scan3A_50 = arith.addi %scan3A_48, %scan3A_49 : i32
      %scan3A_51 = arith.constant 1 : i32
      scf.for %scan3A_79 = %scan3A_48 to %scan3A_50 step %scan3A_51  : i32 {
        %mul3A_80 = arith.constant 64 : i32
        %mul3A_81 = arith.muli %scan3A_79, %mul3A_80 : i32
        %multiple_of3A = tpu.assume_multiple %mul3A_81, 8 : i32
        %mul3A_82 = arith.constant 328 : i32
        %mul3A_83 = arith.muli %arg1, %mul3A_82 : i32
        %add3A_84 = arith.addi %mul3A_83, %multiple_of3A : i32
        "tpu.region"() ({
          %run_scoped3A = tpu.sem_alloc : memref<!tpu.dma_semaphore, #tpu.memory_space<semaphore_mem>>
          %dma_start3A_85 = arith.constant 0 : i32
          %dma_start3A_86 = arith.constant 0 : i32
          %dma_start3A_87 = tpu.memref_slice %arg11[%dma_start3A_85, %dma_start3A_86] : memref<128x128xf32, #tpu.memory_space<vmem>> -> memref<64x128xf32, #tpu.memory_space<vmem>>
          %dma_start3A_88 = arith.constant 0 : i32
          %dma_start3A_89 = tpu.memref_slice %arg13[%add3A_84, %dma_start3A_88] : memref<5248x128xf32, #tpu.memory_space<vmem_shared>> -> memref<64x128xf32, #tpu.memory_space<vmem_shared>>
          %dma_start3A_90 = arith.constant 0 : i32
          %dma_start3A_91 = tpu.memref_slice %arg13[%add3A_84, %dma_start3A_90] : memref<5248x128xf32, #tpu.memory_space<vmem_shared>> -> memref<64x128xf32, #tpu.memory_space<vmem_shared>>
          %dma_start3A_92 = arith.constant 0 : i32
          %dma_start3A_93 = arith.constant 0 : i32
          %dma_start3A_94 = tpu.memref_slice %arg11[%dma_start3A_92, %dma_start3A_93] : memref<128x128xf32, #tpu.memory_space<vmem>> -> memref<64x128xf32, #tpu.memory_space<vmem>>
          tpu.enqueue_dma source(%dma_start3A_94 : memref<64x128xf32, #tpu.memory_space<vmem>>) target(%dma_start3A_91 : memref<64x128xf32, #tpu.memory_space<vmem_shared>>) target_semaphore(%run_scoped3A : memref<!tpu.dma_semaphore, #tpu.memory_space<semaphore_mem>>)
          %dma_wait3A = arith.constant 0 : i32
          %dma_wait3A_95 = arith.constant 0 : i32
          %dma_wait3A_96 = tpu.memref_slice %arg11[%dma_wait3A, %dma_wait3A_95] : memref<128x128xf32, #tpu.memory_space<vmem>> -> memref<64x128xf32, #tpu.memory_space<vmem>>
          %dma_wait3A_97 = arith.constant 0 : i32
          %dma_wait3A_98 = tpu.memref_slice %arg13[%add3A_84, %dma_wait3A_97] : memref<5248x128xf32, #tpu.memory_space<vmem_shared>> -> memref<64x128xf32, #tpu.memory_space<vmem_shared>>
          %dma_wait3A_99 = arith.constant 0 : i32
          %dma_wait3A_100 = tpu.memref_slice %arg13[%add3A_84, %dma_wait3A_99] : memref<5248x128xf32, #tpu.memory_space<vmem_shared>> -> memref<64x128xf32, #tpu.memory_space<vmem_shared>>
          %dma_wait3A_101 = arith.constant 0 : i32
          %dma_wait3A_102 = arith.constant 0 : i32
          %dma_wait3A_103 = tpu.memref_slice %arg11[%dma_wait3A_101, %dma_wait3A_102] : memref<128x128xf32, #tpu.memory_space<vmem>> -> memref<64x128xf32, #tpu.memory_space<vmem>>
          tpu.wait_dma2 semaphore(%run_scoped3A : memref<!tpu.dma_semaphore, #tpu.memory_space<semaphore_mem>>) src(%dma_wait3A_103 : memref<64x128xf32, #tpu.memory_space<vmem>>) dst(%dma_wait3A_100 : memref<64x128xf32, #tpu.memory_space<vmem_shared>>)
          tpu.yield
        }) : () -> ()
      }
      %scan3A_52 = arith.constant 5 : i32
      %mul3A_53 = arith.constant 328 : i32
      %mul3A_54 = arith.muli %arg1, %mul3A_53 : i32
      %add3A_55 = arith.constant 320 : i32
      %add3A_56 = arith.addi %mul3A_54, %add3A_55 : i32
      "tpu.region"() ({
        %run_scoped3A = tpu.sem_alloc : memref<!tpu.dma_semaphore, #tpu.memory_space<semaphore_mem>>
        %dma_start3A_79 = arith.constant 0 : i32
        %dma_start3A_80 = arith.constant 0 : i32
        %dma_start3A_81 = tpu.memref_slice %arg11[%dma_start3A_79, %dma_start3A_80] : memref<128x128xf32, #tpu.memory_space<vmem>> -> memref<8x128xf32, #tpu.memory_space<vmem>>
        %dma_start3A_82 = arith.constant 0 : i32
        %dma_start3A_83 = tpu.memref_slice %arg13[%add3A_56, %dma_start3A_82] : memref<5248x128xf32, #tpu.memory_space<vmem_shared>> -> memref<8x128xf32, #tpu.memory_space<vmem_shared>>
        %dma_start3A_84 = arith.constant 0 : i32
        %dma_start3A_85 = tpu.memref_slice %arg13[%add3A_56, %dma_start3A_84] : memref<5248x128xf32, #tpu.memory_space<vmem_shared>> -> memref<8x128xf32, #tpu.memory_space<vmem_shared>>
        %dma_start3A_86 = arith.constant 0 : i32
        %dma_start3A_87 = arith.constant 0 : i32
        %dma_start3A_88 = tpu.memref_slice %arg11[%dma_start3A_86, %dma_start3A_87] : memref<128x128xf32, #tpu.memory_space<vmem>> -> memref<8x128xf32, #tpu.memory_space<vmem>>
        tpu.enqueue_dma source(%dma_start3A_88 : memref<8x128xf32, #tpu.memory_space<vmem>>) target(%dma_start3A_85 : memref<8x128xf32, #tpu.memory_space<vmem_shared>>) target_semaphore(%run_scoped3A : memref<!tpu.dma_semaphore, #tpu.memory_space<semaphore_mem>>)
        %dma_wait3A = arith.constant 0 : i32
        %dma_wait3A_89 = arith.constant 0 : i32
        %dma_wait3A_90 = tpu.memref_slice %arg11[%dma_wait3A, %dma_wait3A_89] : memref<128x128xf32, #tpu.memory_space<vmem>> -> memref<8x128xf32, #tpu.memory_space<vmem>>
        %dma_wait3A_91 = arith.constant 0 : i32
        %dma_wait3A_92 = tpu.memref_slice %arg13[%add3A_56, %dma_wait3A_91] : memref<5248x128xf32, #tpu.memory_space<vmem_shared>> -> memref<8x128xf32, #tpu.memory_space<vmem_shared>>
        %dma_wait3A_93 = arith.constant 0 : i32
        %dma_wait3A_94 = tpu.memref_slice %arg13[%add3A_56, %dma_wait3A_93] : memref<5248x128xf32, #tpu.memory_space<vmem_shared>> -> memref<8x128xf32, #tpu.memory_space<vmem_shared>>
        %dma_wait3A_95 = arith.constant 0 : i32
        %dma_wait3A_96 = arith.constant 0 : i32
        %dma_wait3A_97 = tpu.memref_slice %arg11[%dma_wait3A_95, %dma_wait3A_96] : memref<128x128xf32, #tpu.memory_space<vmem>> -> memref<8x128xf32, #tpu.memory_space<vmem>>
        tpu.wait_dma2 semaphore(%run_scoped3A : memref<!tpu.dma_semaphore, #tpu.memory_space<semaphore_mem>>) src(%dma_wait3A_97 : memref<8x128xf32, #tpu.memory_space<vmem>>) dst(%dma_wait3A_94 : memref<8x128xf32, #tpu.memory_space<vmem_shared>>)
        tpu.yield
      }) : () -> ()
      %barrier3A_57 = arith.constant 0 : index
      tpu.barrier barrier_id(%barrier3A_57)
      %dma_start3A_58 = arith.constant 0 : i32
      %dma_start3A_59 = arith.constant 0 : i32
      %dma_start3A_60 = tpu.memref_slice %arg9[%dma_start3A_58, %dma_start3A_59] : memref<160x128xi32, #tpu.memory_space<vmem>> -> memref<1x128xi32, #tpu.memory_space<vmem>>
      %dma_start3A_61 = tpu.memref_squeeze %dma_start3A_60 : memref<1x128xi32, #tpu.memory_space<vmem>> -> memref<128xi32, #tpu.memory_space<vmem>>
      %dma_start3A_62 = arith.constant 0 : i32
      %dma_start3A_63 = arith.constant 0 : i32
      %dma_start3A_64 = tpu.memref_slice %arg2[%dma_start3A_62, %dma_start3A_63] : memref<10000x128xf32, #tpu.memory_space<hbm>> -> memref<10000x128xf32, #tpu.memory_space<hbm>>
      tpu.enqueue_indirect_dma source(%dma_start3A_64 : memref<10000x128xf32, #tpu.memory_space<hbm>>) target(%arg11 : memref<128x128xf32, #tpu.memory_space<vmem>>) offsets(%dma_start3A_61 : memref<128xi32, #tpu.memory_space<vmem>>) semaphore(%arg14 : memref<!tpu.dma_semaphore, #tpu.memory_space<semaphore_mem>>)
      %scan3A_65 = arith.constant 0 : i32
      %scan3A_66 = arith.constant 0 : i32
      %scan3A_67 = arith.constant 80 : i32
      %scan3A_68 = arith.addi %scan3A_66, %scan3A_67 : i32
      %scan3A_69 = arith.constant 1 : i32
      scf.for %scan3A_79 = %scan3A_66 to %scan3A_68 step %scan3A_69  : i32 {
        %mul3A_80 = arith.constant 2 : i32
        %mul3A_81 = arith.muli %scan3A_79, %mul3A_80 : i32
        %add3A_82 = arith.constant 1 : i32
        %add3A_83 = arith.addi %mul3A_81, %add3A_82 : i32
        %dma_start3A_84 = arith.constant 0 : i32
        %dma_start3A_85 = tpu.memref_slice %arg9[%add3A_83, %dma_start3A_84] : memref<160x128xi32, #tpu.memory_space<vmem>> -> memref<1x128xi32, #tpu.memory_space<vmem>>
        %dma_start3A_86 = tpu.memref_squeeze %dma_start3A_85 : memref<1x128xi32, #tpu.memory_space<vmem>> -> memref<128xi32, #tpu.memory_space<vmem>>
        %dma_start3A_87 = arith.constant 0 : i32
        %dma_start3A_88 = arith.constant 0 : i32
        %dma_start3A_89 = tpu.memref_slice %arg2[%dma_start3A_87, %dma_start3A_88] : memref<10000x128xf32, #tpu.memory_space<hbm>> -> memref<10000x128xf32, #tpu.memory_space<hbm>>
        tpu.enqueue_indirect_dma source(%dma_start3A_89 : memref<10000x128xf32, #tpu.memory_space<hbm>>) target(%arg12 : memref<128x128xf32, #tpu.memory_space<vmem>>) offsets(%dma_start3A_86 : memref<128xi32, #tpu.memory_space<vmem>>) semaphore(%arg15 : memref<!tpu.dma_semaphore, #tpu.memory_space<semaphore_mem>>)
        %dma_wait3A = arith.constant 0 : i32
        %dma_wait3A_90 = tpu.memref_slice %arg9[%mul3A_81, %dma_wait3A] : memref<160x128xi32, #tpu.memory_space<vmem>> -> memref<1x128xi32, #tpu.memory_space<vmem>>
        %dma_wait3A_91 = tpu.memref_squeeze %dma_wait3A_90 : memref<1x128xi32, #tpu.memory_space<vmem>> -> memref<128xi32, #tpu.memory_space<vmem>>
        %dma_wait3A_92 = arith.constant 0 : i32
        %dma_wait3A_93 = arith.constant 0 : i32
        %dma_wait3A_94 = tpu.memref_slice %arg2[%dma_wait3A_92, %dma_wait3A_93] : memref<10000x128xf32, #tpu.memory_space<hbm>> -> memref<10000x128xf32, #tpu.memory_space<hbm>>
        tpu.wait_indirect_dma semaphore(%arg14 : memref<!tpu.dma_semaphore, #tpu.memory_space<semaphore_mem>>) src(%dma_wait3A_94 : memref<10000x128xf32, #tpu.memory_space<hbm>>) dst(%arg11 : memref<128x128xf32, #tpu.memory_space<vmem>>)
        "tpu.region"() ({
          %run_scoped3A = tpu.sem_alloc : memref<!tpu.dma_semaphore, #tpu.memory_space<semaphore_mem>>
          %dma_start3A_111 = arith.constant 0 : i32
          %dma_start3A_112 = tpu.memref_slice %arg10[%mul3A_81, %dma_start3A_111] : memref<160x128xi32, #tpu.memory_space<vmem>> -> memref<1x128xi32, #tpu.memory_space<vmem>>
          %dma_start3A_113 = tpu.memref_squeeze %dma_start3A_112 : memref<1x128xi32, #tpu.memory_space<vmem>> -> memref<128xi32, #tpu.memory_space<vmem>>
          %dma_start3A_114 = arith.constant 0 : i32
          %dma_start3A_115 = arith.constant 0 : i32
          %dma_start3A_116 = tpu.memref_slice %arg13[%dma_start3A_114, %dma_start3A_115] : memref<5248x128xf32, #tpu.memory_space<vmem_shared>> -> memref<5248x128xf32, #tpu.memory_space<vmem_shared>>
          tpu.enqueue_indirect_dma source(%arg11 : memref<128x128xf32, #tpu.memory_space<vmem>>) target(%dma_start3A_116 : memref<5248x128xf32, #tpu.memory_space<vmem_shared>>) offsets(%dma_start3A_113 : memref<128xi32, #tpu.memory_space<vmem>>) semaphore(%run_scoped3A : memref<!tpu.dma_semaphore, #tpu.memory_space<semaphore_mem>>) {add = true}
          %dma_wait3A_117 = arith.constant 0 : i32
          %dma_wait3A_118 = tpu.memref_slice %arg10[%mul3A_81, %dma_wait3A_117] : memref<160x128xi32, #tpu.memory_space<vmem>> -> memref<1x128xi32, #tpu.memory_space<vmem>>
          %dma_wait3A_119 = tpu.memref_squeeze %dma_wait3A_118 : memref<1x128xi32, #tpu.memory_space<vmem>> -> memref<128xi32, #tpu.memory_space<vmem>>
          %dma_wait3A_120 = arith.constant 0 : i32
          %dma_wait3A_121 = arith.constant 0 : i32
          %dma_wait3A_122 = tpu.memref_slice %arg13[%dma_wait3A_120, %dma_wait3A_121] : memref<5248x128xf32, #tpu.memory_space<vmem_shared>> -> memref<5248x128xf32, #tpu.memory_space<vmem_shared>>
          tpu.wait_indirect_dma semaphore(%run_scoped3A : memref<!tpu.dma_semaphore, #tpu.memory_space<semaphore_mem>>) src(%arg11 : memref<128x128xf32, #tpu.memory_space<vmem>>) dst(%dma_wait3A_122 : memref<5248x128xf32, #tpu.memory_space<vmem_shared>>)
          tpu.yield
        }) : () -> ()
        %add3A_95 = arith.constant 2 : i32
        %add3A_96 = arith.addi %mul3A_81, %add3A_95 : i32
        %lt3A = arith.constant 160 : i32
        %lt3A_97 = arith.cmpi slt, %add3A_96, %lt3A : i32
        %convert_element_type3A_98 = arith.extui %lt3A_97 : i1 to i32
        %cond3A_99 = arith.constant 0 : i32
        %cond3A_100 = arith.cmpi ne, %convert_element_type3A_98, %cond3A_99 : i32
        scf.if %cond3A_100 {
          %add3A_111 = arith.constant 2 : i32
          %add3A_112 = arith.addi %mul3A_81, %add3A_111 : i32
          %dma_start3A_113 = arith.constant 0 : i32
          %dma_start3A_114 = tpu.memref_slice %arg9[%add3A_112, %dma_start3A_113] : memref<160x128xi32, #tpu.memory_space<vmem>> -> memref<1x128xi32, #tpu.memory_space<vmem>>
          %dma_start3A_115 = tpu.memref_squeeze %dma_start3A_114 : memref<1x128xi32, #tpu.memory_space<vmem>> -> memref<128xi32, #tpu.memory_space<vmem>>
          %dma_start3A_116 = arith.constant 0 : i32
          %dma_start3A_117 = arith.constant 0 : i32
          %dma_start3A_118 = tpu.memref_slice %arg2[%dma_start3A_116, %dma_start3A_117] : memref<10000x128xf32, #tpu.memory_space<hbm>> -> memref<10000x128xf32, #tpu.memory_space<hbm>>
          tpu.enqueue_indirect_dma source(%dma_start3A_118 : memref<10000x128xf32, #tpu.memory_space<hbm>>) target(%arg11 : memref<128x128xf32, #tpu.memory_space<vmem>>) offsets(%dma_start3A_115 : memref<128xi32, #tpu.memory_space<vmem>>) semaphore(%arg14 : memref<!tpu.dma_semaphore, #tpu.memory_space<semaphore_mem>>)
        } else {
        }
        %add3A_101 = arith.constant 1 : i32
        %add3A_102 = arith.addi %mul3A_81, %add3A_101 : i32
        %dma_wait3A_103 = arith.constant 0 : i32
        %dma_wait3A_104 = tpu.memref_slice %arg9[%add3A_102, %dma_wait3A_103] : memref<160x128xi32, #tpu.memory_space<vmem>> -> memref<1x128xi32, #tpu.memory_space<vmem>>
        %dma_wait3A_105 = tpu.memref_squeeze %dma_wait3A_104 : memref<1x128xi32, #tpu.memory_space<vmem>> -> memref<128xi32, #tpu.memory_space<vmem>>
        %dma_wait3A_106 = arith.constant 0 : i32
        %dma_wait3A_107 = arith.constant 0 : i32
        %dma_wait3A_108 = tpu.memref_slice %arg2[%dma_wait3A_106, %dma_wait3A_107] : memref<10000x128xf32, #tpu.memory_space<hbm>> -> memref<10000x128xf32, #tpu.memory_space<hbm>>
        tpu.wait_indirect_dma semaphore(%arg15 : memref<!tpu.dma_semaphore, #tpu.memory_space<semaphore_mem>>) src(%dma_wait3A_108 : memref<10000x128xf32, #tpu.memory_space<hbm>>) dst(%arg12 : memref<128x128xf32, #tpu.memory_space<vmem>>)
        %add3A_109 = arith.constant 1 : i32
        %add3A_110 = arith.addi %mul3A_81, %add3A_109 : i32
        "tpu.region"() ({
          %run_scoped3A = tpu.sem_alloc : memref<!tpu.dma_semaphore, #tpu.memory_space<semaphore_mem>>
          %dma_start3A_111 = arith.constant 0 : i32
          %dma_start3A_112 = tpu.memref_slice %arg10[%add3A_110, %dma_start3A_111] : memref<160x128xi32, #tpu.memory_space<vmem>> -> memref<1x128xi32, #tpu.memory_space<vmem>>
          %dma_start3A_113 = tpu.memref_squeeze %dma_start3A_112 : memref<1x128xi32, #tpu.memory_space<vmem>> -> memref<128xi32, #tpu.memory_space<vmem>>
          %dma_start3A_114 = arith.constant 0 : i32
          %dma_start3A_115 = arith.constant 0 : i32
          %dma_start3A_116 = tpu.memref_slice %arg13[%dma_start3A_114, %dma_start3A_115] : memref<5248x128xf32, #tpu.memory_space<vmem_shared>> -> memref<5248x128xf32, #tpu.memory_space<vmem_shared>>
          tpu.enqueue_indirect_dma source(%arg12 : memref<128x128xf32, #tpu.memory_space<vmem>>) target(%dma_start3A_116 : memref<5248x128xf32, #tpu.memory_space<vmem_shared>>) offsets(%dma_start3A_113 : memref<128xi32, #tpu.memory_space<vmem>>) semaphore(%run_scoped3A : memref<!tpu.dma_semaphore, #tpu.memory_space<semaphore_mem>>) {add = true}
          %dma_wait3A_117 = arith.constant 0 : i32
          %dma_wait3A_118 = tpu.memref_slice %arg10[%add3A_110, %dma_wait3A_117] : memref<160x128xi32, #tpu.memory_space<vmem>> -> memref<1x128xi32, #tpu.memory_space<vmem>>
          %dma_wait3A_119 = tpu.memref_squeeze %dma_wait3A_118 : memref<1x128xi32, #tpu.memory_space<vmem>> -> memref<128xi32, #tpu.memory_space<vmem>>
          %dma_wait3A_120 = arith.constant 0 : i32
          %dma_wait3A_121 = arith.constant 0 : i32
          %dma_wait3A_122 = tpu.memref_slice %arg13[%dma_wait3A_120, %dma_wait3A_121] : memref<5248x128xf32, #tpu.memory_space<vmem_shared>> -> memref<5248x128xf32, #tpu.memory_space<vmem_shared>>
          tpu.wait_indirect_dma semaphore(%run_scoped3A : memref<!tpu.dma_semaphore, #tpu.memory_space<semaphore_mem>>) src(%arg12 : memref<128x128xf32, #tpu.memory_space<vmem>>) dst(%dma_wait3A_122 : memref<5248x128xf32, #tpu.memory_space<vmem_shared>>)
          tpu.yield
        }) : () -> ()
      }
      %scan3A_70 = arith.constant 80 : i32
      %barrier3A_71 = arith.constant 0 : index
      tpu.barrier barrier_id(%barrier3A_71)
      %mul3A_72 = arith.constant 320 : i32
      %mul3A_73 = arith.muli %arg1, %mul3A_72 : i32
      %mul3A_74 = arith.constant 320 : i32
      %mul3A_75 = arith.muli %arg1, %mul3A_74 : i32
      %add3A_76 = arith.constant 5120 : i32
      %add3A_77 = arith.addi %add3A_76, %mul3A_75 : i32
      "tpu.region"() ({
        %run_scoped3A = tpu.sem_alloc : memref<!tpu.dma_semaphore, #tpu.memory_space<semaphore_mem>>
        %dma_start3A_79 = arith.constant 0 : i32
        %dma_start3A_80 = tpu.memref_slice %arg7[%add3A_77, %dma_start3A_79] : memref<10240x128xf32, #tpu.memory_space<hbm>> -> memref<320x128xf32, #tpu.memory_space<hbm>>
        %dma_start3A_81 = arith.constant 0 : i32
        %dma_start3A_82 = tpu.memref_slice %arg13[%mul3A_73, %dma_start3A_81] : memref<5248x128xf32, #tpu.memory_space<vmem_shared>> -> memref<320x128xf32, #tpu.memory_space<vmem_shared>>
        tpu.enqueue_dma source(%dma_start3A_82 : memref<320x128xf32, #tpu.memory_space<vmem_shared>>) target(%dma_start3A_80 : memref<320x128xf32, #tpu.memory_space<hbm>>) target_semaphore(%run_scoped3A : memref<!tpu.dma_semaphore, #tpu.memory_space<semaphore_mem>>)
        %dma_wait3A = arith.constant 0 : i32
        %dma_wait3A_83 = tpu.memref_slice %arg7[%add3A_77, %dma_wait3A] : memref<10240x128xf32, #tpu.memory_space<hbm>> -> memref<320x128xf32, #tpu.memory_space<hbm>>
        %dma_wait3A_84 = arith.constant 0 : i32
        %dma_wait3A_85 = tpu.memref_slice %arg13[%mul3A_73, %dma_wait3A_84] : memref<5248x128xf32, #tpu.memory_space<vmem_shared>> -> memref<320x128xf32, #tpu.memory_space<vmem_shared>>
        tpu.wait_dma2 semaphore(%run_scoped3A : memref<!tpu.dma_semaphore, #tpu.memory_space<semaphore_mem>>) src(%dma_wait3A_85 : memref<320x128xf32, #tpu.memory_space<vmem_shared>>) dst(%dma_wait3A_83 : memref<320x128xf32, #tpu.memory_space<hbm>>)
        tpu.yield
      }) : () -> ()
      %barrier3A_78 = arith.constant 0 : index
      tpu.barrier barrier_id(%barrier3A_78)
    } else {
    }
    %eq3A_3 = arith.constant 1 : i32
    %eq3A_4 = arith.cmpi eq, %arg0, %eq3A_3 : i32
    %convert_element_type3A_5 = arith.extui %eq3A_4 : i1 to i32
    %cond3A_6 = arith.constant 0 : i32
    %cond3A_7 = arith.cmpi ne, %convert_element_type3A_5, %cond3A_6 : i32
    scf.if %cond3A_7 {
      "tpu.region"() ({
        %run_scoped3A = tpu.sem_alloc : memref<!tpu.dma_semaphore, #tpu.memory_space<semaphore_mem>>
        %dma_start3A_79 = arith.constant 0 : i32
        %dma_start3A_80 = arith.constant 0 : i32
        %dma_start3A_81 = tpu.memref_slice %arg5[%arg1, %dma_start3A_79, %dma_start3A_80] : memref<16x160x128xi32, #tpu.memory_space<hbm>> -> memref<1x160x128xi32, #tpu.memory_space<hbm>>
        %dma_start3A_82 = tpu.memref_squeeze %dma_start3A_81 : memref<1x160x128xi32, #tpu.memory_space<hbm>> -> memref<160x128xi32, #tpu.memory_space<hbm>>
        %dma_start3A_83 = arith.constant 0 : i32
        %dma_start3A_84 = arith.constant 0 : i32
        %dma_start3A_85 = tpu.memref_slice %arg5[%arg1, %dma_start3A_83, %dma_start3A_84] : memref<16x160x128xi32, #tpu.memory_space<hbm>> -> memref<1x160x128xi32, #tpu.memory_space<hbm>>
        %dma_start3A_86 = tpu.memref_squeeze %dma_start3A_85 : memref<1x160x128xi32, #tpu.memory_space<hbm>> -> memref<160x128xi32, #tpu.memory_space<hbm>>
        tpu.enqueue_dma source(%dma_start3A_86 : memref<160x128xi32, #tpu.memory_space<hbm>>) target(%arg10 : memref<160x128xi32, #tpu.memory_space<vmem>>) target_semaphore(%run_scoped3A : memref<!tpu.dma_semaphore, #tpu.memory_space<semaphore_mem>>)
        %dma_wait3A = arith.constant 0 : i32
        %dma_wait3A_87 = arith.constant 0 : i32
        %dma_wait3A_88 = tpu.memref_slice %arg5[%arg1, %dma_wait3A, %dma_wait3A_87] : memref<16x160x128xi32, #tpu.memory_space<hbm>> -> memref<1x160x128xi32, #tpu.memory_space<hbm>>
        %dma_wait3A_89 = tpu.memref_squeeze %dma_wait3A_88 : memref<1x160x128xi32, #tpu.memory_space<hbm>> -> memref<160x128xi32, #tpu.memory_space<hbm>>
        %dma_wait3A_90 = arith.constant 0 : i32
        %dma_wait3A_91 = arith.constant 0 : i32
        %dma_wait3A_92 = tpu.memref_slice %arg5[%arg1, %dma_wait3A_90, %dma_wait3A_91] : memref<16x160x128xi32, #tpu.memory_space<hbm>> -> memref<1x160x128xi32, #tpu.memory_space<hbm>>
        %dma_wait3A_93 = tpu.memref_squeeze %dma_wait3A_92 : memref<1x160x128xi32, #tpu.memory_space<hbm>> -> memref<160x128xi32, #tpu.memory_space<hbm>>
        tpu.wait_dma2 semaphore(%run_scoped3A : memref<!tpu.dma_semaphore, #tpu.memory_space<semaphore_mem>>) src(%dma_wait3A_93 : memref<160x128xi32, #tpu.memory_space<hbm>>) dst(%arg10 : memref<160x128xi32, #tpu.memory_space<vmem>>)
        tpu.yield
      }) : () -> ()
      %scan3A = arith.constant 0 : i32
      %scan3A_8 = arith.constant 0 : i32
      %scan3A_9 = arith.constant 64 : i32
      %scan3A_10 = arith.addi %scan3A_8, %scan3A_9 : i32
      %scan3A_11 = arith.constant 1 : i32
      scf.for %scan3A_79 = %scan3A_8 to %scan3A_10 step %scan3A_11  : i32 {
        %swap3A = arith.index_cast %scan3A_79 : i32 to index
        %swap3A_80 = arith.constant 0 : index
        %swap3A_81 = tpu.vector_load %arg11[%swap3A, %swap3A_80] {strides = array<i32>} : memref<128x128xf32, #tpu.memory_space<vmem>>, vector<1x16xf32>,
        %swap3A_82 = vector.shape_cast %swap3A_81 : vector<1x16xf32> to vector<16xf32>
        %swap3A_83 = vector.shape_cast %broadcast_in_dim3A_0 : vector<16xf32> to vector<1x16xf32>
        tpu.vector_store %arg11[%swap3A, %swap3A_80], %swap3A_83 {strides = array<i32>} : memref<128x128xf32, #tpu.memory_space<vmem>>, vector<1x16xf32>,
        %swap3A_84 = arith.index_cast %scan3A_79 : i32 to index
        %swap3A_85 = arith.constant 16 : index
        %swap3A_86 = tpu.vector_load %arg11[%swap3A_84, %swap3A_85] {strides = array<i32>} : memref<128x128xf32, #tpu.memory_space<vmem>>, vector<1x16xf32>,
        %swap3A_87 = vector.shape_cast %swap3A_86 : vector<1x16xf32> to vector<16xf32>
        %swap3A_88 = vector.shape_cast %broadcast_in_dim3A_0 : vector<16xf32> to vector<1x16xf32>
        tpu.vector_store %arg11[%swap3A_84, %swap3A_85], %swap3A_88 {strides = array<i32>} : memref<128x128xf32, #tpu.memory_space<vmem>>, vector<1x16xf32>,
        %swap3A_89 = arith.index_cast %scan3A_79 : i32 to index
        %swap3A_90 = arith.constant 32 : index
        %swap3A_91 = tpu.vector_load %arg11[%swap3A_89, %swap3A_90] {strides = array<i32>} : memref<128x128xf32, #tpu.memory_space<vmem>>, vector<1x16xf32>,
        %swap3A_92 = vector.shape_cast %swap3A_91 : vector<1x16xf32> to vector<16xf32>
        %swap3A_93 = vector.shape_cast %broadcast_in_dim3A_0 : vector<16xf32> to vector<1x16xf32>
        tpu.vector_store %arg11[%swap3A_89, %swap3A_90], %swap3A_93 {strides = array<i32>} : memref<128x128xf32, #tpu.memory_space<vmem>>, vector<1x16xf32>,
        %swap3A_94 = arith.index_cast %scan3A_79 : i32 to index
        %swap3A_95 = arith.constant 48 : index
        %swap3A_96 = tpu.vector_load %arg11[%swap3A_94, %swap3A_95] {strides = array<i32>} : memref<128x128xf32, #tpu.memory_space<vmem>>, vector<1x16xf32>,
        %swap3A_97 = vector.shape_cast %swap3A_96 : vector<1x16xf32> to vector<16xf32>
        %swap3A_98 = vector.shape_cast %broadcast_in_dim3A_0 : vector<16xf32> to vector<1x16xf32>
        tpu.vector_store %arg11[%swap3A_94, %swap3A_95], %swap3A_98 {strides = array<i32>} : memref<128x128xf32, #tpu.memory_space<vmem>>, vector<1x16xf32>,
        %swap3A_99 = arith.index_cast %scan3A_79 : i32 to index
        %swap3A_100 = arith.constant 64 : index
        %swap3A_101 = tpu.vector_load %arg11[%swap3A_99, %swap3A_100] {strides = array<i32>} : memref<128x128xf32, #tpu.memory_space<vmem>>, vector<1x16xf32>,
        %swap3A_102 = vector.shape_cast %swap3A_101 : vector<1x16xf32> to vector<16xf32>
        %swap3A_103 = vector.shape_cast %broadcast_in_dim3A_0 : vector<16xf32> to vector<1x16xf32>
        tpu.vector_store %arg11[%swap3A_99, %swap3A_100], %swap3A_103 {strides = array<i32>} : memref<128x128xf32, #tpu.memory_space<vmem>>, vector<1x16xf32>,
        %swap3A_104 = arith.index_cast %scan3A_79 : i32 to index
        %swap3A_105 = arith.constant 80 : index
        %swap3A_106 = tpu.vector_load %arg11[%swap3A_104, %swap3A_105] {strides = array<i32>} : memref<128x128xf32, #tpu.memory_space<vmem>>, vector<1x16xf32>,
        %swap3A_107 = vector.shape_cast %swap3A_106 : vector<1x16xf32> to vector<16xf32>
        %swap3A_108 = vector.shape_cast %broadcast_in_dim3A_0 : vector<16xf32> to vector<1x16xf32>
        tpu.vector_store %arg11[%swap3A_104, %swap3A_105], %swap3A_108 {strides = array<i32>} : memref<128x128xf32, #tpu.memory_space<vmem>>, vector<1x16xf32>,
        %swap3A_109 = arith.index_cast %scan3A_79 : i32 to index
        %swap3A_110 = arith.constant 96 : index
        %swap3A_111 = tpu.vector_load %arg11[%swap3A_109, %swap3A_110] {strides = array<i32>} : memref<128x128xf32, #tpu.memory_space<vmem>>, vector<1x16xf32>,
        %swap3A_112 = vector.shape_cast %swap3A_111 : vector<1x16xf32> to vector<16xf32>
        %swap3A_113 = vector.shape_cast %broadcast_in_dim3A_0 : vector<16xf32> to vector<1x16xf32>
        tpu.vector_store %arg11[%swap3A_109, %swap3A_110], %swap3A_113 {strides = array<i32>} : memref<128x128xf32, #tpu.memory_space<vmem>>, vector<1x16xf32>,
        %swap3A_114 = arith.index_cast %scan3A_79 : i32 to index
        %swap3A_115 = arith.constant 112 : index
        %swap3A_116 = tpu.vector_load %arg11[%swap3A_114, %swap3A_115] {strides = array<i32>} : memref<128x128xf32, #tpu.memory_space<vmem>>, vector<1x16xf32>,
        %swap3A_117 = vector.shape_cast %swap3A_116 : vector<1x16xf32> to vector<16xf32>
        %swap3A_118 = vector.shape_cast %broadcast_in_dim3A_0 : vector<16xf32> to vector<1x16xf32>
        tpu.vector_store %arg11[%swap3A_114, %swap3A_115], %swap3A_118 {strides = array<i32>} : memref<128x128xf32, #tpu.memory_space<vmem>>, vector<1x16xf32>,
      }
      %scan3A_12 = arith.constant 64 : i32
      %scan3A_13 = arith.constant 0 : i32
      %scan3A_14 = arith.constant 0 : i32
      %scan3A_15 = arith.constant 5 : i32
      %scan3A_16 = arith.addi %scan3A_14, %scan3A_15 : i32
      %scan3A_17 = arith.constant 1 : i32
      scf.for %scan3A_79 = %scan3A_14 to %scan3A_16 step %scan3A_17  : i32 {
        %mul3A_80 = arith.constant 64 : i32
        %mul3A_81 = arith.muli %scan3A_79, %mul3A_80 : i32
        %multiple_of3A = tpu.assume_multiple %mul3A_81, 8 : i32
        %mul3A_82 = arith.constant 328 : i32
        %mul3A_83 = arith.muli %arg1, %mul3A_82 : i32
        %add3A_84 = arith.addi %mul3A_83, %multiple_of3A : i32
        "tpu.region"() ({
          %run_scoped3A = tpu.sem_alloc : memref<!tpu.dma_semaphore, #tpu.memory_space<semaphore_mem>>
          %dma_start3A_85 = arith.constant 0 : i32
          %dma_start3A_86 = arith.constant 0 : i32
          %dma_start3A_87 = tpu.memref_slice %arg11[%dma_start3A_85, %dma_start3A_86] : memref<128x128xf32, #tpu.memory_space<vmem>> -> memref<64x128xf32, #tpu.memory_space<vmem>>
          %dma_start3A_88 = arith.constant 0 : i32
          %dma_start3A_89 = tpu.memref_slice %arg13[%add3A_84, %dma_start3A_88] : memref<5248x128xf32, #tpu.memory_space<vmem_shared>> -> memref<64x128xf32, #tpu.memory_space<vmem_shared>>
          %dma_start3A_90 = arith.constant 0 : i32
          %dma_start3A_91 = tpu.memref_slice %arg13[%add3A_84, %dma_start3A_90] : memref<5248x128xf32, #tpu.memory_space<vmem_shared>> -> memref<64x128xf32, #tpu.memory_space<vmem_shared>>
          %dma_start3A_92 = arith.constant 0 : i32
          %dma_start3A_93 = arith.constant 0 : i32
          %dma_start3A_94 = tpu.memref_slice %arg11[%dma_start3A_92, %dma_start3A_93] : memref<128x128xf32, #tpu.memory_space<vmem>> -> memref<64x128xf32, #tpu.memory_space<vmem>>
          tpu.enqueue_dma source(%dma_start3A_94 : memref<64x128xf32, #tpu.memory_space<vmem>>) target(%dma_start3A_91 : memref<64x128xf32, #tpu.memory_space<vmem_shared>>) target_semaphore(%run_scoped3A : memref<!tpu.dma_semaphore, #tpu.memory_space<semaphore_mem>>)
          %dma_wait3A = arith.constant 0 : i32
          %dma_wait3A_95 = arith.constant 0 : i32
          %dma_wait3A_96 = tpu.memref_slice %arg11[%dma_wait3A, %dma_wait3A_95] : memref<128x128xf32, #tpu.memory_space<vmem>> -> memref<64x128xf32, #tpu.memory_space<vmem>>
          %dma_wait3A_97 = arith.constant 0 : i32
          %dma_wait3A_98 = tpu.memref_slice %arg13[%add3A_84, %dma_wait3A_97] : memref<5248x128xf32, #tpu.memory_space<vmem_shared>> -> memref<64x128xf32, #tpu.memory_space<vmem_shared>>
          %dma_wait3A_99 = arith.constant 0 : i32
          %dma_wait3A_100 = tpu.memref_slice %arg13[%add3A_84, %dma_wait3A_99] : memref<5248x128xf32, #tpu.memory_space<vmem_shared>> -> memref<64x128xf32, #tpu.memory_space<vmem_shared>>
          %dma_wait3A_101 = arith.constant 0 : i32
          %dma_wait3A_102 = arith.constant 0 : i32
          %dma_wait3A_103 = tpu.memref_slice %arg11[%dma_wait3A_101, %dma_wait3A_102] : memref<128x128xf32, #tpu.memory_space<vmem>> -> memref<64x128xf32, #tpu.memory_space<vmem>>
          tpu.wait_dma2 semaphore(%run_scoped3A : memref<!tpu.dma_semaphore, #tpu.memory_space<semaphore_mem>>) src(%dma_wait3A_103 : memref<64x128xf32, #tpu.memory_space<vmem>>) dst(%dma_wait3A_100 : memref<64x128xf32, #tpu.memory_space<vmem_shared>>)
          tpu.yield
        }) : () -> ()
      }
      %scan3A_18 = arith.constant 5 : i32
      %mul3A = arith.constant 328 : i32
      %mul3A_19 = arith.muli %arg1, %mul3A : i32
      %add3A = arith.constant 320 : i32
      %add3A_20 = arith.addi %mul3A_19, %add3A : i32
      "tpu.region"() ({
        %run_scoped3A = tpu.sem_alloc : memref<!tpu.dma_semaphore, #tpu.memory_space<semaphore_mem>>
        %dma_start3A_79 = arith.constant 0 : i32
        %dma_start3A_80 = arith.constant 0 : i32
        %dma_start3A_81 = tpu.memref_slice %arg11[%dma_start3A_79, %dma_start3A_80] : memref<128x128xf32, #tpu.memory_space<vmem>> -> memref<8x128xf32, #tpu.memory_space<vmem>>
        %dma_start3A_82 = arith.constant 0 : i32
        %dma_start3A_83 = tpu.memref_slice %arg13[%add3A_20, %dma_start3A_82] : memref<5248x128xf32, #tpu.memory_space<vmem_shared>> -> memref<8x128xf32, #tpu.memory_space<vmem_shared>>
        %dma_start3A_84 = arith.constant 0 : i32
        %dma_start3A_85 = tpu.memref_slice %arg13[%add3A_20, %dma_start3A_84] : memref<5248x128xf32, #tpu.memory_space<vmem_shared>> -> memref<8x128xf32, #tpu.memory_space<vmem_shared>>
        %dma_start3A_86 = arith.constant 0 : i32
        %dma_start3A_87 = arith.constant 0 : i32
        %dma_start3A_88 = tpu.memref_slice %arg11[%dma_start3A_86, %dma_start3A_87] : memref<128x128xf32, #tpu.memory_space<vmem>> -> memref<8x128xf32, #tpu.memory_space<vmem>>
        tpu.enqueue_dma source(%dma_start3A_88 : memref<8x128xf32, #tpu.memory_space<vmem>>) target(%dma_start3A_85 : memref<8x128xf32, #tpu.memory_space<vmem_shared>>) target_semaphore(%run_scoped3A : memref<!tpu.dma_semaphore, #tpu.memory_space<semaphore_mem>>)
        %dma_wait3A = arith.constant 0 : i32
        %dma_wait3A_89 = arith.constant 0 : i32
        %dma_wait3A_90 = tpu.memref_slice %arg11[%dma_wait3A, %dma_wait3A_89] : memref<128x128xf32, #tpu.memory_space<vmem>> -> memref<8x128xf32, #tpu.memory_space<vmem>>
        %dma_wait3A_91 = arith.constant 0 : i32
        %dma_wait3A_92 = tpu.memref_slice %arg13[%add3A_20, %dma_wait3A_91] : memref<5248x128xf32, #tpu.memory_space<vmem_shared>> -> memref<8x128xf32, #tpu.memory_space<vmem_shared>>
        %dma_wait3A_93 = arith.constant 0 : i32
        %dma_wait3A_94 = tpu.memref_slice %arg13[%add3A_20, %dma_wait3A_93] : memref<5248x128xf32, #tpu.memory_space<vmem_shared>> -> memref<8x128xf32, #tpu.memory_space<vmem_shared>>
        %dma_wait3A_95 = arith.constant 0 : i32
        %dma_wait3A_96 = arith.constant 0 : i32
        %dma_wait3A_97 = tpu.memref_slice %arg11[%dma_wait3A_95, %dma_wait3A_96] : memref<128x128xf32, #tpu.memory_space<vmem>> -> memref<8x128xf32, #tpu.memory_space<vmem>>
        tpu.wait_dma2 semaphore(%run_scoped3A : memref<!tpu.dma_semaphore, #tpu.memory_space<semaphore_mem>>) src(%dma_wait3A_97 : memref<8x128xf32, #tpu.memory_space<vmem>>) dst(%dma_wait3A_94 : memref<8x128xf32, #tpu.memory_space<vmem_shared>>)
        tpu.yield
      }) : () -> ()
      %barrier3A = arith.constant 0 : index
      tpu.barrier barrier_id(%barrier3A)
      %dma_start3A = arith.constant 0 : i32
      %dma_start3A_21 = arith.constant 0 : i32
      %dma_start3A_22 = tpu.memref_slice %arg9[%dma_start3A, %dma_start3A_21] : memref<160x128xi32, #tpu.memory_space<vmem>> -> memref<1x128xi32, #tpu.memory_space<vmem>>
      %dma_start3A_23 = tpu.memref_squeeze %dma_start3A_22 : memref<1x128xi32, #tpu.memory_space<vmem>> -> memref<128xi32, #tpu.memory_space<vmem>>
      %dma_start3A_24 = arith.constant 0 : i32
      %dma_start3A_25 = arith.constant 0 : i32
      %dma_start3A_26 = tpu.memref_slice %arg3[%dma_start3A_24, %dma_start3A_25] : memref<10000x128xf32, #tpu.memory_space<hbm>> -> memref<10000x128xf32, #tpu.memory_space<hbm>>
      tpu.enqueue_indirect_dma source(%dma_start3A_26 : memref<10000x128xf32, #tpu.memory_space<hbm>>) target(%arg11 : memref<128x128xf32, #tpu.memory_space<vmem>>) offsets(%dma_start3A_23 : memref<128xi32, #tpu.memory_space<vmem>>) semaphore(%arg14 : memref<!tpu.dma_semaphore, #tpu.memory_space<semaphore_mem>>)
      %scan3A_27 = arith.constant 0 : i32
      %scan3A_28 = arith.constant 0 : i32
      %scan3A_29 = arith.constant 80 : i32
      %scan3A_30 = arith.addi %scan3A_28, %scan3A_29 : i32
      %scan3A_31 = arith.constant 1 : i32
      scf.for %scan3A_79 = %scan3A_28 to %scan3A_30 step %scan3A_31  : i32 {
        %mul3A_80 = arith.constant 2 : i32
        %mul3A_81 = arith.muli %scan3A_79, %mul3A_80 : i32
        %add3A_82 = arith.constant 1 : i32
        %add3A_83 = arith.addi %mul3A_81, %add3A_82 : i32
        %dma_start3A_84 = arith.constant 0 : i32
        %dma_start3A_85 = tpu.memref_slice %arg9[%add3A_83, %dma_start3A_84] : memref<160x128xi32, #tpu.memory_space<vmem>> -> memref<1x128xi32, #tpu.memory_space<vmem>>
        %dma_start3A_86 = tpu.memref_squeeze %dma_start3A_85 : memref<1x128xi32, #tpu.memory_space<vmem>> -> memref<128xi32, #tpu.memory_space<vmem>>
        %dma_start3A_87 = arith.constant 0 : i32
        %dma_start3A_88 = arith.constant 0 : i32
        %dma_start3A_89 = tpu.memref_slice %arg3[%dma_start3A_87, %dma_start3A_88] : memref<10000x128xf32, #tpu.memory_space<hbm>> -> memref<10000x128xf32, #tpu.memory_space<hbm>>
        tpu.enqueue_indirect_dma source(%dma_start3A_89 : memref<10000x128xf32, #tpu.memory_space<hbm>>) target(%arg12 : memref<128x128xf32, #tpu.memory_space<vmem>>) offsets(%dma_start3A_86 : memref<128xi32, #tpu.memory_space<vmem>>) semaphore(%arg15 : memref<!tpu.dma_semaphore, #tpu.memory_space<semaphore_mem>>)
        %dma_wait3A = arith.constant 0 : i32
        %dma_wait3A_90 = tpu.memref_slice %arg9[%mul3A_81, %dma_wait3A] : memref<160x128xi32, #tpu.memory_space<vmem>> -> memref<1x128xi32, #tpu.memory_space<vmem>>
        %dma_wait3A_91 = tpu.memref_squeeze %dma_wait3A_90 : memref<1x128xi32, #tpu.memory_space<vmem>> -> memref<128xi32, #tpu.memory_space<vmem>>
        %dma_wait3A_92 = arith.constant 0 : i32
        %dma_wait3A_93 = arith.constant 0 : i32
        %dma_wait3A_94 = tpu.memref_slice %arg3[%dma_wait3A_92, %dma_wait3A_93] : memref<10000x128xf32, #tpu.memory_space<hbm>> -> memref<10000x128xf32, #tpu.memory_space<hbm>>
        tpu.wait_indirect_dma semaphore(%arg14 : memref<!tpu.dma_semaphore, #tpu.memory_space<semaphore_mem>>) src(%dma_wait3A_94 : memref<10000x128xf32, #tpu.memory_space<hbm>>) dst(%arg11 : memref<128x128xf32, #tpu.memory_space<vmem>>)
        "tpu.region"() ({
          %run_scoped3A = tpu.sem_alloc : memref<!tpu.dma_semaphore, #tpu.memory_space<semaphore_mem>>
          %dma_start3A_111 = arith.constant 0 : i32
          %dma_start3A_112 = tpu.memref_slice %arg10[%mul3A_81, %dma_start3A_111] : memref<160x128xi32, #tpu.memory_space<vmem>> -> memref<1x128xi32, #tpu.memory_space<vmem>>
          %dma_start3A_113 = tpu.memref_squeeze %dma_start3A_112 : memref<1x128xi32, #tpu.memory_space<vmem>> -> memref<128xi32, #tpu.memory_space<vmem>>
          %dma_start3A_114 = arith.constant 0 : i32
          %dma_start3A_115 = arith.constant 0 : i32
          %dma_start3A_116 = tpu.memref_slice %arg13[%dma_start3A_114, %dma_start3A_115] : memref<5248x128xf32, #tpu.memory_space<vmem_shared>> -> memref<5248x128xf32, #tpu.memory_space<vmem_shared>>
          tpu.enqueue_indirect_dma source(%arg11 : memref<128x128xf32, #tpu.memory_space<vmem>>) target(%dma_start3A_116 : memref<5248x128xf32, #tpu.memory_space<vmem_shared>>) offsets(%dma_start3A_113 : memref<128xi32, #tpu.memory_space<vmem>>) semaphore(%run_scoped3A : memref<!tpu.dma_semaphore, #tpu.memory_space<semaphore_mem>>) {add = true}
          %dma_wait3A_117 = arith.constant 0 : i32
          %dma_wait3A_118 = tpu.memref_slice %arg10[%mul3A_81, %dma_wait3A_117] : memref<160x128xi32, #tpu.memory_space<vmem>> -> memref<1x128xi32, #tpu.memory_space<vmem>>
          %dma_wait3A_119 = tpu.memref_squeeze %dma_wait3A_118 : memref<1x128xi32, #tpu.memory_space<vmem>> -> memref<128xi32, #tpu.memory_space<vmem>>
          %dma_wait3A_120 = arith.constant 0 : i32
          %dma_wait3A_121 = arith.constant 0 : i32
          %dma_wait3A_122 = tpu.memref_slice %arg13[%dma_wait3A_120, %dma_wait3A_121] : memref<5248x128xf32, #tpu.memory_space<vmem_shared>> -> memref<5248x128xf32, #tpu.memory_space<vmem_shared>>
          tpu.wait_indirect_dma semaphore(%run_scoped3A : memref<!tpu.dma_semaphore, #tpu.memory_space<semaphore_mem>>) src(%arg11 : memref<128x128xf32, #tpu.memory_space<vmem>>) dst(%dma_wait3A_122 : memref<5248x128xf32, #tpu.memory_space<vmem_shared>>)
          tpu.yield
        }) : () -> ()
        %add3A_95 = arith.constant 2 : i32
        %add3A_96 = arith.addi %mul3A_81, %add3A_95 : i32
        %lt3A = arith.constant 160 : i32
        %lt3A_97 = arith.cmpi slt, %add3A_96, %lt3A : i32
        %convert_element_type3A_98 = arith.extui %lt3A_97 : i1 to i32
        %cond3A_99 = arith.constant 0 : i32
        %cond3A_100 = arith.cmpi ne, %convert_element_type3A_98, %cond3A_99 : i32
        scf.if %cond3A_100 {
          %add3A_111 = arith.constant 2 : i32
          %add3A_112 = arith.addi %mul3A_81, %add3A_111 : i32
          %dma_start3A_113 = arith.constant 0 : i32
          %dma_start3A_114 = tpu.memref_slice %arg9[%add3A_112, %dma_start3A_113] : memref<160x128xi32, #tpu.memory_space<vmem>> -> memref<1x128xi32, #tpu.memory_space<vmem>>
          %dma_start3A_115 = tpu.memref_squeeze %dma_start3A_114 : memref<1x128xi32, #tpu.memory_space<vmem>> -> memref<128xi32, #tpu.memory_space<vmem>>
          %dma_start3A_116 = arith.constant 0 : i32
          %dma_start3A_117 = arith.constant 0 : i32
          %dma_start3A_118 = tpu.memref_slice %arg3[%dma_start3A_116, %dma_start3A_117] : memref<10000x128xf32, #tpu.memory_space<hbm>> -> memref<10000x128xf32, #tpu.memory_space<hbm>>
          tpu.enqueue_indirect_dma source(%dma_start3A_118 : memref<10000x128xf32, #tpu.memory_space<hbm>>) target(%arg11 : memref<128x128xf32, #tpu.memory_space<vmem>>) offsets(%dma_start3A_115 : memref<128xi32, #tpu.memory_space<vmem>>) semaphore(%arg14 : memref<!tpu.dma_semaphore, #tpu.memory_space<semaphore_mem>>)
        } else {
        }
        %add3A_101 = arith.constant 1 : i32
        %add3A_102 = arith.addi %mul3A_81, %add3A_101 : i32
        %dma_wait3A_103 = arith.constant 0 : i32
        %dma_wait3A_104 = tpu.memref_slice %arg9[%add3A_102, %dma_wait3A_103] : memref<160x128xi32, #tpu.memory_space<vmem>> -> memref<1x128xi32, #tpu.memory_space<vmem>>
        %dma_wait3A_105 = tpu.memref_squeeze %dma_wait3A_104 : memref<1x128xi32, #tpu.memory_space<vmem>> -> memref<128xi32, #tpu.memory_space<vmem>>
        %dma_wait3A_106 = arith.constant 0 : i32
        %dma_wait3A_107 = arith.constant 0 : i32
        %dma_wait3A_108 = tpu.memref_slice %arg3[%dma_wait3A_106, %dma_wait3A_107] : memref<10000x128xf32, #tpu.memory_space<hbm>> -> memref<10000x128xf32, #tpu.memory_space<hbm>>
        tpu.wait_indirect_dma semaphore(%arg15 : memref<!tpu.dma_semaphore, #tpu.memory_space<semaphore_mem>>) src(%dma_wait3A_108 : memref<10000x128xf32, #tpu.memory_space<hbm>>) dst(%arg12 : memref<128x128xf32, #tpu.memory_space<vmem>>)
        %add3A_109 = arith.constant 1 : i32
        %add3A_110 = arith.addi %mul3A_81, %add3A_109 : i32
        "tpu.region"() ({
          %run_scoped3A = tpu.sem_alloc : memref<!tpu.dma_semaphore, #tpu.memory_space<semaphore_mem>>
          %dma_start3A_111 = arith.constant 0 : i32
          %dma_start3A_112 = tpu.memref_slice %arg10[%add3A_110, %dma_start3A_111] : memref<160x128xi32, #tpu.memory_space<vmem>> -> memref<1x128xi32, #tpu.memory_space<vmem>>
          %dma_start3A_113 = tpu.memref_squeeze %dma_start3A_112 : memref<1x128xi32, #tpu.memory_space<vmem>> -> memref<128xi32, #tpu.memory_space<vmem>>
          %dma_start3A_114 = arith.constant 0 : i32
          %dma_start3A_115 = arith.constant 0 : i32
          %dma_start3A_116 = tpu.memref_slice %arg13[%dma_start3A_114, %dma_start3A_115] : memref<5248x128xf32, #tpu.memory_space<vmem_shared>> -> memref<5248x128xf32, #tpu.memory_space<vmem_shared>>
          tpu.enqueue_indirect_dma source(%arg12 : memref<128x128xf32, #tpu.memory_space<vmem>>) target(%dma_start3A_116 : memref<5248x128xf32, #tpu.memory_space<vmem_shared>>) offsets(%dma_start3A_113 : memref<128xi32, #tpu.memory_space<vmem>>) semaphore(%run_scoped3A : memref<!tpu.dma_semaphore, #tpu.memory_space<semaphore_mem>>) {add = true}
          %dma_wait3A_117 = arith.constant 0 : i32
          %dma_wait3A_118 = tpu.memref_slice %arg10[%add3A_110, %dma_wait3A_117] : memref<160x128xi32, #tpu.memory_space<vmem>> -> memref<1x128xi32, #tpu.memory_space<vmem>>
          %dma_wait3A_119 = tpu.memref_squeeze %dma_wait3A_118 : memref<1x128xi32, #tpu.memory_space<vmem>> -> memref<128xi32, #tpu.memory_space<vmem>>
          %dma_wait3A_120 = arith.constant 0 : i32
          %dma_wait3A_121 = arith.constant 0 : i32
          %dma_wait3A_122 = tpu.memref_slice %arg13[%dma_wait3A_120, %dma_wait3A_121] : memref<5248x128xf32, #tpu.memory_space<vmem_shared>> -> memref<5248x128xf32, #tpu.memory_space<vmem_shared>>
          tpu.wait_indirect_dma semaphore(%run_scoped3A : memref<!tpu.dma_semaphore, #tpu.memory_space<semaphore_mem>>) src(%arg12 : memref<128x128xf32, #tpu.memory_space<vmem>>) dst(%dma_wait3A_122 : memref<5248x128xf32, #tpu.memory_space<vmem_shared>>)
          tpu.yield
        }) : () -> ()
      }
      %scan3A_32 = arith.constant 80 : i32
      %barrier3A_33 = arith.constant 0 : index
      tpu.barrier barrier_id(%barrier3A_33)
      %mul3A_34 = arith.constant 320 : i32
      %mul3A_35 = arith.muli %arg1, %mul3A_34 : i32
      %mul3A_36 = arith.constant 320 : i32
      %mul3A_37 = arith.muli %arg1, %mul3A_36 : i32
      %add3A_38 = arith.constant 0 : i32
      %add3A_39 = arith.addi %add3A_38, %mul3A_37 : i32
      "tpu.region"() ({
        %run_scoped3A = tpu.sem_alloc : memref<!tpu.dma_semaphore, #tpu.memory_space<semaphore_mem>>
        %dma_start3A_79 = arith.constant 0 : i32
        %dma_start3A_80 = tpu.memref_slice %arg8[%add3A_39, %dma_start3A_79] : memref<10240x128xf32, #tpu.memory_space<hbm>> -> memref<320x128xf32, #tpu.memory_space<hbm>>
        %dma_start3A_81 = arith.constant 0 : i32
        %dma_start3A_82 = tpu.memref_slice %arg13[%mul3A_35, %dma_start3A_81] : memref<5248x128xf32, #tpu.memory_space<vmem_shared>> -> memref<320x128xf32, #tpu.memory_space<vmem_shared>>
        tpu.enqueue_dma source(%dma_start3A_82 : memref<320x128xf32, #tpu.memory_space<vmem_shared>>) target(%dma_start3A_80 : memref<320x128xf32, #tpu.memory_space<hbm>>) target_semaphore(%run_scoped3A : memref<!tpu.dma_semaphore, #tpu.memory_space<semaphore_mem>>)
        %dma_wait3A = arith.constant 0 : i32
        %dma_wait3A_83 = tpu.memref_slice %arg8[%add3A_39, %dma_wait3A] : memref<10240x128xf32, #tpu.memory_space<hbm>> -> memref<320x128xf32, #tpu.memory_space<hbm>>
        %dma_wait3A_84 = arith.constant 0 : i32
        %dma_wait3A_85 = tpu.memref_slice %arg13[%mul3A_35, %dma_wait3A_84] : memref<5248x128xf32, #tpu.memory_space<vmem_shared>> -> memref<320x128xf32, #tpu.memory_space<vmem_shared>>
        tpu.wait_dma2 semaphore(%run_scoped3A : memref<!tpu.dma_semaphore, #tpu.memory_space<semaphore_mem>>) src(%dma_wait3A_85 : memref<320x128xf32, #tpu.memory_space<vmem_shared>>) dst(%dma_wait3A_83 : memref<320x128xf32, #tpu.memory_space<hbm>>)
        tpu.yield
      }) : () -> ()
      %barrier3A_40 = arith.constant 0 : index
      tpu.barrier barrier_id(%barrier3A_40)
      "tpu.region"() ({
        %run_scoped3A = tpu.sem_alloc : memref<!tpu.dma_semaphore, #tpu.memory_space<semaphore_mem>>
        %dma_start3A_79 = arith.constant 0 : i32
        %dma_start3A_80 = arith.constant 0 : i32
        %dma_start3A_81 = tpu.memref_slice %arg6[%arg1, %dma_start3A_79, %dma_start3A_80] : memref<16x160x128xi32, #tpu.memory_space<hbm>> -> memref<1x160x128xi32, #tpu.memory_space<hbm>>
        %dma_start3A_82 = tpu.memref_squeeze %dma_start3A_81 : memref<1x160x128xi32, #tpu.memory_space<hbm>> -> memref<160x128xi32, #tpu.memory_space<hbm>>
        %dma_start3A_83 = arith.constant 0 : i32
        %dma_start3A_84 = arith.constant 0 : i32
        %dma_start3A_85 = tpu.memref_slice %arg6[%arg1, %dma_start3A_83, %dma_start3A_84] : memref<16x160x128xi32, #tpu.memory_space<hbm>> -> memref<1x160x128xi32, #tpu.memory_space<hbm>>
        %dma_start3A_86 = tpu.memref_squeeze %dma_start3A_85 : memref<1x160x128xi32, #tpu.memory_space<hbm>> -> memref<160x128xi32, #tpu.memory_space<hbm>>
        tpu.enqueue_dma source(%dma_start3A_86 : memref<160x128xi32, #tpu.memory_space<hbm>>) target(%arg10 : memref<160x128xi32, #tpu.memory_space<vmem>>) target_semaphore(%run_scoped3A : memref<!tpu.dma_semaphore, #tpu.memory_space<semaphore_mem>>)
        %dma_wait3A = arith.constant 0 : i32
        %dma_wait3A_87 = arith.constant 0 : i32
        %dma_wait3A_88 = tpu.memref_slice %arg6[%arg1, %dma_wait3A, %dma_wait3A_87] : memref<16x160x128xi32, #tpu.memory_space<hbm>> -> memref<1x160x128xi32, #tpu.memory_space<hbm>>
        %dma_wait3A_89 = tpu.memref_squeeze %dma_wait3A_88 : memref<1x160x128xi32, #tpu.memory_space<hbm>> -> memref<160x128xi32, #tpu.memory_space<hbm>>
        %dma_wait3A_90 = arith.constant 0 : i32
        %dma_wait3A_91 = arith.constant 0 : i32
        %dma_wait3A_92 = tpu.memref_slice %arg6[%arg1, %dma_wait3A_90, %dma_wait3A_91] : memref<16x160x128xi32, #tpu.memory_space<hbm>> -> memref<1x160x128xi32, #tpu.memory_space<hbm>>
        %dma_wait3A_93 = tpu.memref_squeeze %dma_wait3A_92 : memref<1x160x128xi32, #tpu.memory_space<hbm>> -> memref<160x128xi32, #tpu.memory_space<hbm>>
        tpu.wait_dma2 semaphore(%run_scoped3A : memref<!tpu.dma_semaphore, #tpu.memory_space<semaphore_mem>>) src(%dma_wait3A_93 : memref<160x128xi32, #tpu.memory_space<hbm>>) dst(%arg10 : memref<160x128xi32, #tpu.memory_space<vmem>>)
        tpu.yield
      }) : () -> ()
      %scan3A_41 = arith.constant 0 : i32
      %scan3A_42 = arith.constant 0 : i32
      %scan3A_43 = arith.constant 64 : i32
      %scan3A_44 = arith.addi %scan3A_42, %scan3A_43 : i32
      %scan3A_45 = arith.constant 1 : i32
      scf.for %scan3A_79 = %scan3A_42 to %scan3A_44 step %scan3A_45  : i32 {
        %swap3A = arith.index_cast %scan3A_79 : i32 to index
        %swap3A_80 = arith.constant 0 : index
        %swap3A_81 = tpu.vector_load %arg11[%swap3A, %swap3A_80] {strides = array<i32>} : memref<128x128xf32, #tpu.memory_space<vmem>>, vector<1x16xf32>,
        %swap3A_82 = vector.shape_cast %swap3A_81 : vector<1x16xf32> to vector<16xf32>
        %swap3A_83 = vector.shape_cast %broadcast_in_dim3A_0 : vector<16xf32> to vector<1x16xf32>
        tpu.vector_store %arg11[%swap3A, %swap3A_80], %swap3A_83 {strides = array<i32>} : memref<128x128xf32, #tpu.memory_space<vmem>>, vector<1x16xf32>,
        %swap3A_84 = arith.index_cast %scan3A_79 : i32 to index
        %swap3A_85 = arith.constant 16 : index
        %swap3A_86 = tpu.vector_load %arg11[%swap3A_84, %swap3A_85] {strides = array<i32>} : memref<128x128xf32, #tpu.memory_space<vmem>>, vector<1x16xf32>,
        %swap3A_87 = vector.shape_cast %swap3A_86 : vector<1x16xf32> to vector<16xf32>
        %swap3A_88 = vector.shape_cast %broadcast_in_dim3A_0 : vector<16xf32> to vector<1x16xf32>
        tpu.vector_store %arg11[%swap3A_84, %swap3A_85], %swap3A_88 {strides = array<i32>} : memref<128x128xf32, #tpu.memory_space<vmem>>, vector<1x16xf32>,
        %swap3A_89 = arith.index_cast %scan3A_79 : i32 to index
        %swap3A_90 = arith.constant 32 : index
        %swap3A_91 = tpu.vector_load %arg11[%swap3A_89, %swap3A_90] {strides = array<i32>} : memref<128x128xf32, #tpu.memory_space<vmem>>, vector<1x16xf32>,
        %swap3A_92 = vector.shape_cast %swap3A_91 : vector<1x16xf32> to vector<16xf32>
        %swap3A_93 = vector.shape_cast %broadcast_in_dim3A_0 : vector<16xf32> to vector<1x16xf32>
        tpu.vector_store %arg11[%swap3A_89, %swap3A_90], %swap3A_93 {strides = array<i32>} : memref<128x128xf32, #tpu.memory_space<vmem>>, vector<1x16xf32>,
        %swap3A_94 = arith.index_cast %scan3A_79 : i32 to index
        %swap3A_95 = arith.constant 48 : index
        %swap3A_96 = tpu.vector_load %arg11[%swap3A_94, %swap3A_95] {strides = array<i32>} : memref<128x128xf32, #tpu.memory_space<vmem>>, vector<1x16xf32>,
        %swap3A_97 = vector.shape_cast %swap3A_96 : vector<1x16xf32> to vector<16xf32>
        %swap3A_98 = vector.shape_cast %broadcast_in_dim3A_0 : vector<16xf32> to vector<1x16xf32>
        tpu.vector_store %arg11[%swap3A_94, %swap3A_95], %swap3A_98 {strides = array<i32>} : memref<128x128xf32, #tpu.memory_space<vmem>>, vector<1x16xf32>,
        %swap3A_99 = arith.index_cast %scan3A_79 : i32 to index
        %swap3A_100 = arith.constant 64 : index
        %swap3A_101 = tpu.vector_load %arg11[%swap3A_99, %swap3A_100] {strides = array<i32>} : memref<128x128xf32, #tpu.memory_space<vmem>>, vector<1x16xf32>,
        %swap3A_102 = vector.shape_cast %swap3A_101 : vector<1x16xf32> to vector<16xf32>
        %swap3A_103 = vector.shape_cast %broadcast_in_dim3A_0 : vector<16xf32> to vector<1x16xf32>
        tpu.vector_store %arg11[%swap3A_99, %swap3A_100], %swap3A_103 {strides = array<i32>} : memref<128x128xf32, #tpu.memory_space<vmem>>, vector<1x16xf32>,
        %swap3A_104 = arith.index_cast %scan3A_79 : i32 to index
        %swap3A_105 = arith.constant 80 : index
        %swap3A_106 = tpu.vector_load %arg11[%swap3A_104, %swap3A_105] {strides = array<i32>} : memref<128x128xf32, #tpu.memory_space<vmem>>, vector<1x16xf32>,
        %swap3A_107 = vector.shape_cast %swap3A_106 : vector<1x16xf32> to vector<16xf32>
        %swap3A_108 = vector.shape_cast %broadcast_in_dim3A_0 : vector<16xf32> to vector<1x16xf32>
        tpu.vector_store %arg11[%swap3A_104, %swap3A_105], %swap3A_108 {strides = array<i32>} : memref<128x128xf32, #tpu.memory_space<vmem>>, vector<1x16xf32>,
        %swap3A_109 = arith.index_cast %scan3A_79 : i32 to index
        %swap3A_110 = arith.constant 96 : index
        %swap3A_111 = tpu.vector_load %arg11[%swap3A_109, %swap3A_110] {strides = array<i32>} : memref<128x128xf32, #tpu.memory_space<vmem>>, vector<1x16xf32>,
        %swap3A_112 = vector.shape_cast %swap3A_111 : vector<1x16xf32> to vector<16xf32>
        %swap3A_113 = vector.shape_cast %broadcast_in_dim3A_0 : vector<16xf32> to vector<1x16xf32>
        tpu.vector_store %arg11[%swap3A_109, %swap3A_110], %swap3A_113 {strides = array<i32>} : memref<128x128xf32, #tpu.memory_space<vmem>>, vector<1x16xf32>,
        %swap3A_114 = arith.index_cast %scan3A_79 : i32 to index
        %swap3A_115 = arith.constant 112 : index
        %swap3A_116 = tpu.vector_load %arg11[%swap3A_114, %swap3A_115] {strides = array<i32>} : memref<128x128xf32, #tpu.memory_space<vmem>>, vector<1x16xf32>,
        %swap3A_117 = vector.shape_cast %swap3A_116 : vector<1x16xf32> to vector<16xf32>
        %swap3A_118 = vector.shape_cast %broadcast_in_dim3A_0 : vector<16xf32> to vector<1x16xf32>
        tpu.vector_store %arg11[%swap3A_114, %swap3A_115], %swap3A_118 {strides = array<i32>} : memref<128x128xf32, #tpu.memory_space<vmem>>, vector<1x16xf32>,
      }
      %scan3A_46 = arith.constant 64 : i32
      %scan3A_47 = arith.constant 0 : i32
      %scan3A_48 = arith.constant 0 : i32
      %scan3A_49 = arith.constant 5 : i32
      %scan3A_50 = arith.addi %scan3A_48, %scan3A_49 : i32
      %scan3A_51 = arith.constant 1 : i32
      scf.for %scan3A_79 = %scan3A_48 to %scan3A_50 step %scan3A_51  : i32 {
        %mul3A_80 = arith.constant 64 : i32
        %mul3A_81 = arith.muli %scan3A_79, %mul3A_80 : i32
        %multiple_of3A = tpu.assume_multiple %mul3A_81, 8 : i32
        %mul3A_82 = arith.constant 328 : i32
        %mul3A_83 = arith.muli %arg1, %mul3A_82 : i32
        %add3A_84 = arith.addi %mul3A_83, %multiple_of3A : i32
        "tpu.region"() ({
          %run_scoped3A = tpu.sem_alloc : memref<!tpu.dma_semaphore, #tpu.memory_space<semaphore_mem>>
          %dma_start3A_85 = arith.constant 0 : i32
          %dma_start3A_86 = arith.constant 0 : i32
          %dma_start3A_87 = tpu.memref_slice %arg11[%dma_start3A_85, %dma_start3A_86] : memref<128x128xf32, #tpu.memory_space<vmem>> -> memref<64x128xf32, #tpu.memory_space<vmem>>
          %dma_start3A_88 = arith.constant 0 : i32
          %dma_start3A_89 = tpu.memref_slice %arg13[%add3A_84, %dma_start3A_88] : memref<5248x128xf32, #tpu.memory_space<vmem_shared>> -> memref<64x128xf32, #tpu.memory_space<vmem_shared>>
          %dma_start3A_90 = arith.constant 0 : i32
          %dma_start3A_91 = tpu.memref_slice %arg13[%add3A_84, %dma_start3A_90] : memref<5248x128xf32, #tpu.memory_space<vmem_shared>> -> memref<64x128xf32, #tpu.memory_space<vmem_shared>>
          %dma_start3A_92 = arith.constant 0 : i32
          %dma_start3A_93 = arith.constant 0 : i32
          %dma_start3A_94 = tpu.memref_slice %arg11[%dma_start3A_92, %dma_start3A_93] : memref<128x128xf32, #tpu.memory_space<vmem>> -> memref<64x128xf32, #tpu.memory_space<vmem>>
          tpu.enqueue_dma source(%dma_start3A_94 : memref<64x128xf32, #tpu.memory_space<vmem>>) target(%dma_start3A_91 : memref<64x128xf32, #tpu.memory_space<vmem_shared>>) target_semaphore(%run_scoped3A : memref<!tpu.dma_semaphore, #tpu.memory_space<semaphore_mem>>)
          %dma_wait3A = arith.constant 0 : i32
          %dma_wait3A_95 = arith.constant 0 : i32
          %dma_wait3A_96 = tpu.memref_slice %arg11[%dma_wait3A, %dma_wait3A_95] : memref<128x128xf32, #tpu.memory_space<vmem>> -> memref<64x128xf32, #tpu.memory_space<vmem>>
          %dma_wait3A_97 = arith.constant 0 : i32
          %dma_wait3A_98 = tpu.memref_slice %arg13[%add3A_84, %dma_wait3A_97] : memref<5248x128xf32, #tpu.memory_space<vmem_shared>> -> memref<64x128xf32, #tpu.memory_space<vmem_shared>>
          %dma_wait3A_99 = arith.constant 0 : i32
          %dma_wait3A_100 = tpu.memref_slice %arg13[%add3A_84, %dma_wait3A_99] : memref<5248x128xf32, #tpu.memory_space<vmem_shared>> -> memref<64x128xf32, #tpu.memory_space<vmem_shared>>
          %dma_wait3A_101 = arith.constant 0 : i32
          %dma_wait3A_102 = arith.constant 0 : i32
          %dma_wait3A_103 = tpu.memref_slice %arg11[%dma_wait3A_101, %dma_wait3A_102] : memref<128x128xf32, #tpu.memory_space<vmem>> -> memref<64x128xf32, #tpu.memory_space<vmem>>
          tpu.wait_dma2 semaphore(%run_scoped3A : memref<!tpu.dma_semaphore, #tpu.memory_space<semaphore_mem>>) src(%dma_wait3A_103 : memref<64x128xf32, #tpu.memory_space<vmem>>) dst(%dma_wait3A_100 : memref<64x128xf32, #tpu.memory_space<vmem_shared>>)
          tpu.yield
        }) : () -> ()
      }
      %scan3A_52 = arith.constant 5 : i32
      %mul3A_53 = arith.constant 328 : i32
      %mul3A_54 = arith.muli %arg1, %mul3A_53 : i32
      %add3A_55 = arith.constant 320 : i32
      %add3A_56 = arith.addi %mul3A_54, %add3A_55 : i32
      "tpu.region"() ({
        %run_scoped3A = tpu.sem_alloc : memref<!tpu.dma_semaphore, #tpu.memory_space<semaphore_mem>>
        %dma_start3A_79 = arith.constant 0 : i32
        %dma_start3A_80 = arith.constant 0 : i32
        %dma_start3A_81 = tpu.memref_slice %arg11[%dma_start3A_79, %dma_start3A_80] : memref<128x128xf32, #tpu.memory_space<vmem>> -> memref<8x128xf32, #tpu.memory_space<vmem>>
        %dma_start3A_82 = arith.constant 0 : i32
        %dma_start3A_83 = tpu.memref_slice %arg13[%add3A_56, %dma_start3A_82] : memref<5248x128xf32, #tpu.memory_space<vmem_shared>> -> memref<8x128xf32, #tpu.memory_space<vmem_shared>>
        %dma_start3A_84 = arith.constant 0 : i32
        %dma_start3A_85 = tpu.memref_slice %arg13[%add3A_56, %dma_start3A_84] : memref<5248x128xf32, #tpu.memory_space<vmem_shared>> -> memref<8x128xf32, #tpu.memory_space<vmem_shared>>
        %dma_start3A_86 = arith.constant 0 : i32
        %dma_start3A_87 = arith.constant 0 : i32
        %dma_start3A_88 = tpu.memref_slice %arg11[%dma_start3A_86, %dma_start3A_87] : memref<128x128xf32, #tpu.memory_space<vmem>> -> memref<8x128xf32, #tpu.memory_space<vmem>>
        tpu.enqueue_dma source(%dma_start3A_88 : memref<8x128xf32, #tpu.memory_space<vmem>>) target(%dma_start3A_85 : memref<8x128xf32, #tpu.memory_space<vmem_shared>>) target_semaphore(%run_scoped3A : memref<!tpu.dma_semaphore, #tpu.memory_space<semaphore_mem>>)
        %dma_wait3A = arith.constant 0 : i32
        %dma_wait3A_89 = arith.constant 0 : i32
        %dma_wait3A_90 = tpu.memref_slice %arg11[%dma_wait3A, %dma_wait3A_89] : memref<128x128xf32, #tpu.memory_space<vmem>> -> memref<8x128xf32, #tpu.memory_space<vmem>>
        %dma_wait3A_91 = arith.constant 0 : i32
        %dma_wait3A_92 = tpu.memref_slice %arg13[%add3A_56, %dma_wait3A_91] : memref<5248x128xf32, #tpu.memory_space<vmem_shared>> -> memref<8x128xf32, #tpu.memory_space<vmem_shared>>
        %dma_wait3A_93 = arith.constant 0 : i32
        %dma_wait3A_94 = tpu.memref_slice %arg13[%add3A_56, %dma_wait3A_93] : memref<5248x128xf32, #tpu.memory_space<vmem_shared>> -> memref<8x128xf32, #tpu.memory_space<vmem_shared>>
        %dma_wait3A_95 = arith.constant 0 : i32
        %dma_wait3A_96 = arith.constant 0 : i32
        %dma_wait3A_97 = tpu.memref_slice %arg11[%dma_wait3A_95, %dma_wait3A_96] : memref<128x128xf32, #tpu.memory_space<vmem>> -> memref<8x128xf32, #tpu.memory_space<vmem>>
        tpu.wait_dma2 semaphore(%run_scoped3A : memref<!tpu.dma_semaphore, #tpu.memory_space<semaphore_mem>>) src(%dma_wait3A_97 : memref<8x128xf32, #tpu.memory_space<vmem>>) dst(%dma_wait3A_94 : memref<8x128xf32, #tpu.memory_space<vmem_shared>>)
        tpu.yield
      }) : () -> ()
      %barrier3A_57 = arith.constant 0 : index
      tpu.barrier barrier_id(%barrier3A_57)
      %dma_start3A_58 = arith.constant 0 : i32
      %dma_start3A_59 = arith.constant 0 : i32
      %dma_start3A_60 = tpu.memref_slice %arg9[%dma_start3A_58, %dma_start3A_59] : memref<160x128xi32, #tpu.memory_space<vmem>> -> memref<1x128xi32, #tpu.memory_space<vmem>>
      %dma_start3A_61 = tpu.memref_squeeze %dma_start3A_60 : memref<1x128xi32, #tpu.memory_space<vmem>> -> memref<128xi32, #tpu.memory_space<vmem>>
      %dma_start3A_62 = arith.constant 0 : i32
      %dma_start3A_63 = arith.constant 0 : i32
      %dma_start3A_64 = tpu.memref_slice %arg3[%dma_start3A_62, %dma_start3A_63] : memref<10000x128xf32, #tpu.memory_space<hbm>> -> memref<10000x128xf32, #tpu.memory_space<hbm>>
      tpu.enqueue_indirect_dma source(%dma_start3A_64 : memref<10000x128xf32, #tpu.memory_space<hbm>>) target(%arg11 : memref<128x128xf32, #tpu.memory_space<vmem>>) offsets(%dma_start3A_61 : memref<128xi32, #tpu.memory_space<vmem>>) semaphore(%arg14 : memref<!tpu.dma_semaphore, #tpu.memory_space<semaphore_mem>>)
      %scan3A_65 = arith.constant 0 : i32
      %scan3A_66 = arith.constant 0 : i32
      %scan3A_67 = arith.constant 80 : i32
      %scan3A_68 = arith.addi %scan3A_66, %scan3A_67 : i32
      %scan3A_69 = arith.constant 1 : i32
      scf.for %scan3A_79 = %scan3A_66 to %scan3A_68 step %scan3A_69  : i32 {
        %mul3A_80 = arith.constant 2 : i32
        %mul3A_81 = arith.muli %scan3A_79, %mul3A_80 : i32
        %add3A_82 = arith.constant 1 : i32
        %add3A_83 = arith.addi %mul3A_81, %add3A_82 : i32
        %dma_start3A_84 = arith.constant 0 : i32
        %dma_start3A_85 = tpu.memref_slice %arg9[%add3A_83, %dma_start3A_84] : memref<160x128xi32, #tpu.memory_space<vmem>> -> memref<1x128xi32, #tpu.memory_space<vmem>>
        %dma_start3A_86 = tpu.memref_squeeze %dma_start3A_85 : memref<1x128xi32, #tpu.memory_space<vmem>> -> memref<128xi32, #tpu.memory_space<vmem>>
        %dma_start3A_87 = arith.constant 0 : i32
        %dma_start3A_88 = arith.constant 0 : i32
        %dma_start3A_89 = tpu.memref_slice %arg3[%dma_start3A_87, %dma_start3A_88] : memref<10000x128xf32, #tpu.memory_space<hbm>> -> memref<10000x128xf32, #tpu.memory_space<hbm>>
        tpu.enqueue_indirect_dma source(%dma_start3A_89 : memref<10000x128xf32, #tpu.memory_space<hbm>>) target(%arg12 : memref<128x128xf32, #tpu.memory_space<vmem>>) offsets(%dma_start3A_86 : memref<128xi32, #tpu.memory_space<vmem>>) semaphore(%arg15 : memref<!tpu.dma_semaphore, #tpu.memory_space<semaphore_mem>>)
        %dma_wait3A = arith.constant 0 : i32
        %dma_wait3A_90 = tpu.memref_slice %arg9[%mul3A_81, %dma_wait3A] : memref<160x128xi32, #tpu.memory_space<vmem>> -> memref<1x128xi32, #tpu.memory_space<vmem>>
        %dma_wait3A_91 = tpu.memref_squeeze %dma_wait3A_90 : memref<1x128xi32, #tpu.memory_space<vmem>> -> memref<128xi32, #tpu.memory_space<vmem>>
        %dma_wait3A_92 = arith.constant 0 : i32
        %dma_wait3A_93 = arith.constant 0 : i32
        %dma_wait3A_94 = tpu.memref_slice %arg3[%dma_wait3A_92, %dma_wait3A_93] : memref<10000x128xf32, #tpu.memory_space<hbm>> -> memref<10000x128xf32, #tpu.memory_space<hbm>>
        tpu.wait_indirect_dma semaphore(%arg14 : memref<!tpu.dma_semaphore, #tpu.memory_space<semaphore_mem>>) src(%dma_wait3A_94 : memref<10000x128xf32, #tpu.memory_space<hbm>>) dst(%arg11 : memref<128x128xf32, #tpu.memory_space<vmem>>)
        "tpu.region"() ({
          %run_scoped3A = tpu.sem_alloc : memref<!tpu.dma_semaphore, #tpu.memory_space<semaphore_mem>>
          %dma_start3A_111 = arith.constant 0 : i32
          %dma_start3A_112 = tpu.memref_slice %arg10[%mul3A_81, %dma_start3A_111] : memref<160x128xi32, #tpu.memory_space<vmem>> -> memref<1x128xi32, #tpu.memory_space<vmem>>
          %dma_start3A_113 = tpu.memref_squeeze %dma_start3A_112 : memref<1x128xi32, #tpu.memory_space<vmem>> -> memref<128xi32, #tpu.memory_space<vmem>>
          %dma_start3A_114 = arith.constant 0 : i32
          %dma_start3A_115 = arith.constant 0 : i32
          %dma_start3A_116 = tpu.memref_slice %arg13[%dma_start3A_114, %dma_start3A_115] : memref<5248x128xf32, #tpu.memory_space<vmem_shared>> -> memref<5248x128xf32, #tpu.memory_space<vmem_shared>>
          tpu.enqueue_indirect_dma source(%arg11 : memref<128x128xf32, #tpu.memory_space<vmem>>) target(%dma_start3A_116 : memref<5248x128xf32, #tpu.memory_space<vmem_shared>>) offsets(%dma_start3A_113 : memref<128xi32, #tpu.memory_space<vmem>>) semaphore(%run_scoped3A : memref<!tpu.dma_semaphore, #tpu.memory_space<semaphore_mem>>) {add = true}
          %dma_wait3A_117 = arith.constant 0 : i32
          %dma_wait3A_118 = tpu.memref_slice %arg10[%mul3A_81, %dma_wait3A_117] : memref<160x128xi32, #tpu.memory_space<vmem>> -> memref<1x128xi32, #tpu.memory_space<vmem>>
          %dma_wait3A_119 = tpu.memref_squeeze %dma_wait3A_118 : memref<1x128xi32, #tpu.memory_space<vmem>> -> memref<128xi32, #tpu.memory_space<vmem>>
          %dma_wait3A_120 = arith.constant 0 : i32
          %dma_wait3A_121 = arith.constant 0 : i32
          %dma_wait3A_122 = tpu.memref_slice %arg13[%dma_wait3A_120, %dma_wait3A_121] : memref<5248x128xf32, #tpu.memory_space<vmem_shared>> -> memref<5248x128xf32, #tpu.memory_space<vmem_shared>>
          tpu.wait_indirect_dma semaphore(%run_scoped3A : memref<!tpu.dma_semaphore, #tpu.memory_space<semaphore_mem>>) src(%arg11 : memref<128x128xf32, #tpu.memory_space<vmem>>) dst(%dma_wait3A_122 : memref<5248x128xf32, #tpu.memory_space<vmem_shared>>)
          tpu.yield
        }) : () -> ()
        %add3A_95 = arith.constant 2 : i32
        %add3A_96 = arith.addi %mul3A_81, %add3A_95 : i32
        %lt3A = arith.constant 160 : i32
        %lt3A_97 = arith.cmpi slt, %add3A_96, %lt3A : i32
        %convert_element_type3A_98 = arith.extui %lt3A_97 : i1 to i32
        %cond3A_99 = arith.constant 0 : i32
        %cond3A_100 = arith.cmpi ne, %convert_element_type3A_98, %cond3A_99 : i32
        scf.if %cond3A_100 {
          %add3A_111 = arith.constant 2 : i32
          %add3A_112 = arith.addi %mul3A_81, %add3A_111 : i32
          %dma_start3A_113 = arith.constant 0 : i32
          %dma_start3A_114 = tpu.memref_slice %arg9[%add3A_112, %dma_start3A_113] : memref<160x128xi32, #tpu.memory_space<vmem>> -> memref<1x128xi32, #tpu.memory_space<vmem>>
          %dma_start3A_115 = tpu.memref_squeeze %dma_start3A_114 : memref<1x128xi32, #tpu.memory_space<vmem>> -> memref<128xi32, #tpu.memory_space<vmem>>
          %dma_start3A_116 = arith.constant 0 : i32
          %dma_start3A_117 = arith.constant 0 : i32
          %dma_start3A_118 = tpu.memref_slice %arg3[%dma_start3A_116, %dma_start3A_117] : memref<10000x128xf32, #tpu.memory_space<hbm>> -> memref<10000x128xf32, #tpu.memory_space<hbm>>
          tpu.enqueue_indirect_dma source(%dma_start3A_118 : memref<10000x128xf32, #tpu.memory_space<hbm>>) target(%arg11 : memref<128x128xf32, #tpu.memory_space<vmem>>) offsets(%dma_start3A_115 : memref<128xi32, #tpu.memory_space<vmem>>) semaphore(%arg14 : memref<!tpu.dma_semaphore, #tpu.memory_space<semaphore_mem>>)
        } else {
        }
        %add3A_101 = arith.constant 1 : i32
        %add3A_102 = arith.addi %mul3A_81, %add3A_101 : i32
        %dma_wait3A_103 = arith.constant 0 : i32
        %dma_wait3A_104 = tpu.memref_slice %arg9[%add3A_102, %dma_wait3A_103] : memref<160x128xi32, #tpu.memory_space<vmem>> -> memref<1x128xi32, #tpu.memory_space<vmem>>
        %dma_wait3A_105 = tpu.memref_squeeze %dma_wait3A_104 : memref<1x128xi32, #tpu.memory_space<vmem>> -> memref<128xi32, #tpu.memory_space<vmem>>
        %dma_wait3A_106 = arith.constant 0 : i32
        %dma_wait3A_107 = arith.constant 0 : i32
        %dma_wait3A_108 = tpu.memref_slice %arg3[%dma_wait3A_106, %dma_wait3A_107] : memref<10000x128xf32, #tpu.memory_space<hbm>> -> memref<10000x128xf32, #tpu.memory_space<hbm>>
        tpu.wait_indirect_dma semaphore(%arg15 : memref<!tpu.dma_semaphore, #tpu.memory_space<semaphore_mem>>) src(%dma_wait3A_108 : memref<10000x128xf32, #tpu.memory_space<hbm>>) dst(%arg12 : memref<128x128xf32, #tpu.memory_space<vmem>>)
        %add3A_109 = arith.constant 1 : i32
        %add3A_110 = arith.addi %mul3A_81, %add3A_109 : i32
        "tpu.region"() ({
          %run_scoped3A = tpu.sem_alloc : memref<!tpu.dma_semaphore, #tpu.memory_space<semaphore_mem>>
          %dma_start3A_111 = arith.constant 0 : i32
          %dma_start3A_112 = tpu.memref_slice %arg10[%add3A_110, %dma_start3A_111] : memref<160x128xi32, #tpu.memory_space<vmem>> -> memref<1x128xi32, #tpu.memory_space<vmem>>
          %dma_start3A_113 = tpu.memref_squeeze %dma_start3A_112 : memref<1x128xi32, #tpu.memory_space<vmem>> -> memref<128xi32, #tpu.memory_space<vmem>>
          %dma_start3A_114 = arith.constant 0 : i32
          %dma_start3A_115 = arith.constant 0 : i32
          %dma_start3A_116 = tpu.memref_slice %arg13[%dma_start3A_114, %dma_start3A_115] : memref<5248x128xf32, #tpu.memory_space<vmem_shared>> -> memref<5248x128xf32, #tpu.memory_space<vmem_shared>>
          tpu.enqueue_indirect_dma source(%arg12 : memref<128x128xf32, #tpu.memory_space<vmem>>) target(%dma_start3A_116 : memref<5248x128xf32, #tpu.memory_space<vmem_shared>>) offsets(%dma_start3A_113 : memref<128xi32, #tpu.memory_space<vmem>>) semaphore(%run_scoped3A : memref<!tpu.dma_semaphore, #tpu.memory_space<semaphore_mem>>) {add = true}
          %dma_wait3A_117 = arith.constant 0 : i32
          %dma_wait3A_118 = tpu.memref_slice %arg10[%add3A_110, %dma_wait3A_117] : memref<160x128xi32, #tpu.memory_space<vmem>> -> memref<1x128xi32, #tpu.memory_space<vmem>>
          %dma_wait3A_119 = tpu.memref_squeeze %dma_wait3A_118 : memref<1x128xi32, #tpu.memory_space<vmem>> -> memref<128xi32, #tpu.memory_space<vmem>>
          %dma_wait3A_120 = arith.constant 0 : i32
          %dma_wait3A_121 = arith.constant 0 : i32
          %dma_wait3A_122 = tpu.memref_slice %arg13[%dma_wait3A_120, %dma_wait3A_121] : memref<5248x128xf32, #tpu.memory_space<vmem_shared>> -> memref<5248x128xf32, #tpu.memory_space<vmem_shared>>
          tpu.wait_indirect_dma semaphore(%run_scoped3A : memref<!tpu.dma_semaphore, #tpu.memory_space<semaphore_mem>>) src(%arg12 : memref<128x128xf32, #tpu.memory_space<vmem>>) dst(%dma_wait3A_122 : memref<5248x128xf32, #tpu.memory_space<vmem_shared>>)
          tpu.yield
        }) : () -> ()
      }
      %scan3A_70 = arith.constant 80 : i32
      %barrier3A_71 = arith.constant 0 : index
      tpu.barrier barrier_id(%barrier3A_71)
      %mul3A_72 = arith.constant 320 : i32
      %mul3A_73 = arith.muli %arg1, %mul3A_72 : i32
      %mul3A_74 = arith.constant 320 : i32
      %mul3A_75 = arith.muli %arg1, %mul3A_74 : i32
      %add3A_76 = arith.constant 5120 : i32
      %add3A_77 = arith.addi %add3A_76, %mul3A_75 : i32
      "tpu.region"() ({
        %run_scoped3A = tpu.sem_alloc : memref<!tpu.dma_semaphore, #tpu.memory_space<semaphore_mem>>
        %dma_start3A_79 = arith.constant 0 : i32
        %dma_start3A_80 = tpu.memref_slice %arg8[%add3A_77, %dma_start3A_79] : memref<10240x128xf32, #tpu.memory_space<hbm>> -> memref<320x128xf32, #tpu.memory_space<hbm>>
        %dma_start3A_81 = arith.constant 0 : i32
        %dma_start3A_82 = tpu.memref_slice %arg13[%mul3A_73, %dma_start3A_81] : memref<5248x128xf32, #tpu.memory_space<vmem_shared>> -> memref<320x128xf32, #tpu.memory_space<vmem_shared>>
        tpu.enqueue_dma source(%dma_start3A_82 : memref<320x128xf32, #tpu.memory_space<vmem_shared>>) target(%dma_start3A_80 : memref<320x128xf32, #tpu.memory_space<hbm>>) target_semaphore(%run_scoped3A : memref<!tpu.dma_semaphore, #tpu.memory_space<semaphore_mem>>)
        %dma_wait3A = arith.constant 0 : i32
        %dma_wait3A_83 = tpu.memref_slice %arg8[%add3A_77, %dma_wait3A] : memref<10240x128xf32, #tpu.memory_space<hbm>> -> memref<320x128xf32, #tpu.memory_space<hbm>>
        %dma_wait3A_84 = arith.constant 0 : i32
        %dma_wait3A_85 = tpu.memref_slice %arg13[%mul3A_73, %dma_wait3A_84] : memref<5248x128xf32, #tpu.memory_space<vmem_shared>> -> memref<320x128xf32, #tpu.memory_space<vmem_shared>>
        tpu.wait_dma2 semaphore(%run_scoped3A : memref<!tpu.dma_semaphore, #tpu.memory_space<semaphore_mem>>) src(%dma_wait3A_85 : memref<320x128xf32, #tpu.memory_space<vmem_shared>>) dst(%dma_wait3A_83 : memref<320x128xf32, #tpu.memory_space<hbm>>)
        tpu.yield
      }) : () -> ()
      %barrier3A_78 = arith.constant 0 : index
      tpu.barrier barrier_id(%barrier3A_78)
    } else {
    }
    return
  }
}

module attributes {stable_mosaic.version = 14 : i64} {
  func.func @_tc1_body(%arg0: i32, %arg1: memref<1000x128xf32, #tpu.memory_space<vmem>>, %arg2: memref<1000x1xf32, #tpu.memory_space<vmem>>, %arg3: memref<256x128xi32, #tpu.memory_space<vmem>>, %arg4: memref<128x256xf32, #tpu.memory_space<vmem>>, %arg5: memref<1x256xf32, #tpu.memory_space<vmem>>, %arg6: memref<256x256xf32, #tpu.memory_space<vmem>>, %arg7: memref<1x256xf32, #tpu.memory_space<vmem>>, %arg8: memref<256x256xf32, #tpu.memory_space<vmem>>, %arg9: memref<1x256xf32, #tpu.memory_space<vmem>>, %arg10: memref<256x256xf32, #tpu.memory_space<vmem>>, %arg11: memref<1000x256xf32, #tpu.memory_space<vmem>>, %arg12: memref<1000x128xf32, #tpu.memory_space<vmem>>, %arg13: memref<1000x128xf32, #tpu.memory_space<vmem>>, %arg14: memref<256x128xi32, #tpu.memory_space<vmem>>, %arg15: memref<256x128xi32, #tpu.memory_space<vmem>>, %arg16: memref<1x256xf32, #tpu.memory_space<vmem>>, %arg17: memref<1x256xf32, #tpu.memory_space<vmem>>, %arg18: memref<1x256xf32, #tpu.memory_space<vmem>>, %arg19: memref<1x256xf32, #tpu.memory_space<vmem>>) attributes {dimension_semantics = [#tpu.dimension_semantics<arbitrary>], iteration_bounds = array<i64: 10>, scalar_prefetch = 0 : i64, scratch_operands = 2 : i64, tpu.core_type = #tpu.core_type<tc>, window_params = [{transform_indices = @transform_0, window_bounds = array<i64: 1000, 128>}, {transform_indices = @transform_1, window_bounds = array<i64: 1000, 1>}, {transform_indices = @transform_2, window_bounds = array<i64: 256, 128>}, {pipeline_mode = #tpu.pipeline_mode<synchronous>, transform_indices = @transform_3, window_bounds = array<i64: 128, 256>}, {pipeline_mode = #tpu.pipeline_mode<synchronous>, transform_indices = @transform_4, window_bounds = array<i64: 1, 256>}, {pipeline_mode = #tpu.pipeline_mode<synchronous>, transform_indices = @transform_5, window_bounds = array<i64: 256, 256>}, {pipeline_mode = #tpu.pipeline_mode<synchronous>, transform_indices = @transform_6, window_bounds = array<i64: 1, 256>}, {pipeline_mode = #tpu.pipeline_mode<synchronous>, transform_indices = @transform_7, window_bounds = array<i64: 256, 256>}, {pipeline_mode = #tpu.pipeline_mode<synchronous>, transform_indices = @transform_8, window_bounds = array<i64: 1, 256>}, {pipeline_mode = #tpu.pipeline_mode<synchronous>, transform_indices = @transform_9, window_bounds = array<i64: 256, 256>}, {transform_indices = @transform_10, window_bounds = array<i64: 1000, 256>}, {transform_indices = @transform_11, window_bounds = array<i64: 1000, 128>}, {transform_indices = @transform_12, window_bounds = array<i64: 1000, 128>}, {transform_indices = @transform_13, window_bounds = array<i64: 256, 128>}, {transform_indices = @transform_14, window_bounds = array<i64: 256, 128>}, {pipeline_mode = #tpu.pipeline_mode<synchronous>, transform_indices = @transform_15, window_bounds = array<i64: 1, 256>}, {pipeline_mode = #tpu.pipeline_mode<synchronous>, transform_indices = @transform_16, window_bounds = array<i64: 1, 256>}]} {
    %get3A = arith.constant 0 : index
    %get3A_0 = arith.constant 0 : index
    %get3A_1 = vector.load %arg2[%get3A, %get3A_0] : memref<1000x1xf32, #tpu.memory_space<vmem>>, vector<1000x1xf32>
    %add3A = arith.constant 1.000000e+00 : f32
    %add3A_2 = vector.broadcast %add3A : f32 to vector<1000x1xf32>
    %add3A_3 = arith.addf %get3A_1, %add3A_2 : vector<1000x1xf32>
    %rsqrt3A = math.rsqrt %add3A_3 : vector<1000x1xf32>
    %get3A_4 = arith.constant 0 : index
    %get3A_5 = arith.constant 0 : index
    %get3A_6 = vector.load %arg3[%get3A_4, %get3A_5] : memref<256x128xi32, #tpu.memory_space<vmem>>, vector<256x128xi32>
    %iota3A = tpu.iota {dimensions = array<i32: 1>} : vector<256x128xi32>
    %add3A_7 = arith.constant 5120 : i32
    %add3A_8 = vector.broadcast %add3A_7 : i32 to vector<256x128xi32>
    %add3A_9 = arith.addi %add3A_8, %iota3A : vector<256x128xi32>
    %lt3A = arith.constant 0 : i32
    %lt3A_10 = vector.broadcast %lt3A : i32 to vector<256x128xi32>
    %lt3A_11 = arith.cmpi slt, %get3A_6, %lt3A_10 : vector<256x128xi32>
    %ge3A = arith.constant 5120 : i32
    %ge3A_12 = vector.broadcast %ge3A : i32 to vector<256x128xi32>
    %ge3A_13 = arith.cmpi sge, %get3A_6, %ge3A_12 : vector<256x128xi32>
    %or3A = arith.ori %lt3A_11, %ge3A_13 : vector<256x128xi1>
    %select_n3A = arith.select %or3A, %add3A_9, %get3A_6 : vector<256x128xi1>, vector<256x128xi32>
    %swap3A = arith.constant 0 : index
    %swap3A_14 = arith.constant 0 : index
    %swap3A_15 = vector.load %arg14[%swap3A, %swap3A_14] : memref<256x128xi32, #tpu.memory_space<vmem>>, vector<256x128xi32>
    tpu.vector_store %arg14[%swap3A, %swap3A_14], %select_n3A {strides = array<i32>} : memref<256x128xi32, #tpu.memory_space<vmem>>, vector<256x128xi32>,
    %sub3A = arith.constant 5120 : i32
    %sub3A_16 = vector.broadcast %sub3A : i32 to vector<256x128xi32>
    %sub3A_17 = arith.subi %get3A_6, %sub3A_16 : vector<256x128xi32>
    %lt3A_18 = arith.constant 0 : i32
    %lt3A_19 = vector.broadcast %lt3A_18 : i32 to vector<256x128xi32>
    %lt3A_20 = arith.cmpi slt, %sub3A_17, %lt3A_19 : vector<256x128xi32>
    %ge3A_21 = arith.constant 5120 : i32
    %ge3A_22 = vector.broadcast %ge3A_21 : i32 to vector<256x128xi32>
    %ge3A_23 = arith.cmpi sge, %sub3A_17, %ge3A_22 : vector<256x128xi32>
    %or3A_24 = arith.ori %lt3A_20, %ge3A_23 : vector<256x128xi1>
    %select_n3A_25 = arith.select %or3A_24, %add3A_9, %sub3A_17 : vector<256x128xi1>, vector<256x128xi32>
    %swap3A_26 = arith.constant 0 : index
    %swap3A_27 = arith.constant 0 : index
    %swap3A_28 = vector.load %arg15[%swap3A_26, %swap3A_27] : memref<256x128xi32, #tpu.memory_space<vmem>>, vector<256x128xi32>
    tpu.vector_store %arg15[%swap3A_26, %swap3A_27], %select_n3A_25 {strides = array<i32>} : memref<256x128xi32, #tpu.memory_space<vmem>>, vector<256x128xi32>,
    %get3A_29 = arith.constant 0 : index
    %get3A_30 = arith.constant 0 : index
    %get3A_31 = vector.load %arg1[%get3A_29, %get3A_30] : memref<1000x128xf32, #tpu.memory_space<vmem>>, vector<1000x128xf32>
    %get3A_32 = arith.constant 0 : index
    %get3A_33 = arith.constant 0 : index
    %get3A_34 = vector.load %arg4[%get3A_32, %get3A_33] : memref<128x256xf32, #tpu.memory_space<vmem>>, vector<128x256xf32>
    %dot_general3A = arith.constant dense<0.000000e+00> : vector<1000x256xf32>
    %dot_general3A_35 = tpu.matmul %get3A_31, %get3A_34, %dot_general3A {dimension_numbers = #tpu.dot_dimension_numbers<[1], [0], [0], [1], [0, 0, 1, 1], [], []>, transpose_lhs_hint = false} : vector<1000x128xf32>, vector<128x256xf32>, vector<1000x256xf32> -> vector<1000x256xf32>
    %get3A_36 = arith.constant 0 : index
    %get3A_37 = arith.constant 0 : index
    %get3A_38 = vector.load %arg5[%get3A_36, %get3A_37] : memref<1x256xf32, #tpu.memory_space<vmem>>, vector<1x256xf32>
    %add3A_39 = vector.broadcast %get3A_38 : vector<1x256xf32> to vector<1000x256xf32>
    %add3A_40 = arith.addf %dot_general3A_35, %add3A_39 : vector<1000x256xf32>
    %tanh3A = math.tanh %add3A_40 : vector<1000x256xf32>
    %get3A_41 = arith.constant 0 : index
    %get3A_42 = arith.constant 0 : index
    %get3A_43 = vector.load %arg6[%get3A_41, %get3A_42] : memref<256x256xf32, #tpu.memory_space<vmem>>, vector<256x256xf32>
    %dot_general3A_44 = arith.constant dense<0.000000e+00> : vector<1000x256xf32>
    %dot_general3A_45 = tpu.matmul %tanh3A, %get3A_43, %dot_general3A_44 {dimension_numbers = #tpu.dot_dimension_numbers<[1], [0], [0], [1], [0, 0, 1, 1], [], []>, transpose_lhs_hint = false} : vector<1000x256xf32>, vector<256x256xf32>, vector<1000x256xf32> -> vector<1000x256xf32>
    %get3A_46 = arith.constant 0 : index
    %get3A_47 = arith.constant 0 : index
    %get3A_48 = vector.load %arg7[%get3A_46, %get3A_47] : memref<1x256xf32, #tpu.memory_space<vmem>>, vector<1x256xf32>
    %add3A_49 = vector.broadcast %get3A_48 : vector<1x256xf32> to vector<1000x256xf32>
    %add3A_50 = arith.addf %dot_general3A_45, %add3A_49 : vector<1000x256xf32>
    %tanh3A_51 = math.tanh %add3A_50 : vector<1000x256xf32>
    %get3A_52 = arith.constant 0 : index
    %get3A_53 = arith.constant 0 : index
    %get3A_54 = vector.load %arg8[%get3A_52, %get3A_53] : memref<256x256xf32, #tpu.memory_space<vmem>>, vector<256x256xf32>
    %dot_general3A_55 = arith.constant dense<0.000000e+00> : vector<1000x256xf32>
    %dot_general3A_56 = tpu.matmul %tanh3A_51, %get3A_54, %dot_general3A_55 {dimension_numbers = #tpu.dot_dimension_numbers<[1], [0], [0], [1], [0, 0, 1, 1], [], []>, transpose_lhs_hint = false} : vector<1000x256xf32>, vector<256x256xf32>, vector<1000x256xf32> -> vector<1000x256xf32>
    %get3A_57 = arith.constant 0 : index
    %get3A_58 = arith.constant 0 : index
    %get3A_59 = vector.load %arg9[%get3A_57, %get3A_58] : memref<1x256xf32, #tpu.memory_space<vmem>>, vector<1x256xf32>
    %add3A_60 = vector.broadcast %get3A_59 : vector<1x256xf32> to vector<1000x256xf32>
    %add3A_61 = arith.addf %dot_general3A_56, %add3A_60 : vector<1000x256xf32>
    %tanh3A_62 = math.tanh %add3A_61 : vector<1000x256xf32>
    %get3A_63 = arith.constant 0 : index
    %get3A_64 = arith.constant 0 : index
    %get3A_65 = vector.load %arg10[%get3A_63, %get3A_64] : memref<256x256xf32, #tpu.memory_space<vmem>>, vector<256x256xf32>
    %dot_general3A_66 = arith.constant dense<0.000000e+00> : vector<1000x256xf32>
    %dot_general3A_67 = tpu.matmul %tanh3A_62, %get3A_65, %dot_general3A_66 {dimension_numbers = #tpu.dot_dimension_numbers<[1], [0], [0], [1], [0, 0, 1, 1], [], []>, transpose_lhs_hint = false} : vector<1000x256xf32>, vector<256x256xf32>, vector<1000x256xf32> -> vector<1000x256xf32>
    %mul3A = vector.broadcast %rsqrt3A : vector<1000x1xf32> to vector<1000x256xf32>
    %mul3A_68 = arith.mulf %dot_general3A_67, %mul3A : vector<1000x256xf32>
    %swap3A_69 = arith.constant 0 : index
    %swap3A_70 = arith.constant 0 : index
    %swap3A_71 = vector.load %arg11[%swap3A_69, %swap3A_70] : memref<1000x256xf32, #tpu.memory_space<vmem>>, vector<1000x256xf32>
    tpu.vector_store %arg11[%swap3A_69, %swap3A_70], %tanh3A_62 {strides = array<i32>} : memref<1000x256xf32, #tpu.memory_space<vmem>>, vector<1000x256xf32>,
    %slice3A = vector.extract_strided_slice %mul3A_68 {offsets = [0, 0], sizes = [1000, 128], strides = [1, 1]} : vector<1000x256xf32> to vector<1000x128xf32>
    %swap3A_72 = arith.constant 0 : index
    %swap3A_73 = arith.constant 0 : index
    %swap3A_74 = vector.load %arg12[%swap3A_72, %swap3A_73] : memref<1000x128xf32, #tpu.memory_space<vmem>>, vector<1000x128xf32>
    tpu.vector_store %arg12[%swap3A_72, %swap3A_73], %slice3A {strides = array<i32>} : memref<1000x128xf32, #tpu.memory_space<vmem>>, vector<1000x128xf32>,
    %slice3A_75 = vector.extract_strided_slice %mul3A_68 {offsets = [0, 128], sizes = [1000, 128], strides = [1, 1]} : vector<1000x256xf32> to vector<1000x128xf32>
    %swap3A_76 = arith.constant 0 : index
    %swap3A_77 = arith.constant 0 : index
    %swap3A_78 = vector.load %arg13[%swap3A_76, %swap3A_77] : memref<1000x128xf32, #tpu.memory_space<vmem>>, vector<1000x128xf32>
    tpu.vector_store %arg13[%swap3A_76, %swap3A_77], %slice3A_75 {strides = array<i32>} : memref<1000x128xf32, #tpu.memory_space<vmem>>, vector<1000x128xf32>,
    %reduce_sum3A = arith.constant dense<0.000000e+00> : vector<256xf32>
    %reduce_sum3A_79 = vector.multi_reduction <add>, %tanh3A_62, %reduce_sum3A [0] : vector<1000x256xf32> to vector<256xf32>
    %broadcast_in_dim3A = vector.shape_cast %reduce_sum3A_79 : vector<256xf32> to vector<1x256xf32>
    %reduce_max3A = arith.constant dense<0xFF800000> : vector<256xf32>
    %reduce_max3A_80 = vector.multi_reduction <maximumf>, %tanh3A_62, %reduce_max3A [0] : vector<1000x256xf32> to vector<256xf32>
    %broadcast_in_dim3A_81 = vector.shape_cast %reduce_max3A_80 : vector<256xf32> to vector<1x256xf32>
    %eq3A = arith.constant 0 : i32
    %eq3A_82 = arith.cmpi eq, %arg0, %eq3A : i32
    %convert_element_type3A = arith.extui %eq3A_82 : i1 to i32
    %cond3A = arith.constant 0 : i32
    %cond3A_83 = arith.cmpi ne, %convert_element_type3A, %cond3A : i32
    scf.if %cond3A_83 {
      %swap3A_93 = arith.constant 0 : index
      %swap3A_94 = arith.constant 0 : index
      %swap3A_95 = vector.load %arg18[%swap3A_93, %swap3A_94] : memref<1x256xf32, #tpu.memory_space<vmem>>, vector<1x256xf32>
      tpu.vector_store %arg18[%swap3A_93, %swap3A_94], %broadcast_in_dim3A {strides = array<i32>} : memref<1x256xf32, #tpu.memory_space<vmem>>, vector<1x256xf32>,
      %swap3A_96 = arith.constant 0 : index
      %swap3A_97 = arith.constant 0 : index
      %swap3A_98 = vector.load %arg19[%swap3A_96, %swap3A_97] : memref<1x256xf32, #tpu.memory_space<vmem>>, vector<1x256xf32>
      tpu.vector_store %arg19[%swap3A_96, %swap3A_97], %broadcast_in_dim3A_81 {strides = array<i32>} : memref<1x256xf32, #tpu.memory_space<vmem>>, vector<1x256xf32>,
    } else {
    }
    %gt3A = arith.constant 0 : i32
    %gt3A_84 = arith.cmpi sgt, %arg0, %gt3A : i32
    %convert_element_type3A_85 = arith.extui %gt3A_84 : i1 to i32
    %cond3A_86 = arith.constant 0 : i32
    %cond3A_87 = arith.cmpi ne, %convert_element_type3A_85, %cond3A_86 : i32
    scf.if %cond3A_87 {
      %get3A_93 = arith.constant 0 : index
      %get3A_94 = arith.constant 0 : index
      %get3A_95 = vector.load %arg18[%get3A_93, %get3A_94] : memref<1x256xf32, #tpu.memory_space<vmem>>, vector<1x256xf32>
      %add3A_96 = arith.addf %get3A_95, %broadcast_in_dim3A : vector<1x256xf32>
      %swap3A_97 = arith.constant 0 : index
      %swap3A_98 = arith.constant 0 : index
      %swap3A_99 = vector.load %arg18[%swap3A_97, %swap3A_98] : memref<1x256xf32, #tpu.memory_space<vmem>>, vector<1x256xf32>
      tpu.vector_store %arg18[%swap3A_97, %swap3A_98], %add3A_96 {strides = array<i32>} : memref<1x256xf32, #tpu.memory_space<vmem>>, vector<1x256xf32>,
      %get3A_100 = arith.constant 0 : index
      %get3A_101 = arith.constant 0 : index
      %get3A_102 = vector.load %arg19[%get3A_100, %get3A_101] : memref<1x256xf32, #tpu.memory_space<vmem>>, vector<1x256xf32>
      %max3A = arith.maximumf %get3A_102, %broadcast_in_dim3A_81 : vector<1x256xf32>
      %swap3A_103 = arith.constant 0 : index
      %swap3A_104 = arith.constant 0 : index
      %swap3A_105 = vector.load %arg19[%swap3A_103, %swap3A_104] : memref<1x256xf32, #tpu.memory_space<vmem>>, vector<1x256xf32>
      tpu.vector_store %arg19[%swap3A_103, %swap3A_104], %max3A {strides = array<i32>} : memref<1x256xf32, #tpu.memory_space<vmem>>, vector<1x256xf32>,
    } else {
    }
    %eq3A_88 = arith.constant 9 : i32
    %eq3A_89 = arith.cmpi eq, %arg0, %eq3A_88 : i32
    %convert_element_type3A_90 = arith.extui %eq3A_89 : i1 to i32
    %cond3A_91 = arith.constant 0 : i32
    %cond3A_92 = arith.cmpi ne, %convert_element_type3A_90, %cond3A_91 : i32
    scf.if %cond3A_92 {
      %get3A_93 = arith.constant 0 : index
      %get3A_94 = arith.constant 0 : index
      %get3A_95 = vector.load %arg18[%get3A_93, %get3A_94] : memref<1x256xf32, #tpu.memory_space<vmem>>, vector<1x256xf32>
      %swap3A_96 = arith.constant 0 : index
      %swap3A_97 = arith.constant 0 : index
      %swap3A_98 = vector.load %arg16[%swap3A_96, %swap3A_97] : memref<1x256xf32, #tpu.memory_space<vmem>>, vector<1x256xf32>
      tpu.vector_store %arg16[%swap3A_96, %swap3A_97], %get3A_95 {strides = array<i32>} : memref<1x256xf32, #tpu.memory_space<vmem>>, vector<1x256xf32>,
      %get3A_99 = arith.constant 0 : index
      %get3A_100 = arith.constant 0 : index
      %get3A_101 = vector.load %arg19[%get3A_99, %get3A_100] : memref<1x256xf32, #tpu.memory_space<vmem>>, vector<1x256xf32>
      %swap3A_102 = arith.constant 0 : index
      %swap3A_103 = arith.constant 0 : index
      %swap3A_104 = vector.load %arg17[%swap3A_102, %swap3A_103] : memref<1x256xf32, #tpu.memory_space<vmem>>, vector<1x256xf32>
      tpu.vector_store %arg17[%swap3A_102, %swap3A_103], %get3A_101 {strides = array<i32>} : memref<1x256xf32, #tpu.memory_space<vmem>>, vector<1x256xf32>,
    } else {
    }
    return
  }
  func.func @transform_0(%arg0: i32) -> (i32, i32) {
    %c0_i32 = arith.constant 0 : i32
    %c0_i32_0 = arith.constant 0 : i32
    return %arg0, %c0_i32 : i32, i32
  }
  func.func @transform_1(%arg0: i32) -> (i32, i32) {
    %c0_i32 = arith.constant 0 : i32
    %c0_i32_0 = arith.constant 0 : i32
    return %arg0, %c0_i32 : i32, i32
  }
  func.func @transform_2(%arg0: i32) -> (i32, i32) {
    %c0_i32 = arith.constant 0 : i32
    %c0_i32_0 = arith.constant 0 : i32
    return %arg0, %c0_i32 : i32, i32
  }
  func.func @transform_3(%arg0: i32) -> (i32, i32) {
    %c0_i32 = arith.constant 0 : i32
    %c0_i32_0 = arith.constant 0 : i32
    %c0_i32_1 = arith.constant 0 : i32
    return %c0_i32, %c0_i32_0 : i32, i32
  }
  func.func @transform_4(%arg0: i32) -> (i32, i32) {
    %c0_i32 = arith.constant 0 : i32
    %c0_i32_0 = arith.constant 0 : i32
    %c0_i32_1 = arith.constant 0 : i32
    return %c0_i32, %c0_i32_0 : i32, i32
  }
  func.func @transform_5(%arg0: i32) -> (i32, i32) {
    %c0_i32 = arith.constant 0 : i32
    %c0_i32_0 = arith.constant 0 : i32
    %c0_i32_1 = arith.constant 0 : i32
    return %c0_i32, %c0_i32_0 : i32, i32
  }
  func.func @transform_6(%arg0: i32) -> (i32, i32) {
    %c0_i32 = arith.constant 0 : i32
    %c0_i32_0 = arith.constant 0 : i32
    %c0_i32_1 = arith.constant 0 : i32
    return %c0_i32, %c0_i32_0 : i32, i32
  }
  func.func @transform_7(%arg0: i32) -> (i32, i32) {
    %c0_i32 = arith.constant 0 : i32
    %c0_i32_0 = arith.constant 0 : i32
    %c0_i32_1 = arith.constant 0 : i32
    return %c0_i32, %c0_i32_0 : i32, i32
  }
  func.func @transform_8(%arg0: i32) -> (i32, i32) {
    %c0_i32 = arith.constant 0 : i32
    %c0_i32_0 = arith.constant 0 : i32
    %c0_i32_1 = arith.constant 0 : i32
    return %c0_i32, %c0_i32_0 : i32, i32
  }
  func.func @transform_9(%arg0: i32) -> (i32, i32) {
    %c0_i32 = arith.constant 0 : i32
    %c0_i32_0 = arith.constant 0 : i32
    %c0_i32_1 = arith.constant 0 : i32
    return %c0_i32, %c0_i32_0 : i32, i32
  }
  func.func @transform_10(%arg0: i32) -> (i32, i32) {
    %c0_i32 = arith.constant 0 : i32
    %c0_i32_0 = arith.constant 0 : i32
    return %arg0, %c0_i32 : i32, i32
  }
  func.func @transform_11(%arg0: i32) -> (i32, i32) {
    %c0_i32 = arith.constant 0 : i32
    %c0_i32_0 = arith.constant 0 : i32
    return %arg0, %c0_i32 : i32, i32
  }
  func.func @transform_12(%arg0: i32) -> (i32, i32) {
    %c0_i32 = arith.constant 0 : i32
    %c0_i32_0 = arith.constant 0 : i32
    return %arg0, %c0_i32 : i32, i32
  }
  func.func @transform_13(%arg0: i32) -> (i32, i32) {
    %c0_i32 = arith.constant 0 : i32
    %c0_i32_0 = arith.constant 0 : i32
    return %arg0, %c0_i32 : i32, i32
  }
  func.func @transform_14(%arg0: i32) -> (i32, i32) {
    %c0_i32 = arith.constant 0 : i32
    %c0_i32_0 = arith.constant 0 : i32
    return %arg0, %c0_i32 : i32, i32
  }
  func.func @transform_15(%arg0: i32) -> (i32, i32) {
    %c0_i32 = arith.constant 0 : i32
    %c0_i32_0 = arith.constant 0 : i32
    %c0_i32_1 = arith.constant 0 : i32
    return %c0_i32, %c0_i32_0 : i32, i32
  }
  func.func @transform_16(%arg0: i32) -> (i32, i32) {
    %c0_i32 = arith.constant 0 : i32
    %c0_i32_0 = arith.constant 0 : i32
    %c0_i32_1 = arith.constant 0 : i32
    return %c0_i32, %c0_i32_0 : i32, i32
  }
}

module attributes {stable_mosaic.version = 14 : i64} {
  func.func @_tc2_body(%arg0: i32, %arg1: memref<1000x128xf32, #tpu.memory_space<vmem>>, %arg2: memref<1000x128xf32, #tpu.memory_space<vmem>>, %arg3: memref<1000x128xf32, #tpu.memory_space<vmem>>, %arg4: memref<1000x128xf32, #tpu.memory_space<vmem>>, %arg5: memref<1000x256xf32, #tpu.memory_space<vmem>>, %arg6: memref<1000x1xf32, #tpu.memory_space<vmem>>, %arg7: memref<256x256xf32, #tpu.memory_space<vmem>>, %arg8: memref<256x256xf32, #tpu.memory_space<vmem>>, %arg9: memref<1x256xf32, #tpu.memory_space<vmem>>, %arg10: memref<1000x128xf32, #tpu.memory_space<vmem>>, %arg11: memref<1000x128xf32, #tpu.memory_space<vmem>>, %arg12: memref<1x256xf32, #tpu.memory_space<vmem>>, %arg13: memref<1x256xf32, #tpu.memory_space<vmem>>, %arg14: memref<1x256xf32, #tpu.memory_space<vmem>>, %arg15: memref<1x256xf32, #tpu.memory_space<vmem>>) attributes {dimension_semantics = [#tpu.dimension_semantics<arbitrary>], iteration_bounds = array<i64: 10>, scalar_prefetch = 0 : i64, scratch_operands = 2 : i64, tpu.core_type = #tpu.core_type<tc>, window_params = [{transform_indices = @transform_0, window_bounds = array<i64: 1000, 128>}, {transform_indices = @transform_1, window_bounds = array<i64: 1000, 128>}, {transform_indices = @transform_2, window_bounds = array<i64: 1000, 128>}, {transform_indices = @transform_3, window_bounds = array<i64: 1000, 128>}, {transform_indices = @transform_4, window_bounds = array<i64: 1000, 256>}, {transform_indices = @transform_5, window_bounds = array<i64: 1000, 1>}, {pipeline_mode = #tpu.pipeline_mode<synchronous>, transform_indices = @transform_6, window_bounds = array<i64: 256, 256>}, {pipeline_mode = #tpu.pipeline_mode<synchronous>, transform_indices = @transform_7, window_bounds = array<i64: 256, 256>}, {pipeline_mode = #tpu.pipeline_mode<synchronous>, transform_indices = @transform_8, window_bounds = array<i64: 1, 256>}, {transform_indices = @transform_9, window_bounds = array<i64: 1000, 128>}, {transform_indices = @transform_10, window_bounds = array<i64: 1000, 128>}, {pipeline_mode = #tpu.pipeline_mode<synchronous>, transform_indices = @transform_11, window_bounds = array<i64: 1, 256>}, {pipeline_mode = #tpu.pipeline_mode<synchronous>, transform_indices = @transform_12, window_bounds = array<i64: 1, 256>}]} {
    %get3A = arith.constant 0 : index
    %get3A_0 = arith.constant 0 : index
    %get3A_1 = vector.load %arg6[%get3A, %get3A_0] : memref<1000x1xf32, #tpu.memory_space<vmem>>, vector<1000x1xf32>
    %add3A = arith.constant 1.000000e+00 : f32
    %add3A_2 = vector.broadcast %add3A : f32 to vector<1000x1xf32>
    %add3A_3 = arith.addf %get3A_1, %add3A_2 : vector<1000x1xf32>
    %rsqrt3A = math.rsqrt %add3A_3 : vector<1000x1xf32>
    %get3A_4 = arith.constant 0 : index
    %get3A_5 = arith.constant 0 : index
    %get3A_6 = vector.load %arg1[%get3A_4, %get3A_5] : memref<1000x128xf32, #tpu.memory_space<vmem>>, vector<1000x128xf32>
    %get3A_7 = arith.constant 0 : index
    %get3A_8 = arith.constant 0 : index
    %get3A_9 = vector.load %arg2[%get3A_7, %get3A_8] : memref<1000x128xf32, #tpu.memory_space<vmem>>, vector<1000x128xf32>
    %concatenate3A = tpu.concatenate %get3A_6, %get3A_9 in 1 : vector<1000x128xf32>, vector<1000x128xf32> -> vector<1000x256xf32>
    %get3A_10 = arith.constant 0 : index
    %get3A_11 = arith.constant 0 : index
    %get3A_12 = vector.load %arg3[%get3A_10, %get3A_11] : memref<1000x128xf32, #tpu.memory_space<vmem>>, vector<1000x128xf32>
    %get3A_13 = arith.constant 0 : index
    %get3A_14 = arith.constant 0 : index
    %get3A_15 = vector.load %arg4[%get3A_13, %get3A_14] : memref<1000x128xf32, #tpu.memory_space<vmem>>, vector<1000x128xf32>
    %concatenate3A_16 = tpu.concatenate %get3A_12, %get3A_15 in 1 : vector<1000x128xf32>, vector<1000x128xf32> -> vector<1000x256xf32>
    %add3A_17 = arith.addf %concatenate3A, %concatenate3A_16 : vector<1000x256xf32>
    %mul3A = vector.broadcast %rsqrt3A : vector<1000x1xf32> to vector<1000x256xf32>
    %mul3A_18 = arith.mulf %mul3A, %add3A_17 : vector<1000x256xf32>
    %get3A_19 = arith.constant 0 : index
    %get3A_20 = arith.constant 0 : index
    %get3A_21 = vector.load %arg9[%get3A_19, %get3A_20] : memref<1x256xf32, #tpu.memory_space<vmem>>, vector<1x256xf32>
    %add3A_22 = vector.broadcast %get3A_21 : vector<1x256xf32> to vector<1000x256xf32>
    %add3A_23 = arith.addf %mul3A_18, %add3A_22 : vector<1000x256xf32>
    %tanh3A = math.tanh %add3A_23 : vector<1000x256xf32>
    %get3A_24 = arith.constant 0 : index
    %get3A_25 = arith.constant 0 : index
    %get3A_26 = vector.load %arg7[%get3A_24, %get3A_25] : memref<256x256xf32, #tpu.memory_space<vmem>>, vector<256x256xf32>
    %dot_general3A = arith.constant dense<0.000000e+00> : vector<1000x256xf32>
    %dot_general3A_27 = tpu.matmul %tanh3A, %get3A_26, %dot_general3A {dimension_numbers = #tpu.dot_dimension_numbers<[1], [0], [0], [1], [0, 0, 1, 1], [], []>, transpose_lhs_hint = false} : vector<1000x256xf32>, vector<256x256xf32>, vector<1000x256xf32> -> vector<1000x256xf32>
    %get3A_28 = arith.constant 0 : index
    %get3A_29 = arith.constant 0 : index
    %get3A_30 = vector.load %arg5[%get3A_28, %get3A_29] : memref<1000x256xf32, #tpu.memory_space<vmem>>, vector<1000x256xf32>
    %get3A_31 = arith.constant 0 : index
    %get3A_32 = arith.constant 0 : index
    %get3A_33 = vector.load %arg8[%get3A_31, %get3A_32] : memref<256x256xf32, #tpu.memory_space<vmem>>, vector<256x256xf32>
    %dot_general3A_34 = arith.constant dense<0.000000e+00> : vector<1000x256xf32>
    %dot_general3A_35 = tpu.matmul %get3A_30, %get3A_33, %dot_general3A_34 {dimension_numbers = #tpu.dot_dimension_numbers<[1], [0], [0], [1], [0, 0, 1, 1], [], []>, transpose_lhs_hint = false} : vector<1000x256xf32>, vector<256x256xf32>, vector<1000x256xf32> -> vector<1000x256xf32>
    %add3A_36 = arith.addf %dot_general3A_27, %dot_general3A_35 : vector<1000x256xf32>
    %mul3A_37 = vector.broadcast %rsqrt3A : vector<1000x1xf32> to vector<1000x256xf32>
    %mul3A_38 = arith.mulf %add3A_36, %mul3A_37 : vector<1000x256xf32>
    %slice3A = vector.extract_strided_slice %mul3A_38 {offsets = [0, 0], sizes = [1000, 128], strides = [1, 1]} : vector<1000x256xf32> to vector<1000x128xf32>
    %swap3A = arith.constant 0 : index
    %swap3A_39 = arith.constant 0 : index
    %swap3A_40 = vector.load %arg10[%swap3A, %swap3A_39] : memref<1000x128xf32, #tpu.memory_space<vmem>>, vector<1000x128xf32>
    tpu.vector_store %arg10[%swap3A, %swap3A_39], %slice3A {strides = array<i32>} : memref<1000x128xf32, #tpu.memory_space<vmem>>, vector<1000x128xf32>,
    %slice3A_41 = vector.extract_strided_slice %mul3A_38 {offsets = [0, 128], sizes = [1000, 128], strides = [1, 1]} : vector<1000x256xf32> to vector<1000x128xf32>
    %swap3A_42 = arith.constant 0 : index
    %swap3A_43 = arith.constant 0 : index
    %swap3A_44 = vector.load %arg11[%swap3A_42, %swap3A_43] : memref<1000x128xf32, #tpu.memory_space<vmem>>, vector<1000x128xf32>
    tpu.vector_store %arg11[%swap3A_42, %swap3A_43], %slice3A_41 {strides = array<i32>} : memref<1000x128xf32, #tpu.memory_space<vmem>>, vector<1000x128xf32>,
    %reduce_sum3A = arith.constant dense<0.000000e+00> : vector<256xf32>
    %reduce_sum3A_45 = vector.multi_reduction <add>, %tanh3A, %reduce_sum3A [0] : vector<1000x256xf32> to vector<256xf32>
    %broadcast_in_dim3A = vector.shape_cast %reduce_sum3A_45 : vector<256xf32> to vector<1x256xf32>
    %reduce_max3A = arith.constant dense<0xFF800000> : vector<256xf32>
    %reduce_max3A_46 = vector.multi_reduction <maximumf>, %tanh3A, %reduce_max3A [0] : vector<1000x256xf32> to vector<256xf32>
    %broadcast_in_dim3A_47 = vector.shape_cast %reduce_max3A_46 : vector<256xf32> to vector<1x256xf32>
    %eq3A = arith.constant 0 : i32
    %eq3A_48 = arith.cmpi eq, %arg0, %eq3A : i32
    %convert_element_type3A = arith.extui %eq3A_48 : i1 to i32
    %cond3A = arith.constant 0 : i32
    %cond3A_49 = arith.cmpi ne, %convert_element_type3A, %cond3A : i32
    scf.if %cond3A_49 {
      %swap3A_59 = arith.constant 0 : index
      %swap3A_60 = arith.constant 0 : index
      %swap3A_61 = vector.load %arg14[%swap3A_59, %swap3A_60] : memref<1x256xf32, #tpu.memory_space<vmem>>, vector<1x256xf32>
      tpu.vector_store %arg14[%swap3A_59, %swap3A_60], %broadcast_in_dim3A {strides = array<i32>} : memref<1x256xf32, #tpu.memory_space<vmem>>, vector<1x256xf32>,
      %swap3A_62 = arith.constant 0 : index
      %swap3A_63 = arith.constant 0 : index
      %swap3A_64 = vector.load %arg15[%swap3A_62, %swap3A_63] : memref<1x256xf32, #tpu.memory_space<vmem>>, vector<1x256xf32>
      tpu.vector_store %arg15[%swap3A_62, %swap3A_63], %broadcast_in_dim3A_47 {strides = array<i32>} : memref<1x256xf32, #tpu.memory_space<vmem>>, vector<1x256xf32>,
    } else {
    }
    %gt3A = arith.constant 0 : i32
    %gt3A_50 = arith.cmpi sgt, %arg0, %gt3A : i32
    %convert_element_type3A_51 = arith.extui %gt3A_50 : i1 to i32
    %cond3A_52 = arith.constant 0 : i32
    %cond3A_53 = arith.cmpi ne, %convert_element_type3A_51, %cond3A_52 : i32
    scf.if %cond3A_53 {
      %get3A_59 = arith.constant 0 : index
      %get3A_60 = arith.constant 0 : index
      %get3A_61 = vector.load %arg14[%get3A_59, %get3A_60] : memref<1x256xf32, #tpu.memory_space<vmem>>, vector<1x256xf32>
      %add3A_62 = arith.addf %get3A_61, %broadcast_in_dim3A : vector<1x256xf32>
      %swap3A_63 = arith.constant 0 : index
      %swap3A_64 = arith.constant 0 : index
      %swap3A_65 = vector.load %arg14[%swap3A_63, %swap3A_64] : memref<1x256xf32, #tpu.memory_space<vmem>>, vector<1x256xf32>
      tpu.vector_store %arg14[%swap3A_63, %swap3A_64], %add3A_62 {strides = array<i32>} : memref<1x256xf32, #tpu.memory_space<vmem>>, vector<1x256xf32>,
      %get3A_66 = arith.constant 0 : index
      %get3A_67 = arith.constant 0 : index
      %get3A_68 = vector.load %arg15[%get3A_66, %get3A_67] : memref<1x256xf32, #tpu.memory_space<vmem>>, vector<1x256xf32>
      %max3A = arith.maximumf %get3A_68, %broadcast_in_dim3A_47 : vector<1x256xf32>
      %swap3A_69 = arith.constant 0 : index
      %swap3A_70 = arith.constant 0 : index
      %swap3A_71 = vector.load %arg15[%swap3A_69, %swap3A_70] : memref<1x256xf32, #tpu.memory_space<vmem>>, vector<1x256xf32>
      tpu.vector_store %arg15[%swap3A_69, %swap3A_70], %max3A {strides = array<i32>} : memref<1x256xf32, #tpu.memory_space<vmem>>, vector<1x256xf32>,
    } else {
    }
    %eq3A_54 = arith.constant 9 : i32
    %eq3A_55 = arith.cmpi eq, %arg0, %eq3A_54 : i32
    %convert_element_type3A_56 = arith.extui %eq3A_55 : i1 to i32
    %cond3A_57 = arith.constant 0 : i32
    %cond3A_58 = arith.cmpi ne, %convert_element_type3A_56, %cond3A_57 : i32
    scf.if %cond3A_58 {
      %get3A_59 = arith.constant 0 : index
      %get3A_60 = arith.constant 0 : index
      %get3A_61 = vector.load %arg14[%get3A_59, %get3A_60] : memref<1x256xf32, #tpu.memory_space<vmem>>, vector<1x256xf32>
      %swap3A_62 = arith.constant 0 : index
      %swap3A_63 = arith.constant 0 : index
      %swap3A_64 = vector.load %arg12[%swap3A_62, %swap3A_63] : memref<1x256xf32, #tpu.memory_space<vmem>>, vector<1x256xf32>
      tpu.vector_store %arg12[%swap3A_62, %swap3A_63], %get3A_61 {strides = array<i32>} : memref<1x256xf32, #tpu.memory_space<vmem>>, vector<1x256xf32>,
      %get3A_65 = arith.constant 0 : index
      %get3A_66 = arith.constant 0 : index
      %get3A_67 = vector.load %arg15[%get3A_65, %get3A_66] : memref<1x256xf32, #tpu.memory_space<vmem>>, vector<1x256xf32>
      %swap3A_68 = arith.constant 0 : index
      %swap3A_69 = arith.constant 0 : index
      %swap3A_70 = vector.load %arg13[%swap3A_68, %swap3A_69] : memref<1x256xf32, #tpu.memory_space<vmem>>, vector<1x256xf32>
      tpu.vector_store %arg13[%swap3A_68, %swap3A_69], %get3A_67 {strides = array<i32>} : memref<1x256xf32, #tpu.memory_space<vmem>>, vector<1x256xf32>,
    } else {
    }
    return
  }
  func.func @transform_0(%arg0: i32) -> (i32, i32) {
    %c0_i32 = arith.constant 0 : i32
    %c0_i32_0 = arith.constant 0 : i32
    return %arg0, %c0_i32 : i32, i32
  }
  func.func @transform_1(%arg0: i32) -> (i32, i32) {
    %c0_i32 = arith.constant 0 : i32
    %c0_i32_0 = arith.constant 0 : i32
    return %arg0, %c0_i32 : i32, i32
  }
  func.func @transform_2(%arg0: i32) -> (i32, i32) {
    %c0_i32 = arith.constant 0 : i32
    %c0_i32_0 = arith.constant 0 : i32
    return %arg0, %c0_i32 : i32, i32
  }
  func.func @transform_3(%arg0: i32) -> (i32, i32) {
    %c0_i32 = arith.constant 0 : i32
    %c0_i32_0 = arith.constant 0 : i32
    return %arg0, %c0_i32 : i32, i32
  }
  func.func @transform_4(%arg0: i32) -> (i32, i32) {
    %c0_i32 = arith.constant 0 : i32
    %c0_i32_0 = arith.constant 0 : i32
    return %arg0, %c0_i32 : i32, i32
  }
  func.func @transform_5(%arg0: i32) -> (i32, i32) {
    %c0_i32 = arith.constant 0 : i32
    %c0_i32_0 = arith.constant 0 : i32
    return %arg0, %c0_i32 : i32, i32
  }
  func.func @transform_6(%arg0: i32) -> (i32, i32) {
    %c0_i32 = arith.constant 0 : i32
    %c0_i32_0 = arith.constant 0 : i32
    %c0_i32_1 = arith.constant 0 : i32
    return %c0_i32, %c0_i32_0 : i32, i32
  }
  func.func @transform_7(%arg0: i32) -> (i32, i32) {
    %c0_i32 = arith.constant 0 : i32
    %c0_i32_0 = arith.constant 0 : i32
    %c0_i32_1 = arith.constant 0 : i32
    return %c0_i32, %c0_i32_0 : i32, i32
  }
  func.func @transform_8(%arg0: i32) -> (i32, i32) {
    %c0_i32 = arith.constant 0 : i32
    %c0_i32_0 = arith.constant 0 : i32
    %c0_i32_1 = arith.constant 0 : i32
    return %c0_i32, %c0_i32_0 : i32, i32
  }
  func.func @transform_9(%arg0: i32) -> (i32, i32) {
    %c0_i32 = arith.constant 0 : i32
    %c0_i32_0 = arith.constant 0 : i32
    return %arg0, %c0_i32 : i32, i32
  }
  func.func @transform_10(%arg0: i32) -> (i32, i32) {
    %c0_i32 = arith.constant 0 : i32
    %c0_i32_0 = arith.constant 0 : i32
    return %arg0, %c0_i32 : i32, i32
  }
  func.func @transform_11(%arg0: i32) -> (i32, i32) {
    %c0_i32 = arith.constant 0 : i32
    %c0_i32_0 = arith.constant 0 : i32
    %c0_i32_1 = arith.constant 0 : i32
    return %c0_i32, %c0_i32_0 : i32, i32
  }
  func.func @transform_12(%arg0: i32) -> (i32, i32) {
    %c0_i32 = arith.constant 0 : i32
    %c0_i32_0 = arith.constant 0 : i32
    %c0_i32_1 = arith.constant 0 : i32
    return %c0_i32, %c0_i32_0 : i32, i32
  }
}

module attributes {stable_mosaic.version = 14 : i64} {
  func.func @_tc2_body(%arg0: i32, %arg1: memref<1000x128xf32, #tpu.memory_space<vmem>>, %arg2: memref<1000x128xf32, #tpu.memory_space<vmem>>, %arg3: memref<1000x128xf32, #tpu.memory_space<vmem>>, %arg4: memref<1000x128xf32, #tpu.memory_space<vmem>>, %arg5: memref<1000x256xf32, #tpu.memory_space<vmem>>, %arg6: memref<1000x1xf32, #tpu.memory_space<vmem>>, %arg7: memref<256x256xf32, #tpu.memory_space<vmem>>, %arg8: memref<256x256xf32, #tpu.memory_space<vmem>>, %arg9: memref<1x256xf32, #tpu.memory_space<vmem>>, %arg10: memref<1000x128xf32, #tpu.memory_space<vmem>>, %arg11: memref<1000x128xf32, #tpu.memory_space<vmem>>, %arg12: memref<1x256xf32, #tpu.memory_space<vmem>>, %arg13: memref<1x256xf32, #tpu.memory_space<vmem>>, %arg14: memref<1x256xf32, #tpu.memory_space<vmem>>, %arg15: memref<1x256xf32, #tpu.memory_space<vmem>>) attributes {dimension_semantics = [#tpu.dimension_semantics<arbitrary>], iteration_bounds = array<i64: 10>, scalar_prefetch = 0 : i64, scratch_operands = 2 : i64, tpu.core_type = #tpu.core_type<tc>, window_params = [{transform_indices = @transform_0, window_bounds = array<i64: 1000, 128>}, {transform_indices = @transform_1, window_bounds = array<i64: 1000, 128>}, {transform_indices = @transform_2, window_bounds = array<i64: 1000, 128>}, {transform_indices = @transform_3, window_bounds = array<i64: 1000, 128>}, {transform_indices = @transform_4, window_bounds = array<i64: 1000, 256>}, {transform_indices = @transform_5, window_bounds = array<i64: 1000, 1>}, {pipeline_mode = #tpu.pipeline_mode<synchronous>, transform_indices = @transform_6, window_bounds = array<i64: 256, 256>}, {pipeline_mode = #tpu.pipeline_mode<synchronous>, transform_indices = @transform_7, window_bounds = array<i64: 256, 256>}, {pipeline_mode = #tpu.pipeline_mode<synchronous>, transform_indices = @transform_8, window_bounds = array<i64: 1, 256>}, {transform_indices = @transform_9, window_bounds = array<i64: 1000, 128>}, {transform_indices = @transform_10, window_bounds = array<i64: 1000, 128>}, {pipeline_mode = #tpu.pipeline_mode<synchronous>, transform_indices = @transform_11, window_bounds = array<i64: 1, 256>}, {pipeline_mode = #tpu.pipeline_mode<synchronous>, transform_indices = @transform_12, window_bounds = array<i64: 1, 256>}]} {
    %get3A = arith.constant 0 : index
    %get3A_0 = arith.constant 0 : index
    %get3A_1 = vector.load %arg6[%get3A, %get3A_0] : memref<1000x1xf32, #tpu.memory_space<vmem>>, vector<1000x1xf32>
    %add3A = arith.constant 1.000000e+00 : f32
    %add3A_2 = vector.broadcast %add3A : f32 to vector<1000x1xf32>
    %add3A_3 = arith.addf %get3A_1, %add3A_2 : vector<1000x1xf32>
    %rsqrt3A = math.rsqrt %add3A_3 : vector<1000x1xf32>
    %get3A_4 = arith.constant 0 : index
    %get3A_5 = arith.constant 0 : index
    %get3A_6 = vector.load %arg1[%get3A_4, %get3A_5] : memref<1000x128xf32, #tpu.memory_space<vmem>>, vector<1000x128xf32>
    %get3A_7 = arith.constant 0 : index
    %get3A_8 = arith.constant 0 : index
    %get3A_9 = vector.load %arg2[%get3A_7, %get3A_8] : memref<1000x128xf32, #tpu.memory_space<vmem>>, vector<1000x128xf32>
    %concatenate3A = tpu.concatenate %get3A_6, %get3A_9 in 1 : vector<1000x128xf32>, vector<1000x128xf32> -> vector<1000x256xf32>
    %get3A_10 = arith.constant 0 : index
    %get3A_11 = arith.constant 0 : index
    %get3A_12 = vector.load %arg3[%get3A_10, %get3A_11] : memref<1000x128xf32, #tpu.memory_space<vmem>>, vector<1000x128xf32>
    %get3A_13 = arith.constant 0 : index
    %get3A_14 = arith.constant 0 : index
    %get3A_15 = vector.load %arg4[%get3A_13, %get3A_14] : memref<1000x128xf32, #tpu.memory_space<vmem>>, vector<1000x128xf32>
    %concatenate3A_16 = tpu.concatenate %get3A_12, %get3A_15 in 1 : vector<1000x128xf32>, vector<1000x128xf32> -> vector<1000x256xf32>
    %add3A_17 = arith.addf %concatenate3A, %concatenate3A_16 : vector<1000x256xf32>
    %mul3A = vector.broadcast %rsqrt3A : vector<1000x1xf32> to vector<1000x256xf32>
    %mul3A_18 = arith.mulf %mul3A, %add3A_17 : vector<1000x256xf32>
    %get3A_19 = arith.constant 0 : index
    %get3A_20 = arith.constant 0 : index
    %get3A_21 = vector.load %arg9[%get3A_19, %get3A_20] : memref<1x256xf32, #tpu.memory_space<vmem>>, vector<1x256xf32>
    %add3A_22 = vector.broadcast %get3A_21 : vector<1x256xf32> to vector<1000x256xf32>
    %add3A_23 = arith.addf %mul3A_18, %add3A_22 : vector<1000x256xf32>
    %tanh3A = math.tanh %add3A_23 : vector<1000x256xf32>
    %get3A_24 = arith.constant 0 : index
    %get3A_25 = arith.constant 0 : index
    %get3A_26 = vector.load %arg7[%get3A_24, %get3A_25] : memref<256x256xf32, #tpu.memory_space<vmem>>, vector<256x256xf32>
    %dot_general3A = arith.constant dense<0.000000e+00> : vector<1000x256xf32>
    %dot_general3A_27 = tpu.matmul %tanh3A, %get3A_26, %dot_general3A {dimension_numbers = #tpu.dot_dimension_numbers<[1], [0], [0], [1], [0, 0, 1, 1], [], []>, transpose_lhs_hint = false} : vector<1000x256xf32>, vector<256x256xf32>, vector<1000x256xf32> -> vector<1000x256xf32>
    %get3A_28 = arith.constant 0 : index
    %get3A_29 = arith.constant 0 : index
    %get3A_30 = vector.load %arg5[%get3A_28, %get3A_29] : memref<1000x256xf32, #tpu.memory_space<vmem>>, vector<1000x256xf32>
    %get3A_31 = arith.constant 0 : index
    %get3A_32 = arith.constant 0 : index
    %get3A_33 = vector.load %arg8[%get3A_31, %get3A_32] : memref<256x256xf32, #tpu.memory_space<vmem>>, vector<256x256xf32>
    %dot_general3A_34 = arith.constant dense<0.000000e+00> : vector<1000x256xf32>
    %dot_general3A_35 = tpu.matmul %get3A_30, %get3A_33, %dot_general3A_34 {dimension_numbers = #tpu.dot_dimension_numbers<[1], [0], [0], [1], [0, 0, 1, 1], [], []>, transpose_lhs_hint = false} : vector<1000x256xf32>, vector<256x256xf32>, vector<1000x256xf32> -> vector<1000x256xf32>
    %add3A_36 = arith.addf %dot_general3A_27, %dot_general3A_35 : vector<1000x256xf32>
    %mul3A_37 = vector.broadcast %rsqrt3A : vector<1000x1xf32> to vector<1000x256xf32>
    %mul3A_38 = arith.mulf %add3A_36, %mul3A_37 : vector<1000x256xf32>
    %slice3A = vector.extract_strided_slice %mul3A_38 {offsets = [0, 0], sizes = [1000, 128], strides = [1, 1]} : vector<1000x256xf32> to vector<1000x128xf32>
    %swap3A = arith.constant 0 : index
    %swap3A_39 = arith.constant 0 : index
    %swap3A_40 = vector.load %arg10[%swap3A, %swap3A_39] : memref<1000x128xf32, #tpu.memory_space<vmem>>, vector<1000x128xf32>
    tpu.vector_store %arg10[%swap3A, %swap3A_39], %slice3A {strides = array<i32>} : memref<1000x128xf32, #tpu.memory_space<vmem>>, vector<1000x128xf32>,
    %slice3A_41 = vector.extract_strided_slice %mul3A_38 {offsets = [0, 128], sizes = [1000, 128], strides = [1, 1]} : vector<1000x256xf32> to vector<1000x128xf32>
    %swap3A_42 = arith.constant 0 : index
    %swap3A_43 = arith.constant 0 : index
    %swap3A_44 = vector.load %arg11[%swap3A_42, %swap3A_43] : memref<1000x128xf32, #tpu.memory_space<vmem>>, vector<1000x128xf32>
    tpu.vector_store %arg11[%swap3A_42, %swap3A_43], %slice3A_41 {strides = array<i32>} : memref<1000x128xf32, #tpu.memory_space<vmem>>, vector<1000x128xf32>,
    %reduce_sum3A = arith.constant dense<0.000000e+00> : vector<256xf32>
    %reduce_sum3A_45 = vector.multi_reduction <add>, %tanh3A, %reduce_sum3A [0] : vector<1000x256xf32> to vector<256xf32>
    %broadcast_in_dim3A = vector.shape_cast %reduce_sum3A_45 : vector<256xf32> to vector<1x256xf32>
    %reduce_max3A = arith.constant dense<0xFF800000> : vector<256xf32>
    %reduce_max3A_46 = vector.multi_reduction <maximumf>, %tanh3A, %reduce_max3A [0] : vector<1000x256xf32> to vector<256xf32>
    %broadcast_in_dim3A_47 = vector.shape_cast %reduce_max3A_46 : vector<256xf32> to vector<1x256xf32>
    %eq3A = arith.constant 0 : i32
    %eq3A_48 = arith.cmpi eq, %arg0, %eq3A : i32
    %convert_element_type3A = arith.extui %eq3A_48 : i1 to i32
    %cond3A = arith.constant 0 : i32
    %cond3A_49 = arith.cmpi ne, %convert_element_type3A, %cond3A : i32
    scf.if %cond3A_49 {
      %swap3A_59 = arith.constant 0 : index
      %swap3A_60 = arith.constant 0 : index
      %swap3A_61 = vector.load %arg14[%swap3A_59, %swap3A_60] : memref<1x256xf32, #tpu.memory_space<vmem>>, vector<1x256xf32>
      tpu.vector_store %arg14[%swap3A_59, %swap3A_60], %broadcast_in_dim3A {strides = array<i32>} : memref<1x256xf32, #tpu.memory_space<vmem>>, vector<1x256xf32>,
      %swap3A_62 = arith.constant 0 : index
      %swap3A_63 = arith.constant 0 : index
      %swap3A_64 = vector.load %arg15[%swap3A_62, %swap3A_63] : memref<1x256xf32, #tpu.memory_space<vmem>>, vector<1x256xf32>
      tpu.vector_store %arg15[%swap3A_62, %swap3A_63], %broadcast_in_dim3A_47 {strides = array<i32>} : memref<1x256xf32, #tpu.memory_space<vmem>>, vector<1x256xf32>,
    } else {
    }
    %gt3A = arith.constant 0 : i32
    %gt3A_50 = arith.cmpi sgt, %arg0, %gt3A : i32
    %convert_element_type3A_51 = arith.extui %gt3A_50 : i1 to i32
    %cond3A_52 = arith.constant 0 : i32
    %cond3A_53 = arith.cmpi ne, %convert_element_type3A_51, %cond3A_52 : i32
    scf.if %cond3A_53 {
      %get3A_59 = arith.constant 0 : index
      %get3A_60 = arith.constant 0 : index
      %get3A_61 = vector.load %arg14[%get3A_59, %get3A_60] : memref<1x256xf32, #tpu.memory_space<vmem>>, vector<1x256xf32>
      %add3A_62 = arith.addf %get3A_61, %broadcast_in_dim3A : vector<1x256xf32>
      %swap3A_63 = arith.constant 0 : index
      %swap3A_64 = arith.constant 0 : index
      %swap3A_65 = vector.load %arg14[%swap3A_63, %swap3A_64] : memref<1x256xf32, #tpu.memory_space<vmem>>, vector<1x256xf32>
      tpu.vector_store %arg14[%swap3A_63, %swap3A_64], %add3A_62 {strides = array<i32>} : memref<1x256xf32, #tpu.memory_space<vmem>>, vector<1x256xf32>,
      %get3A_66 = arith.constant 0 : index
      %get3A_67 = arith.constant 0 : index
      %get3A_68 = vector.load %arg15[%get3A_66, %get3A_67] : memref<1x256xf32, #tpu.memory_space<vmem>>, vector<1x256xf32>
      %max3A = arith.maximumf %get3A_68, %broadcast_in_dim3A_47 : vector<1x256xf32>
      %swap3A_69 = arith.constant 0 : index
      %swap3A_70 = arith.constant 0 : index
      %swap3A_71 = vector.load %arg15[%swap3A_69, %swap3A_70] : memref<1x256xf32, #tpu.memory_space<vmem>>, vector<1x256xf32>
      tpu.vector_store %arg15[%swap3A_69, %swap3A_70], %max3A {strides = array<i32>} : memref<1x256xf32, #tpu.memory_space<vmem>>, vector<1x256xf32>,
    } else {
    }
    %eq3A_54 = arith.constant 9 : i32
    %eq3A_55 = arith.cmpi eq, %arg0, %eq3A_54 : i32
    %convert_element_type3A_56 = arith.extui %eq3A_55 : i1 to i32
    %cond3A_57 = arith.constant 0 : i32
    %cond3A_58 = arith.cmpi ne, %convert_element_type3A_56, %cond3A_57 : i32
    scf.if %cond3A_58 {
      %get3A_59 = arith.constant 0 : index
      %get3A_60 = arith.constant 0 : index
      %get3A_61 = vector.load %arg14[%get3A_59, %get3A_60] : memref<1x256xf32, #tpu.memory_space<vmem>>, vector<1x256xf32>
      %swap3A_62 = arith.constant 0 : index
      %swap3A_63 = arith.constant 0 : index
      %swap3A_64 = vector.load %arg12[%swap3A_62, %swap3A_63] : memref<1x256xf32, #tpu.memory_space<vmem>>, vector<1x256xf32>
      tpu.vector_store %arg12[%swap3A_62, %swap3A_63], %get3A_61 {strides = array<i32>} : memref<1x256xf32, #tpu.memory_space<vmem>>, vector<1x256xf32>,
      %get3A_65 = arith.constant 0 : index
      %get3A_66 = arith.constant 0 : index
      %get3A_67 = vector.load %arg15[%get3A_65, %get3A_66] : memref<1x256xf32, #tpu.memory_space<vmem>>, vector<1x256xf32>
      %swap3A_68 = arith.constant 0 : index
      %swap3A_69 = arith.constant 0 : index
      %swap3A_70 = vector.load %arg13[%swap3A_68, %swap3A_69] : memref<1x256xf32, #tpu.memory_space<vmem>>, vector<1x256xf32>
      tpu.vector_store %arg13[%swap3A_68, %swap3A_69], %get3A_67 {strides = array<i32>} : memref<1x256xf32, #tpu.memory_space<vmem>>, vector<1x256xf32>,
    } else {
    }
    return
  }
  func.func @transform_0(%arg0: i32) -> (i32, i32) {
    %c0_i32 = arith.constant 0 : i32
    %c0_i32_0 = arith.constant 0 : i32
    return %arg0, %c0_i32 : i32, i32
  }
  func.func @transform_1(%arg0: i32) -> (i32, i32) {
    %c0_i32 = arith.constant 0 : i32
    %c0_i32_0 = arith.constant 0 : i32
    return %arg0, %c0_i32 : i32, i32
  }
  func.func @transform_2(%arg0: i32) -> (i32, i32) {
    %c0_i32 = arith.constant 0 : i32
    %c0_i32_0 = arith.constant 0 : i32
    return %arg0, %c0_i32 : i32, i32
  }
  func.func @transform_3(%arg0: i32) -> (i32, i32) {
    %c0_i32 = arith.constant 0 : i32
    %c0_i32_0 = arith.constant 0 : i32
    return %arg0, %c0_i32 : i32, i32
  }
  func.func @transform_4(%arg0: i32) -> (i32, i32) {
    %c0_i32 = arith.constant 0 : i32
    %c0_i32_0 = arith.constant 0 : i32
    return %arg0, %c0_i32 : i32, i32
  }
  func.func @transform_5(%arg0: i32) -> (i32, i32) {
    %c0_i32 = arith.constant 0 : i32
    %c0_i32_0 = arith.constant 0 : i32
    return %arg0, %c0_i32 : i32, i32
  }
  func.func @transform_6(%arg0: i32) -> (i32, i32) {
    %c0_i32 = arith.constant 0 : i32
    %c0_i32_0 = arith.constant 0 : i32
    %c0_i32_1 = arith.constant 0 : i32
    return %c0_i32, %c0_i32_0 : i32, i32
  }
  func.func @transform_7(%arg0: i32) -> (i32, i32) {
    %c0_i32 = arith.constant 0 : i32
    %c0_i32_0 = arith.constant 0 : i32
    %c0_i32_1 = arith.constant 0 : i32
    return %c0_i32, %c0_i32_0 : i32, i32
  }
  func.func @transform_8(%arg0: i32) -> (i32, i32) {
    %c0_i32 = arith.constant 0 : i32
    %c0_i32_0 = arith.constant 0 : i32
    %c0_i32_1 = arith.constant 0 : i32
    return %c0_i32, %c0_i32_0 : i32, i32
  }
  func.func @transform_9(%arg0: i32) -> (i32, i32) {
    %c0_i32 = arith.constant 0 : i32
    %c0_i32_0 = arith.constant 0 : i32
    return %arg0, %c0_i32 : i32, i32
  }
  func.func @transform_10(%arg0: i32) -> (i32, i32) {
    %c0_i32 = arith.constant 0 : i32
    %c0_i32_0 = arith.constant 0 : i32
    return %arg0, %c0_i32 : i32, i32
  }
  func.func @transform_11(%arg0: i32) -> (i32, i32) {
    %c0_i32 = arith.constant 0 : i32
    %c0_i32_0 = arith.constant 0 : i32
    %c0_i32_1 = arith.constant 0 : i32
    return %c0_i32, %c0_i32_0 : i32, i32
  }
  func.func @transform_12(%arg0: i32) -> (i32, i32) {
    %c0_i32 = arith.constant 0 : i32
    %c0_i32_0 = arith.constant 0 : i32
    %c0_i32_1 = arith.constant 0 : i32
    return %c0_i32, %c0_i32_0 : i32, i32
  }
}

module attributes {stable_mosaic.version = 14 : i64} {
  func.func @_tc3_body(%arg0: i32, %arg1: memref<1x256xf32, #tpu.memory_space<vmem>>, %arg2: memref<1x256xf32, #tpu.memory_space<vmem>>, %arg3: memref<1x256xf32, #tpu.memory_space<vmem>>, %arg4: memref<1x256xf32, #tpu.memory_space<vmem>>, %arg5: memref<1x256xf32, #tpu.memory_space<vmem>>, %arg6: memref<1x256xf32, #tpu.memory_space<vmem>>, %arg7: memref<1536x256xf32, #tpu.memory_space<vmem>>, %arg8: memref<1x256xf32, #tpu.memory_space<vmem>>, %arg9: memref<256x128xf32, #tpu.memory_space<vmem>>, %arg10: memref<1x128xf32, #tpu.memory_space<vmem>>, %arg11: memref<1x128xf32, #tpu.memory_space<vmem>>) attributes {dimension_semantics = [#tpu.dimension_semantics<arbitrary>], iteration_bounds = array<i64: 1>, scalar_prefetch = 0 : i64, scratch_operands = 0 : i64, tpu.core_type = #tpu.core_type<tc>, window_params = [{pipeline_mode = #tpu.pipeline_mode<synchronous>, transform_indices = @transform_0, window_bounds = array<i64: 1, 256>}, {pipeline_mode = #tpu.pipeline_mode<synchronous>, transform_indices = @transform_1, window_bounds = array<i64: 1, 256>}, {pipeline_mode = #tpu.pipeline_mode<synchronous>, transform_indices = @transform_2, window_bounds = array<i64: 1, 256>}, {pipeline_mode = #tpu.pipeline_mode<synchronous>, transform_indices = @transform_3, window_bounds = array<i64: 1, 256>}, {pipeline_mode = #tpu.pipeline_mode<synchronous>, transform_indices = @transform_4, window_bounds = array<i64: 1, 256>}, {pipeline_mode = #tpu.pipeline_mode<synchronous>, transform_indices = @transform_5, window_bounds = array<i64: 1, 256>}, {pipeline_mode = #tpu.pipeline_mode<synchronous>, transform_indices = @transform_6, window_bounds = array<i64: 1536, 256>}, {pipeline_mode = #tpu.pipeline_mode<synchronous>, transform_indices = @transform_7, window_bounds = array<i64: 1, 256>}, {pipeline_mode = #tpu.pipeline_mode<synchronous>, transform_indices = @transform_8, window_bounds = array<i64: 256, 128>}, {pipeline_mode = #tpu.pipeline_mode<synchronous>, transform_indices = @transform_9, window_bounds = array<i64: 1, 128>}, {pipeline_mode = #tpu.pipeline_mode<synchronous>, transform_indices = @transform_10, window_bounds = array<i64: 1, 128>}]} {
    %get3A = arith.constant 0 : index
    %get3A_0 = arith.constant 0 : index
    %get3A_1 = vector.load %arg3[%get3A, %get3A_0] : memref<1x256xf32, #tpu.memory_space<vmem>>, vector<1x256xf32>
    %mul3A = arith.constant 9.99999974E-5 : f32
    %mul3A_2 = vector.broadcast %mul3A : f32 to vector<1x256xf32>
    %mul3A_3 = arith.mulf %get3A_1, %mul3A_2 : vector<1x256xf32>
    %get3A_4 = arith.constant 0 : index
    %get3A_5 = arith.constant 0 : index
    %get3A_6 = vector.load %arg1[%get3A_4, %get3A_5] : memref<1x256xf32, #tpu.memory_space<vmem>>, vector<1x256xf32>
    %mul3A_7 = arith.constant 9.99999974E-5 : f32
    %mul3A_8 = vector.broadcast %mul3A_7 : f32 to vector<1x256xf32>
    %mul3A_9 = arith.mulf %get3A_6, %mul3A_8 : vector<1x256xf32>
    %get3A_10 = arith.constant 0 : index
    %get3A_11 = arith.constant 0 : index
    %get3A_12 = vector.load %arg5[%get3A_10, %get3A_11] : memref<1x256xf32, #tpu.memory_space<vmem>>, vector<1x256xf32>
    %mul3A_13 = arith.constant 9.99999974E-5 : f32
    %mul3A_14 = vector.broadcast %mul3A_13 : f32 to vector<1x256xf32>
    %mul3A_15 = arith.mulf %get3A_12, %mul3A_14 : vector<1x256xf32>
    %get3A_16 = arith.constant 0 : index
    %get3A_17 = arith.constant 0 : index
    %get3A_18 = vector.load %arg4[%get3A_16, %get3A_17] : memref<1x256xf32, #tpu.memory_space<vmem>>, vector<1x256xf32>
    %get3A_19 = arith.constant 0 : index
    %get3A_20 = arith.constant 0 : index
    %get3A_21 = vector.load %arg2[%get3A_19, %get3A_20] : memref<1x256xf32, #tpu.memory_space<vmem>>, vector<1x256xf32>
    %get3A_22 = arith.constant 0 : index
    %get3A_23 = arith.constant 0 : index
    %get3A_24 = vector.load %arg6[%get3A_22, %get3A_23] : memref<1x256xf32, #tpu.memory_space<vmem>>, vector<1x256xf32>
    %concatenate3A = tpu.concatenate %mul3A_3, %mul3A_9, %mul3A_15, %get3A_18, %get3A_21, %get3A_24 in 1 : vector<1x256xf32>, vector<1x256xf32>, vector<1x256xf32>, vector<1x256xf32>, vector<1x256xf32>, vector<1x256xf32> -> vector<1x1536xf32>
    %get3A_25 = arith.constant 0 : index
    %get3A_26 = arith.constant 0 : index
    %get3A_27 = vector.load %arg7[%get3A_25, %get3A_26] : memref<1536x256xf32, #tpu.memory_space<vmem>>, vector<1536x256xf32>
    %dot_general3A = arith.constant dense<0.000000e+00> : vector<1x256xf32>
    %dot_general3A_28 = tpu.matmul %concatenate3A, %get3A_27, %dot_general3A {dimension_numbers = #tpu.dot_dimension_numbers<[1], [0], [0], [1], [0, 0, 1, 1], [], []>, transpose_lhs_hint = false} : vector<1x1536xf32>, vector<1536x256xf32>, vector<1x256xf32> -> vector<1x256xf32>
    %get3A_29 = arith.constant 0 : index
    %get3A_30 = arith.constant 0 : index
    %get3A_31 = vector.load %arg8[%get3A_29, %get3A_30] : memref<1x256xf32, #tpu.memory_space<vmem>>, vector<1x256xf32>
    %add3A = arith.addf %dot_general3A_28, %get3A_31 : vector<1x256xf32>
    %tanh3A = math.tanh %add3A : vector<1x256xf32>
    %get3A_32 = arith.constant 0 : index
    %get3A_33 = arith.constant 0 : index
    %get3A_34 = vector.load %arg9[%get3A_32, %get3A_33] : memref<256x128xf32, #tpu.memory_space<vmem>>, vector<256x128xf32>
    %dot_general3A_35 = arith.constant dense<0.000000e+00> : vector<1x128xf32>
    %dot_general3A_36 = tpu.matmul %tanh3A, %get3A_34, %dot_general3A_35 {dimension_numbers = #tpu.dot_dimension_numbers<[1], [0], [0], [1], [0, 0, 1, 1], [], []>, transpose_lhs_hint = false} : vector<1x256xf32>, vector<256x128xf32>, vector<1x128xf32> -> vector<1x128xf32>
    %get3A_37 = arith.constant 0 : index
    %get3A_38 = arith.constant 0 : index
    %get3A_39 = vector.load %arg10[%get3A_37, %get3A_38] : memref<1x128xf32, #tpu.memory_space<vmem>>, vector<1x128xf32>
    %add3A_40 = arith.addf %dot_general3A_36, %get3A_39 : vector<1x128xf32>
    %swap3A = arith.constant 0 : index
    %swap3A_41 = arith.constant 0 : index
    %swap3A_42 = vector.load %arg11[%swap3A, %swap3A_41] : memref<1x128xf32, #tpu.memory_space<vmem>>, vector<1x128xf32>
    tpu.vector_store %arg11[%swap3A, %swap3A_41], %add3A_40 {strides = array<i32>} : memref<1x128xf32, #tpu.memory_space<vmem>>, vector<1x128xf32>,
    return
  }
  func.func @transform_0(%arg0: i32) -> (i32, i32) {
    %c0_i32 = arith.constant 0 : i32
    %c0_i32_0 = arith.constant 0 : i32
    %c0_i32_1 = arith.constant 0 : i32
    return %c0_i32, %c0_i32_0 : i32, i32
  }
  func.func @transform_1(%arg0: i32) -> (i32, i32) {
    %c0_i32 = arith.constant 0 : i32
    %c0_i32_0 = arith.constant 0 : i32
    %c0_i32_1 = arith.constant 0 : i32
    return %c0_i32, %c0_i32_0 : i32, i32
  }
  func.func @transform_2(%arg0: i32) -> (i32, i32) {
    %c0_i32 = arith.constant 0 : i32
    %c0_i32_0 = arith.constant 0 : i32
    %c0_i32_1 = arith.constant 0 : i32
    return %c0_i32, %c0_i32_0 : i32, i32
  }
  func.func @transform_3(%arg0: i32) -> (i32, i32) {
    %c0_i32 = arith.constant 0 : i32
    %c0_i32_0 = arith.constant 0 : i32
    %c0_i32_1 = arith.constant 0 : i32
    return %c0_i32, %c0_i32_0 : i32, i32
  }
  func.func @transform_4(%arg0: i32) -> (i32, i32) {
    %c0_i32 = arith.constant 0 : i32
    %c0_i32_0 = arith.constant 0 : i32
    %c0_i32_1 = arith.constant 0 : i32
    return %c0_i32, %c0_i32_0 : i32, i32
  }
  func.func @transform_5(%arg0: i32) -> (i32, i32) {
    %c0_i32 = arith.constant 0 : i32
    %c0_i32_0 = arith.constant 0 : i32
    %c0_i32_1 = arith.constant 0 : i32
    return %c0_i32, %c0_i32_0 : i32, i32
  }
  func.func @transform_6(%arg0: i32) -> (i32, i32) {
    %c0_i32 = arith.constant 0 : i32
    %c0_i32_0 = arith.constant 0 : i32
    %c0_i32_1 = arith.constant 0 : i32
    return %c0_i32, %c0_i32_0 : i32, i32
  }
  func.func @transform_7(%arg0: i32) -> (i32, i32) {
    %c0_i32 = arith.constant 0 : i32
    %c0_i32_0 = arith.constant 0 : i32
    %c0_i32_1 = arith.constant 0 : i32
    return %c0_i32, %c0_i32_0 : i32, i32
  }
  func.func @transform_8(%arg0: i32) -> (i32, i32) {
    %c0_i32 = arith.constant 0 : i32
    %c0_i32_0 = arith.constant 0 : i32
    %c0_i32_1 = arith.constant 0 : i32
    return %c0_i32, %c0_i32_0 : i32, i32
  }
  func.func @transform_9(%arg0: i32) -> (i32, i32) {
    %c0_i32 = arith.constant 0 : i32
    %c0_i32_0 = arith.constant 0 : i32
    %c0_i32_1 = arith.constant 0 : i32
    return %c0_i32, %c0_i32_0 : i32, i32
  }
  func.func @transform_10(%arg0: i32) -> (i32, i32) {
    %c0_i32 = arith.constant 0 : i32
    %c0_i32_0 = arith.constant 0 : i32
    %c0_i32_1 = arith.constant 0 : i32
    return %c0_i32, %c0_i32_0 : i32, i32
  }
}

</mosaic_0001>

<sc_bundles>
// kernel: kernel.12.cloned.1.call-start
scs
__scs_entry_jumppad:
0x0: {  	(pc) =	sbr.rel $0x88, $3  }
0x1: {  	(tag) =	ssettag $0x0;
	lr =	simm.s32 $0x1  }
0x2: {  	[smem:$0x3F91] =	sst lr;
	_ =	strace $0xD0000000  }
0x3: {  	_ = 	snop  }
0x4: {  	_ = 	snop  }
0x5: {  	_ = 	snop  }
0x6: {  	_ = 	snop  }
0x7: {  	_ = 	snop  }
__scs_overlays_trampoline_lowered:
0x8: {  	[smem:$0x3FA0] =	sst s0  }
0x9: {  	[smem:$0x3FA1] =	sst s1  }
0xa: {  	[smem:$0x3FA2] =	sst s2  }
0xb: {  	[smem:$0x3FA3] =	sst s3  }
0xc: {  	[smem:$0x3FA4] =	sst s4  }
0xd: {  	[smem:$0x3FA5] =	sst s5  }
0xe: {  	[smem:$0x3FA6] =	sst s6  }
0xf: {  	[smem:$0x3FA7] =	sst s7  }
0x10: {  	[smem:$0x3FA8] =	sst s8  }
0x11: {  	[smem:$0x3FA9] =	sst s9;
	s0 =	simm.s32 @!p0 $0x0  }
0x12: {  	s1 =	sld [smem:$0x3F8F];
	s0 =	simm.s32 @p0 $0x1  }
0x13: {  	[smem:$0x3FAA] =	sst s0;
	s0 =	simm.s32 @!p1 $0x0  }
0x14: {  	s2 =	sld [smem:$0x3F8E];
	s0 =	simm.s32 @p1 $0x1  }
0x15: {  	[smem:$0x3FAB] =	sst s0;
	s0 =	simm.s32 @!p2 $0x0  }
0x16: {  	s3 =	sld [smem:$0x3FDB];
	s0 =	simm.s32 @p2 $0x1  }
0x17: {  	s4 =	simm.s32 $0x1BF5;
	[smem:$0x3FAD] =	sst s0  }
0x18: {  	s0 =	sld [smem:$0x3F90];
	_ =	swait.ge [sflag:s4], $0x0  }
0x19: {  	s7 =	sld [smem:$0x3F91]  }
0x1a: {  	s8 =	sadd.s32 $0xFFFFE003, lr  }
0x1b: {  	s9 =	sadd.s32 $0xFFFFFEF7, lr;
	s5 =	simm.s32 $0xFFFFFFFF;
	p2 =	slt.u32 s8, $0xFFFFF086  }
0x1c: {  	p1 =	slt.u32 s9, $0xF7A;
	s5 =	simm.s32 @!p2 $0x0  }
0x1d: {  	s5 =	simm.s32 @p1 $0x1;
	p0 =	seq.s32 s7, s2  }
0x1e: {  	s7 =	smul.u32 @!p0 $0xF7A, s2;
	p2 =	seq.s32 @!p0 s5, $0x0  }
0x1f: {  	s9 =	smul.u32 $0xF7A, s1;
	s8 =	simm.s32 @!p0 $0x1BF5;
	p2 =	por !p2, p0  }
0x20: {  	[sflag:s8] =	ssyncset.s32 @!p0 $0xFFFFF086;
	s6 =	sadd.s32 @!p0 s3, s7;
	s7 =	simm.s32 @!p0 $0x108  }
0x21: {  	s3 =	sadd.s32 s3, s9;
	s6 =	sadd.s32 @!p0 $0x88, s6;
	s7 =	simm.s32 @p2 $0x1082  }
0x22: {  	[simem:s7], [sflag:s8] =	dma.local @!p0 [hbm:s6], $0xF7A  }
0x23: {  	s9 =	sor.u32 $0xD0000000, s2;
	s6 =	simm.s32 $0x108;
	_ =	swait.ge @!p0 [sflag:s8], $0x0  }
0x24: {  	s3 =	sadd.s32 $0x88, s3;
	s6 =	simm.s32 @!p1 $0x1082;
	[sflag:s4] =	ssyncset.s32 $0xFFFFF086  }
0x25: {  	[simem:s6], [sflag:s4] =	dma.local [hbm:s3], $0xF7A  }
0x26: {  	[smem:$0x3F91] =	sst s1;
	(tag) =	ssettag s2;
	_ =	strace s9  }
0x27: {  	s1 =	sld [smem:$0x3FA1]  }
0x28: {  	s2 =	sld [smem:$0x3FA2]  }
0x29: {  	s4 =	sld [smem:$0x3FA4]  }
0x2a: {  	p0 =	seq.s32 s5, $0x0;
	s5 =	sld [smem:$0x3FA5]  }
0x2b: {  	s6 =	sld [smem:$0x3FA6]  }
0x2c: {  	s7 =	sld [smem:$0x3FA7]  }
0x2d: {  	s3 =	simm.s32 $0x108;
	s8 =	sld [smem:$0x3FA8]  }
0x2e: {  	s3 =	simm.s32 @!p0 $0x1082;
	s9 =	sld [smem:$0x3FA9]  }
0x2f: {  	lr =	sadd.s32 s0, s3;
	s0 =	sld [smem:$0x3FA0]  }
0x30: {  	s3 =	sld [smem:$0x3FA3]  }
0x31: {  	[smem:$0x3FAC] =	sst s10  }
0x32: {  	s10 =	sld [smem:$0x3FAA];
	_ =	sdelay $0x3  }
0x33: {  	p0 =	seq.s32 s10, $0x1;
	s10 =	sld [smem:$0x3FAC];
	_ =	sdelay $0x3  }
0x34: {  	[smem:$0x3FAC] =	sst s10  }
0x35: {  	s10 =	sld [smem:$0x3FAB];
	_ =	sdelay $0x3  }
0x36: {  	p1 =	seq.s32 s10, $0x1;
	s10 =	sld [smem:$0x3FAC];
	_ =	sdelay $0x3  }
0x37: {  	[smem:$0x3FAC] =	sst s10  }
0x38: {  	s10 =	sld [smem:$0x3FAD]  }
0x39: {  	_ = 	snop;
	(pc) =	sbr.ind lr, $3  }
0x3a: {  	_ = 	snop  }
0x3b: {  	_ = 	snop  }
0x3c: {  	p2 =	seq.s32 s10, $0x1;
	s10 =	sld [smem:$0x3FAC]  }
0x3d: {  	_ =	shalt  }
0x3e: {  	_ =	shalt  }
0x3f: {  	_ =	shalt  }
0x40: {  	_ =	shalt  }
0x41: {  	_ =	shalt  }
0x42: {  	_ =	shalt  }
0x43: {  	_ =	shalt  }
0x44: {  	_ =	shalt  }
0x45: {  	_ =	shalt  }
0x46: {  	_ =	shalt  }
0x47: {  	_ =	shalt  }
0x48: {  	_ =	shalt  }
0x49: {  	_ =	shalt  }
0x4a: {  	_ =	shalt  }
0x4b: {  	_ =	shalt  }
0x4c: {  	_ =	shalt  }
0x4d: {  	_ =	shalt  }
0x4e: {  	_ =	shalt  }
0x4f: {  	_ =	shalt  }
0x50: {  	_ =	shalt  }
0x51: {  	_ =	shalt  }
0x52: {  	_ =	shalt  }
0x53: {  	_ =	shalt  }
0x54: {  	_ =	shalt  }
0x55: {  	_ =	shalt  }
0x56: {  	_ =	shalt  }
0x57: {  	_ =	shalt  }
0x58: {  	_ =	shalt  }
0x59: {  	_ =	shalt  }
0x5a: {  	_ =	shalt  }
0x5b: {  	_ =	shalt  }
0x5c: {  	_ =	shalt  }
0x5d: {  	_ =	shalt  }
0x5e: {  	_ =	shalt  }
0x5f: {  	_ =	shalt  }
0x60: {  	_ =	shalt  }
0x61: {  	_ =	shalt  }
0x62: {  	_ =	shalt  }
0x63: {  	_ =	shalt  }
0x64: {  	_ =	shalt  }
0x65: {  	_ =	shalt  }
0x66: {  	_ =	shalt  }
0x67: {  	_ =	shalt  }
0x68: {  	_ =	shalt  }
0x69: {  	_ =	shalt  }
0x6a: {  	_ =	shalt  }
0x6b: {  	_ =	shalt  }
0x6c: {  	_ =	shalt  }
0x6d: {  	_ =	shalt  }
0x6e: {  	_ =	shalt  }
0x6f: {  	_ =	shalt  }
0x70: {  	_ =	shalt  }
0x71: {  	_ =	shalt  }
0x72: {  	_ =	shalt  }
0x73: {  	_ =	shalt  }
0x74: {  	_ =	shalt  }
0x75: {  	_ =	shalt  }
0x76: {  	_ =	shalt  }
0x77: {  	_ =	shalt  }
0x78: {  	_ =	shalt  }
0x79: {  	_ =	shalt  }
0x7a: {  	_ =	shalt  }
0x7b: {  	_ =	shalt  }
0x7c: {  	_ =	shalt  }
0x7d: {  	_ =	shalt  }
0x7e: {  	_ =	shalt  }
0x7f: {  	_ =	shalt  }
0x80: {  	_ =	shalt  }
0x81: {  	_ =	shalt  }
0x82: {  	_ =	shalt  }
0x83: {  	_ =	shalt  }
0x84: {  	_ =	shalt  }
0x85: {  	_ =	shalt  }
0x86: {  	_ =	shalt  }
0x87: {  	_ =	shalt  }
.Lfunc_end0:
.L_simem_size_0:
called_computation.1_lowered:
.L_overlay_start_0:
0x88: {  	s2 =	sld [smem:$0x3FD9]  }
0x89: {  	s3 =	sld [smem:$0x3FFE];
	_ =	sdelay $0x1  }
0x8a: {  	s1 =	srdreg.scid  }
0x8b: {  	s0 =	sand.u32 $0x1, s1  }
0x8c: {  	s16 =	sshll.u32 s0, $0xA;
	s2 =	sadd.s32 s3, s2  }
0x8d: {  	s2 =	sadd.s32 s2, s16  }
0x8e: {  	[smem:$0x3FB8] =	sst s2  }
0x8f: {  	_ = 	snop  }
0x90: {  	(tm) =	ssettm $0x1  }
0x91: {  	s17 =	sld [smem:$0x3FFB];
	_ =	sdelay $0x3  }
0x92: {  	_ =	strace s17  }
0x93: {  	s2 =	sld [smem:$0x3FFC];
	_ =	sdelay $0x3  }
0x94: {  	_ =	strace s2  }
0x95: {  	s2 =	sld [smem:$0x3FFD];
	_ =	sdelay $0x3  }
0x96: {  	_ =	strace s2  }
0x97: {  	_ =	strace $0x8FFFFFFF  }
0x98: {  	s18 =	sld [smem:$0x3FDB];
	_ =	sdelay $0x1  }
0x99: {  	s19 =	simm.s32 $_scs_section_size  }
0x9a: {  	s4 =	simm.s32 $_size__tile_overlayer_lowered;
	s5 =	simm.s32 $_tile_overlayer_lowered  }
0x9b: {  	s22 =	simm.s32 $0x1BFF;
	s21 =	sshll.u32 s5, $0x1;
	s2 =	sadd.s32 s19, s18  }
0x9c: {  	s6 =	simm.s32 $0x0;
	s20 =	sshll.u32 s4, $0x1;
	s4 =	sadd.s32 s21, s2  }
0x9d: {  	[timem:s6], [sflag:s22] =	dma.local [hbm:s4], s20  }
0x9e: {  	_ =	swait.ge [sflag:s22], s20  }
0x9f: {  	s3 =	ssub.s32 $0x0, s20;
	[sflag:s22] =	ssyncset.done $0x0  }
0xa0: {  	[sflag:s22] =	ssyncadd.s32 s3;
	_ =	sdelay $0x1  }
0xa1: {  	s23 =	simm.s32 $0x1B8B  }
0xa2: {  	_ =	swait.ge [sflag:s23], $0x1  }
0xa3: {  	[sflag:s23] =	ssyncset.done $0x0  }
0xa4: {  	s25 =	simm.s32 $0x1B8E;
	s24 =	sld [smem:$0x3FFE];
	[sflag:s23] =	ssyncadd.s32 $0xFFFFFFFF  }
0xa5: {  	s26 =	simm.s32 $execute0_lowered;
	[smem:$0x3FD2] =	sst s25  }
0xa6: {  	s4 =	sshll.u32 s26, $0x1;
	_ =	strace $0x80000049;
	[dreg:$0x1] =	wrdreg $0xFFFFFFFF  }
0xa7: {  	s28 =	simm.s32 $_size_execute0_lowered;
	s2 =	sadd.s32 s2, s4;
	[dreg:$0x0] =	wrdreg $0x0  }
0xa8: {  	s4 =	sshll.u32 s28, $0x1;
	[dreg:$0x2] =	wrdreg s2  }
0xa9: {  	[dreg:$0x3] =	wrdreg s4  }
0xaa: {  	[dreg:$0x4] =	wrdreg $0xC0  }
0xab: {  	_ =	task [dreg:s6], $0x5FFFF  }
0xac: {  	[dreg:$0x1] =	wrdreg $0xFFFFFFFF  }
0xad: {  	[dreg:$0x0] =	wrdreg $0x60  }
0xae: {  	[dreg:$0x2] =	wrdreg s24  }
0xaf: {  	[dreg:$0x3] =	wrdreg $0x120000  }
0xb0: {  	[dreg:$0x4] =	wrdreg $0x9  }
0xb1: {  	_ =	task.clear_ibuf [dreg:s6], $0x5FFFF;
	_ =	strace $0x90000049  }
0xb2: {  	s29 =	simm.s32 $0x9;
	_ =	strace $0x8000004B  }
0xb3: {  	_ =	swait.ge [sflag:s29], $0x1  }
0xb4: {  	[sflag:s29] =	ssyncadd.s32 $0xFFFFFFFF  }
0xb5: {  	_ =	strace $0x9000004B  }
0xb6: {  	_ =	sfence  }
0xb7: {  	s30 =	sld [smem:$0x0];
	_ =	sdelay $0x2  }
0xb8: {  	s31 =	sshll.u32 s1, $0xD;
	s1 =	sshrl.u32 s1, $0x2  }
0xb9: {  	s3 =	sand.u32 $0x4000, s31;
	s1 =	sadd.s32 s1, s30  }
0xba: {  	s0 =	sor.u32 s3, s0;
	s1 =	sshll.u32 s1, $0x11  }
0xbb: {  	s0 =	sor.u32 s1, s0  }
0xbc: {  	s0 =	sadd.s32 $0x8F2B, s0  }
0xbd: {  	[sflag:s0] =	ssyncadd.remote.s32 $0x1  }
0xbe: {  	_ =	sfence.sel $0xFFFF  }
0xbf: {  	[dreg:$0x0] =	wrdreg $0xFFFFFFFF;
	(pc) =	sbr.abs _section_cstart, $3  }
0xc0: {  	[dreg:$0x1] =	wrdreg $0xFFFFFFFF  }
0xc1: {  	_ =	task.clear_ibuf [dreg:s6], $0x2FFFF;
	_ =	strace $0x9FFFFFFF  }
0xc2: {  	(tm) =	ssettm $0x7FFFFFFF  }
0xc3: {  	_ =	shalt  }
tec
execute0_lowered:
.L_overlay_start_1:
0x0: {  	(tag) =	ssettag $0x1  }
0x1: {  	s0 =	rddreg [dreg:$0x0]  }
0x2: {  	s2 =	rddreg [dreg:$0x1];
	s3 =	simm.s32 $0x0  }
0x3: {  	s1 =	stileid.u32;
	s7 =	srdreg.scid;
	s28 =	simm.s32 $0x1  }
0x4: {  	s29 =	simm.s32 $0x2;
	s30 =	simm.s32 $0x4F80;
	s6 =	smul.u32 $0xA00, s1  }
0x5: {  	s31 =	simm.s32 $0x9F00;
	[smem:$0x7FF] =	sst s3;
	s9 =	smul.u32 $0x29000, s1  }
0x6: {  	s4 =	sadd.s32 $0x92600, s0;
	s5 =	sadd.s32 $0xB9800, s0;
	s10 =	smul.u32 $0x28000, s1  }
0x7: {  	s7 =	sand.u32 $0x1, s7;
	s16 =	sadd.s32 $0x112A00, s0;
	s13 =	smul.u32 $0x1400, s1  }
0x8: {  	s14 =	sadd.s32 $0xEAA00, s0;
	s15 =	smul.u32 $0xA000, s1;
	_ =	strace $0x8000004A  }
0x9: {  	s8 =	ssub.s32 $0x2, s7;
	p0 =	seq.s32 s7, $0x1;
	[dreg:$0x3] =	wrdreg s14  }
0xa: {  	[dreg:$0x4] =	wrdreg s16;
	s6 =	sadd.s32 s6, s0;
	s19 =	sshrl.u32 s8, $0x1  }
0xb: {  	s21 =	sshrl.u32 s9, $0x2;
	s22 =	sshrl.u32 s10, $0x2;
	s24 =	sadd.s32 s14, s13  }
0xc: {  	s25 =	sshrl.u32 s15, $0x3;
	s26 =	sadd.s32 s16, s13;
	s13 =	simm.s32 $0x0  }
0xd: {  	s0 =	ssub.s32 s8, s19;
	s20 =	sadd.s32 $0x13200, s6;
	s9 =	sadd.s32 s21, s2  }
0xe: {  	s23 =	sadd.s32 $0x6400, s6;
	s12 =	sadd.s32 s22, s2;
	[dreg:$0x7] =	wrdreg s24  }
0xf: {  	s14 =	sadd.s32 $0xE0A00, s6;
	s15 =	sadd.s32 $0x14000, s25;
	[dreg:$0x8] =	wrdreg s26  }
.Ltmp0:
0x10: {  	s22 =	simm.s32 $0x3;
	s24 =	simm.s32 $0xA000;
	(pc) =	sbr.rel .LBB2_1-.Ltmp0, $4  }
0x11: {  	s25 =	simm.s32 $0x80;
	s26 =	simm.s32 $0xE000;
	[dreg:$0x5] =	wrdreg s20  }
0x12: {  	[dreg:$0x6] =	wrdreg s23;
	s11 =	sadd.s32 $0xA000, s9;
	s17 =	smax.u32 s0, $0x1  }
0x13: {  	s18 =	sadd.s32 $0x2000, s9;
	s19 =	sadd.s32 $0x4000, s9;
	s20 =	sadd.s32 $0x6000, s9  }
0x14: {  	v0 =	vimm.f32 $0.0e+00;
	s21 =	sadd.s32 $0x8000, s9;
	s23 =	simm.s32 $0x5000;
	s0 =	simm.s32 $0x9F80  }
.LBB2_19:
0x15: {  	s1 =	sadd.s32 $0x80, s6;
	[sflag:s22] =	ssyncadd.s32 $0xFFFFC000  }
0x16: {  	[tilespmem:s26], [sflag:$0x2] =	stream.indirect.gather [hbm4b:s5+s25], $0x80, s1, s25, $0xb8;
	[tilespmem:$0x1C400] =	vst v63  }
0x17: {  	_ =	swait.ge [sflag:s28], $0x4000  }
0x18: {  	[sflag:s28] =	ssyncset.done $0x0  }
0x19: {  	s7 =	sadd.s32 $0x5000, s6;
	[sflag:s28] =	ssyncadd.s32 $0xFFFFC000  }
0x1a: {  	[spmem:s2] =	stream.indirect.scatter.add.f32 [tilespmem:s24], [sflag:$0x3], $0x80, s7, s25, $0xb8;
	[tilespmem:$0x1C400] =	vst v63  }
0x1b: {  	_ =	swait.ge [sflag:s22], $0x4000  }
0x1c: {  	[sflag:s22] =	ssyncset.done $0x0  }
0x1d: {  	s8 =	sadd.s32 $0x100, s6;
	[sflag:s22] =	ssyncadd.s32 $0xFFFFC000  }
0x1e: {  	[tilespmem:s24], [sflag:$0x1] =	stream.indirect.gather [hbm4b:s5+s25], $0x80, s8, s25, $0xb8;
	[tilespmem:$0x1C400] =	vst v63  }
0x1f: {  	_ =	swait.ge [sflag:s29], $0x4000  }
0x20: {  	[sflag:s29] =	ssyncset.done $0x0  }
0x21: {  	s10 =	sadd.s32 $0x5080, s6;
	[sflag:s29] =	ssyncadd.s32 $0xFFFFC000  }
0x22: {  	[spmem:s2] =	stream.indirect.scatter.add.f32 [tilespmem:s26], [sflag:$0x3], $0x80, s10, s25, $0xb8;
	[tilespmem:$0x1C400] =	vst v63  }
0x23: {  	_ =	swait.ge [sflag:s22], $0x4000  }
0x24: {  	[sflag:s22] =	ssyncset.done $0x0  }
0x25: {  	s6 =	rddreg [dreg:$0x4];
	[sflag:s22] =	ssyncadd.s32 $0xFFFFC000  }
0x26: {  	[tilespmem:s26], [sflag:$0x2] =	stream.indirect.gather [hbm4b:s5+s25], $0x80, s30, s25, $0xb8;
	[tilespmem:$0x1C400] =	vst v63  }
.LBB2_20:
0x27: {  	_ =	swait.ge [sflag:s28], $0x4000  }
0x28: {  	[sflag:s28] =	ssyncset.done $0x0  }
0x29: {  	[sflag:s28] =	ssyncadd.s32 $0xFFFFC000  }
0x2a: {  	[spmem:s2] =	stream.indirect.scatter.add.f32 [tilespmem:s24], [sflag:$0x3], $0x80, s31, s25, $0xb8;
	[tilespmem:$0x1C400] =	vst v63  }
0x2b: {  	_ =	swait.ge [sflag:s22], $0x4000  }
0x2c: {  	[sflag:s22] =	ssyncset.done $0x0  }
0x2d: {  	[sflag:s22] =	ssyncadd.s32 $0xFFFFC000  }
0x2e: {  	_ =	swait.ge [sflag:s29], $0x4000  }
0x2f: {  	[sflag:s29] =	ssyncset.done $0x0  }
0x30: {  	[sflag:s29] =	ssyncadd.s32 $0xFFFFC000  }
0x31: {  	[spmem:s2] =	stream.indirect.scatter.add.f32 [tilespmem:s26], [sflag:$0x3], $0x80, s0, s25, $0xb8;
	[tilespmem:$0x1C400] =	vst v63  }
0x32: {  	_ =	swait.ge [sflag:s22], $0x4000  }
0x33: {  	[sflag:s22] =	ssyncset.done $0x0  }
0x34: {  	s1 =	sadd.s32 s6, s15;
	s13 =	sadd.s32 $0x1, s13;
	[sflag:s22] =	ssyncadd.s32 $0xFFFFC000  }
0x35: {  	s10 =	sshrl.u32 s12, $0x3;
	p1 =	sne.s32 s13, s17;
	[bflag:$0x0] =	sbarrier.arrive $0xFFFF  }
0x36: {  	[hbm:s1], [sflag:s16] =	dma.local [spmem:s10], $0x1400  }
.Ltmp1:
0x37: {  	_ =	swait.ge [sflag:s22], $0x1400;
	(pc) =	sbr.rel @!p1 .LBB2_21-.Ltmp1, $3  }
0x38: {  	[sflag:s22] =	ssyncset.done $0x0  }
0x39: {  	[sflag:s22] =	ssyncadd.s32 $0xFFFFEC00  }
0x3a: {  	[bflag:$0x0] =	sbarrier.arrive $0xFFFF;
	_ =	sdelay $0x1  }
.LBB2_1:
0x3b: {  	s1 =	rddreg [dreg:$0x5]  }
0x3c: {  	[tilespmem:s3], [sflag:$0x3] =	stream.linear.gather [hbm4b:s1+s3], $0x5000, $0x38;
	[tilespmem:$0x1C400] =	vst v63  }
0x3d: {  	_ =	swait.ge [sflag:s22], $0x5000  }
0x3e: {  	[sflag:s22] =	ssyncset.done $0x0  }
.Ltmp2:
0x3f: {  	s16 =	rddreg [dreg:$0x6];
	[sflag:s22] =	ssyncadd.s32 $0xFFFFB000;
	(pc) =	sbr.rel @!p0 .LBB2_2-.Ltmp2, $4  }
0x40: {  	[tilespmem:s23], [sflag:$0x3] =	stream.linear.gather [hbm4b:s16+s3], $0x5000, $0x38;
	[tilespmem:$0x1C400] =	vst v63  }
0x41: {  	_ =	swait.ge [sflag:s22], $0x5000  }
0x42: {  	[sflag:s22] =	ssyncset.done $0x0  }
0x43: {  	s6 =	sshra.s32 s3, $0x2;
	[sflag:s22] =	ssyncadd.s32 $0xFFFFB000  }
0x44: {  	s7 =	sadd.s32 $0x200, s3  }
.LBB2_12:
0x45: {  	p1 =	sne.s32 s7, $0x7E00;
	[tilespmem:s6+$0xA070] =	vst v0  }
0x46: {  	[tilespmem:s6+$0xA000] =	vst v0  }
0x47: {  	[tilespmem:s6+$0xA010] =	vst v0  }
.Ltmp3:
0x48: {  	[tilespmem:s6+$0xA020] =	vst v0;
	(pc) =	sbr.rel @p1 .LBB2_12-.Ltmp3, $4  }
0x49: {  	[tilespmem:s6+$0xA030] =	vst v0  }
0x4a: {  	[tilespmem:s6+$0xA040] =	vst v0  }
0x4b: {  	[tilespmem:s6+$0xA050] =	vst v0  }
0x4c: {  	[tilespmem:s6+$0xA060] =	vst v0;
	s6 =	sshra.s32 s7, $0x2;
	s7 =	sadd.s32 $0x200, s7  }
0x4d: {  	[tilespmem:s6+$0xA070] =	vst v0  }
0x4e: {  	[tilespmem:s6+$0xA000] =	vst v0  }
0x4f: {  	[tilespmem:s6+$0xA010] =	vst v0  }
0x50: {  	[tilespmem:s6+$0xA020] =	vst v0  }
0x51: {  	[tilespmem:s6+$0xA030] =	vst v0  }
0x52: {  	[tilespmem:s6+$0xA040] =	vst v0  }
0x53: {  	[tilespmem:s6+$0xA050] =	vst v0  }
0x54: {  	[tilespmem:s6+$0xA060] =	vst v0  }
0x55: {  	[spmem:s9] =	stream.linear.scatter [tilespmem:s24], [sflag:$0x3], $0x2000, $0x38;
	[tilespmem:$0x1C400] =	vst v63  }
0x56: {  	_ =	swait.ge [sflag:s22], $0x2000  }
0x57: {  	[sflag:s22] =	ssyncset.done $0x0  }
0x58: {  	[sflag:s22] =	ssyncadd.s32 $0xFFFFE000  }
0x59: {  	[spmem:s18] =	stream.linear.scatter [tilespmem:s24], [sflag:$0x3], $0x2000, $0x38;
	[tilespmem:$0x1C400] =	vst v63  }
0x5a: {  	_ =	swait.ge [sflag:s22], $0x2000  }
0x5b: {  	[sflag:s22] =	ssyncset.done $0x0  }
0x5c: {  	[sflag:s22] =	ssyncadd.s32 $0xFFFFE000  }
0x5d: {  	[spmem:s19] =	stream.linear.scatter [tilespmem:s24], [sflag:$0x3], $0x2000, $0x38;
	[tilespmem:$0x1C400] =	vst v63  }
0x5e: {  	_ =	swait.ge [sflag:s22], $0x2000  }
0x5f: {  	[sflag:s22] =	ssyncset.done $0x0  }
0x60: {  	[sflag:s22] =	ssyncadd.s32 $0xFFFFE000  }
0x61: {  	[spmem:s20] =	stream.linear.scatter [tilespmem:s24], [sflag:$0x3], $0x2000, $0x38;
	[tilespmem:$0x1C400] =	vst v63  }
0x62: {  	_ =	swait.ge [sflag:s22], $0x2000  }
0x63: {  	[sflag:s22] =	ssyncset.done $0x0  }
0x64: {  	[sflag:s22] =	ssyncadd.s32 $0xFFFFE000  }
0x65: {  	[spmem:s21] =	stream.linear.scatter [tilespmem:s24], [sflag:$0x3], $0x2000, $0x38;
	[tilespmem:$0x1C400] =	vst v63  }
0x66: {  	_ =	swait.ge [sflag:s22], $0x2000  }
0x67: {  	[sflag:s22] =	ssyncset.done $0x0  }
0x68: {  	[sflag:s22] =	ssyncadd.s32 $0xFFFFE000  }
0x69: {  	[spmem:s11] =	stream.linear.scatter [tilespmem:s24], [sflag:$0x3], $0x400, $0x38;
	[tilespmem:$0x1C400] =	vst v63  }
0x6a: {  	_ =	swait.ge [sflag:s22], $0x400  }
0x6b: {  	[sflag:s22] =	ssyncset.done $0x0  }
0x6c: {  	[sflag:s22] =	ssyncadd.s32 $0xFFFFFC00  }
0x6d: {  	s1 =	simm.s32 $0x0;
	[bflag:$0x0] =	sbarrier.arrive $0xFFFF  }
0x6e: {  	[tilespmem:s24], [sflag:$0x1] =	stream.indirect.gather [hbm4b:s5+s25], $0x80, s1, s25, $0xb8;
	[tilespmem:$0x1C400] =	vst v63  }
0x6f: {  	s7 =	simm.s32 $0x80  }
0x70: {  	[tilespmem:s26], [sflag:$0x2] =	stream.indirect.gather [hbm4b:s5+s25], $0x80, s7, s25, $0xb8;
	[tilespmem:$0x1C400] =	vst v63  }
0x71: {  	_ =	swait.ge [sflag:s28], $0x4000  }
0x72: {  	[sflag:s28] =	ssyncset.done $0x0  }
0x73: {  	s8 =	simm.s32 $0x5000;
	[sflag:s28] =	ssyncadd.s32 $0xFFFFC000  }
0x74: {  	[spmem:s2] =	stream.indirect.scatter.add.f32 [tilespmem:s24], [sflag:$0x3], $0x80, s8, s25, $0xb8;
	[tilespmem:$0x1C400] =	vst v63  }
0x75: {  	_ =	swait.ge [sflag:s22], $0x4000  }
0x76: {  	[sflag:s22] =	ssyncset.done $0x0  }
0x77: {  	s10 =	simm.s32 $0x100;
	[sflag:s22] =	ssyncadd.s32 $0xFFFFC000  }
0x78: {  	[tilespmem:s24], [sflag:$0x1] =	stream.indirect.gather [hbm4b:s5+s25], $0x80, s10, s25, $0xb8;
	[tilespmem:$0x1C400] =	vst v63  }
0x79: {  	_ =	swait.ge [sflag:s29], $0x4000  }
0x7a: {  	[sflag:s29] =	ssyncset.done $0x0  }
0x7b: {  	s16 =	simm.s32 $0x5080;
	[sflag:s29] =	ssyncadd.s32 $0xFFFFC000  }
0x7c: {  	[spmem:s2] =	stream.indirect.scatter.add.f32 [tilespmem:s26], [sflag:$0x3], $0x80, s16, s25, $0xb8;
	[tilespmem:$0x1C400] =	vst v63  }
0x7d: {  	_ =	swait.ge [sflag:s22], $0x4000  }
0x7e: {  	s6 =	simm.s32 $0x100;
	s7 =	simm.s32 $0x800;
	[sflag:s22] =	ssyncset.done $0x0  }
.LBB2_14:
0x7f: {  	s1 =	sadd.s32 $0x80, s6  }
0x80: {  	[sflag:s22] =	ssyncadd.s32 $0xFFFFC000;
	s8 =	smov.u32 s7;
	s10 =	sadd.s32 $0x400, s7  }
0x81: {  	[tilespmem:s26], [sflag:$0x2] =	stream.indirect.gather [hbm4b:s5+s25], $0x80, s1, s25, $0xb8;
	[tilespmem:$0x1C400] =	vst v63  }
0x82: {  	p1 =	sne.s32 s7, $0x13800;
	_ =	swait.ge [sflag:s28], $0x4000  }
0x83: {  	[sflag:s28] =	ssyncset.done $0x0  }
0x84: {  	s1 =	sadd.s32 $0x5000, s6;
	[sflag:s28] =	ssyncadd.s32 $0xFFFFC000  }
0x85: {  	[spmem:s2] =	stream.indirect.scatter.add.f32 [tilespmem:s24], [sflag:$0x3], $0x80, s1, s25, $0xb8;
	[tilespmem:$0x1C400] =	vst v63  }
0x86: {  	_ =	swait.ge [sflag:s22], $0x4000  }
0x87: {  	[sflag:s22] =	ssyncset.done $0x0  }
0x88: {  	s1 =	sadd.s32 $0x100, s6;
	[sflag:s22] =	ssyncadd.s32 $0xFFFFC000  }
0x89: {  	[tilespmem:s24], [sflag:$0x1] =	stream.indirect.gather [hbm4b:s5+s25], $0x80, s1, s25, $0xb8;
	[tilespmem:$0x1C400] =	vst v63  }
0x8a: {  	_ =	swait.ge [sflag:s29], $0x4000  }
.Ltmp4:
0x8b: {  	[sflag:s29] =	ssyncset.done $0x0;
	(pc) =	sbr.rel @p1 .LBB2_14-.Ltmp4, $4  }
0x8c: {  	s1 =	sadd.s32 $0x5080, s6;
	[sflag:s29] =	ssyncadd.s32 $0xFFFFC000  }
0x8d: {  	[spmem:s2] =	stream.indirect.scatter.add.f32 [tilespmem:s26], [sflag:$0x3], $0x80, s1, s25, $0xb8;
	[tilespmem:$0x1C400] =	vst v63  }
0x8e: {  	_ =	swait.ge [sflag:s22], $0x4000  }
0x8f: {  	s7 =	smov.u32 s10;
	s6 =	sshra.s32 s8, $0x2;
	[sflag:s22] =	ssyncset.done $0x0  }
0x90: {  	s1 =	sadd.s32 $0x80, s6;
	[sflag:s22] =	ssyncadd.s32 $0xFFFFC000  }
0x91: {  	[tilespmem:s26], [sflag:$0x2] =	stream.indirect.gather [hbm4b:s5+s25], $0x80, s1, s25, $0xb8;
	[tilespmem:$0x1C400] =	vst v63  }
0x92: {  	_ =	swait.ge [sflag:s28], $0x4000  }
0x93: {  	[sflag:s28] =	ssyncset.done $0x0  }
0x94: {  	s8 =	sadd.s32 $0x5000, s6;
	[sflag:s28] =	ssyncadd.s32 $0xFFFFC000  }
0x95: {  	[spmem:s2] =	stream.indirect.scatter.add.f32 [tilespmem:s24], [sflag:$0x3], $0x80, s8, s25, $0xb8;
	[tilespmem:$0x1C400] =	vst v63  }
0x96: {  	_ =	swait.ge [sflag:s22], $0x4000  }
0x97: {  	[sflag:s22] =	ssyncset.done $0x0  }
0x98: {  	s10 =	sadd.s32 $0x100, s6;
	[sflag:s22] =	ssyncadd.s32 $0xFFFFC000  }
0x99: {  	[tilespmem:s24], [sflag:$0x1] =	stream.indirect.gather [hbm4b:s5+s25], $0x80, s10, s25, $0xb8;
	[tilespmem:$0x1C400] =	vst v63  }
0x9a: {  	_ =	swait.ge [sflag:s29], $0x4000  }
0x9b: {  	[sflag:s29] =	ssyncset.done $0x0  }
0x9c: {  	s16 =	sadd.s32 $0x5080, s6;
	[sflag:s29] =	ssyncadd.s32 $0xFFFFC000  }
0x9d: {  	[spmem:s2] =	stream.indirect.scatter.add.f32 [tilespmem:s26], [sflag:$0x3], $0x80, s16, s25, $0xb8;
	[tilespmem:$0x1C400] =	vst v63  }
0x9e: {  	_ =	swait.ge [sflag:s22], $0x4000  }
0x9f: {  	[sflag:s22] =	ssyncset.done $0x0  }
0xa0: {  	[sflag:s22] =	ssyncadd.s32 $0xFFFFC000  }
0xa1: {  	[tilespmem:s26], [sflag:$0x2] =	stream.indirect.gather [hbm4b:s5+s25], $0x80, s30, s25, $0xb8;
	[tilespmem:$0x1C400] =	vst v63  }
0xa2: {  	_ =	swait.ge [sflag:s28], $0x4000  }
0xa3: {  	[sflag:s28] =	ssyncset.done $0x0  }
0xa4: {  	[sflag:s28] =	ssyncadd.s32 $0xFFFFC000  }
0xa5: {  	[spmem:s2] =	stream.indirect.scatter.add.f32 [tilespmem:s24], [sflag:$0x3], $0x80, s31, s25, $0xb8;
	[tilespmem:$0x1C400] =	vst v63  }
0xa6: {  	_ =	swait.ge [sflag:s22], $0x4000  }
0xa7: {  	[sflag:s22] =	ssyncset.done $0x0  }
0xa8: {  	[sflag:s22] =	ssyncadd.s32 $0xFFFFC000  }
0xa9: {  	_ =	swait.ge [sflag:s29], $0x4000  }
0xaa: {  	[sflag:s29] =	ssyncset.done $0x0  }
0xab: {  	[sflag:s29] =	ssyncadd.s32 $0xFFFFC000  }
0xac: {  	[spmem:s2] =	stream.indirect.scatter.add.f32 [tilespmem:s26], [sflag:$0x3], $0x80, s0, s25, $0xb8;
	[tilespmem:$0x1C400] =	vst v63  }
0xad: {  	_ =	swait.ge [sflag:s22], $0x4000  }
0xae: {  	[sflag:s22] =	ssyncset.done $0x0  }
0xaf: {  	s6 =	stileid.u32;
	[sflag:s22] =	ssyncadd.s32 $0xFFFFC000  }
0xb0: {  	s1 =	sshll.u32 s6, $0x6;
	[bflag:$0x0] =	sbarrier.arrive $0xFFFF  }
0xb1: {  	s7 =	sshrl.u32 s12, $0x3;
	s16 =	sor.u32 $0x1C03, s1;
	s8 =	rddreg [dreg:$0x8]  }
0xb2: {  	[hbm:s8], [sflag:s16] =	dma.local [spmem:s7], $0x1400  }
0xb3: {  	_ =	swait.ge [sflag:s22], $0x1400  }
0xb4: {  	[sflag:s22] =	ssyncset.done $0x0  }
0xb5: {  	[sflag:s22] =	ssyncadd.s32 $0xFFFFEC00  }
0xb6: {  	s10 =	simm.s32 $0x0;
	[bflag:$0x0] =	sbarrier.arrive $0xFFFF  }
0xb7: {  	[tilespmem:s23], [sflag:$0x3] =	stream.linear.gather [hbm4b:s14+s10], $0x5000, $0x38;
	[tilespmem:$0x1C400] =	vst v63  }
0xb8: {  	_ =	swait.ge [sflag:s22], $0x5000  }
0xb9: {  	[sflag:s22] =	ssyncset.done $0x0  }
0xba: {  	s6 =	simm.s32 $0x0;
	s7 =	simm.s32 $0x200;
	[sflag:s22] =	ssyncadd.s32 $0xFFFFB000  }
.LBB2_16:
0xbb: {  	p1 =	sne.s32 s7, $0x7E00;
	[tilespmem:s6+$0xA070] =	vst v0  }
0xbc: {  	[tilespmem:s6+$0xA000] =	vst v0  }
0xbd: {  	[tilespmem:s6+$0xA010] =	vst v0  }
.Ltmp5:
0xbe: {  	[tilespmem:s6+$0xA020] =	vst v0;
	(pc) =	sbr.rel @p1 .LBB2_16-.Ltmp5, $4  }
0xbf: {  	[tilespmem:s6+$0xA030] =	vst v0  }
0xc0: {  	[tilespmem:s6+$0xA040] =	vst v0  }
0xc1: {  	[tilespmem:s6+$0xA050] =	vst v0  }
0xc2: {  	[tilespmem:s6+$0xA060] =	vst v0;
	s6 =	sshra.s32 s7, $0x2;
	s7 =	sadd.s32 $0x200, s7  }
0xc3: {  	[tilespmem:s6+$0xA070] =	vst v0  }
0xc4: {  	[tilespmem:s6+$0xA000] =	vst v0  }
0xc5: {  	[tilespmem:s6+$0xA010] =	vst v0  }
0xc6: {  	[tilespmem:s6+$0xA020] =	vst v0  }
0xc7: {  	[tilespmem:s6+$0xA030] =	vst v0  }
0xc8: {  	[tilespmem:s6+$0xA040] =	vst v0  }
0xc9: {  	[tilespmem:s6+$0xA050] =	vst v0  }
0xca: {  	[tilespmem:s6+$0xA060] =	vst v0  }
0xcb: {  	[spmem:s9] =	stream.linear.scatter [tilespmem:s24], [sflag:$0x3], $0x2000, $0x38;
	[tilespmem:$0x1C400] =	vst v63  }
0xcc: {  	_ =	swait.ge [sflag:s22], $0x2000  }
0xcd: {  	[sflag:s22] =	ssyncset.done $0x0  }
0xce: {  	[sflag:s22] =	ssyncadd.s32 $0xFFFFE000  }
0xcf: {  	[spmem:s18] =	stream.linear.scatter [tilespmem:s24], [sflag:$0x3], $0x2000, $0x38;
	[tilespmem:$0x1C400] =	vst v63  }
0xd0: {  	_ =	swait.ge [sflag:s22], $0x2000  }
0xd1: {  	[sflag:s22] =	ssyncset.done $0x0  }
0xd2: {  	[sflag:s22] =	ssyncadd.s32 $0xFFFFE000  }
0xd3: {  	[spmem:s19] =	stream.linear.scatter [tilespmem:s24], [sflag:$0x3], $0x2000, $0x38;
	[tilespmem:$0x1C400] =	vst v63  }
0xd4: {  	_ =	swait.ge [sflag:s22], $0x2000  }
0xd5: {  	[sflag:s22] =	ssyncset.done $0x0  }
0xd6: {  	[sflag:s22] =	ssyncadd.s32 $0xFFFFE000  }
0xd7: {  	[spmem:s20] =	stream.linear.scatter [tilespmem:s24], [sflag:$0x3], $0x2000, $0x38;
	[tilespmem:$0x1C400] =	vst v63  }
0xd8: {  	_ =	swait.ge [sflag:s22], $0x2000  }
0xd9: {  	[sflag:s22] =	ssyncset.done $0x0  }
0xda: {  	[sflag:s22] =	ssyncadd.s32 $0xFFFFE000  }
0xdb: {  	[spmem:s21] =	stream.linear.scatter [tilespmem:s24], [sflag:$0x3], $0x2000, $0x38;
	[tilespmem:$0x1C400] =	vst v63  }
0xdc: {  	_ =	swait.ge [sflag:s22], $0x2000  }
0xdd: {  	[sflag:s22] =	ssyncset.done $0x0  }
0xde: {  	[sflag:s22] =	ssyncadd.s32 $0xFFFFE000  }
0xdf: {  	[spmem:s11] =	stream.linear.scatter [tilespmem:s24], [sflag:$0x3], $0x400, $0x38;
	[tilespmem:$0x1C400] =	vst v63  }
0xe0: {  	_ =	swait.ge [sflag:s22], $0x400  }
0xe1: {  	[sflag:s22] =	ssyncset.done $0x0  }
0xe2: {  	[sflag:s22] =	ssyncadd.s32 $0xFFFFFC00  }
0xe3: {  	s1 =	simm.s32 $0x0;
	[bflag:$0x0] =	sbarrier.arrive $0xFFFF  }
0xe4: {  	[tilespmem:s24], [sflag:$0x1] =	stream.indirect.gather [hbm4b:s5+s25], $0x80, s1, s25, $0xb8;
	[tilespmem:$0x1C400] =	vst v63  }
0xe5: {  	s6 =	simm.s32 $0x80  }
0xe6: {  	[tilespmem:s26], [sflag:$0x2] =	stream.indirect.gather [hbm4b:s5+s25], $0x80, s6, s25, $0xb8;
	[tilespmem:$0x1C400] =	vst v63  }
0xe7: {  	_ =	swait.ge [sflag:s28], $0x4000  }
0xe8: {  	[sflag:s28] =	ssyncset.done $0x0  }
0xe9: {  	s7 =	simm.s32 $0x5000;
	[sflag:s28] =	ssyncadd.s32 $0xFFFFC000  }
0xea: {  	[spmem:s2] =	stream.indirect.scatter.add.f32 [tilespmem:s24], [sflag:$0x3], $0x80, s7, s25, $0xb8;
	[tilespmem:$0x1C400] =	vst v63  }
0xeb: {  	_ =	swait.ge [sflag:s22], $0x4000  }
0xec: {  	[sflag:s22] =	ssyncset.done $0x0  }
0xed: {  	s8 =	simm.s32 $0x100;
	[sflag:s22] =	ssyncadd.s32 $0xFFFFC000  }
0xee: {  	[tilespmem:s24], [sflag:$0x1] =	stream.indirect.gather [hbm4b:s5+s25], $0x80, s8, s25, $0xb8;
	[tilespmem:$0x1C400] =	vst v63  }
0xef: {  	_ =	swait.ge [sflag:s29], $0x4000  }
0xf0: {  	[sflag:s29] =	ssyncset.done $0x0  }
0xf1: {  	s10 =	simm.s32 $0x5080;
	[sflag:s29] =	ssyncadd.s32 $0xFFFFC000  }
0xf2: {  	[spmem:s2] =	stream.indirect.scatter.add.f32 [tilespmem:s26], [sflag:$0x3], $0x80, s10, s25, $0xb8;
	[tilespmem:$0x1C400] =	vst v63  }
0xf3: {  	_ =	swait.ge [sflag:s22], $0x4000  }
0xf4: {  	s6 =	simm.s32 $0x100;
	s7 =	simm.s32 $0x800;
	[sflag:s22] =	ssyncset.done $0x0  }
.LBB2_18:
0xf5: {  	s1 =	sadd.s32 $0x80, s6  }
0xf6: {  	[sflag:s22] =	ssyncadd.s32 $0xFFFFC000;
	s8 =	smov.u32 s7;
	s10 =	sadd.s32 $0x400, s7  }
0xf7: {  	[tilespmem:s26], [sflag:$0x2] =	stream.indirect.gather [hbm4b:s5+s25], $0x80, s1, s25, $0xb8;
	[tilespmem:$0x1C400] =	vst v63  }
0xf8: {  	p1 =	sne.s32 s7, $0x13800;
	_ =	swait.ge [sflag:s28], $0x4000  }
0xf9: {  	[sflag:s28] =	ssyncset.done $0x0  }
0xfa: {  	s1 =	sadd.s32 $0x5000, s6;
	[sflag:s28] =	ssyncadd.s32 $0xFFFFC000  }
0xfb: {  	[spmem:s2] =	stream.indirect.scatter.add.f32 [tilespmem:s24], [sflag:$0x3], $0x80, s1, s25, $0xb8;
	[tilespmem:$0x1C400] =	vst v63  }
0xfc: {  	_ =	swait.ge [sflag:s22], $0x4000  }
0xfd: {  	[sflag:s22] =	ssyncset.done $0x0  }
0xfe: {  	s1 =	sadd.s32 $0x100, s6;
	[sflag:s22] =	ssyncadd.s32 $0xFFFFC000  }
0xff: {  	[tilespmem:s24], [sflag:$0x1] =	stream.indirect.gather [hbm4b:s5+s25], $0x80, s1, s25, $0xb8;
	[tilespmem:$0x1C400] =	vst v63  }
0x100: {  	_ =	swait.ge [sflag:s29], $0x4000  }
.Ltmp6:
0x101: {  	[sflag:s29] =	ssyncset.done $0x0;
	(pc) =	sbr.rel @p1 .LBB2_18-.Ltmp6, $4  }
0x102: {  	s1 =	sadd.s32 $0x5080, s6;
	[sflag:s29] =	ssyncadd.s32 $0xFFFFC000  }
0x103: {  	[spmem:s2] =	stream.indirect.scatter.add.f32 [tilespmem:s26], [sflag:$0x3], $0x80, s1, s25, $0xb8;
	[tilespmem:$0x1C400] =	vst v63  }
0x104: {  	_ =	swait.ge [sflag:s22], $0x4000  }
0x105: {  	s7 =	smov.u32 s10;
	s6 =	sshra.s32 s8, $0x2;
	[sflag:s22] =	ssyncset.done $0x0  }
.Ltmp7:
0x106: {  	_ = 	snop;
	(pc) =	sbr.rel .LBB2_19-.Ltmp7, $1  }
0x107: {  	_ =	sdelay $0x3  }
.LBB2_2:
0x108: {  	s16 =	sadd.s32 $0x200, s3  }
.LBB2_3:
0x109: {  	p1 =	sne.s32 s16, $0x7E00;
	[tilespmem:s6+$0xA070] =	vst v0  }
0x10a: {  	[tilespmem:s6+$0xA000] =	vst v0  }
0x10b: {  	[tilespmem:s6+$0xA010] =	vst v0  }
.Ltmp8:
0x10c: {  	[tilespmem:s6+$0xA020] =	vst v0;
	(pc) =	sbr.rel @p1 .LBB2_3-.Ltmp8, $4  }
0x10d: {  	[tilespmem:s6+$0xA030] =	vst v0  }
0x10e: {  	[tilespmem:s6+$0xA040] =	vst v0  }
0x10f: {  	[tilespmem:s6+$0xA050] =	vst v0  }
0x110: {  	[tilespmem:s6+$0xA060] =	vst v0;
	s6 =	sshra.s32 s16, $0x2;
	s16 =	sadd.s32 $0x200, s16  }
0x111: {  	[tilespmem:s6+$0xA070] =	vst v0  }
0x112: {  	[tilespmem:s6+$0xA000] =	vst v0  }
0x113: {  	[tilespmem:s6+$0xA010] =	vst v0  }
0x114: {  	[tilespmem:s6+$0xA020] =	vst v0  }
0x115: {  	[tilespmem:s6+$0xA030] =	vst v0  }
0x116: {  	[tilespmem:s6+$0xA040] =	vst v0  }
0x117: {  	[tilespmem:s6+$0xA050] =	vst v0  }
0x118: {  	[tilespmem:s6+$0xA060] =	vst v0  }
0x119: {  	[spmem:s9] =	stream.linear.scatter [tilespmem:s24], [sflag:$0x3], $0x2000, $0x38;
	[tilespmem:$0x1C400] =	vst v63  }
0x11a: {  	_ =	swait.ge [sflag:s22], $0x2000  }
0x11b: {  	[sflag:s22] =	ssyncset.done $0x0  }
0x11c: {  	[sflag:s22] =	ssyncadd.s32 $0xFFFFE000  }
0x11d: {  	[spmem:s18] =	stream.linear.scatter [tilespmem:s24], [sflag:$0x3], $0x2000, $0x38;
	[tilespmem:$0x1C400] =	vst v63  }
0x11e: {  	_ =	swait.ge [sflag:s22], $0x2000  }
0x11f: {  	[sflag:s22] =	ssyncset.done $0x0  }
0x120: {  	[sflag:s22] =	ssyncadd.s32 $0xFFFFE000  }
0x121: {  	[spmem:s19] =	stream.linear.scatter [tilespmem:s24], [sflag:$0x3], $0x2000, $0x38;
	[tilespmem:$0x1C400] =	vst v63  }
0x122: {  	_ =	swait.ge [sflag:s22], $0x2000  }
0x123: {  	[sflag:s22] =	ssyncset.done $0x0  }
0x124: {  	[sflag:s22] =	ssyncadd.s32 $0xFFFFE000  }
0x125: {  	[spmem:s20] =	stream.linear.scatter [tilespmem:s24], [sflag:$0x3], $0x2000, $0x38;
	[tilespmem:$0x1C400] =	vst v63  }
0x126: {  	_ =	swait.ge [sflag:s22], $0x2000  }
0x127: {  	[sflag:s22] =	ssyncset.done $0x0  }
0x128: {  	[sflag:s22] =	ssyncadd.s32 $0xFFFFE000  }
0x129: {  	[spmem:s21] =	stream.linear.scatter [tilespmem:s24], [sflag:$0x3], $0x2000, $0x38;
	[tilespmem:$0x1C400] =	vst v63  }
0x12a: {  	_ =	swait.ge [sflag:s22], $0x2000  }
0x12b: {  	[sflag:s22] =	ssyncset.done $0x0  }
0x12c: {  	[sflag:s22] =	ssyncadd.s32 $0xFFFFE000  }
0x12d: {  	[spmem:s11] =	stream.linear.scatter [tilespmem:s24], [sflag:$0x3], $0x400, $0x38;
	[tilespmem:$0x1C400] =	vst v63  }
0x12e: {  	_ =	swait.ge [sflag:s22], $0x400  }
0x12f: {  	[sflag:s22] =	ssyncset.done $0x0  }
0x130: {  	[sflag:s22] =	ssyncadd.s32 $0xFFFFFC00  }
0x131: {  	s1 =	simm.s32 $0x0;
	[bflag:$0x0] =	sbarrier.arrive $0xFFFF  }
0x132: {  	[tilespmem:s24], [sflag:$0x1] =	stream.indirect.gather [hbm4b:s4+s25], $0x80, s1, s25, $0xb8;
	[tilespmem:$0x1C400] =	vst v63  }
0x133: {  	s7 =	simm.s32 $0x80  }
0x134: {  	[tilespmem:s26], [sflag:$0x2] =	stream.indirect.gather [hbm4b:s4+s25], $0x80, s7, s25, $0xb8;
	[tilespmem:$0x1C400] =	vst v63  }
0x135: {  	_ =	swait.ge [sflag:s28], $0x4000  }
0x136: {  	[sflag:s28] =	ssyncset.done $0x0  }
0x137: {  	s8 =	simm.s32 $0x5000;
	[sflag:s28] =	ssyncadd.s32 $0xFFFFC000  }
0x138: {  	[spmem:s2] =	stream.indirect.scatter.add.f32 [tilespmem:s24], [sflag:$0x3], $0x80, s8, s25, $0xb8;
	[tilespmem:$0x1C400] =	vst v63  }
0x139: {  	_ =	swait.ge [sflag:s22], $0x4000  }
0x13a: {  	[sflag:s22] =	ssyncset.done $0x0  }
0x13b: {  	s10 =	simm.s32 $0x100;
	[sflag:s22] =	ssyncadd.s32 $0xFFFFC000  }
0x13c: {  	[tilespmem:s24], [sflag:$0x1] =	stream.indirect.gather [hbm4b:s4+s25], $0x80, s10, s25, $0xb8;
	[tilespmem:$0x1C400] =	vst v63  }
0x13d: {  	_ =	swait.ge [sflag:s29], $0x4000  }
0x13e: {  	[sflag:s29] =	ssyncset.done $0x0  }
0x13f: {  	s16 =	simm.s32 $0x5080;
	[sflag:s29] =	ssyncadd.s32 $0xFFFFC000  }
0x140: {  	[spmem:s2] =	stream.indirect.scatter.add.f32 [tilespmem:s26], [sflag:$0x3], $0x80, s16, s25, $0xb8;
	[tilespmem:$0x1C400] =	vst v63  }
0x141: {  	_ =	swait.ge [sflag:s22], $0x4000  }
0x142: {  	s6 =	simm.s32 $0x800;
	s16 =	simm.s32 $0x100;
	[sflag:s22] =	ssyncset.done $0x0  }
.LBB2_5:
0x143: {  	s7 =	sadd.s32 $0x80, s16  }
0x144: {  	[sflag:s22] =	ssyncadd.s32 $0xFFFFC000;
	s1 =	smov.u32 s6;
	s8 =	sadd.s32 $0x400, s6  }
0x145: {  	[tilespmem:s26], [sflag:$0x2] =	stream.indirect.gather [hbm4b:s4+s25], $0x80, s7, s25, $0xb8;
	[tilespmem:$0x1C400] =	vst v63  }
0x146: {  	p1 =	sne.s32 s6, $0x13800;
	_ =	swait.ge [sflag:s28], $0x4000  }
0x147: {  	[sflag:s28] =	ssyncset.done $0x0  }
0x148: {  	s6 =	sadd.s32 $0x5000, s16;
	[sflag:s28] =	ssyncadd.s32 $0xFFFFC000  }
0x149: {  	[spmem:s2] =	stream.indirect.scatter.add.f32 [tilespmem:s24], [sflag:$0x3], $0x80, s6, s25, $0xb8;
	[tilespmem:$0x1C400] =	vst v63  }
0x14a: {  	_ =	swait.ge [sflag:s22], $0x4000  }
0x14b: {  	[sflag:s22] =	ssyncset.done $0x0  }
0x14c: {  	s6 =	sadd.s32 $0x100, s16;
	[sflag:s22] =	ssyncadd.s32 $0xFFFFC000  }
0x14d: {  	[tilespmem:s24], [sflag:$0x1] =	stream.indirect.gather [hbm4b:s4+s25], $0x80, s6, s25, $0xb8;
	[tilespmem:$0x1C400] =	vst v63  }
0x14e: {  	_ =	swait.ge [sflag:s29], $0x4000  }
.Ltmp9:
0x14f: {  	[sflag:s29] =	ssyncset.done $0x0;
	(pc) =	sbr.rel @p1 .LBB2_5-.Ltmp9, $4  }
0x150: {  	s6 =	sadd.s32 $0x5080, s16;
	[sflag:s29] =	ssyncadd.s32 $0xFFFFC000  }
0x151: {  	[spmem:s2] =	stream.indirect.scatter.add.f32 [tilespmem:s26], [sflag:$0x3], $0x80, s6, s25, $0xb8;
	[tilespmem:$0x1C400] =	vst v63  }
0x152: {  	_ =	swait.ge [sflag:s22], $0x4000  }
0x153: {  	s16 =	sshra.s32 s1, $0x2;
	s6 =	smov.u32 s8;
	[sflag:s22] =	ssyncset.done $0x0  }
0x154: {  	s1 =	sadd.s32 $0x80, s16;
	[sflag:s22] =	ssyncadd.s32 $0xFFFFC000  }
0x155: {  	[tilespmem:s26], [sflag:$0x2] =	stream.indirect.gather [hbm4b:s4+s25], $0x80, s1, s25, $0xb8;
	[tilespmem:$0x1C400] =	vst v63  }
0x156: {  	_ =	swait.ge [sflag:s28], $0x4000  }
0x157: {  	[sflag:s28] =	ssyncset.done $0x0  }
0x158: {  	s8 =	sadd.s32 $0x5000, s16;
	[sflag:s28] =	ssyncadd.s32 $0xFFFFC000  }
0x159: {  	[spmem:s2] =	stream.indirect.scatter.add.f32 [tilespmem:s24], [sflag:$0x3], $0x80, s8, s25, $0xb8;
	[tilespmem:$0x1C400] =	vst v63  }
0x15a: {  	_ =	swait.ge [sflag:s22], $0x4000  }
0x15b: {  	[sflag:s22] =	ssyncset.done $0x0  }
0x15c: {  	s10 =	sadd.s32 $0x100, s16;
	[sflag:s22] =	ssyncadd.s32 $0xFFFFC000  }
0x15d: {  	[tilespmem:s24], [sflag:$0x1] =	stream.indirect.gather [hbm4b:s4+s25], $0x80, s10, s25, $0xb8;
	[tilespmem:$0x1C400] =	vst v63  }
0x15e: {  	_ =	swait.ge [sflag:s29], $0x4000  }
0x15f: {  	[sflag:s29] =	ssyncset.done $0x0  }
0x160: {  	s6 =	sadd.s32 $0x5080, s16;
	[sflag:s29] =	ssyncadd.s32 $0xFFFFC000  }
0x161: {  	[spmem:s2] =	stream.indirect.scatter.add.f32 [tilespmem:s26], [sflag:$0x3], $0x80, s6, s25, $0xb8;
	[tilespmem:$0x1C400] =	vst v63  }
0x162: {  	_ =	swait.ge [sflag:s22], $0x4000  }
0x163: {  	[sflag:s22] =	ssyncset.done $0x0  }
0x164: {  	[sflag:s22] =	ssyncadd.s32 $0xFFFFC000  }
0x165: {  	[tilespmem:s26], [sflag:$0x2] =	stream.indirect.gather [hbm4b:s4+s25], $0x80, s30, s25, $0xb8;
	[tilespmem:$0x1C400] =	vst v63  }
0x166: {  	_ =	swait.ge [sflag:s28], $0x4000  }
0x167: {  	[sflag:s28] =	ssyncset.done $0x0  }
0x168: {  	[sflag:s28] =	ssyncadd.s32 $0xFFFFC000  }
0x169: {  	[spmem:s2] =	stream.indirect.scatter.add.f32 [tilespmem:s24], [sflag:$0x3], $0x80, s31, s25, $0xb8;
	[tilespmem:$0x1C400] =	vst v63  }
0x16a: {  	_ =	swait.ge [sflag:s22], $0x4000  }
0x16b: {  	[sflag:s22] =	ssyncset.done $0x0  }
0x16c: {  	[sflag:s22] =	ssyncadd.s32 $0xFFFFC000  }
0x16d: {  	_ =	swait.ge [sflag:s29], $0x4000  }
0x16e: {  	[sflag:s29] =	ssyncset.done $0x0  }
0x16f: {  	[sflag:s29] =	ssyncadd.s32 $0xFFFFC000  }
0x170: {  	[spmem:s2] =	stream.indirect.scatter.add.f32 [tilespmem:s26], [sflag:$0x3], $0x80, s0, s25, $0xb8;
	[tilespmem:$0x1C400] =	vst v63  }
0x171: {  	_ =	swait.ge [sflag:s22], $0x4000  }
0x172: {  	[sflag:s22] =	ssyncset.done $0x0  }
0x173: {  	s7 =	stileid.u32;
	[sflag:s22] =	ssyncadd.s32 $0xFFFFC000  }
0x174: {  	s1 =	sshll.u32 s7, $0x6;
	[bflag:$0x0] =	sbarrier.arrive $0xFFFF  }
0x175: {  	s16 =	sor.u32 $0x1C03, s1;
	s8 =	sshrl.u32 s12, $0x3;
	s6 =	rddreg [dreg:$0x7]  }
0x176: {  	[hbm:s6], [sflag:s16] =	dma.local [spmem:s8], $0x1400  }
0x177: {  	_ =	swait.ge [sflag:s22], $0x1400  }
0x178: {  	[sflag:s22] =	ssyncset.done $0x0  }
0x179: {  	[sflag:s22] =	ssyncadd.s32 $0xFFFFEC00  }
0x17a: {  	s10 =	simm.s32 $0x0;
	[bflag:$0x0] =	sbarrier.arrive $0xFFFF  }
0x17b: {  	[tilespmem:s23], [sflag:$0x3] =	stream.linear.gather [hbm4b:s14+s10], $0x5000, $0x38;
	[tilespmem:$0x1C400] =	vst v63  }
0x17c: {  	_ =	swait.ge [sflag:s22], $0x5000  }
0x17d: {  	[sflag:s22] =	ssyncset.done $0x0  }
0x17e: {  	s7 =	simm.s32 $0x200;
	s6 =	simm.s32 $0x0;
	[sflag:s22] =	ssyncadd.s32 $0xFFFFB000  }
.LBB2_7:
0x17f: {  	p1 =	sne.s32 s7, $0x7E00;
	[tilespmem:s6+$0xA070] =	vst v0  }
0x180: {  	[tilespmem:s6+$0xA000] =	vst v0  }
0x181: {  	[tilespmem:s6+$0xA010] =	vst v0  }
.Ltmp10:
0x182: {  	[tilespmem:s6+$0xA020] =	vst v0;
	(pc) =	sbr.rel @p1 .LBB2_7-.Ltmp10, $4  }
0x183: {  	[tilespmem:s6+$0xA030] =	vst v0  }
0x184: {  	[tilespmem:s6+$0xA040] =	vst v0  }
0x185: {  	[tilespmem:s6+$0xA050] =	vst v0  }
0x186: {  	[tilespmem:s6+$0xA060] =	vst v0;
	s6 =	sshra.s32 s7, $0x2;
	s7 =	sadd.s32 $0x200, s7  }
0x187: {  	[tilespmem:s6+$0xA070] =	vst v0  }
0x188: {  	[tilespmem:s6+$0xA000] =	vst v0  }
0x189: {  	[tilespmem:s6+$0xA010] =	vst v0  }
0x18a: {  	[tilespmem:s6+$0xA020] =	vst v0  }
0x18b: {  	[tilespmem:s6+$0xA030] =	vst v0  }
0x18c: {  	[tilespmem:s6+$0xA040] =	vst v0  }
0x18d: {  	[tilespmem:s6+$0xA050] =	vst v0  }
0x18e: {  	[tilespmem:s6+$0xA060] =	vst v0  }
0x18f: {  	[spmem:s9] =	stream.linear.scatter [tilespmem:s24], [sflag:$0x3], $0x2000, $0x38;
	[tilespmem:$0x1C400] =	vst v63  }
0x190: {  	_ =	swait.ge [sflag:s22], $0x2000  }
0x191: {  	[sflag:s22] =	ssyncset.done $0x0  }
0x192: {  	[sflag:s22] =	ssyncadd.s32 $0xFFFFE000  }
0x193: {  	[spmem:s18] =	stream.linear.scatter [tilespmem:s24], [sflag:$0x3], $0x2000, $0x38;
	[tilespmem:$0x1C400] =	vst v63  }
0x194: {  	_ =	swait.ge [sflag:s22], $0x2000  }
0x195: {  	[sflag:s22] =	ssyncset.done $0x0  }
0x196: {  	[sflag:s22] =	ssyncadd.s32 $0xFFFFE000  }
0x197: {  	[spmem:s19] =	stream.linear.scatter [tilespmem:s24], [sflag:$0x3], $0x2000, $0x38;
	[tilespmem:$0x1C400] =	vst v63  }
0x198: {  	_ =	swait.ge [sflag:s22], $0x2000  }
0x199: {  	[sflag:s22] =	ssyncset.done $0x0  }
0x19a: {  	[sflag:s22] =	ssyncadd.s32 $0xFFFFE000  }
0x19b: {  	[spmem:s20] =	stream.linear.scatter [tilespmem:s24], [sflag:$0x3], $0x2000, $0x38;
	[tilespmem:$0x1C400] =	vst v63  }
0x19c: {  	_ =	swait.ge [sflag:s22], $0x2000  }
0x19d: {  	[sflag:s22] =	ssyncset.done $0x0  }
0x19e: {  	[sflag:s22] =	ssyncadd.s32 $0xFFFFE000  }
0x19f: {  	[spmem:s21] =	stream.linear.scatter [tilespmem:s24], [sflag:$0x3], $0x2000, $0x38;
	[tilespmem:$0x1C400] =	vst v63  }
0x1a0: {  	_ =	swait.ge [sflag:s22], $0x2000  }
0x1a1: {  	[sflag:s22] =	ssyncset.done $0x0  }
0x1a2: {  	[sflag:s22] =	ssyncadd.s32 $0xFFFFE000  }
0x1a3: {  	[spmem:s11] =	stream.linear.scatter [tilespmem:s24], [sflag:$0x3], $0x400, $0x38;
	[tilespmem:$0x1C400] =	vst v63  }
0x1a4: {  	_ =	swait.ge [sflag:s22], $0x400  }
0x1a5: {  	[sflag:s22] =	ssyncset.done $0x0  }
0x1a6: {  	[sflag:s22] =	ssyncadd.s32 $0xFFFFFC00  }
0x1a7: {  	s1 =	simm.s32 $0x0;
	[bflag:$0x0] =	sbarrier.arrive $0xFFFF  }
0x1a8: {  	[tilespmem:s24], [sflag:$0x1] =	stream.indirect.gather [hbm4b:s4+s25], $0x80, s1, s25, $0xb8;
	[tilespmem:$0x1C400] =	vst v63  }
0x1a9: {  	s6 =	simm.s32 $0x80  }
0x1aa: {  	[tilespmem:s26], [sflag:$0x2] =	stream.indirect.gather [hbm4b:s4+s25], $0x80, s6, s25, $0xb8;
	[tilespmem:$0x1C400] =	vst v63  }
0x1ab: {  	_ =	swait.ge [sflag:s28], $0x4000  }
0x1ac: {  	[sflag:s28] =	ssyncset.done $0x0  }
0x1ad: {  	s7 =	simm.s32 $0x5000;
	[sflag:s28] =	ssyncadd.s32 $0xFFFFC000  }
0x1ae: {  	[spmem:s2] =	stream.indirect.scatter.add.f32 [tilespmem:s24], [sflag:$0x3], $0x80, s7, s25, $0xb8;
	[tilespmem:$0x1C400] =	vst v63  }
0x1af: {  	_ =	swait.ge [sflag:s22], $0x4000  }
0x1b0: {  	[sflag:s22] =	ssyncset.done $0x0  }
0x1b1: {  	s8 =	simm.s32 $0x100;
	[sflag:s22] =	ssyncadd.s32 $0xFFFFC000  }
0x1b2: {  	[tilespmem:s24], [sflag:$0x1] =	stream.indirect.gather [hbm4b:s4+s25], $0x80, s8, s25, $0xb8;
	[tilespmem:$0x1C400] =	vst v63  }
0x1b3: {  	_ =	swait.ge [sflag:s29], $0x4000  }
0x1b4: {  	[sflag:s29] =	ssyncset.done $0x0  }
0x1b5: {  	s10 =	simm.s32 $0x5080;
	[sflag:s29] =	ssyncadd.s32 $0xFFFFC000  }
0x1b6: {  	[spmem:s2] =	stream.indirect.scatter.add.f32 [tilespmem:s26], [sflag:$0x3], $0x80, s10, s25, $0xb8;
	[tilespmem:$0x1C400] =	vst v63  }
0x1b7: {  	_ =	swait.ge [sflag:s22], $0x4000  }
0x1b8: {  	s6 =	simm.s32 $0x100;
	s7 =	simm.s32 $0x800;
	[sflag:s22] =	ssyncset.done $0x0  }
.LBB2_9:
0x1b9: {  	s1 =	sadd.s32 $0x80, s6  }
0x1ba: {  	[sflag:s22] =	ssyncadd.s32 $0xFFFFC000;
	s8 =	smov.u32 s7;
	s10 =	sadd.s32 $0x400, s7  }
0x1bb: {  	[tilespmem:s26], [sflag:$0x2] =	stream.indirect.gather [hbm4b:s4+s25], $0x80, s1, s25, $0xb8;
	[tilespmem:$0x1C400] =	vst v63  }
0x1bc: {  	p1 =	sne.s32 s7, $0x13800;
	_ =	swait.ge [sflag:s28], $0x4000  }
0x1bd: {  	[sflag:s28] =	ssyncset.done $0x0  }
0x1be: {  	s1 =	sadd.s32 $0x5000, s6;
	[sflag:s28] =	ssyncadd.s32 $0xFFFFC000  }
0x1bf: {  	[spmem:s2] =	stream.indirect.scatter.add.f32 [tilespmem:s24], [sflag:$0x3], $0x80, s1, s25, $0xb8;
	[tilespmem:$0x1C400] =	vst v63  }
0x1c0: {  	_ =	swait.ge [sflag:s22], $0x4000  }
0x1c1: {  	[sflag:s22] =	ssyncset.done $0x0  }
0x1c2: {  	s1 =	sadd.s32 $0x100, s6;
	[sflag:s22] =	ssyncadd.s32 $0xFFFFC000  }
0x1c3: {  	[tilespmem:s24], [sflag:$0x1] =	stream.indirect.gather [hbm4b:s4+s25], $0x80, s1, s25, $0xb8;
	[tilespmem:$0x1C400] =	vst v63  }
0x1c4: {  	_ =	swait.ge [sflag:s29], $0x4000  }
.Ltmp11:
0x1c5: {  	[sflag:s29] =	ssyncset.done $0x0;
	(pc) =	sbr.rel @p1 .LBB2_9-.Ltmp11, $4  }
0x1c6: {  	s1 =	sadd.s32 $0x5080, s6;
	[sflag:s29] =	ssyncadd.s32 $0xFFFFC000  }
0x1c7: {  	[spmem:s2] =	stream.indirect.scatter.add.f32 [tilespmem:s26], [sflag:$0x3], $0x80, s1, s25, $0xb8;
	[tilespmem:$0x1C400] =	vst v63  }
0x1c8: {  	_ =	swait.ge [sflag:s22], $0x4000  }
0x1c9: {  	s7 =	smov.u32 s10;
	s6 =	sshra.s32 s8, $0x2;
	[sflag:s22] =	ssyncset.done $0x0  }
0x1ca: {  	s1 =	sadd.s32 $0x80, s6;
	[sflag:s22] =	ssyncadd.s32 $0xFFFFC000  }
0x1cb: {  	[tilespmem:s26], [sflag:$0x2] =	stream.indirect.gather [hbm4b:s4+s25], $0x80, s1, s25, $0xb8;
	[tilespmem:$0x1C400] =	vst v63  }
0x1cc: {  	_ =	swait.ge [sflag:s28], $0x4000  }
0x1cd: {  	[sflag:s28] =	ssyncset.done $0x0  }
0x1ce: {  	s7 =	sadd.s32 $0x5000, s6;
	[sflag:s28] =	ssyncadd.s32 $0xFFFFC000  }
0x1cf: {  	[spmem:s2] =	stream.indirect.scatter.add.f32 [tilespmem:s24], [sflag:$0x3], $0x80, s7, s25, $0xb8;
	[tilespmem:$0x1C400] =	vst v63  }
0x1d0: {  	_ =	swait.ge [sflag:s22], $0x4000  }
0x1d1: {  	[sflag:s22] =	ssyncset.done $0x0  }
0x1d2: {  	s8 =	sadd.s32 $0x100, s6;
	[sflag:s22] =	ssyncadd.s32 $0xFFFFC000  }
0x1d3: {  	[tilespmem:s24], [sflag:$0x1] =	stream.indirect.gather [hbm4b:s4+s25], $0x80, s8, s25, $0xb8;
	[tilespmem:$0x1C400] =	vst v63  }
0x1d4: {  	_ =	swait.ge [sflag:s29], $0x4000  }
0x1d5: {  	[sflag:s29] =	ssyncset.done $0x0  }
0x1d6: {  	s10 =	sadd.s32 $0x5080, s6;
	[sflag:s29] =	ssyncadd.s32 $0xFFFFC000  }
0x1d7: {  	[spmem:s2] =	stream.indirect.scatter.add.f32 [tilespmem:s26], [sflag:$0x3], $0x80, s10, s25, $0xb8;
	[tilespmem:$0x1C400] =	vst v63  }
.Ltmp12:
0x1d8: {  	_ = 	snop;
	(pc) =	sbr.rel .LBB2_20-.Ltmp12, $4  }
0x1d9: {  	_ =	swait.ge [sflag:s22], $0x4000  }
0x1da: {  	[sflag:s22] =	ssyncset.done $0x0  }
0x1db: {  	s6 =	rddreg [dreg:$0x3];
	[sflag:s22] =	ssyncadd.s32 $0xFFFFC000  }
0x1dc: {  	[tilespmem:s26], [sflag:$0x2] =	stream.indirect.gather [hbm4b:s4+s25], $0x80, s30, s25, $0xb8;
	[tilespmem:$0x1C400] =	vst v63  }
.LBB2_21:
0x1dd: {  	_ =	sfence.sel $0x180000  }
0x1de: {  	[bflag:$0x0] =	sbarrier.arrive $0xFFFF  }
0x1df: {  	_ =	strace $0x9000004A  }
0x1e0: {  	s0 =	stileid.u32;
	[bflag:$0x2] =	sbarrier.arrive $0xFFFF  }
0x1e1: {  	p0 =	sne.s32 s0, $0x0;
	s0 =	rddreg [dreg:$0x2]  }
0x1e2: {  	s0 =	sadd.s32 @!p0 $0x100000, s0  }
0x1e3: {  	[sflag:s0] =	ssyncadd.tile.s32 @!p0 $0x1;
	_ =	shalt  }
.Lfunc_end2:
_tile_overlayer_lowered:
.L_overlay_start_2:
0x1e4: {  	(tag) =	ssettag $0x2  }
0x1e5: {  	s0 =	rddreg [dreg:$0x0];
	s2 =	stileid.u32  }
0x1e6: {  	s1 =	rddreg [dreg:$0x1];
	p0 =	sne.s32 s2, $0x0  }
0x1e7: {  	s3 =	rddreg [dreg:$0x2];
	[bflag:$0x3] =	sbarrier.arrive $0xFFFF;
	s2 =	simm.s32 @!p0 $0x1C03  }
0x1e8: {  	[timem:s3], [sflag:s2] =	dma.local @!p0 [hbm:s0], s1  }
0x1e9: {  	s0 =	simm.s32 @!p0 $0x3  }
0x1ea: {  	_ =	swait.ge @!p0 [sflag:s0], s1  }
0x1eb: {  	s1 =	ssub.s32 @!p0 $0x0, s1;
	[sflag:s0] =	ssyncset.done @!p0 $0x0  }
0x1ec: {  	[sflag:s0] =	ssyncadd.s32 @!p0 s1  }
0x1ed: {  	[bflag:$0x3] =	sbarrier.arrive $0xFFFF  }
0x1ee: {  	_ =	shalt  }

// kernel: kernel.15.cloned.1.call-start
scs
__scs_entry_jumppad:
0x0: {  	(pc) =	sbr.rel $0x88, $3  }
0x1: {  	(tag) =	ssettag $0x0;
	lr =	simm.s32 $0x1  }
0x2: {  	[smem:$0x3F91] =	sst lr;
	_ =	strace $0xD0000000  }
0x3: {  	_ = 	snop  }
0x4: {  	_ = 	snop  }
0x5: {  	_ = 	snop  }
0x6: {  	_ = 	snop  }
0x7: {  	_ = 	snop  }
__scs_overlays_trampoline_lowered:
0x8: {  	[smem:$0x3FA0] =	sst s0  }
0x9: {  	[smem:$0x3FA1] =	sst s1  }
0xa: {  	[smem:$0x3FA2] =	sst s2  }
0xb: {  	[smem:$0x3FA3] =	sst s3  }
0xc: {  	[smem:$0x3FA4] =	sst s4  }
0xd: {  	[smem:$0x3FA5] =	sst s5  }
0xe: {  	[smem:$0x3FA6] =	sst s6  }
0xf: {  	[smem:$0x3FA7] =	sst s7  }
0x10: {  	[smem:$0x3FA8] =	sst s8  }
0x11: {  	[smem:$0x3FA9] =	sst s9;
	s0 =	simm.s32 @!p0 $0x0  }
0x12: {  	s1 =	sld [smem:$0x3F8F];
	s0 =	simm.s32 @p0 $0x1  }
0x13: {  	[smem:$0x3FAA] =	sst s0;
	s0 =	simm.s32 @!p1 $0x0  }
0x14: {  	s2 =	sld [smem:$0x3F8E];
	s0 =	simm.s32 @p1 $0x1  }
0x15: {  	[smem:$0x3FAB] =	sst s0;
	s0 =	simm.s32 @!p2 $0x0  }
0x16: {  	s3 =	sld [smem:$0x3FDB];
	s0 =	simm.s32 @p2 $0x1  }
0x17: {  	s4 =	simm.s32 $0x1BF5;
	[smem:$0x3FAD] =	sst s0  }
0x18: {  	s0 =	sld [smem:$0x3F90];
	_ =	swait.ge [sflag:s4], $0x0  }
0x19: {  	s7 =	sld [smem:$0x3F91]  }
0x1a: {  	s8 =	sadd.s32 $0xFFFFE003, lr  }
0x1b: {  	s9 =	sadd.s32 $0xFFFFFEF7, lr;
	s5 =	simm.s32 $0xFFFFFFFF;
	p2 =	slt.u32 s8, $0xFFFFF086  }
0x1c: {  	p1 =	slt.u32 s9, $0xF7A;
	s5 =	simm.s32 @!p2 $0x0  }
0x1d: {  	s5 =	simm.s32 @p1 $0x1;
	p0 =	seq.s32 s7, s2  }
0x1e: {  	s7 =	smul.u32 @!p0 $0xF7A, s2;
	p2 =	seq.s32 @!p0 s5, $0x0  }
0x1f: {  	s9 =	smul.u32 $0xF7A, s1;
	s8 =	simm.s32 @!p0 $0x1BF5;
	p2 =	por !p2, p0  }
0x20: {  	[sflag:s8] =	ssyncset.s32 @!p0 $0xFFFFF086;
	s6 =	sadd.s32 @!p0 s3, s7;
	s7 =	simm.s32 @!p0 $0x108  }
0x21: {  	s3 =	sadd.s32 s3, s9;
	s6 =	sadd.s32 @!p0 $0x88, s6;
	s7 =	simm.s32 @p2 $0x1082  }
0x22: {  	[simem:s7], [sflag:s8] =	dma.local @!p0 [hbm:s6], $0xF7A  }
0x23: {  	s9 =	sor.u32 $0xD0000000, s2;
	s6 =	simm.s32 $0x108;
	_ =	swait.ge @!p0 [sflag:s8], $0x0  }
0x24: {  	s3 =	sadd.s32 $0x88, s3;
	s6 =	simm.s32 @!p1 $0x1082;
	[sflag:s4] =	ssyncset.s32 $0xFFFFF086  }
0x25: {  	[simem:s6], [sflag:s4] =	dma.local [hbm:s3], $0xF7A  }
0x26: {  	[smem:$0x3F91] =	sst s1;
	(tag) =	ssettag s2;
	_ =	strace s9  }
0x27: {  	s1 =	sld [smem:$0x3FA1]  }
0x28: {  	s2 =	sld [smem:$0x3FA2]  }
0x29: {  	s4 =	sld [smem:$0x3FA4]  }
0x2a: {  	p0 =	seq.s32 s5, $0x0;
	s5 =	sld [smem:$0x3FA5]  }
0x2b: {  	s6 =	sld [smem:$0x3FA6]  }
0x2c: {  	s7 =	sld [smem:$0x3FA7]  }
0x2d: {  	s3 =	simm.s32 $0x108;
	s8 =	sld [smem:$0x3FA8]  }
0x2e: {  	s3 =	simm.s32 @!p0 $0x1082;
	s9 =	sld [smem:$0x3FA9]  }
0x2f: {  	lr =	sadd.s32 s0, s3;
	s0 =	sld [smem:$0x3FA0]  }
0x30: {  	s3 =	sld [smem:$0x3FA3]  }
0x31: {  	[smem:$0x3FAC] =	sst s10  }
0x32: {  	s10 =	sld [smem:$0x3FAA];
	_ =	sdelay $0x3  }
0x33: {  	p0 =	seq.s32 s10, $0x1;
	s10 =	sld [smem:$0x3FAC];
	_ =	sdelay $0x3  }
0x34: {  	[smem:$0x3FAC] =	sst s10  }
0x35: {  	s10 =	sld [smem:$0x3FAB];
	_ =	sdelay $0x3  }
0x36: {  	p1 =	seq.s32 s10, $0x1;
	s10 =	sld [smem:$0x3FAC];
	_ =	sdelay $0x3  }
0x37: {  	[smem:$0x3FAC] =	sst s10  }
0x38: {  	s10 =	sld [smem:$0x3FAD]  }
0x39: {  	_ = 	snop;
	(pc) =	sbr.ind lr, $3  }
0x3a: {  	_ = 	snop  }
0x3b: {  	_ = 	snop  }
0x3c: {  	p2 =	seq.s32 s10, $0x1;
	s10 =	sld [smem:$0x3FAC]  }
0x3d: {  	_ =	shalt  }
0x3e: {  	_ =	shalt  }
0x3f: {  	_ =	shalt  }
0x40: {  	_ =	shalt  }
0x41: {  	_ =	shalt  }
0x42: {  	_ =	shalt  }
0x43: {  	_ =	shalt  }
0x44: {  	_ =	shalt  }
0x45: {  	_ =	shalt  }
0x46: {  	_ =	shalt  }
0x47: {  	_ =	shalt  }
0x48: {  	_ =	shalt  }
0x49: {  	_ =	shalt  }
0x4a: {  	_ =	shalt  }
0x4b: {  	_ =	shalt  }
0x4c: {  	_ =	shalt  }
0x4d: {  	_ =	shalt  }
0x4e: {  	_ =	shalt  }
0x4f: {  	_ =	shalt  }
0x50: {  	_ =	shalt  }
0x51: {  	_ =	shalt  }
0x52: {  	_ =	shalt  }
0x53: {  	_ =	shalt  }
0x54: {  	_ =	shalt  }
0x55: {  	_ =	shalt  }
0x56: {  	_ =	shalt  }
0x57: {  	_ =	shalt  }
0x58: {  	_ =	shalt  }
0x59: {  	_ =	shalt  }
0x5a: {  	_ =	shalt  }
0x5b: {  	_ =	shalt  }
0x5c: {  	_ =	shalt  }
0x5d: {  	_ =	shalt  }
0x5e: {  	_ =	shalt  }
0x5f: {  	_ =	shalt  }
0x60: {  	_ =	shalt  }
0x61: {  	_ =	shalt  }
0x62: {  	_ =	shalt  }
0x63: {  	_ =	shalt  }
0x64: {  	_ =	shalt  }
0x65: {  	_ =	shalt  }
0x66: {  	_ =	shalt  }
0x67: {  	_ =	shalt  }
0x68: {  	_ =	shalt  }
0x69: {  	_ =	shalt  }
0x6a: {  	_ =	shalt  }
0x6b: {  	_ =	shalt  }
0x6c: {  	_ =	shalt  }
0x6d: {  	_ =	shalt  }
0x6e: {  	_ =	shalt  }
0x6f: {  	_ =	shalt  }
0x70: {  	_ =	shalt  }
0x71: {  	_ =	shalt  }
0x72: {  	_ =	shalt  }
0x73: {  	_ =	shalt  }
0x74: {  	_ =	shalt  }
0x75: {  	_ =	shalt  }
0x76: {  	_ =	shalt  }
0x77: {  	_ =	shalt  }
0x78: {  	_ =	shalt  }
0x79: {  	_ =	shalt  }
0x7a: {  	_ =	shalt  }
0x7b: {  	_ =	shalt  }
0x7c: {  	_ =	shalt  }
0x7d: {  	_ =	shalt  }
0x7e: {  	_ =	shalt  }
0x7f: {  	_ =	shalt  }
0x80: {  	_ =	shalt  }
0x81: {  	_ =	shalt  }
0x82: {  	_ =	shalt  }
0x83: {  	_ =	shalt  }
0x84: {  	_ =	shalt  }
0x85: {  	_ =	shalt  }
0x86: {  	_ =	shalt  }
0x87: {  	_ =	shalt  }
.Lfunc_end0:
.L_simem_size_0:
called_computation.2_lowered:
.L_overlay_start_0:
0x88: {  	s2 =	sld [smem:$0x3FD9]  }
0x89: {  	s3 =	sld [smem:$0x3FFE];
	_ =	sdelay $0x1  }
0x8a: {  	s1 =	srdreg.scid  }
0x8b: {  	s0 =	sand.u32 $0x1, s1  }
0x8c: {  	s16 =	sshll.u32 s0, $0xA;
	s2 =	sadd.s32 s3, s2  }
0x8d: {  	s2 =	sadd.s32 s2, s16  }
0x8e: {  	[smem:$0x3FB8] =	sst s2  }
0x8f: {  	_ = 	snop  }
0x90: {  	(tm) =	ssettm $0x1  }
0x91: {  	s17 =	sld [smem:$0x3FFB];
	_ =	sdelay $0x3  }
0x92: {  	_ =	strace s17  }
0x93: {  	s2 =	sld [smem:$0x3FFC];
	_ =	sdelay $0x3  }
0x94: {  	_ =	strace s2  }
0x95: {  	s2 =	sld [smem:$0x3FFD];
	_ =	sdelay $0x3  }
0x96: {  	_ =	strace s2  }
0x97: {  	_ =	strace $0x8FFFFFFF  }
0x98: {  	s18 =	sld [smem:$0x3FDB];
	_ =	sdelay $0x1  }
0x99: {  	s19 =	simm.s32 $_scs_section_size  }
0x9a: {  	s4 =	simm.s32 $_size__tile_overlayer_lowered;
	s5 =	simm.s32 $_tile_overlayer_lowered  }
0x9b: {  	s22 =	simm.s32 $0x1BFF;
	s21 =	sshll.u32 s5, $0x1;
	s2 =	sadd.s32 s19, s18  }
0x9c: {  	s6 =	simm.s32 $0x0;
	s20 =	sshll.u32 s4, $0x1;
	s4 =	sadd.s32 s21, s2  }
0x9d: {  	[timem:s6], [sflag:s22] =	dma.local [hbm:s4], s20  }
0x9e: {  	_ =	swait.ge [sflag:s22], s20  }
0x9f: {  	s3 =	ssub.s32 $0x0, s20;
	[sflag:s22] =	ssyncset.done $0x0  }
0xa0: {  	[sflag:s22] =	ssyncadd.s32 s3;
	_ =	sdelay $0x1  }
0xa1: {  	s23 =	simm.s32 $0x1B8B  }
0xa2: {  	_ =	swait.ge [sflag:s23], $0x1  }
0xa3: {  	[sflag:s23] =	ssyncset.done $0x0  }
0xa4: {  	s25 =	simm.s32 $0x1B8E;
	s24 =	sld [smem:$0x3FFE];
	[sflag:s23] =	ssyncadd.s32 $0xFFFFFFFF  }
0xa5: {  	s26 =	simm.s32 $execute0_lowered;
	[smem:$0x3FD2] =	sst s25  }
0xa6: {  	s4 =	sshll.u32 s26, $0x1;
	_ =	strace $0x8000004C;
	[dreg:$0x1] =	wrdreg $0xFFFFFFFF  }
0xa7: {  	s28 =	simm.s32 $_size_execute0_lowered;
	s2 =	sadd.s32 s2, s4;
	[dreg:$0x0] =	wrdreg $0x0  }
0xa8: {  	s4 =	sshll.u32 s28, $0x1;
	[dreg:$0x2] =	wrdreg s2  }
0xa9: {  	[dreg:$0x3] =	wrdreg s4  }
0xaa: {  	[dreg:$0x4] =	wrdreg $0xC0  }
0xab: {  	_ =	task [dreg:s6], $0x5FFFF  }
0xac: {  	[dreg:$0x1] =	wrdreg $0xFFFFFFFF  }
0xad: {  	[dreg:$0x0] =	wrdreg $0x60  }
0xae: {  	[dreg:$0x2] =	wrdreg s24  }
0xaf: {  	[dreg:$0x3] =	wrdreg $0x120000  }
0xb0: {  	[dreg:$0x4] =	wrdreg $0x9  }
0xb1: {  	_ =	task.clear_ibuf [dreg:s6], $0x5FFFF;
	_ =	strace $0x9000004C  }
0xb2: {  	s29 =	simm.s32 $0x9;
	_ =	strace $0x8000004E  }
0xb3: {  	_ =	swait.ge [sflag:s29], $0x1  }
0xb4: {  	[sflag:s29] =	ssyncadd.s32 $0xFFFFFFFF  }
0xb5: {  	_ =	strace $0x9000004E  }
0xb6: {  	_ =	sfence  }
0xb7: {  	s30 =	sld [smem:$0x0];
	_ =	sdelay $0x2  }
0xb8: {  	s31 =	sshll.u32 s1, $0xD;
	s1 =	sshrl.u32 s1, $0x2  }
0xb9: {  	s3 =	sand.u32 $0x4000, s31;
	s1 =	sadd.s32 s1, s30  }
0xba: {  	s0 =	sor.u32 s3, s0;
	s1 =	sshll.u32 s1, $0x11  }
0xbb: {  	s0 =	sor.u32 s1, s0  }
0xbc: {  	s0 =	sadd.s32 $0x8F2B, s0  }
0xbd: {  	[sflag:s0] =	ssyncadd.remote.s32 $0x1  }
0xbe: {  	_ =	sfence.sel $0xFFFF  }
0xbf: {  	[dreg:$0x0] =	wrdreg $0xFFFFFFFF;
	(pc) =	sbr.abs _section_cstart, $3  }
0xc0: {  	[dreg:$0x1] =	wrdreg $0xFFFFFFFF  }
0xc1: {  	_ =	task.clear_ibuf [dreg:s6], $0x2FFFF;
	_ =	strace $0x9FFFFFFF  }
0xc2: {  	(tm) =	ssettm $0x7FFFFFFF  }
0xc3: {  	_ =	shalt  }
tec
execute0_lowered:
.L_overlay_start_1:
0x0: {  	(tag) =	ssettag $0x1  }
0x1: {  	s0 =	rddreg [dreg:$0x0]  }
0x2: {  	s2 =	rddreg [dreg:$0x1];
	s3 =	simm.s32 $0x0  }
0x3: {  	s1 =	stileid.u32;
	s7 =	srdreg.scid;
	s28 =	simm.s32 $0x1  }
0x4: {  	s29 =	simm.s32 $0x2;
	s30 =	simm.s32 $0x4F80;
	s6 =	smul.u32 $0xA00, s1  }
0x5: {  	s31 =	simm.s32 $0x9F00;
	[smem:$0x7FF] =	sst s3;
	s9 =	smul.u32 $0x29000, s1  }
0x6: {  	s4 =	sadd.s32 $0x92600, s0;
	s5 =	sadd.s32 $0xB9800, s0;
	s10 =	smul.u32 $0x28000, s1  }
0x7: {  	s7 =	sand.u32 $0x1, s7;
	s16 =	sadd.s32 $0x112A00, s0;
	s13 =	smul.u32 $0x1400, s1  }
0x8: {  	s14 =	sadd.s32 $0xEAA00, s0;
	s15 =	smul.u32 $0xA000, s1;
	_ =	strace $0x8000004D  }
0x9: {  	s8 =	ssub.s32 $0x2, s7;
	p0 =	seq.s32 s7, $0x1;
	[dreg:$0x3] =	wrdreg s14  }
0xa: {  	[dreg:$0x4] =	wrdreg s16;
	s6 =	sadd.s32 s6, s0;
	s19 =	sshrl.u32 s8, $0x1  }
0xb: {  	s21 =	sshrl.u32 s9, $0x2;
	s22 =	sshrl.u32 s10, $0x2;
	s24 =	sadd.s32 s14, s13  }
0xc: {  	s25 =	sshrl.u32 s15, $0x3;
	s26 =	sadd.s32 s16, s13;
	s13 =	simm.s32 $0x0  }
0xd: {  	s0 =	ssub.s32 s8, s19;
	s20 =	sadd.s32 $0x13200, s6;
	s9 =	sadd.s32 s21, s2  }
0xe: {  	s23 =	sadd.s32 $0x6400, s6;
	s12 =	sadd.s32 s22, s2;
	[dreg:$0x7] =	wrdreg s24  }
0xf: {  	s14 =	sadd.s32 $0xE0A00, s6;
	s15 =	sadd.s32 $0x14000, s25;
	[dreg:$0x8] =	wrdreg s26  }
.Ltmp0:
0x10: {  	s22 =	simm.s32 $0x3;
	s24 =	simm.s32 $0xA000;
	(pc) =	sbr.rel .LBB2_1-.Ltmp0, $4  }
0x11: {  	s25 =	simm.s32 $0x80;
	s26 =	simm.s32 $0xE000;
	[dreg:$0x5] =	wrdreg s20  }
0x12: {  	[dreg:$0x6] =	wrdreg s23;
	s11 =	sadd.s32 $0xA000, s9;
	s17 =	smax.u32 s0, $0x1  }
0x13: {  	s18 =	sadd.s32 $0x2000, s9;
	s19 =	sadd.s32 $0x4000, s9;
	s20 =	sadd.s32 $0x6000, s9  }
0x14: {  	v0 =	vimm.f32 $0.0e+00;
	s21 =	sadd.s32 $0x8000, s9;
	s23 =	simm.s32 $0x5000;
	s0 =	simm.s32 $0x9F80  }
.LBB2_19:
0x15: {  	s1 =	sadd.s32 $0x80, s6;
	[sflag:s22] =	ssyncadd.s32 $0xFFFFC000  }
0x16: {  	[tilespmem:s26], [sflag:$0x2] =	stream.indirect.gather [hbm4b:s5+s25], $0x80, s1, s25, $0xb8;
	[tilespmem:$0x1C400] =	vst v63  }
0x17: {  	_ =	swait.ge [sflag:s28], $0x4000  }
0x18: {  	[sflag:s28] =	ssyncset.done $0x0  }
0x19: {  	s7 =	sadd.s32 $0x5000, s6;
	[sflag:s28] =	ssyncadd.s32 $0xFFFFC000  }
0x1a: {  	[spmem:s2] =	stream.indirect.scatter.add.f32 [tilespmem:s24], [sflag:$0x3], $0x80, s7, s25, $0xb8;
	[tilespmem:$0x1C400] =	vst v63  }
0x1b: {  	_ =	swait.ge [sflag:s22], $0x4000  }
0x1c: {  	[sflag:s22] =	ssyncset.done $0x0  }
0x1d: {  	s8 =	sadd.s32 $0x100, s6;
	[sflag:s22] =	ssyncadd.s32 $0xFFFFC000  }
0x1e: {  	[tilespmem:s24], [sflag:$0x1] =	stream.indirect.gather [hbm4b:s5+s25], $0x80, s8, s25, $0xb8;
	[tilespmem:$0x1C400] =	vst v63  }
0x1f: {  	_ =	swait.ge [sflag:s29], $0x4000  }
0x20: {  	[sflag:s29] =	ssyncset.done $0x0  }
0x21: {  	s10 =	sadd.s32 $0x5080, s6;
	[sflag:s29] =	ssyncadd.s32 $0xFFFFC000  }
0x22: {  	[spmem:s2] =	stream.indirect.scatter.add.f32 [tilespmem:s26], [sflag:$0x3], $0x80, s10, s25, $0xb8;
	[tilespmem:$0x1C400] =	vst v63  }
0x23: {  	_ =	swait.ge [sflag:s22], $0x4000  }
0x24: {  	[sflag:s22] =	ssyncset.done $0x0  }
0x25: {  	s6 =	rddreg [dreg:$0x4];
	[sflag:s22] =	ssyncadd.s32 $0xFFFFC000  }
0x26: {  	[tilespmem:s26], [sflag:$0x2] =	stream.indirect.gather [hbm4b:s5+s25], $0x80, s30, s25, $0xb8;
	[tilespmem:$0x1C400] =	vst v63  }
.LBB2_20:
0x27: {  	_ =	swait.ge [sflag:s28], $0x4000  }
0x28: {  	[sflag:s28] =	ssyncset.done $0x0  }
0x29: {  	[sflag:s28] =	ssyncadd.s32 $0xFFFFC000  }
0x2a: {  	[spmem:s2] =	stream.indirect.scatter.add.f32 [tilespmem:s24], [sflag:$0x3], $0x80, s31, s25, $0xb8;
	[tilespmem:$0x1C400] =	vst v63  }
0x2b: {  	_ =	swait.ge [sflag:s22], $0x4000  }
0x2c: {  	[sflag:s22] =	ssyncset.done $0x0  }
0x2d: {  	[sflag:s22] =	ssyncadd.s32 $0xFFFFC000  }
0x2e: {  	_ =	swait.ge [sflag:s29], $0x4000  }
0x2f: {  	[sflag:s29] =	ssyncset.done $0x0  }
0x30: {  	[sflag:s29] =	ssyncadd.s32 $0xFFFFC000  }
0x31: {  	[spmem:s2] =	stream.indirect.scatter.add.f32 [tilespmem:s26], [sflag:$0x3], $0x80, s0, s25, $0xb8;
	[tilespmem:$0x1C400] =	vst v63  }
0x32: {  	_ =	swait.ge [sflag:s22], $0x4000  }
0x33: {  	[sflag:s22] =	ssyncset.done $0x0  }
0x34: {  	s1 =	sadd.s32 s6, s15;
	s13 =	sadd.s32 $0x1, s13;
	[sflag:s22] =	ssyncadd.s32 $0xFFFFC000  }
0x35: {  	s10 =	sshrl.u32 s12, $0x3;
	p1 =	sne.s32 s13, s17;
	[bflag:$0x0] =	sbarrier.arrive $0xFFFF  }
0x36: {  	[hbm:s1], [sflag:s16] =	dma.local [spmem:s10], $0x1400  }
.Ltmp1:
0x37: {  	_ =	swait.ge [sflag:s22], $0x1400;
	(pc) =	sbr.rel @!p1 .LBB2_21-.Ltmp1, $3  }
0x38: {  	[sflag:s22] =	ssyncset.done $0x0  }
0x39: {  	[sflag:s22] =	ssyncadd.s32 $0xFFFFEC00  }
0x3a: {  	[bflag:$0x0] =	sbarrier.arrive $0xFFFF;
	_ =	sdelay $0x1  }
.LBB2_1:
0x3b: {  	s1 =	rddreg [dreg:$0x5]  }
0x3c: {  	[tilespmem:s3], [sflag:$0x3] =	stream.linear.gather [hbm4b:s1+s3], $0x5000, $0x38;
	[tilespmem:$0x1C400] =	vst v63  }
0x3d: {  	_ =	swait.ge [sflag:s22], $0x5000  }
0x3e: {  	[sflag:s22] =	ssyncset.done $0x0  }
.Ltmp2:
0x3f: {  	s16 =	rddreg [dreg:$0x6];
	[sflag:s22] =	ssyncadd.s32 $0xFFFFB000;
	(pc) =	sbr.rel @!p0 .LBB2_2-.Ltmp2, $4  }
0x40: {  	[tilespmem:s23], [sflag:$0x3] =	stream.linear.gather [hbm4b:s16+s3], $0x5000, $0x38;
	[tilespmem:$0x1C400] =	vst v63  }
0x41: {  	_ =	swait.ge [sflag:s22], $0x5000  }
0x42: {  	[sflag:s22] =	ssyncset.done $0x0  }
0x43: {  	s6 =	sshra.s32 s3, $0x2;
	[sflag:s22] =	ssyncadd.s32 $0xFFFFB000  }
0x44: {  	s7 =	sadd.s32 $0x200, s3  }
.LBB2_12:
0x45: {  	p1 =	sne.s32 s7, $0x7E00;
	[tilespmem:s6+$0xA070] =	vst v0  }
0x46: {  	[tilespmem:s6+$0xA000] =	vst v0  }
0x47: {  	[tilespmem:s6+$0xA010] =	vst v0  }
.Ltmp3:
0x48: {  	[tilespmem:s6+$0xA020] =	vst v0;
	(pc) =	sbr.rel @p1 .LBB2_12-.Ltmp3, $4  }
0x49: {  	[tilespmem:s6+$0xA030] =	vst v0  }
0x4a: {  	[tilespmem:s6+$0xA040] =	vst v0  }
0x4b: {  	[tilespmem:s6+$0xA050] =	vst v0  }
0x4c: {  	[tilespmem:s6+$0xA060] =	vst v0;
	s6 =	sshra.s32 s7, $0x2;
	s7 =	sadd.s32 $0x200, s7  }
0x4d: {  	[tilespmem:s6+$0xA070] =	vst v0  }
0x4e: {  	[tilespmem:s6+$0xA000] =	vst v0  }
0x4f: {  	[tilespmem:s6+$0xA010] =	vst v0  }
0x50: {  	[tilespmem:s6+$0xA020] =	vst v0  }
0x51: {  	[tilespmem:s6+$0xA030] =	vst v0  }
0x52: {  	[tilespmem:s6+$0xA040] =	vst v0  }
0x53: {  	[tilespmem:s6+$0xA050] =	vst v0  }
0x54: {  	[tilespmem:s6+$0xA060] =	vst v0  }
0x55: {  	[spmem:s9] =	stream.linear.scatter [tilespmem:s24], [sflag:$0x3], $0x2000, $0x38;
	[tilespmem:$0x1C400] =	vst v63  }
0x56: {  	_ =	swait.ge [sflag:s22], $0x2000  }
0x57: {  	[sflag:s22] =	ssyncset.done $0x0  }
0x58: {  	[sflag:s22] =	ssyncadd.s32 $0xFFFFE000  }
0x59: {  	[spmem:s18] =	stream.linear.scatter [tilespmem:s24], [sflag:$0x3], $0x2000, $0x38;
	[tilespmem:$0x1C400] =	vst v63  }
0x5a: {  	_ =	swait.ge [sflag:s22], $0x2000  }
0x5b: {  	[sflag:s22] =	ssyncset.done $0x0  }
0x5c: {  	[sflag:s22] =	ssyncadd.s32 $0xFFFFE000  }
0x5d: {  	[spmem:s19] =	stream.linear.scatter [tilespmem:s24], [sflag:$0x3], $0x2000, $0x38;
	[tilespmem:$0x1C400] =	vst v63  }
0x5e: {  	_ =	swait.ge [sflag:s22], $0x2000  }
0x5f: {  	[sflag:s22] =	ssyncset.done $0x0  }
0x60: {  	[sflag:s22] =	ssyncadd.s32 $0xFFFFE000  }
0x61: {  	[spmem:s20] =	stream.linear.scatter [tilespmem:s24], [sflag:$0x3], $0x2000, $0x38;
	[tilespmem:$0x1C400] =	vst v63  }
0x62: {  	_ =	swait.ge [sflag:s22], $0x2000  }
0x63: {  	[sflag:s22] =	ssyncset.done $0x0  }
0x64: {  	[sflag:s22] =	ssyncadd.s32 $0xFFFFE000  }
0x65: {  	[spmem:s21] =	stream.linear.scatter [tilespmem:s24], [sflag:$0x3], $0x2000, $0x38;
	[tilespmem:$0x1C400] =	vst v63  }
0x66: {  	_ =	swait.ge [sflag:s22], $0x2000  }
0x67: {  	[sflag:s22] =	ssyncset.done $0x0  }
0x68: {  	[sflag:s22] =	ssyncadd.s32 $0xFFFFE000  }
0x69: {  	[spmem:s11] =	stream.linear.scatter [tilespmem:s24], [sflag:$0x3], $0x400, $0x38;
	[tilespmem:$0x1C400] =	vst v63  }
0x6a: {  	_ =	swait.ge [sflag:s22], $0x400  }
0x6b: {  	[sflag:s22] =	ssyncset.done $0x0  }
0x6c: {  	[sflag:s22] =	ssyncadd.s32 $0xFFFFFC00  }
0x6d: {  	s1 =	simm.s32 $0x0;
	[bflag:$0x0] =	sbarrier.arrive $0xFFFF  }
0x6e: {  	[tilespmem:s24], [sflag:$0x1] =	stream.indirect.gather [hbm4b:s5+s25], $0x80, s1, s25, $0xb8;
	[tilespmem:$0x1C400] =	vst v63  }
0x6f: {  	s7 =	simm.s32 $0x80  }
0x70: {  	[tilespmem:s26], [sflag:$0x2] =	stream.indirect.gather [hbm4b:s5+s25], $0x80, s7, s25, $0xb8;
	[tilespmem:$0x1C400] =	vst v63  }
0x71: {  	_ =	swait.ge [sflag:s28], $0x4000  }
0x72: {  	[sflag:s28] =	ssyncset.done $0x0  }
0x73: {  	s8 =	simm.s32 $0x5000;
	[sflag:s28] =	ssyncadd.s32 $0xFFFFC000  }
0x74: {  	[spmem:s2] =	stream.indirect.scatter.add.f32 [tilespmem:s24], [sflag:$0x3], $0x80, s8, s25, $0xb8;
	[tilespmem:$0x1C400] =	vst v63  }
0x75: {  	_ =	swait.ge [sflag:s22], $0x4000  }
0x76: {  	[sflag:s22] =	ssyncset.done $0x0  }
0x77: {  	s10 =	simm.s32 $0x100;
	[sflag:s22] =	ssyncadd.s32 $0xFFFFC000  }
0x78: {  	[tilespmem:s24], [sflag:$0x1] =	stream.indirect.gather [hbm4b:s5+s25], $0x80, s10, s25, $0xb8;
	[tilespmem:$0x1C400] =	vst v63  }
0x79: {  	_ =	swait.ge [sflag:s29], $0x4000  }
0x7a: {  	[sflag:s29] =	ssyncset.done $0x0  }
0x7b: {  	s16 =	simm.s32 $0x5080;
	[sflag:s29] =	ssyncadd.s32 $0xFFFFC000  }
0x7c: {  	[spmem:s2] =	stream.indirect.scatter.add.f32 [tilespmem:s26], [sflag:$0x3], $0x80, s16, s25, $0xb8;
	[tilespmem:$0x1C400] =	vst v63  }
0x7d: {  	_ =	swait.ge [sflag:s22], $0x4000  }
0x7e: {  	s6 =	simm.s32 $0x100;
	s7 =	simm.s32 $0x800;
	[sflag:s22] =	ssyncset.done $0x0  }
.LBB2_14:
0x7f: {  	s1 =	sadd.s32 $0x80, s6  }
0x80: {  	[sflag:s22] =	ssyncadd.s32 $0xFFFFC000;
	s8 =	smov.u32 s7;
	s10 =	sadd.s32 $0x400, s7  }
0x81: {  	[tilespmem:s26], [sflag:$0x2] =	stream.indirect.gather [hbm4b:s5+s25], $0x80, s1, s25, $0xb8;
	[tilespmem:$0x1C400] =	vst v63  }
0x82: {  	p1 =	sne.s32 s7, $0x13800;
	_ =	swait.ge [sflag:s28], $0x4000  }
0x83: {  	[sflag:s28] =	ssyncset.done $0x0  }
0x84: {  	s1 =	sadd.s32 $0x5000, s6;
	[sflag:s28] =	ssyncadd.s32 $0xFFFFC000  }
0x85: {  	[spmem:s2] =	stream.indirect.scatter.add.f32 [tilespmem:s24], [sflag:$0x3], $0x80, s1, s25, $0xb8;
	[tilespmem:$0x1C400] =	vst v63  }
0x86: {  	_ =	swait.ge [sflag:s22], $0x4000  }
0x87: {  	[sflag:s22] =	ssyncset.done $0x0  }
0x88: {  	s1 =	sadd.s32 $0x100, s6;
	[sflag:s22] =	ssyncadd.s32 $0xFFFFC000  }
0x89: {  	[tilespmem:s24], [sflag:$0x1] =	stream.indirect.gather [hbm4b:s5+s25], $0x80, s1, s25, $0xb8;
	[tilespmem:$0x1C400] =	vst v63  }
0x8a: {  	_ =	swait.ge [sflag:s29], $0x4000  }
.Ltmp4:
0x8b: {  	[sflag:s29] =	ssyncset.done $0x0;
	(pc) =	sbr.rel @p1 .LBB2_14-.Ltmp4, $4  }
0x8c: {  	s1 =	sadd.s32 $0x5080, s6;
	[sflag:s29] =	ssyncadd.s32 $0xFFFFC000  }
0x8d: {  	[spmem:s2] =	stream.indirect.scatter.add.f32 [tilespmem:s26], [sflag:$0x3], $0x80, s1, s25, $0xb8;
	[tilespmem:$0x1C400] =	vst v63  }
0x8e: {  	_ =	swait.ge [sflag:s22], $0x4000  }
0x8f: {  	s7 =	smov.u32 s10;
	s6 =	sshra.s32 s8, $0x2;
	[sflag:s22] =	ssyncset.done $0x0  }
0x90: {  	s1 =	sadd.s32 $0x80, s6;
	[sflag:s22] =	ssyncadd.s32 $0xFFFFC000  }
0x91: {  	[tilespmem:s26], [sflag:$0x2] =	stream.indirect.gather [hbm4b:s5+s25], $0x80, s1, s25, $0xb8;
	[tilespmem:$0x1C400] =	vst v63  }
0x92: {  	_ =	swait.ge [sflag:s28], $0x4000  }
0x93: {  	[sflag:s28] =	ssyncset.done $0x0  }
0x94: {  	s8 =	sadd.s32 $0x5000, s6;
	[sflag:s28] =	ssyncadd.s32 $0xFFFFC000  }
0x95: {  	[spmem:s2] =	stream.indirect.scatter.add.f32 [tilespmem:s24], [sflag:$0x3], $0x80, s8, s25, $0xb8;
	[tilespmem:$0x1C400] =	vst v63  }
0x96: {  	_ =	swait.ge [sflag:s22], $0x4000  }
0x97: {  	[sflag:s22] =	ssyncset.done $0x0  }
0x98: {  	s10 =	sadd.s32 $0x100, s6;
	[sflag:s22] =	ssyncadd.s32 $0xFFFFC000  }
0x99: {  	[tilespmem:s24], [sflag:$0x1] =	stream.indirect.gather [hbm4b:s5+s25], $0x80, s10, s25, $0xb8;
	[tilespmem:$0x1C400] =	vst v63  }
0x9a: {  	_ =	swait.ge [sflag:s29], $0x4000  }
0x9b: {  	[sflag:s29] =	ssyncset.done $0x0  }
0x9c: {  	s16 =	sadd.s32 $0x5080, s6;
	[sflag:s29] =	ssyncadd.s32 $0xFFFFC000  }
0x9d: {  	[spmem:s2] =	stream.indirect.scatter.add.f32 [tilespmem:s26], [sflag:$0x3], $0x80, s16, s25, $0xb8;
	[tilespmem:$0x1C400] =	vst v63  }
0x9e: {  	_ =	swait.ge [sflag:s22], $0x4000  }
0x9f: {  	[sflag:s22] =	ssyncset.done $0x0  }
0xa0: {  	[sflag:s22] =	ssyncadd.s32 $0xFFFFC000  }
0xa1: {  	[tilespmem:s26], [sflag:$0x2] =	stream.indirect.gather [hbm4b:s5+s25], $0x80, s30, s25, $0xb8;
	[tilespmem:$0x1C400] =	vst v63  }
0xa2: {  	_ =	swait.ge [sflag:s28], $0x4000  }
0xa3: {  	[sflag:s28] =	ssyncset.done $0x0  }
0xa4: {  	[sflag:s28] =	ssyncadd.s32 $0xFFFFC000  }
0xa5: {  	[spmem:s2] =	stream.indirect.scatter.add.f32 [tilespmem:s24], [sflag:$0x3], $0x80, s31, s25, $0xb8;
	[tilespmem:$0x1C400] =	vst v63  }
0xa6: {  	_ =	swait.ge [sflag:s22], $0x4000  }
0xa7: {  	[sflag:s22] =	ssyncset.done $0x0  }
0xa8: {  	[sflag:s22] =	ssyncadd.s32 $0xFFFFC000  }
0xa9: {  	_ =	swait.ge [sflag:s29], $0x4000  }
0xaa: {  	[sflag:s29] =	ssyncset.done $0x0  }
0xab: {  	[sflag:s29] =	ssyncadd.s32 $0xFFFFC000  }
0xac: {  	[spmem:s2] =	stream.indirect.scatter.add.f32 [tilespmem:s26], [sflag:$0x3], $0x80, s0, s25, $0xb8;
	[tilespmem:$0x1C400] =	vst v63  }
0xad: {  	_ =	swait.ge [sflag:s22], $0x4000  }
0xae: {  	[sflag:s22] =	ssyncset.done $0x0  }
0xaf: {  	s6 =	stileid.u32;
	[sflag:s22] =	ssyncadd.s32 $0xFFFFC000  }
0xb0: {  	s1 =	sshll.u32 s6, $0x6;
	[bflag:$0x0] =	sbarrier.arrive $0xFFFF  }
0xb1: {  	s7 =	sshrl.u32 s12, $0x3;
	s16 =	sor.u32 $0x1C03, s1;
	s8 =	rddreg [dreg:$0x8]  }
0xb2: {  	[hbm:s8], [sflag:s16] =	dma.local [spmem:s7], $0x1400  }
0xb3: {  	_ =	swait.ge [sflag:s22], $0x1400  }
0xb4: {  	[sflag:s22] =	ssyncset.done $0x0  }
0xb5: {  	[sflag:s22] =	ssyncadd.s32 $0xFFFFEC00  }
0xb6: {  	s10 =	simm.s32 $0x0;
	[bflag:$0x0] =	sbarrier.arrive $0xFFFF  }
0xb7: {  	[tilespmem:s23], [sflag:$0x3] =	stream.linear.gather [hbm4b:s14+s10], $0x5000, $0x38;
	[tilespmem:$0x1C400] =	vst v63  }
0xb8: {  	_ =	swait.ge [sflag:s22], $0x5000  }
0xb9: {  	[sflag:s22] =	ssyncset.done $0x0  }
0xba: {  	s6 =	simm.s32 $0x0;
	s7 =	simm.s32 $0x200;
	[sflag:s22] =	ssyncadd.s32 $0xFFFFB000  }
.LBB2_16:
0xbb: {  	p1 =	sne.s32 s7, $0x7E00;
	[tilespmem:s6+$0xA070] =	vst v0  }
0xbc: {  	[tilespmem:s6+$0xA000] =	vst v0  }
0xbd: {  	[tilespmem:s6+$0xA010] =	vst v0  }
.Ltmp5:
0xbe: {  	[tilespmem:s6+$0xA020] =	vst v0;
	(pc) =	sbr.rel @p1 .LBB2_16-.Ltmp5, $4  }
0xbf: {  	[tilespmem:s6+$0xA030] =	vst v0  }
0xc0: {  	[tilespmem:s6+$0xA040] =	vst v0  }
0xc1: {  	[tilespmem:s6+$0xA050] =	vst v0  }
0xc2: {  	[tilespmem:s6+$0xA060] =	vst v0;
	s6 =	sshra.s32 s7, $0x2;
	s7 =	sadd.s32 $0x200, s7  }
0xc3: {  	[tilespmem:s6+$0xA070] =	vst v0  }
0xc4: {  	[tilespmem:s6+$0xA000] =	vst v0  }
0xc5: {  	[tilespmem:s6+$0xA010] =	vst v0  }
0xc6: {  	[tilespmem:s6+$0xA020] =	vst v0  }
0xc7: {  	[tilespmem:s6+$0xA030] =	vst v0  }
0xc8: {  	[tilespmem:s6+$0xA040] =	vst v0  }
0xc9: {  	[tilespmem:s6+$0xA050] =	vst v0  }
0xca: {  	[tilespmem:s6+$0xA060] =	vst v0  }
0xcb: {  	[spmem:s9] =	stream.linear.scatter [tilespmem:s24], [sflag:$0x3], $0x2000, $0x38;
	[tilespmem:$0x1C400] =	vst v63  }
0xcc: {  	_ =	swait.ge [sflag:s22], $0x2000  }
0xcd: {  	[sflag:s22] =	ssyncset.done $0x0  }
0xce: {  	[sflag:s22] =	ssyncadd.s32 $0xFFFFE000  }
0xcf: {  	[spmem:s18] =	stream.linear.scatter [tilespmem:s24], [sflag:$0x3], $0x2000, $0x38;
	[tilespmem:$0x1C400] =	vst v63  }
0xd0: {  	_ =	swait.ge [sflag:s22], $0x2000  }
0xd1: {  	[sflag:s22] =	ssyncset.done $0x0  }
0xd2: {  	[sflag:s22] =	ssyncadd.s32 $0xFFFFE000  }
0xd3: {  	[spmem:s19] =	stream.linear.scatter [tilespmem:s24], [sflag:$0x3], $0x2000, $0x38;
	[tilespmem:$0x1C400] =	vst v63  }
0xd4: {  	_ =	swait.ge [sflag:s22], $0x2000  }
0xd5: {  	[sflag:s22] =	ssyncset.done $0x0  }
0xd6: {  	[sflag:s22] =	ssyncadd.s32 $0xFFFFE000  }
0xd7: {  	[spmem:s20] =	stream.linear.scatter [tilespmem:s24], [sflag:$0x3], $0x2000, $0x38;
	[tilespmem:$0x1C400] =	vst v63  }
0xd8: {  	_ =	swait.ge [sflag:s22], $0x2000  }
0xd9: {  	[sflag:s22] =	ssyncset.done $0x0  }
0xda: {  	[sflag:s22] =	ssyncadd.s32 $0xFFFFE000  }
0xdb: {  	[spmem:s21] =	stream.linear.scatter [tilespmem:s24], [sflag:$0x3], $0x2000, $0x38;
	[tilespmem:$0x1C400] =	vst v63  }
0xdc: {  	_ =	swait.ge [sflag:s22], $0x2000  }
0xdd: {  	[sflag:s22] =	ssyncset.done $0x0  }
0xde: {  	[sflag:s22] =	ssyncadd.s32 $0xFFFFE000  }
0xdf: {  	[spmem:s11] =	stream.linear.scatter [tilespmem:s24], [sflag:$0x3], $0x400, $0x38;
	[tilespmem:$0x1C400] =	vst v63  }
0xe0: {  	_ =	swait.ge [sflag:s22], $0x400  }
0xe1: {  	[sflag:s22] =	ssyncset.done $0x0  }
0xe2: {  	[sflag:s22] =	ssyncadd.s32 $0xFFFFFC00  }
0xe3: {  	s1 =	simm.s32 $0x0;
	[bflag:$0x0] =	sbarrier.arrive $0xFFFF  }
0xe4: {  	[tilespmem:s24], [sflag:$0x1] =	stream.indirect.gather [hbm4b:s5+s25], $0x80, s1, s25, $0xb8;
	[tilespmem:$0x1C400] =	vst v63  }
0xe5: {  	s6 =	simm.s32 $0x80  }
0xe6: {  	[tilespmem:s26], [sflag:$0x2] =	stream.indirect.gather [hbm4b:s5+s25], $0x80, s6, s25, $0xb8;
	[tilespmem:$0x1C400] =	vst v63  }
0xe7: {  	_ =	swait.ge [sflag:s28], $0x4000  }
0xe8: {  	[sflag:s28] =	ssyncset.done $0x0  }
0xe9: {  	s7 =	simm.s32 $0x5000;
	[sflag:s28] =	ssyncadd.s32 $0xFFFFC000  }
0xea: {  	[spmem:s2] =	stream.indirect.scatter.add.f32 [tilespmem:s24], [sflag:$0x3], $0x80, s7, s25, $0xb8;
	[tilespmem:$0x1C400] =	vst v63  }
0xeb: {  	_ =	swait.ge [sflag:s22], $0x4000  }
0xec: {  	[sflag:s22] =	ssyncset.done $0x0  }
0xed: {  	s8 =	simm.s32 $0x100;
	[sflag:s22] =	ssyncadd.s32 $0xFFFFC000  }
0xee: {  	[tilespmem:s24], [sflag:$0x1] =	stream.indirect.gather [hbm4b:s5+s25], $0x80, s8, s25, $0xb8;
	[tilespmem:$0x1C400] =	vst v63  }
0xef: {  	_ =	swait.ge [sflag:s29], $0x4000  }
0xf0: {  	[sflag:s29] =	ssyncset.done $0x0  }
0xf1: {  	s10 =	simm.s32 $0x5080;
	[sflag:s29] =	ssyncadd.s32 $0xFFFFC000  }
0xf2: {  	[spmem:s2] =	stream.indirect.scatter.add.f32 [tilespmem:s26], [sflag:$0x3], $0x80, s10, s25, $0xb8;
	[tilespmem:$0x1C400] =	vst v63  }
0xf3: {  	_ =	swait.ge [sflag:s22], $0x4000  }
0xf4: {  	s6 =	simm.s32 $0x100;
	s7 =	simm.s32 $0x800;
	[sflag:s22] =	ssyncset.done $0x0  }
.LBB2_18:
0xf5: {  	s1 =	sadd.s32 $0x80, s6  }
0xf6: {  	[sflag:s22] =	ssyncadd.s32 $0xFFFFC000;
	s8 =	smov.u32 s7;
	s10 =	sadd.s32 $0x400, s7  }
0xf7: {  	[tilespmem:s26], [sflag:$0x2] =	stream.indirect.gather [hbm4b:s5+s25], $0x80, s1, s25, $0xb8;
	[tilespmem:$0x1C400] =	vst v63  }
0xf8: {  	p1 =	sne.s32 s7, $0x13800;
	_ =	swait.ge [sflag:s28], $0x4000  }
0xf9: {  	[sflag:s28] =	ssyncset.done $0x0  }
0xfa: {  	s1 =	sadd.s32 $0x5000, s6;
	[sflag:s28] =	ssyncadd.s32 $0xFFFFC000  }
0xfb: {  	[spmem:s2] =	stream.indirect.scatter.add.f32 [tilespmem:s24], [sflag:$0x3], $0x80, s1, s25, $0xb8;
	[tilespmem:$0x1C400] =	vst v63  }
0xfc: {  	_ =	swait.ge [sflag:s22], $0x4000  }
0xfd: {  	[sflag:s22] =	ssyncset.done $0x0  }
0xfe: {  	s1 =	sadd.s32 $0x100, s6;
	[sflag:s22] =	ssyncadd.s32 $0xFFFFC000  }
0xff: {  	[tilespmem:s24], [sflag:$0x1] =	stream.indirect.gather [hbm4b:s5+s25], $0x80, s1, s25, $0xb8;
	[tilespmem:$0x1C400] =	vst v63  }
0x100: {  	_ =	swait.ge [sflag:s29], $0x4000  }
.Ltmp6:
0x101: {  	[sflag:s29] =	ssyncset.done $0x0;
	(pc) =	sbr.rel @p1 .LBB2_18-.Ltmp6, $4  }
0x102: {  	s1 =	sadd.s32 $0x5080, s6;
	[sflag:s29] =	ssyncadd.s32 $0xFFFFC000  }
0x103: {  	[spmem:s2] =	stream.indirect.scatter.add.f32 [tilespmem:s26], [sflag:$0x3], $0x80, s1, s25, $0xb8;
	[tilespmem:$0x1C400] =	vst v63  }
0x104: {  	_ =	swait.ge [sflag:s22], $0x4000  }
0x105: {  	s7 =	smov.u32 s10;
	s6 =	sshra.s32 s8, $0x2;
	[sflag:s22] =	ssyncset.done $0x0  }
.Ltmp7:
0x106: {  	_ = 	snop;
	(pc) =	sbr.rel .LBB2_19-.Ltmp7, $1  }
0x107: {  	_ =	sdelay $0x3  }
.LBB2_2:
0x108: {  	s16 =	sadd.s32 $0x200, s3  }
.LBB2_3:
0x109: {  	p1 =	sne.s32 s16, $0x7E00;
	[tilespmem:s6+$0xA070] =	vst v0  }
0x10a: {  	[tilespmem:s6+$0xA000] =	vst v0  }
0x10b: {  	[tilespmem:s6+$0xA010] =	vst v0  }
.Ltmp8:
0x10c: {  	[tilespmem:s6+$0xA020] =	vst v0;
	(pc) =	sbr.rel @p1 .LBB2_3-.Ltmp8, $4  }
0x10d: {  	[tilespmem:s6+$0xA030] =	vst v0  }
0x10e: {  	[tilespmem:s6+$0xA040] =	vst v0  }
0x10f: {  	[tilespmem:s6+$0xA050] =	vst v0  }
0x110: {  	[tilespmem:s6+$0xA060] =	vst v0;
	s6 =	sshra.s32 s16, $0x2;
	s16 =	sadd.s32 $0x200, s16  }
0x111: {  	[tilespmem:s6+$0xA070] =	vst v0  }
0x112: {  	[tilespmem:s6+$0xA000] =	vst v0  }
0x113: {  	[tilespmem:s6+$0xA010] =	vst v0  }
0x114: {  	[tilespmem:s6+$0xA020] =	vst v0  }
0x115: {  	[tilespmem:s6+$0xA030] =	vst v0  }
0x116: {  	[tilespmem:s6+$0xA040] =	vst v0  }
0x117: {  	[tilespmem:s6+$0xA050] =	vst v0  }
0x118: {  	[tilespmem:s6+$0xA060] =	vst v0  }
0x119: {  	[spmem:s9] =	stream.linear.scatter [tilespmem:s24], [sflag:$0x3], $0x2000, $0x38;
	[tilespmem:$0x1C400] =	vst v63  }
0x11a: {  	_ =	swait.ge [sflag:s22], $0x2000  }
0x11b: {  	[sflag:s22] =	ssyncset.done $0x0  }
0x11c: {  	[sflag:s22] =	ssyncadd.s32 $0xFFFFE000  }
0x11d: {  	[spmem:s18] =	stream.linear.scatter [tilespmem:s24], [sflag:$0x3], $0x2000, $0x38;
	[tilespmem:$0x1C400] =	vst v63  }
0x11e: {  	_ =	swait.ge [sflag:s22], $0x2000  }
0x11f: {  	[sflag:s22] =	ssyncset.done $0x0  }
0x120: {  	[sflag:s22] =	ssyncadd.s32 $0xFFFFE000  }
0x121: {  	[spmem:s19] =	stream.linear.scatter [tilespmem:s24], [sflag:$0x3], $0x2000, $0x38;
	[tilespmem:$0x1C400] =	vst v63  }
0x122: {  	_ =	swait.ge [sflag:s22], $0x2000  }
0x123: {  	[sflag:s22] =	ssyncset.done $0x0  }
0x124: {  	[sflag:s22] =	ssyncadd.s32 $0xFFFFE000  }
0x125: {  	[spmem:s20] =	stream.linear.scatter [tilespmem:s24], [sflag:$0x3], $0x2000, $0x38;
	[tilespmem:$0x1C400] =	vst v63  }
0x126: {  	_ =	swait.ge [sflag:s22], $0x2000  }
0x127: {  	[sflag:s22] =	ssyncset.done $0x0  }
0x128: {  	[sflag:s22] =	ssyncadd.s32 $0xFFFFE000  }
0x129: {  	[spmem:s21] =	stream.linear.scatter [tilespmem:s24], [sflag:$0x3], $0x2000, $0x38;
	[tilespmem:$0x1C400] =	vst v63  }
0x12a: {  	_ =	swait.ge [sflag:s22], $0x2000  }
0x12b: {  	[sflag:s22] =	ssyncset.done $0x0  }
0x12c: {  	[sflag:s22] =	ssyncadd.s32 $0xFFFFE000  }
0x12d: {  	[spmem:s11] =	stream.linear.scatter [tilespmem:s24], [sflag:$0x3], $0x400, $0x38;
	[tilespmem:$0x1C400] =	vst v63  }
0x12e: {  	_ =	swait.ge [sflag:s22], $0x400  }
0x12f: {  	[sflag:s22] =	ssyncset.done $0x0  }
0x130: {  	[sflag:s22] =	ssyncadd.s32 $0xFFFFFC00  }
0x131: {  	s1 =	simm.s32 $0x0;
	[bflag:$0x0] =	sbarrier.arrive $0xFFFF  }
0x132: {  	[tilespmem:s24], [sflag:$0x1] =	stream.indirect.gather [hbm4b:s4+s25], $0x80, s1, s25, $0xb8;
	[tilespmem:$0x1C400] =	vst v63  }
0x133: {  	s7 =	simm.s32 $0x80  }
0x134: {  	[tilespmem:s26], [sflag:$0x2] =	stream.indirect.gather [hbm4b:s4+s25], $0x80, s7, s25, $0xb8;
	[tilespmem:$0x1C400] =	vst v63  }
0x135: {  	_ =	swait.ge [sflag:s28], $0x4000  }
0x136: {  	[sflag:s28] =	ssyncset.done $0x0  }
0x137: {  	s8 =	simm.s32 $0x5000;
	[sflag:s28] =	ssyncadd.s32 $0xFFFFC000  }
0x138: {  	[spmem:s2] =	stream.indirect.scatter.add.f32 [tilespmem:s24], [sflag:$0x3], $0x80, s8, s25, $0xb8;
	[tilespmem:$0x1C400] =	vst v63  }
0x139: {  	_ =	swait.ge [sflag:s22], $0x4000  }
0x13a: {  	[sflag:s22] =	ssyncset.done $0x0  }
0x13b: {  	s10 =	simm.s32 $0x100;
	[sflag:s22] =	ssyncadd.s32 $0xFFFFC000  }
0x13c: {  	[tilespmem:s24], [sflag:$0x1] =	stream.indirect.gather [hbm4b:s4+s25], $0x80, s10, s25, $0xb8;
	[tilespmem:$0x1C400] =	vst v63  }
0x13d: {  	_ =	swait.ge [sflag:s29], $0x4000  }
0x13e: {  	[sflag:s29] =	ssyncset.done $0x0  }
0x13f: {  	s16 =	simm.s32 $0x5080;
	[sflag:s29] =	ssyncadd.s32 $0xFFFFC000  }
0x140: {  	[spmem:s2] =	stream.indirect.scatter.add.f32 [tilespmem:s26], [sflag:$0x3], $0x80, s16, s25, $0xb8;
	[tilespmem:$0x1C400] =	vst v63  }
0x141: {  	_ =	swait.ge [sflag:s22], $0x4000  }
0x142: {  	s6 =	simm.s32 $0x800;
	s16 =	simm.s32 $0x100;
	[sflag:s22] =	ssyncset.done $0x0  }
.LBB2_5:
0x143: {  	s7 =	sadd.s32 $0x80, s16  }
0x144: {  	[sflag:s22] =	ssyncadd.s32 $0xFFFFC000;
	s1 =	smov.u32 s6;
	s8 =	sadd.s32 $0x400, s6  }
0x145: {  	[tilespmem:s26], [sflag:$0x2] =	stream.indirect.gather [hbm4b:s4+s25], $0x80, s7, s25, $0xb8;
	[tilespmem:$0x1C400] =	vst v63  }
0x146: {  	p1 =	sne.s32 s6, $0x13800;
	_ =	swait.ge [sflag:s28], $0x4000  }
0x147: {  	[sflag:s28] =	ssyncset.done $0x0  }
0x148: {  	s6 =	sadd.s32 $0x5000, s16;
	[sflag:s28] =	ssyncadd.s32 $0xFFFFC000  }
0x149: {  	[spmem:s2] =	stream.indirect.scatter.add.f32 [tilespmem:s24], [sflag:$0x3], $0x80, s6, s25, $0xb8;
	[tilespmem:$0x1C400] =	vst v63  }
0x14a: {  	_ =	swait.ge [sflag:s22], $0x4000  }
0x14b: {  	[sflag:s22] =	ssyncset.done $0x0  }
0x14c: {  	s6 =	sadd.s32 $0x100, s16;
	[sflag:s22] =	ssyncadd.s32 $0xFFFFC000  }
0x14d: {  	[tilespmem:s24], [sflag:$0x1] =	stream.indirect.gather [hbm4b:s4+s25], $0x80, s6, s25, $0xb8;
	[tilespmem:$0x1C400] =	vst v63  }
0x14e: {  	_ =	swait.ge [sflag:s29], $0x4000  }
.Ltmp9:
0x14f: {  	[sflag:s29] =	ssyncset.done $0x0;
	(pc) =	sbr.rel @p1 .LBB2_5-.Ltmp9, $4  }
0x150: {  	s6 =	sadd.s32 $0x5080, s16;
	[sflag:s29] =	ssyncadd.s32 $0xFFFFC000  }
0x151: {  	[spmem:s2] =	stream.indirect.scatter.add.f32 [tilespmem:s26], [sflag:$0x3], $0x80, s6, s25, $0xb8;
	[tilespmem:$0x1C400] =	vst v63  }
0x152: {  	_ =	swait.ge [sflag:s22], $0x4000  }
0x153: {  	s16 =	sshra.s32 s1, $0x2;
	s6 =	smov.u32 s8;
	[sflag:s22] =	ssyncset.done $0x0  }
0x154: {  	s1 =	sadd.s32 $0x80, s16;
	[sflag:s22] =	ssyncadd.s32 $0xFFFFC000  }
0x155: {  	[tilespmem:s26], [sflag:$0x2] =	stream.indirect.gather [hbm4b:s4+s25], $0x80, s1, s25, $0xb8;
	[tilespmem:$0x1C400] =	vst v63  }
0x156: {  	_ =	swait.ge [sflag:s28], $0x4000  }
0x157: {  	[sflag:s28] =	ssyncset.done $0x0  }
0x158: {  	s8 =	sadd.s32 $0x5000, s16;
	[sflag:s28] =	ssyncadd.s32 $0xFFFFC000  }
0x159: {  	[spmem:s2] =	stream.indirect.scatter.add.f32 [tilespmem:s24], [sflag:$0x3], $0x80, s8, s25, $0xb8;
	[tilespmem:$0x1C400] =	vst v63  }
0x15a: {  	_ =	swait.ge [sflag:s22], $0x4000  }
0x15b: {  	[sflag:s22] =	ssyncset.done $0x0  }
0x15c: {  	s10 =	sadd.s32 $0x100, s16;
	[sflag:s22] =	ssyncadd.s32 $0xFFFFC000  }
0x15d: {  	[tilespmem:s24], [sflag:$0x1] =	stream.indirect.gather [hbm4b:s4+s25], $0x80, s10, s25, $0xb8;
	[tilespmem:$0x1C400] =	vst v63  }
0x15e: {  	_ =	swait.ge [sflag:s29], $0x4000  }
0x15f: {  	[sflag:s29] =	ssyncset.done $0x0  }
0x160: {  	s6 =	sadd.s32 $0x5080, s16;
	[sflag:s29] =	ssyncadd.s32 $0xFFFFC000  }
0x161: {  	[spmem:s2] =	stream.indirect.scatter.add.f32 [tilespmem:s26], [sflag:$0x3], $0x80, s6, s25, $0xb8;
	[tilespmem:$0x1C400] =	vst v63  }
0x162: {  	_ =	swait.ge [sflag:s22], $0x4000  }
0x163: {  	[sflag:s22] =	ssyncset.done $0x0  }
0x164: {  	[sflag:s22] =	ssyncadd.s32 $0xFFFFC000  }
0x165: {  	[tilespmem:s26], [sflag:$0x2] =	stream.indirect.gather [hbm4b:s4+s25], $0x80, s30, s25, $0xb8;
	[tilespmem:$0x1C400] =	vst v63  }
0x166: {  	_ =	swait.ge [sflag:s28], $0x4000  }
0x167: {  	[sflag:s28] =	ssyncset.done $0x0  }
0x168: {  	[sflag:s28] =	ssyncadd.s32 $0xFFFFC000  }
0x169: {  	[spmem:s2] =	stream.indirect.scatter.add.f32 [tilespmem:s24], [sflag:$0x3], $0x80, s31, s25, $0xb8;
	[tilespmem:$0x1C400] =	vst v63  }
0x16a: {  	_ =	swait.ge [sflag:s22], $0x4000  }
0x16b: {  	[sflag:s22] =	ssyncset.done $0x0  }
0x16c: {  	[sflag:s22] =	ssyncadd.s32 $0xFFFFC000  }
0x16d: {  	_ =	swait.ge [sflag:s29], $0x4000  }
0x16e: {  	[sflag:s29] =	ssyncset.done $0x0  }
0x16f: {  	[sflag:s29] =	ssyncadd.s32 $0xFFFFC000  }
0x170: {  	[spmem:s2] =	stream.indirect.scatter.add.f32 [tilespmem:s26], [sflag:$0x3], $0x80, s0, s25, $0xb8;
	[tilespmem:$0x1C400] =	vst v63  }
0x171: {  	_ =	swait.ge [sflag:s22], $0x4000  }
0x172: {  	[sflag:s22] =	ssyncset.done $0x0  }
0x173: {  	s7 =	stileid.u32;
	[sflag:s22] =	ssyncadd.s32 $0xFFFFC000  }
0x174: {  	s1 =	sshll.u32 s7, $0x6;
	[bflag:$0x0] =	sbarrier.arrive $0xFFFF  }
0x175: {  	s16 =	sor.u32 $0x1C03, s1;
	s8 =	sshrl.u32 s12, $0x3;
	s6 =	rddreg [dreg:$0x7]  }
0x176: {  	[hbm:s6], [sflag:s16] =	dma.local [spmem:s8], $0x1400  }
0x177: {  	_ =	swait.ge [sflag:s22], $0x1400  }
0x178: {  	[sflag:s22] =	ssyncset.done $0x0  }
0x179: {  	[sflag:s22] =	ssyncadd.s32 $0xFFFFEC00  }
0x17a: {  	s10 =	simm.s32 $0x0;
	[bflag:$0x0] =	sbarrier.arrive $0xFFFF  }
0x17b: {  	[tilespmem:s23], [sflag:$0x3] =	stream.linear.gather [hbm4b:s14+s10], $0x5000, $0x38;
	[tilespmem:$0x1C400] =	vst v63  }
0x17c: {  	_ =	swait.ge [sflag:s22], $0x5000  }
0x17d: {  	[sflag:s22] =	ssyncset.done $0x0  }
0x17e: {  	s7 =	simm.s32 $0x200;
	s6 =	simm.s32 $0x0;
	[sflag:s22] =	ssyncadd.s32 $0xFFFFB000  }
.LBB2_7:
0x17f: {  	p1 =	sne.s32 s7, $0x7E00;
	[tilespmem:s6+$0xA070] =	vst v0  }
0x180: {  	[tilespmem:s6+$0xA000] =	vst v0  }
0x181: {  	[tilespmem:s6+$0xA010] =	vst v0  }
.Ltmp10:
0x182: {  	[tilespmem:s6+$0xA020] =	vst v0;
	(pc) =	sbr.rel @p1 .LBB2_7-.Ltmp10, $4  }
0x183: {  	[tilespmem:s6+$0xA030] =	vst v0  }
0x184: {  	[tilespmem:s6+$0xA040] =	vst v0  }
0x185: {  	[tilespmem:s6+$0xA050] =	vst v0  }
0x186: {  	[tilespmem:s6+$0xA060] =	vst v0;
	s6 =	sshra.s32 s7, $0x2;
	s7 =	sadd.s32 $0x200, s7  }
0x187: {  	[tilespmem:s6+$0xA070] =	vst v0  }
0x188: {  	[tilespmem:s6+$0xA000] =	vst v0  }
0x189: {  	[tilespmem:s6+$0xA010] =	vst v0  }
0x18a: {  	[tilespmem:s6+$0xA020] =	vst v0  }
0x18b: {  	[tilespmem:s6+$0xA030] =	vst v0  }
0x18c: {  	[tilespmem:s6+$0xA040] =	vst v0  }
0x18d: {  	[tilespmem:s6+$0xA050] =	vst v0  }
0x18e: {  	[tilespmem:s6+$0xA060] =	vst v0  }
0x18f: {  	[spmem:s9] =	stream.linear.scatter [tilespmem:s24], [sflag:$0x3], $0x2000, $0x38;
	[tilespmem:$0x1C400] =	vst v63  }
0x190: {  	_ =	swait.ge [sflag:s22], $0x2000  }
0x191: {  	[sflag:s22] =	ssyncset.done $0x0  }
0x192: {  	[sflag:s22] =	ssyncadd.s32 $0xFFFFE000  }
0x193: {  	[spmem:s18] =	stream.linear.scatter [tilespmem:s24], [sflag:$0x3], $0x2000, $0x38;
	[tilespmem:$0x1C400] =	vst v63  }
0x194: {  	_ =	swait.ge [sflag:s22], $0x2000  }
0x195: {  	[sflag:s22] =	ssyncset.done $0x0  }
0x196: {  	[sflag:s22] =	ssyncadd.s32 $0xFFFFE000  }
0x197: {  	[spmem:s19] =	stream.linear.scatter [tilespmem:s24], [sflag:$0x3], $0x2000, $0x38;
	[tilespmem:$0x1C400] =	vst v63  }
0x198: {  	_ =	swait.ge [sflag:s22], $0x2000  }
0x199: {  	[sflag:s22] =	ssyncset.done $0x0  }
0x19a: {  	[sflag:s22] =	ssyncadd.s32 $0xFFFFE000  }
0x19b: {  	[spmem:s20] =	stream.linear.scatter [tilespmem:s24], [sflag:$0x3], $0x2000, $0x38;
	[tilespmem:$0x1C400] =	vst v63  }
0x19c: {  	_ =	swait.ge [sflag:s22], $0x2000  }
0x19d: {  	[sflag:s22] =	ssyncset.done $0x0  }
0x19e: {  	[sflag:s22] =	ssyncadd.s32 $0xFFFFE000  }
0x19f: {  	[spmem:s21] =	stream.linear.scatter [tilespmem:s24], [sflag:$0x3], $0x2000, $0x38;
	[tilespmem:$0x1C400] =	vst v63  }
0x1a0: {  	_ =	swait.ge [sflag:s22], $0x2000  }
0x1a1: {  	[sflag:s22] =	ssyncset.done $0x0  }
0x1a2: {  	[sflag:s22] =	ssyncadd.s32 $0xFFFFE000  }
0x1a3: {  	[spmem:s11] =	stream.linear.scatter [tilespmem:s24], [sflag:$0x3], $0x400, $0x38;
	[tilespmem:$0x1C400] =	vst v63  }
0x1a4: {  	_ =	swait.ge [sflag:s22], $0x400  }
0x1a5: {  	[sflag:s22] =	ssyncset.done $0x0  }
0x1a6: {  	[sflag:s22] =	ssyncadd.s32 $0xFFFFFC00  }
0x1a7: {  	s1 =	simm.s32 $0x0;
	[bflag:$0x0] =	sbarrier.arrive $0xFFFF  }
0x1a8: {  	[tilespmem:s24], [sflag:$0x1] =	stream.indirect.gather [hbm4b:s4+s25], $0x80, s1, s25, $0xb8;
	[tilespmem:$0x1C400] =	vst v63  }
0x1a9: {  	s6 =	simm.s32 $0x80  }
0x1aa: {  	[tilespmem:s26], [sflag:$0x2] =	stream.indirect.gather [hbm4b:s4+s25], $0x80, s6, s25, $0xb8;
	[tilespmem:$0x1C400] =	vst v63  }
0x1ab: {  	_ =	swait.ge [sflag:s28], $0x4000  }
0x1ac: {  	[sflag:s28] =	ssyncset.done $0x0  }
0x1ad: {  	s7 =	simm.s32 $0x5000;
	[sflag:s28] =	ssyncadd.s32 $0xFFFFC000  }
0x1ae: {  	[spmem:s2] =	stream.indirect.scatter.add.f32 [tilespmem:s24], [sflag:$0x3], $0x80, s7, s25, $0xb8;
	[tilespmem:$0x1C400] =	vst v63  }
0x1af: {  	_ =	swait.ge [sflag:s22], $0x4000  }
0x1b0: {  	[sflag:s22] =	ssyncset.done $0x0  }
0x1b1: {  	s8 =	simm.s32 $0x100;
	[sflag:s22] =	ssyncadd.s32 $0xFFFFC000  }
0x1b2: {  	[tilespmem:s24], [sflag:$0x1] =	stream.indirect.gather [hbm4b:s4+s25], $0x80, s8, s25, $0xb8;
	[tilespmem:$0x1C400] =	vst v63  }
0x1b3: {  	_ =	swait.ge [sflag:s29], $0x4000  }
0x1b4: {  	[sflag:s29] =	ssyncset.done $0x0  }
0x1b5: {  	s10 =	simm.s32 $0x5080;
	[sflag:s29] =	ssyncadd.s32 $0xFFFFC000  }
0x1b6: {  	[spmem:s2] =	stream.indirect.scatter.add.f32 [tilespmem:s26], [sflag:$0x3], $0x80, s10, s25, $0xb8;
	[tilespmem:$0x1C400] =	vst v63  }
0x1b7: {  	_ =	swait.ge [sflag:s22], $0x4000  }
0x1b8: {  	s6 =	simm.s32 $0x100;
	s7 =	simm.s32 $0x800;
	[sflag:s22] =	ssyncset.done $0x0  }
.LBB2_9:
0x1b9: {  	s1 =	sadd.s32 $0x80, s6  }
0x1ba: {  	[sflag:s22] =	ssyncadd.s32 $0xFFFFC000;
	s8 =	smov.u32 s7;
	s10 =	sadd.s32 $0x400, s7  }
0x1bb: {  	[tilespmem:s26], [sflag:$0x2] =	stream.indirect.gather [hbm4b:s4+s25], $0x80, s1, s25, $0xb8;
	[tilespmem:$0x1C400] =	vst v63  }
0x1bc: {  	p1 =	sne.s32 s7, $0x13800;
	_ =	swait.ge [sflag:s28], $0x4000  }
0x1bd: {  	[sflag:s28] =	ssyncset.done $0x0  }
0x1be: {  	s1 =	sadd.s32 $0x5000, s6;
	[sflag:s28] =	ssyncadd.s32 $0xFFFFC000  }
0x1bf: {  	[spmem:s2] =	stream.indirect.scatter.add.f32 [tilespmem:s24], [sflag:$0x3], $0x80, s1, s25, $0xb8;
	[tilespmem:$0x1C400] =	vst v63  }
0x1c0: {  	_ =	swait.ge [sflag:s22], $0x4000  }
0x1c1: {  	[sflag:s22] =	ssyncset.done $0x0  }
0x1c2: {  	s1 =	sadd.s32 $0x100, s6;
	[sflag:s22] =	ssyncadd.s32 $0xFFFFC000  }
0x1c3: {  	[tilespmem:s24], [sflag:$0x1] =	stream.indirect.gather [hbm4b:s4+s25], $0x80, s1, s25, $0xb8;
	[tilespmem:$0x1C400] =	vst v63  }
0x1c4: {  	_ =	swait.ge [sflag:s29], $0x4000  }
.Ltmp11:
0x1c5: {  	[sflag:s29] =	ssyncset.done $0x0;
	(pc) =	sbr.rel @p1 .LBB2_9-.Ltmp11, $4  }
0x1c6: {  	s1 =	sadd.s32 $0x5080, s6;
	[sflag:s29] =	ssyncadd.s32 $0xFFFFC000  }
0x1c7: {  	[spmem:s2] =	stream.indirect.scatter.add.f32 [tilespmem:s26], [sflag:$0x3], $0x80, s1, s25, $0xb8;
	[tilespmem:$0x1C400] =	vst v63  }
0x1c8: {  	_ =	swait.ge [sflag:s22], $0x4000  }
0x1c9: {  	s7 =	smov.u32 s10;
	s6 =	sshra.s32 s8, $0x2;
	[sflag:s22] =	ssyncset.done $0x0  }
0x1ca: {  	s1 =	sadd.s32 $0x80, s6;
	[sflag:s22] =	ssyncadd.s32 $0xFFFFC000  }
0x1cb: {  	[tilespmem:s26], [sflag:$0x2] =	stream.indirect.gather [hbm4b:s4+s25], $0x80, s1, s25, $0xb8;
	[tilespmem:$0x1C400] =	vst v63  }
0x1cc: {  	_ =	swait.ge [sflag:s28], $0x4000  }
0x1cd: {  	[sflag:s28] =	ssyncset.done $0x0  }
0x1ce: {  	s7 =	sadd.s32 $0x5000, s6;
	[sflag:s28] =	ssyncadd.s32 $0xFFFFC000  }
0x1cf: {  	[spmem:s2] =	stream.indirect.scatter.add.f32 [tilespmem:s24], [sflag:$0x3], $0x80, s7, s25, $0xb8;
	[tilespmem:$0x1C400] =	vst v63  }
0x1d0: {  	_ =	swait.ge [sflag:s22], $0x4000  }
0x1d1: {  	[sflag:s22] =	ssyncset.done $0x0  }
0x1d2: {  	s8 =	sadd.s32 $0x100, s6;
	[sflag:s22] =	ssyncadd.s32 $0xFFFFC000  }
0x1d3: {  	[tilespmem:s24], [sflag:$0x1] =	stream.indirect.gather [hbm4b:s4+s25], $0x80, s8, s25, $0xb8;
	[tilespmem:$0x1C400] =	vst v63  }
0x1d4: {  	_ =	swait.ge [sflag:s29], $0x4000  }
0x1d5: {  	[sflag:s29] =	ssyncset.done $0x0  }
0x1d6: {  	s10 =	sadd.s32 $0x5080, s6;
	[sflag:s29] =	ssyncadd.s32 $0xFFFFC000  }
0x1d7: {  	[spmem:s2] =	stream.indirect.scatter.add.f32 [tilespmem:s26], [sflag:$0x3], $0x80, s10, s25, $0xb8;
	[tilespmem:$0x1C400] =	vst v63  }
.Ltmp12:
0x1d8: {  	_ = 	snop;
	(pc) =	sbr.rel .LBB2_20-.Ltmp12, $4  }
0x1d9: {  	_ =	swait.ge [sflag:s22], $0x4000  }
0x1da: {  	[sflag:s22] =	ssyncset.done $0x0  }
0x1db: {  	s6 =	rddreg [dreg:$0x3];
	[sflag:s22] =	ssyncadd.s32 $0xFFFFC000  }
0x1dc: {  	[tilespmem:s26], [sflag:$0x2] =	stream.indirect.gather [hbm4b:s4+s25], $0x80, s30, s25, $0xb8;
	[tilespmem:$0x1C400] =	vst v63  }
.LBB2_21:
0x1dd: {  	_ =	sfence.sel $0x180000  }
0x1de: {  	[bflag:$0x0] =	sbarrier.arrive $0xFFFF  }
0x1df: {  	_ =	strace $0x9000004D  }
0x1e0: {  	s0 =	stileid.u32;
	[bflag:$0x2] =	sbarrier.arrive $0xFFFF  }
0x1e1: {  	p0 =	sne.s32 s0, $0x0;
	s0 =	rddreg [dreg:$0x2]  }
0x1e2: {  	s0 =	sadd.s32 @!p0 $0x100000, s0  }
0x1e3: {  	[sflag:s0] =	ssyncadd.tile.s32 @!p0 $0x1;
	_ =	shalt  }
.Lfunc_end2:
_tile_overlayer_lowered:
.L_overlay_start_2:
0x1e4: {  	(tag) =	ssettag $0x2  }
0x1e5: {  	s0 =	rddreg [dreg:$0x0];
	s2 =	stileid.u32  }
0x1e6: {  	s1 =	rddreg [dreg:$0x1];
	p0 =	sne.s32 s2, $0x0  }
0x1e7: {  	s3 =	rddreg [dreg:$0x2];
	[bflag:$0x3] =	sbarrier.arrive $0xFFFF;
	s2 =	simm.s32 @!p0 $0x1C03  }
0x1e8: {  	[timem:s3], [sflag:s2] =	dma.local @!p0 [hbm:s0], s1  }
0x1e9: {  	s0 =	simm.s32 @!p0 $0x3  }
0x1ea: {  	_ =	swait.ge @!p0 [sflag:s0], s1  }
0x1eb: {  	s1 =	ssub.s32 @!p0 $0x0, s1;
	[sflag:s0] =	ssyncset.done @!p0 $0x0  }
0x1ec: {  	[sflag:s0] =	ssyncadd.s32 @!p0 s1  }
0x1ed: {  	[bflag:$0x3] =	sbarrier.arrive $0xFFFF  }
0x1ee: {  	_ =	shalt  }

// kernel: kernel.9.cloned.1.call-start
scs
__scs_entry_jumppad:
0x0: {  	(pc) =	sbr.rel $0x88, $3  }
0x1: {  	(tag) =	ssettag $0x0;
	lr =	simm.s32 $0x1  }
0x2: {  	[smem:$0x3F91] =	sst lr;
	_ =	strace $0xD0000000  }
0x3: {  	_ = 	snop  }
0x4: {  	_ = 	snop  }
0x5: {  	_ = 	snop  }
0x6: {  	_ = 	snop  }
0x7: {  	_ = 	snop  }
__scs_overlays_trampoline_lowered:
0x8: {  	[smem:$0x3FA0] =	sst s0  }
0x9: {  	[smem:$0x3FA1] =	sst s1  }
0xa: {  	[smem:$0x3FA2] =	sst s2  }
0xb: {  	[smem:$0x3FA3] =	sst s3  }
0xc: {  	[smem:$0x3FA4] =	sst s4  }
0xd: {  	[smem:$0x3FA5] =	sst s5  }
0xe: {  	[smem:$0x3FA6] =	sst s6  }
0xf: {  	[smem:$0x3FA7] =	sst s7  }
0x10: {  	[smem:$0x3FA8] =	sst s8  }
0x11: {  	[smem:$0x3FA9] =	sst s9;
	s0 =	simm.s32 @!p0 $0x0  }
0x12: {  	s1 =	sld [smem:$0x3F8F];
	s0 =	simm.s32 @p0 $0x1  }
0x13: {  	[smem:$0x3FAA] =	sst s0;
	s0 =	simm.s32 @!p1 $0x0  }
0x14: {  	s2 =	sld [smem:$0x3F8E];
	s0 =	simm.s32 @p1 $0x1  }
0x15: {  	[smem:$0x3FAB] =	sst s0;
	s0 =	simm.s32 @!p2 $0x0  }
0x16: {  	s3 =	sld [smem:$0x3FDB];
	s0 =	simm.s32 @p2 $0x1  }
0x17: {  	s4 =	simm.s32 $0x1BF5;
	[smem:$0x3FAD] =	sst s0  }
0x18: {  	s0 =	sld [smem:$0x3F90];
	_ =	swait.ge [sflag:s4], $0x0  }
0x19: {  	s7 =	sld [smem:$0x3F91]  }
0x1a: {  	s8 =	sadd.s32 $0xFFFFE003, lr  }
0x1b: {  	s9 =	sadd.s32 $0xFFFFFEF7, lr;
	s5 =	simm.s32 $0xFFFFFFFF;
	p2 =	slt.u32 s8, $0xFFFFF086  }
0x1c: {  	p1 =	slt.u32 s9, $0xF7A;
	s5 =	simm.s32 @!p2 $0x0  }
0x1d: {  	s5 =	simm.s32 @p1 $0x1;
	p0 =	seq.s32 s7, s2  }
0x1e: {  	s7 =	smul.u32 @!p0 $0xF7A, s2;
	p2 =	seq.s32 @!p0 s5, $0x0  }
0x1f: {  	s9 =	smul.u32 $0xF7A, s1;
	s8 =	simm.s32 @!p0 $0x1BF5;
	p2 =	por !p2, p0  }
0x20: {  	[sflag:s8] =	ssyncset.s32 @!p0 $0xFFFFF086;
	s6 =	sadd.s32 @!p0 s3, s7;
	s7 =	simm.s32 @!p0 $0x108  }
0x21: {  	s3 =	sadd.s32 s3, s9;
	s6 =	sadd.s32 @!p0 $0x88, s6;
	s7 =	simm.s32 @p2 $0x1082  }
0x22: {  	[simem:s7], [sflag:s8] =	dma.local @!p0 [hbm:s6], $0xF7A  }
0x23: {  	s9 =	sor.u32 $0xD0000000, s2;
	s6 =	simm.s32 $0x108;
	_ =	swait.ge @!p0 [sflag:s8], $0x0  }
0x24: {  	s3 =	sadd.s32 $0x88, s3;
	s6 =	simm.s32 @!p1 $0x1082;
	[sflag:s4] =	ssyncset.s32 $0xFFFFF086  }
0x25: {  	[simem:s6], [sflag:s4] =	dma.local [hbm:s3], $0xF7A  }
0x26: {  	[smem:$0x3F91] =	sst s1;
	(tag) =	ssettag s2;
	_ =	strace s9  }
0x27: {  	s1 =	sld [smem:$0x3FA1]  }
0x28: {  	s2 =	sld [smem:$0x3FA2]  }
0x29: {  	s4 =	sld [smem:$0x3FA4]  }
0x2a: {  	p0 =	seq.s32 s5, $0x0;
	s5 =	sld [smem:$0x3FA5]  }
0x2b: {  	s6 =	sld [smem:$0x3FA6]  }
0x2c: {  	s7 =	sld [smem:$0x3FA7]  }
0x2d: {  	s3 =	simm.s32 $0x108;
	s8 =	sld [smem:$0x3FA8]  }
0x2e: {  	s3 =	simm.s32 @!p0 $0x1082;
	s9 =	sld [smem:$0x3FA9]  }
0x2f: {  	lr =	sadd.s32 s0, s3;
	s0 =	sld [smem:$0x3FA0]  }
0x30: {  	s3 =	sld [smem:$0x3FA3]  }
0x31: {  	[smem:$0x3FAC] =	sst s10  }
0x32: {  	s10 =	sld [smem:$0x3FAA];
	_ =	sdelay $0x3  }
0x33: {  	p0 =	seq.s32 s10, $0x1;
	s10 =	sld [smem:$0x3FAC];
	_ =	sdelay $0x3  }
0x34: {  	[smem:$0x3FAC] =	sst s10  }
0x35: {  	s10 =	sld [smem:$0x3FAB];
	_ =	sdelay $0x3  }
0x36: {  	p1 =	seq.s32 s10, $0x1;
	s10 =	sld [smem:$0x3FAC];
	_ =	sdelay $0x3  }
0x37: {  	[smem:$0x3FAC] =	sst s10  }
0x38: {  	s10 =	sld [smem:$0x3FAD]  }
0x39: {  	_ = 	snop;
	(pc) =	sbr.ind lr, $3  }
0x3a: {  	_ = 	snop  }
0x3b: {  	_ = 	snop  }
0x3c: {  	p2 =	seq.s32 s10, $0x1;
	s10 =	sld [smem:$0x3FAC]  }
0x3d: {  	_ =	shalt  }
0x3e: {  	_ =	shalt  }
0x3f: {  	_ =	shalt  }
0x40: {  	_ =	shalt  }
0x41: {  	_ =	shalt  }
0x42: {  	_ =	shalt  }
0x43: {  	_ =	shalt  }
0x44: {  	_ =	shalt  }
0x45: {  	_ =	shalt  }
0x46: {  	_ =	shalt  }
0x47: {  	_ =	shalt  }
0x48: {  	_ =	shalt  }
0x49: {  	_ =	shalt  }
0x4a: {  	_ =	shalt  }
0x4b: {  	_ =	shalt  }
0x4c: {  	_ =	shalt  }
0x4d: {  	_ =	shalt  }
0x4e: {  	_ =	shalt  }
0x4f: {  	_ =	shalt  }
0x50: {  	_ =	shalt  }
0x51: {  	_ =	shalt  }
0x52: {  	_ =	shalt  }
0x53: {  	_ =	shalt  }
0x54: {  	_ =	shalt  }
0x55: {  	_ =	shalt  }
0x56: {  	_ =	shalt  }
0x57: {  	_ =	shalt  }
0x58: {  	_ =	shalt  }
0x59: {  	_ =	shalt  }
0x5a: {  	_ =	shalt  }
0x5b: {  	_ =	shalt  }
0x5c: {  	_ =	shalt  }
0x5d: {  	_ =	shalt  }
0x5e: {  	_ =	shalt  }
0x5f: {  	_ =	shalt  }
0x60: {  	_ =	shalt  }
0x61: {  	_ =	shalt  }
0x62: {  	_ =	shalt  }
0x63: {  	_ =	shalt  }
0x64: {  	_ =	shalt  }
0x65: {  	_ =	shalt  }
0x66: {  	_ =	shalt  }
0x67: {  	_ =	shalt  }
0x68: {  	_ =	shalt  }
0x69: {  	_ =	shalt  }
0x6a: {  	_ =	shalt  }
0x6b: {  	_ =	shalt  }
0x6c: {  	_ =	shalt  }
0x6d: {  	_ =	shalt  }
0x6e: {  	_ =	shalt  }
0x6f: {  	_ =	shalt  }
0x70: {  	_ =	shalt  }
0x71: {  	_ =	shalt  }
0x72: {  	_ =	shalt  }
0x73: {  	_ =	shalt  }
0x74: {  	_ =	shalt  }
0x75: {  	_ =	shalt  }
0x76: {  	_ =	shalt  }
0x77: {  	_ =	shalt  }
0x78: {  	_ =	shalt  }
0x79: {  	_ =	shalt  }
0x7a: {  	_ =	shalt  }
0x7b: {  	_ =	shalt  }
0x7c: {  	_ =	shalt  }
0x7d: {  	_ =	shalt  }
0x7e: {  	_ =	shalt  }
0x7f: {  	_ =	shalt  }
0x80: {  	_ =	shalt  }
0x81: {  	_ =	shalt  }
0x82: {  	_ =	shalt  }
0x83: {  	_ =	shalt  }
0x84: {  	_ =	shalt  }
0x85: {  	_ =	shalt  }
0x86: {  	_ =	shalt  }
0x87: {  	_ =	shalt  }
.Lfunc_end0:
.L_simem_size_0:
called_computation_lowered:
.L_overlay_start_0:
0x88: {  	s2 =	sld [smem:$0x3FD9]  }
0x89: {  	s3 =	sld [smem:$0x3FFE];
	_ =	sdelay $0x1  }
0x8a: {  	s1 =	srdreg.scid  }
0x8b: {  	s0 =	sand.u32 $0x1, s1  }
0x8c: {  	s16 =	sshll.u32 s0, $0xA;
	s2 =	sadd.s32 s3, s2  }
0x8d: {  	s2 =	sadd.s32 s2, s16  }
0x8e: {  	[smem:$0x3FB8] =	sst s2  }
0x8f: {  	_ = 	snop  }
0x90: {  	(tm) =	ssettm $0x1  }
0x91: {  	s17 =	sld [smem:$0x3FFB];
	_ =	sdelay $0x3  }
0x92: {  	_ =	strace s17  }
0x93: {  	s2 =	sld [smem:$0x3FFC];
	_ =	sdelay $0x3  }
0x94: {  	_ =	strace s2  }
0x95: {  	s2 =	sld [smem:$0x3FFD];
	_ =	sdelay $0x3  }
0x96: {  	_ =	strace s2  }
0x97: {  	_ =	strace $0x8FFFFFFF  }
0x98: {  	s18 =	sld [smem:$0x3FDB];
	_ =	sdelay $0x1  }
0x99: {  	s19 =	simm.s32 $_scs_section_size  }
0x9a: {  	s4 =	simm.s32 $_size__tile_overlayer_lowered;
	s5 =	simm.s32 $_tile_overlayer_lowered  }
0x9b: {  	s22 =	simm.s32 $0x1BFF;
	s21 =	sshll.u32 s5, $0x1;
	s2 =	sadd.s32 s19, s18  }
0x9c: {  	s6 =	simm.s32 $0x0;
	s20 =	sshll.u32 s4, $0x1;
	s4 =	sadd.s32 s21, s2  }
0x9d: {  	[timem:s6], [sflag:s22] =	dma.local [hbm:s4], s20  }
0x9e: {  	_ =	swait.ge [sflag:s22], s20  }
0x9f: {  	s3 =	ssub.s32 $0x0, s20;
	[sflag:s22] =	ssyncset.done $0x0  }
0xa0: {  	[sflag:s22] =	ssyncadd.s32 s3;
	_ =	sdelay $0x1  }
0xa1: {  	s23 =	simm.s32 $0x1B8B  }
0xa2: {  	_ =	swait.ge [sflag:s23], $0x1  }
0xa3: {  	[sflag:s23] =	ssyncset.done $0x0  }
0xa4: {  	s25 =	simm.s32 $0x1B8E;
	s24 =	sld [smem:$0x3FFE];
	[sflag:s23] =	ssyncadd.s32 $0xFFFFFFFF  }
0xa5: {  	s26 =	simm.s32 $execute0_lowered;
	[smem:$0x3FD2] =	sst s25  }
0xa6: {  	s4 =	sshll.u32 s26, $0x1;
	_ =	strace $0x80000046;
	[dreg:$0x1] =	wrdreg $0xFFFFFFFF  }
0xa7: {  	s28 =	simm.s32 $_size_execute0_lowered;
	s2 =	sadd.s32 s2, s4;
	[dreg:$0x0] =	wrdreg $0x0  }
0xa8: {  	s4 =	sshll.u32 s28, $0x1;
	[dreg:$0x2] =	wrdreg s2  }
0xa9: {  	[dreg:$0x3] =	wrdreg s4  }
0xaa: {  	[dreg:$0x4] =	wrdreg $0xC0  }
0xab: {  	_ =	task [dreg:s6], $0x5FFFF  }
0xac: {  	[dreg:$0x1] =	wrdreg $0xFFFFFFFF  }
0xad: {  	[dreg:$0x0] =	wrdreg $0x60  }
0xae: {  	[dreg:$0x2] =	wrdreg s24  }
0xaf: {  	[dreg:$0x3] =	wrdreg $0x67000  }
0xb0: {  	[dreg:$0x4] =	wrdreg $0x9  }
0xb1: {  	_ =	task.clear_ibuf [dreg:s6], $0x5FFFF;
	_ =	strace $0x90000046  }
0xb2: {  	s29 =	simm.s32 $0x9;
	_ =	strace $0x80000048  }
0xb3: {  	_ =	swait.ge [sflag:s29], $0x1  }
0xb4: {  	[sflag:s29] =	ssyncadd.s32 $0xFFFFFFFF  }
0xb5: {  	_ =	strace $0x90000048  }
0xb6: {  	_ =	sfence  }
0xb7: {  	s30 =	sld [smem:$0x0];
	_ =	sdelay $0x2  }
0xb8: {  	s31 =	sshll.u32 s1, $0xD;
	s1 =	sshrl.u32 s1, $0x2  }
0xb9: {  	s3 =	sand.u32 $0x4000, s31;
	s1 =	sadd.s32 s1, s30  }
0xba: {  	s0 =	sor.u32 s3, s0;
	s1 =	sshll.u32 s1, $0x11  }
0xbb: {  	s0 =	sor.u32 s1, s0  }
0xbc: {  	s0 =	sadd.s32 $0x8F2B, s0  }
0xbd: {  	[sflag:s0] =	ssyncadd.remote.s32 $0x1  }
0xbe: {  	_ =	sfence.sel $0xFFFF  }
0xbf: {  	[dreg:$0x0] =	wrdreg $0xFFFFFFFF;
	(pc) =	sbr.abs _section_cstart, $3  }
0xc0: {  	[dreg:$0x1] =	wrdreg $0xFFFFFFFF  }
0xc1: {  	_ =	task.clear_ibuf [dreg:s6], $0x2FFFF;
	_ =	strace $0x9FFFFFFF  }
0xc2: {  	(tm) =	ssettm $0x7FFFFFFF  }
0xc3: {  	_ =	shalt  }
tec
execute0_lowered:
.L_overlay_start_1:
0x0: {  	(tag) =	ssettag $0x1  }
0x1: {  	s4 =	rddreg [dreg:$0x0]  }
0x2: {  	s2 =	rddreg [dreg:$0x1]  }
0x3: {  	s0 =	rddreg [dreg:$0x2]  }
0x4: {  	s1 =	stileid.u32;
	s3 =	simm.s32 $0x0;
	s6 =	srdreg.scid  }
0x5: {  	s10 =	simm.s32 $0x64;
	s11 =	simm.s32 $0x6400;
	s5 =	smul.u32 $0xC80, s1  }
0x6: {  	[smem:$0x7FF] =	sst s3;
	s7 =	smul.u32 $0x280, s1;
	s12 =	sand.u32 $0x1, s6  }
0x7: {  	_ =	strace $0x80000047;
	s6 =	ssub.s32 $0x2, s12;
	p0 =	sne.s32 s12, $0x0  }
0x8: {  	s12 =	simm.s32 $0x0;
	s8 =	sshrl.u32 s7, $0x3;
	s9 =	sshrl.u32 s6, $0x1  }
0x9: {  	s5 =	sadd.s32 s5, s4;
	s8 =	sadd.s32 s8, s4;
	s9 =	ssub.s32 s6, s9  }
0xa: {  	s4 =	sadd.s32 $0x6400, s5;
	s5 =	sadd.s32 s7, s2;
	s6 =	sadd.s32 $0x12C00, s8  }
0xb: {  	v0 =	vimm.f32 $1.000000000e+00;
	v1 =	vimm.f32 $0.0e+00;
	s7 =	smax.u32 s9, $0x1;
	s8 =	simm.s32 $0x1;
	s9 =	simm.s32 $0x6480  }
.LBB2_1:
0xc: {  	[tilespmem:s3], [sflag:$0x1] =	stream.linear.gather [hbm4b:s4+s3], $0x6400, $0x38;
	[tilespmem:$0x6980] =	vst v63  }
0xd: {  	_ =	swait.ge [sflag:s8], $0x6400  }
0xe: {  	[sflag:s8] =	ssyncset.done $0x0  }
0xf: {  	[sflag:s8] =	ssyncadd.s32 $0xFFFF9C00  }
0x10: {  	[tilespmem:$0x6400] =	vst v0  }
0x11: {  	[tilespmem:$0x6410] =	vst v0  }
0x12: {  	[tilespmem:$0x6420] =	vst v0  }
0x13: {  	[tilespmem:$0x6430] =	vst v0  }
0x14: {  	[tilespmem:$0x6440] =	vst v0  }
0x15: {  	[tilespmem:$0x6450] =	vst v0  }
0x16: {  	[tilespmem:$0x6460] =	vst v0  }
0x17: {  	[tilespmem:$0x6470] =	vst v0  }
0x18: {  	[tilespmem:$0x6480] =	vst v1  }
0x19: {  	[tilespmem:$0x6490] =	vst v1  }
0x1a: {  	[tilespmem:$0x64A0] =	vst v1  }
0x1b: {  	[tilespmem:$0x64B0] =	vst v1  }
0x1c: {  	[tilespmem:$0x64C0] =	vst v1  }
0x1d: {  	[tilespmem:$0x64D0] =	vst v1  }
0x1e: {  	[tilespmem:$0x64E0] =	vst v1  }
0x1f: {  	[tilespmem:$0x64F0] =	vst v1  }
0x20: {  	[tilespmem:$0x6500] =	vst v1  }
0x21: {  	[tilespmem:$0x6510] =	vst v1  }
0x22: {  	[tilespmem:$0x6520] =	vst v1  }
0x23: {  	[tilespmem:$0x6530] =	vst v1  }
0x24: {  	[tilespmem:$0x6540] =	vst v1  }
0x25: {  	[tilespmem:$0x6550] =	vst v1  }
0x26: {  	[tilespmem:$0x6560] =	vst v1  }
0x27: {  	[tilespmem:$0x6570] =	vst v1  }
0x28: {  	[tilespmem:$0x6580] =	vst v1  }
0x29: {  	[tilespmem:$0x6590] =	vst v1  }
0x2a: {  	[tilespmem:$0x65A0] =	vst v1  }
0x2b: {  	[tilespmem:$0x65B0] =	vst v1  }
0x2c: {  	[tilespmem:$0x65C0] =	vst v1  }
0x2d: {  	[tilespmem:$0x65D0] =	vst v1  }
0x2e: {  	[tilespmem:$0x65E0] =	vst v1  }
0x2f: {  	[tilespmem:$0x65F0] =	vst v1  }
0x30: {  	[tilespmem:$0x6600] =	vst v1  }
0x31: {  	[tilespmem:$0x6610] =	vst v1  }
0x32: {  	[tilespmem:$0x6620] =	vst v1  }
0x33: {  	[tilespmem:$0x6630] =	vst v1  }
0x34: {  	[tilespmem:$0x6640] =	vst v1  }
0x35: {  	[tilespmem:$0x6650] =	vst v1  }
0x36: {  	[tilespmem:$0x6660] =	vst v1  }
0x37: {  	[tilespmem:$0x6670] =	vst v1  }
0x38: {  	[tilespmem:$0x6680] =	vst v1  }
0x39: {  	[tilespmem:$0x6690] =	vst v1  }
0x3a: {  	[tilespmem:$0x66A0] =	vst v1  }
0x3b: {  	[tilespmem:$0x66B0] =	vst v1  }
0x3c: {  	[tilespmem:$0x66C0] =	vst v1  }
0x3d: {  	[tilespmem:$0x66D0] =	vst v1  }
0x3e: {  	[tilespmem:$0x66E0] =	vst v1  }
0x3f: {  	[tilespmem:$0x66F0] =	vst v1  }
0x40: {  	[spmem:s5] =	stream.linear.scatter [tilespmem:s9], [sflag:$0x1], $0x280, $0x38;
	[tilespmem:$0x6980] =	vst v63  }
0x41: {  	_ =	swait.ge [sflag:s8], $0x280  }
0x42: {  	[sflag:s8] =	ssyncset.done $0x0  }
0x43: {  	[sflag:s8] =	ssyncadd.s32 $0xFFFFFD80  }
0x44: {  	s13 =	simm.s32 $0x0;
	[bflag:$0x0] =	sbarrier.arrive $0xFFFF  }
0x45: {  	[spmem:s2] =	stream.indirect.scatter.add.f32 [tilespmem:s11], [sflag:$0x1], $0x1, s13, s10, $0xb8;
	[tilespmem:$0x6980] =	vst v63  }
0x46: {  	_ =	swait.ge [sflag:s8], $0x64  }
0x47: {  	s13 =	simm.s32 $0x200;
	[sflag:s8] =	ssyncset.done $0x0  }
.LBB2_2:
0x48: {  	s14 =	sshra.s32 s13, $0x2;
	[sflag:s8] =	ssyncadd.s32 $0xFFFFFF9C;
	p1 =	sne.s32 s13, $0x18E00  }
0x49: {  	[spmem:s2] =	stream.indirect.scatter.add.f32 [tilespmem:s11], [sflag:$0x1], $0x1, s14, s10, $0xb8;
	[tilespmem:$0x6980] =	vst v63  }
.Ltmp0:
0x4a: {  	_ = 	snop;
	(pc) =	sbr.rel @p1 .LBB2_2-.Ltmp0, $4  }
0x4b: {  	_ = 	snop  }
0x4c: {  	s13 =	sadd.s32 $0x200, s13  }
0x4d: {  	_ =	swait.ge [sflag:s8], $0x64  }
0x4e: {  	[sflag:s8] =	ssyncset.done $0x0  }
0x4f: {  	[sflag:s8] =	ssyncadd.s32 $0xFFFFFF9C  }
0x50: {  	s13 =	simm.s32 @!p0 $0x6480;
	s14 =	simm.s32 @!p0 $0x1;
	[bflag:$0x0] =	sbarrier.arrive $0xFFFF  }
0x51: {  	[tilespmem:s13], [sflag:$0x1] =	stream.linear.gather @!p0 [spmem:s5], $0x280, $0x38;
	[tilespmem:$0x6980] =	vst v63  }
0x52: {  	s12 =	sadd.s32 $0x1, s12;
	_ =	swait.ge @!p0 [sflag:s14], $0x280  }
0x53: {  	p1 =	sne.s32 s12, s7;
	[sflag:s14] =	ssyncset.done @!p0 $0x0  }
.Ltmp1:
0x54: {  	s15 =	simm.s32 @!p0 $0x0;
	[sflag:s14] =	ssyncadd.s32 @!p0 $0xFFFFFD80;
	(pc) =	sbr.rel @p1 .LBB2_1-.Ltmp1, $4  }
0x55: {  	[hbm4b:s6+s15] =	stream.linear.scatter @!p0 [tilespmem:s13], [sflag:$0x1], $0x280, $0x38;
	[tilespmem:$0x6980] =	vst v63  }
0x56: {  	_ =	swait.ge @!p0 [sflag:s14], $0x280  }
0x57: {  	[sflag:s14] =	ssyncset.done @!p0 $0x0  }
0x58: {  	[sflag:s14] =	ssyncadd.s32 @!p0 $0xFFFFFD80  }
0x59: {  	_ =	sfence.sel $0x180000  }
0x5a: {  	[bflag:$0x0] =	sbarrier.arrive $0xFFFF  }
0x5b: {  	p0 =	sne.s32 s1, $0x0;
	_ =	strace $0x90000047  }
0x5c: {  	s0 =	sadd.s32 @!p0 $0x100000, s0;
	[bflag:$0x2] =	sbarrier.arrive $0xFFFF  }
0x5d: {  	[sflag:s0] =	ssyncadd.tile.s32 @!p0 $0x1;
	_ =	shalt  }
.Lfunc_end2:
_tile_overlayer_lowered:
.L_overlay_start_2:
0x5e: {  	(tag) =	ssettag $0x2  }
0x5f: {  	s0 =	rddreg [dreg:$0x0];
	s2 =	stileid.u32  }
0x60: {  	s1 =	rddreg [dreg:$0x1];
	p0 =	sne.s32 s2, $0x0  }
0x61: {  	s3 =	rddreg [dreg:$0x2];
	[bflag:$0x3] =	sbarrier.arrive $0xFFFF;
	s2 =	simm.s32 @!p0 $0x1C01  }
0x62: {  	[timem:s3], [sflag:s2] =	dma.local @!p0 [hbm:s0], s1  }
0x63: {  	s0 =	simm.s32 @!p0 $0x1  }
0x64: {  	_ =	swait.ge @!p0 [sflag:s0], s1  }
0x65: {  	s1 =	ssub.s32 @!p0 $0x0, s1;
	[sflag:s0] =	ssyncset.done @!p0 $0x0  }
0x66: {  	[sflag:s0] =	ssyncadd.s32 @!p0 s1  }
0x67: {  	[bflag:$0x3] =	sbarrier.arrive $0xFFFF  }
0x68: {  	_ =	shalt  }

</sc_bundles>
